<compile_context>
chip_gen: v7x
topology: tpu7x:2x2x1
jax: 0.10.2.dev20260603
libtpu: 0.0.44.dev20260713+nightly
codegen_flags: <defaults>
</compile_context>

<pallas_src>
import functools

import jax
import jax.numpy as jnp
from jax import lax
from jax.experimental import pallas as pl
from jax.experimental.pallas import tpu as pltpu
from jax.experimental.pallas import tpu_sc as plsc

B, C, N, K, COUT = 2, 128, 10000, 16, 128
NB = 1000
NW = 32
NPW = (B * N) // NW
G = 5
EPG = G * K
STEPS = NPW // G
NBUF = 4
LANES = 16


def _tc_tables_body(x_ref, w_ref, b_ref, y1_ref, y2_ref):
    xb = x_ref[0]
    w2 = w_ref[:, C:]
    a = w_ref[:, :C] - w2
    dn = (((0,), (1,)), ((), ()))
    y1_ref[...] = lax.dot_general(xb, a, dn, preferred_element_type=jnp.float32)
    y2_ref[...] = (lax.dot_general(xb, w2, dn, preferred_element_type=jnp.float32)
                   + b_ref[...])


_tc_tables = pl.pallas_call(
    _tc_tables_body,
    grid=(B,),
    in_specs=[
        pl.BlockSpec((1, C, N), lambda b: (b, 0, 0)),
        pl.BlockSpec((COUT, 2 * C), lambda b: (0, 0)),
        pl.BlockSpec((1, COUT), lambda b: (0, 0)),
    ],
    out_specs=[
        pl.BlockSpec((N, COUT), lambda b: (b, 0)),
        pl.BlockSpec((N, COUT), lambda b: (b, 0)),
    ],
    out_shape=[
        jax.ShapeDtypeStruct((B * N, COUT), jnp.float32),
        jax.ShapeDtypeStruct((B * N, COUT), jnp.float32),
    ],
)


@functools.partial(
    pl.kernel,
    mesh=plsc.VectorSubcoreMesh(core_axis_name="c", subcore_axis_name="s"),
    out_type=jax.ShapeDtypeStruct((B * N * COUT,), jnp.float32),
    scratch_types=(
        [pltpu.VMEM((NPW * K,), jnp.int32)] * 2
        + [pltpu.VMEM((EPG, COUT), jnp.float32) for _ in range(NBUF)]
        + [pltpu.VMEM((G * COUT,), jnp.float32) for _ in range(NBUF)]
        + [pltpu.SemaphoreType.DMA] * (3 * NBUF)
    ),
)
def _sc_edge_max(y1_hbm, y2_hbm, i1_hbm, i0_hbm, out_hbm, *refs):
    i1v, i0v = refs[0], refs[1]
    rs = refs[2:2 + NBUF]
    outs = refs[2 + NBUF:2 + 2 * NBUF]
    sems = refs[2 + 2 * NBUF:]
    s1 = sems[0:NBUF]
    s2 = sems[NBUF:2 * NBUF]
    so = sems[2 * NBUF:3 * NBUF]

    wid = lax.axis_index("s") * 2 + lax.axis_index("c")
    node_base = wid * NPW
    edge_base = node_base * K

    def issue1(s, b):
        pltpu.async_copy(y1_hbm.at[i1v.at[pl.ds(s * EPG, EPG)]], rs[b], s1[b])

    def wait1(b):
        pltpu.make_async_copy(y1_hbm.at[i1v.at[pl.ds(0, EPG)]], rs[b], s1[b]).wait()

    def issue2(s, b):
        pltpu.async_copy(y2_hbm.at[i0v.at[pl.ds(s * EPG, EPG)]], rs[b], s2[b],
                         add=True)

    def wait2(b):
        pltpu.make_async_copy(y2_hbm.at[i0v.at[pl.ds(0, EPG)]], rs[b], s2[b]).wait()

    def drain_store(b):
        pltpu.make_async_copy(outs[b], out_hbm.at[pl.ds(0, G * COUT)], so[b]).wait()

    def compute_store(s, b):
        r, outv = rs[b], outs[b]

        def gbody(g, carry):
            row = g * K
            for cb in range(COUT // LANES):
                co = cb * LANES

                def ld(k):
                    return r[row + k, pl.ds(co, LANES)]

                acc = None
                for k0 in range(0, K, 4):
                    m = jnp.maximum(jnp.maximum(ld(k0), ld(k0 + 1)),
                                    jnp.maximum(ld(k0 + 2), ld(k0 + 3)))
                    acc = m if acc is None else jnp.maximum(acc, m)
                outv[pl.ds(g * COUT + co, LANES)] = jnp.maximum(acc, 0.0)
            return carry

        lax.fori_loop(0, G, gbody, 0)
        pltpu.async_copy(
            outv, out_hbm.at[pl.ds((node_base + s * G) * COUT, G * COUT)], so[b])

    pltpu.sync_copy(i1_hbm.at[pl.ds(edge_base, NPW * K)], i1v)
    pltpu.sync_copy(i0_hbm.at[pl.ds(edge_base, NPW * K)], i0v)

    for b in range(NBUF):
        issue1(b, b)
    for b in range(2):
        wait1(b)
        issue2(b, b)

    def half(s, b, t):
        b2 = (b + 2) % NBUF

        @pl.when(s + 2 < STEPS)
        def _():
            wait1(b2)
            issue2(s + 2, b2)
        wait2(b)

        @pl.when(t > 0)
        def _():
            drain_store(b)
        compute_store(s, b)

        @pl.when(s + NBUF < STEPS)
        def _():
            issue1(s + NBUF, b)

    def body(t, carry):
        for b in range(NBUF):
            half(NBUF * t + b, b, t)
        return carry

    main_iters = STEPS // NBUF
    lax.fori_loop(0, main_iters, body, 0)

    for s in range(NBUF * main_iters, STEPS):
        b = s % NBUF
        wait2(b)
        drain_store(b)
        compute_store(s, b)
    for b in range(NBUF):
        drain_store(b)


def kernel(x, edge_index, W, b):
    y1, y2 = _tc_tables(x[..., 0], W, b.reshape(1, COUT))
    offs = (jnp.arange(B, dtype=jnp.int32) * N).reshape(B, 1, 1)
    i1f = (edge_index[1] + offs).reshape(-1)
    i0f = (edge_index[0] + offs).reshape(-1)
    out = _sc_edge_max(y1, y2, i1f, i0f)
    return out.reshape(B, N, COUT).transpose(0, 2, 1)[..., None]

# --- scband reference (transcript-rebuilt; emitter-appended) ---
"""Pipeline reference for scband-graph-conv2d-26053271617660 (READ-ONLY COPY).

The authoritative reference and input builder live on the scoring server;
editing this copy changes nothing except your own understanding.
"""

import jax, jax.numpy as jnp
import numpy as np


def batched_index_select(x, idx):
    # x: [B, C, N], idx: [B, N, K] -> [B, C, N, K]
    B, C, N = x.shape
    K = idx.shape[-1]
    idx_b = jnp.broadcast_to(idx.reshape(B, 1, N * K), (B, C, N * K))
    return jnp.take_along_axis(x, idx_b, axis=2).reshape(B, C, N, K)


def setup_inputs(seed: int = 0) -> dict:
    key = jax.random.key(seed)
    k1, k2, k3, k4 = jax.random.split(key, 4)
    B, C, N, K, Cout = 2, 128, 10000, 16, 128
    x = jax.random.normal(k1, (B, C, N, 1), dtype=jnp.float32)
    edge_index = jax.random.randint(k2, (2, B, N, K), 0, N, dtype=jnp.int32)
    # BasicConv([2*C, Cout]) == 1x1 Conv2d(2C -> Cout, bias=True) + ReLU
    W = (jax.random.normal(k3, (Cout, 2 * C), dtype=jnp.float32) / np.sqrt(2 * C)).astype(jnp.float32)
    b = (jax.random.normal(k4, (Cout,), dtype=jnp.float32) * 0.01).astype(jnp.float32)
    return {"x": x, "edge_index": edge_index, "W": W, "b": b}


def reference(x, edge_index, W, b):
    # EdgeConv2d.forward (GraphConv2d with conv='edge')
    x_sq = x[..., 0]                                   # [B, C, N]
    x_i = batched_index_select(x_sq, edge_index[1])    # [B, C, N, K]
    x_j = batched_index_select(x_sq, edge_index[0])    # [B, C, N, K]
    h = jnp.concatenate([x_i, x_j - x_i], axis=1)      # [B, 2C, N, K]
    out = jnp.einsum('oc,bcnk->bonk', W, h) + b[None, :, None, None]
    out = jax.nn.relu(out)
    max_value = jnp.max(out, axis=-1, keepdims=True)   # [B, Cout, N, 1]
    return max_value

if __name__ == "__main__":
    import jax
    _d = setup_inputs()
    print(jax.jit(kernel)(*tuple(_d.values())))

</pallas_src>

<mosaic_0001>
#map = affine_map<(d0, d1) -> (0, 0)>
#map1 = affine_map<(d0, d1) -> (0)>
module attributes {stable_mosaic.version = 14 : i64} {
  func.func @_sc_edge_max(%arg0: i32, %arg1: i32, %arg2: memref<20000x128xf32, #tpu.memory_space<hbm>>, %arg3: memref<20000x128xf32, #tpu.memory_space<hbm>>, %arg4: memref<320000xi32, #tpu.memory_space<hbm>>, %arg5: memref<320000xi32, #tpu.memory_space<hbm>>, %arg6: memref<2560000xf32, #tpu.memory_space<hbm>>, %arg7: memref<10000xi32, #tpu.memory_space<vmem>>, %arg8: memref<10000xi32, #tpu.memory_space<vmem>>, %arg9: memref<80x128xf32, #tpu.memory_space<vmem>>, %arg10: memref<80x128xf32, #tpu.memory_space<vmem>>, %arg11: memref<80x128xf32, #tpu.memory_space<vmem>>, %arg12: memref<80x128xf32, #tpu.memory_space<vmem>>, %arg13: memref<640xf32, #tpu.memory_space<vmem>>, %arg14: memref<640xf32, #tpu.memory_space<vmem>>, %arg15: memref<640xf32, #tpu.memory_space<vmem>>, %arg16: memref<640xf32, #tpu.memory_space<vmem>>, %arg17: memref<!tpu.dma_semaphore, #tpu.memory_space<semaphore_mem>>, %arg18: memref<!tpu.dma_semaphore, #tpu.memory_space<semaphore_mem>>, %arg19: memref<!tpu.dma_semaphore, #tpu.memory_space<semaphore_mem>>, %arg20: memref<!tpu.dma_semaphore, #tpu.memory_space<semaphore_mem>>, %arg21: memref<!tpu.dma_semaphore, #tpu.memory_space<semaphore_mem>>, %arg22: memref<!tpu.dma_semaphore, #tpu.memory_space<semaphore_mem>>, %arg23: memref<!tpu.dma_semaphore, #tpu.memory_space<semaphore_mem>>, %arg24: memref<!tpu.dma_semaphore, #tpu.memory_space<semaphore_mem>>, %arg25: memref<!tpu.dma_semaphore, #tpu.memory_space<semaphore_mem>>, %arg26: memref<!tpu.dma_semaphore, #tpu.memory_space<semaphore_mem>>, %arg27: memref<!tpu.dma_semaphore, #tpu.memory_space<semaphore_mem>>, %arg28: memref<!tpu.dma_semaphore, #tpu.memory_space<semaphore_mem>>) attributes {dimension_semantics = [#tpu.dimension_semantics<core_parallel>, #tpu.dimension_semantics<subcore_parallel>], iteration_bounds = array<i64: 2, 16>, scalar_prefetch = 0 : i64, scratch_operands = 22 : i64, tpu.core_type = #tpu.core_type<sc_vector_subcore>, window_params = [{transform_indices = #map}, {transform_indices = #map}, {transform_indices = #map1}, {transform_indices = #map1}, {transform_indices = #map1}]} {
    %mul3A = arith.constant 2 : i32
    %mul3A_0 = arith.muli %arg1, %mul3A : i32
    %add3A = arith.addi %mul3A_0, %arg0 : i32
    %mul3A_1 = arith.constant 625 : i32
    %mul3A_2 = arith.muli %add3A, %mul3A_1 : i32
    %mul3A_3 = arith.constant 16 : i32
    %mul3A_4 = arith.muli %mul3A_2, %mul3A_3 : i32
    "tpu.region"() ({
      %run_scoped3A = tpu.sem_alloc : memref<!tpu.dma_semaphore, #tpu.memory_space<semaphore_mem>>
      %dma_start3A_85 = tpu.memref_slice %arg4[%mul3A_4] : memref<320000xi32, #tpu.memory_space<hbm>> -> memref<10000xi32, #tpu.memory_space<hbm>>
      %dma_start3A_86 = tpu.memref_slice %arg4[%mul3A_4] : memref<320000xi32, #tpu.memory_space<hbm>> -> memref<10000xi32, #tpu.memory_space<hbm>>
      tpu.enqueue_dma source(%dma_start3A_86 : memref<10000xi32, #tpu.memory_space<hbm>>) target(%arg7 : memref<10000xi32, #tpu.memory_space<vmem>>) target_semaphore(%run_scoped3A : memref<!tpu.dma_semaphore, #tpu.memory_space<semaphore_mem>>)
      %dma_wait3A_87 = tpu.memref_slice %arg4[%mul3A_4] : memref<320000xi32, #tpu.memory_space<hbm>> -> memref<10000xi32, #tpu.memory_space<hbm>>
      %dma_wait3A_88 = tpu.memref_slice %arg4[%mul3A_4] : memref<320000xi32, #tpu.memory_space<hbm>> -> memref<10000xi32, #tpu.memory_space<hbm>>
      tpu.wait_dma2 semaphore(%run_scoped3A : memref<!tpu.dma_semaphore, #tpu.memory_space<semaphore_mem>>) src(%dma_wait3A_88 : memref<10000xi32, #tpu.memory_space<hbm>>) dst(%arg7 : memref<10000xi32, #tpu.memory_space<vmem>>)
      tpu.yield
    }) : () -> ()
    "tpu.region"() ({
      %run_scoped3A = tpu.sem_alloc : memref<!tpu.dma_semaphore, #tpu.memory_space<semaphore_mem>>
      %dma_start3A_85 = tpu.memref_slice %arg5[%mul3A_4] : memref<320000xi32, #tpu.memory_space<hbm>> -> memref<10000xi32, #tpu.memory_space<hbm>>
      %dma_start3A_86 = tpu.memref_slice %arg5[%mul3A_4] : memref<320000xi32, #tpu.memory_space<hbm>> -> memref<10000xi32, #tpu.memory_space<hbm>>
      tpu.enqueue_dma source(%dma_start3A_86 : memref<10000xi32, #tpu.memory_space<hbm>>) target(%arg8 : memref<10000xi32, #tpu.memory_space<vmem>>) target_semaphore(%run_scoped3A : memref<!tpu.dma_semaphore, #tpu.memory_space<semaphore_mem>>)
      %dma_wait3A_87 = tpu.memref_slice %arg5[%mul3A_4] : memref<320000xi32, #tpu.memory_space<hbm>> -> memref<10000xi32, #tpu.memory_space<hbm>>
      %dma_wait3A_88 = tpu.memref_slice %arg5[%mul3A_4] : memref<320000xi32, #tpu.memory_space<hbm>> -> memref<10000xi32, #tpu.memory_space<hbm>>
      tpu.wait_dma2 semaphore(%run_scoped3A : memref<!tpu.dma_semaphore, #tpu.memory_space<semaphore_mem>>) src(%dma_wait3A_88 : memref<10000xi32, #tpu.memory_space<hbm>>) dst(%arg8 : memref<10000xi32, #tpu.memory_space<vmem>>)
      tpu.yield
    }) : () -> ()
    %dma_start3A = arith.constant 0 : i32
    %dma_start3A_5 = tpu.memref_slice %arg7[%dma_start3A] : memref<10000xi32, #tpu.memory_space<vmem>> -> memref<80xi32, #tpu.memory_space<vmem>>
    %dma_start3A_6 = arith.constant 0 : i32
    %dma_start3A_7 = arith.constant 0 : i32
    %dma_start3A_8 = tpu.memref_slice %arg2[%dma_start3A_6, %dma_start3A_7] : memref<20000x128xf32, #tpu.memory_space<hbm>> -> memref<20000x128xf32, #tpu.memory_space<hbm>>
    tpu.enqueue_indirect_dma source(%dma_start3A_8 : memref<20000x128xf32, #tpu.memory_space<hbm>>) target(%arg9 : memref<80x128xf32, #tpu.memory_space<vmem>>) offsets(%dma_start3A_5 : memref<80xi32, #tpu.memory_space<vmem>>) semaphore(%arg17 : memref<!tpu.dma_semaphore, #tpu.memory_space<semaphore_mem>>)
    %dma_start3A_9 = arith.constant 80 : i32
    %dma_start3A_10 = tpu.memref_slice %arg7[%dma_start3A_9] : memref<10000xi32, #tpu.memory_space<vmem>> -> memref<80xi32, #tpu.memory_space<vmem>>
    %dma_start3A_11 = arith.constant 0 : i32
    %dma_start3A_12 = arith.constant 0 : i32
    %dma_start3A_13 = tpu.memref_slice %arg2[%dma_start3A_11, %dma_start3A_12] : memref<20000x128xf32, #tpu.memory_space<hbm>> -> memref<20000x128xf32, #tpu.memory_space<hbm>>
    tpu.enqueue_indirect_dma source(%dma_start3A_13 : memref<20000x128xf32, #tpu.memory_space<hbm>>) target(%arg10 : memref<80x128xf32, #tpu.memory_space<vmem>>) offsets(%dma_start3A_10 : memref<80xi32, #tpu.memory_space<vmem>>) semaphore(%arg18 : memref<!tpu.dma_semaphore, #tpu.memory_space<semaphore_mem>>)
    %dma_start3A_14 = arith.constant 160 : i32
    %dma_start3A_15 = tpu.memref_slice %arg7[%dma_start3A_14] : memref<10000xi32, #tpu.memory_space<vmem>> -> memref<80xi32, #tpu.memory_space<vmem>>
    %dma_start3A_16 = arith.constant 0 : i32
    %dma_start3A_17 = arith.constant 0 : i32
    %dma_start3A_18 = tpu.memref_slice %arg2[%dma_start3A_16, %dma_start3A_17] : memref<20000x128xf32, #tpu.memory_space<hbm>> -> memref<20000x128xf32, #tpu.memory_space<hbm>>
    tpu.enqueue_indirect_dma source(%dma_start3A_18 : memref<20000x128xf32, #tpu.memory_space<hbm>>) target(%arg11 : memref<80x128xf32, #tpu.memory_space<vmem>>) offsets(%dma_start3A_15 : memref<80xi32, #tpu.memory_space<vmem>>) semaphore(%arg19 : memref<!tpu.dma_semaphore, #tpu.memory_space<semaphore_mem>>)
    %dma_start3A_19 = arith.constant 240 : i32
    %dma_start3A_20 = tpu.memref_slice %arg7[%dma_start3A_19] : memref<10000xi32, #tpu.memory_space<vmem>> -> memref<80xi32, #tpu.memory_space<vmem>>
    %dma_start3A_21 = arith.constant 0 : i32
    %dma_start3A_22 = arith.constant 0 : i32
    %dma_start3A_23 = tpu.memref_slice %arg2[%dma_start3A_21, %dma_start3A_22] : memref<20000x128xf32, #tpu.memory_space<hbm>> -> memref<20000x128xf32, #tpu.memory_space<hbm>>
    tpu.enqueue_indirect_dma source(%dma_start3A_23 : memref<20000x128xf32, #tpu.memory_space<hbm>>) target(%arg12 : memref<80x128xf32, #tpu.memory_space<vmem>>) offsets(%dma_start3A_20 : memref<80xi32, #tpu.memory_space<vmem>>) semaphore(%arg20 : memref<!tpu.dma_semaphore, #tpu.memory_space<semaphore_mem>>)
    %dma_wait3A = arith.constant 0 : i32
    %dma_wait3A_24 = tpu.memref_slice %arg7[%dma_wait3A] : memref<10000xi32, #tpu.memory_space<vmem>> -> memref<80xi32, #tpu.memory_space<vmem>>
    %dma_wait3A_25 = arith.constant 0 : i32
    %dma_wait3A_26 = arith.constant 0 : i32
    %dma_wait3A_27 = tpu.memref_slice %arg2[%dma_wait3A_25, %dma_wait3A_26] : memref<20000x128xf32, #tpu.memory_space<hbm>> -> memref<20000x128xf32, #tpu.memory_space<hbm>>
    tpu.wait_indirect_dma semaphore(%arg17 : memref<!tpu.dma_semaphore, #tpu.memory_space<semaphore_mem>>) src(%dma_wait3A_27 : memref<20000x128xf32, #tpu.memory_space<hbm>>) dst(%arg9 : memref<80x128xf32, #tpu.memory_space<vmem>>)
    %dma_start3A_28 = arith.constant 0 : i32
    %dma_start3A_29 = tpu.memref_slice %arg8[%dma_start3A_28] : memref<10000xi32, #tpu.memory_space<vmem>> -> memref<80xi32, #tpu.memory_space<vmem>>
    %dma_start3A_30 = arith.constant 0 : i32
    %dma_start3A_31 = arith.constant 0 : i32
    %dma_start3A_32 = tpu.memref_slice %arg3[%dma_start3A_30, %dma_start3A_31] : memref<20000x128xf32, #tpu.memory_space<hbm>> -> memref<20000x128xf32, #tpu.memory_space<hbm>>
    tpu.enqueue_indirect_dma source(%dma_start3A_32 : memref<20000x128xf32, #tpu.memory_space<hbm>>) target(%arg9 : memref<80x128xf32, #tpu.memory_space<vmem>>) offsets(%dma_start3A_29 : memref<80xi32, #tpu.memory_space<vmem>>) semaphore(%arg21 : memref<!tpu.dma_semaphore, #tpu.memory_space<semaphore_mem>>) {add = true}
    %dma_wait3A_33 = arith.constant 0 : i32
    %dma_wait3A_34 = tpu.memref_slice %arg7[%dma_wait3A_33] : memref<10000xi32, #tpu.memory_space<vmem>> -> memref<80xi32, #tpu.memory_space<vmem>>
    %dma_wait3A_35 = arith.constant 0 : i32
    %dma_wait3A_36 = arith.constant 0 : i32
    %dma_wait3A_37 = tpu.memref_slice %arg2[%dma_wait3A_35, %dma_wait3A_36] : memref<20000x128xf32, #tpu.memory_space<hbm>> -> memref<20000x128xf32, #tpu.memory_space<hbm>>
    tpu.wait_indirect_dma semaphore(%arg18 : memref<!tpu.dma_semaphore, #tpu.memory_space<semaphore_mem>>) src(%dma_wait3A_37 : memref<20000x128xf32, #tpu.memory_space<hbm>>) dst(%arg10 : memref<80x128xf32, #tpu.memory_space<vmem>>)
    %dma_start3A_38 = arith.constant 80 : i32
    %dma_start3A_39 = tpu.memref_slice %arg8[%dma_start3A_38] : memref<10000xi32, #tpu.memory_space<vmem>> -> memref<80xi32, #tpu.memory_space<vmem>>
    %dma_start3A_40 = arith.constant 0 : i32
    %dma_start3A_41 = arith.constant 0 : i32
    %dma_start3A_42 = tpu.memref_slice %arg3[%dma_start3A_40, %dma_start3A_41] : memref<20000x128xf32, #tpu.memory_space<hbm>> -> memref<20000x128xf32, #tpu.memory_space<hbm>>
    tpu.enqueue_indirect_dma source(%dma_start3A_42 : memref<20000x128xf32, #tpu.memory_space<hbm>>) target(%arg10 : memref<80x128xf32, #tpu.memory_space<vmem>>) offsets(%dma_start3A_39 : memref<80xi32, #tpu.memory_space<vmem>>) semaphore(%arg22 : memref<!tpu.dma_semaphore, #tpu.memory_space<semaphore_mem>>) {add = true}
    %scan3A = arith.constant 0 : i32
    %scan3A_43 = arith.constant 0 : i32
    %scan3A_44 = arith.constant 31 : i32
    %scan3A_45 = arith.addi %scan3A_43, %scan3A_44 : i32
    %scan3A_46 = arith.constant 1 : i32
    scf.for %scan3A_85 = %scan3A_43 to %scan3A_45 step %scan3A_46  : i32 {
      %mul3A_86 = arith.constant 4 : i32
      %mul3A_87 = arith.muli %mul3A_86, %scan3A_85 : i32
      %add3A_88 = arith.constant 0 : i32
      %add3A_89 = arith.addi %mul3A_87, %add3A_88 : i32
      %add3A_90 = arith.constant 2 : i32
      %add3A_91 = arith.addi %add3A_89, %add3A_90 : i32
      %lt3A = arith.constant 125 : i32
      %lt3A_92 = arith.cmpi slt, %add3A_91, %lt3A : i32
      %convert_element_type3A = arith.extui %lt3A_92 : i1 to i32
      %cond3A = arith.constant 0 : i32
      %cond3A_93 = arith.cmpi ne, %convert_element_type3A, %cond3A : i32
      scf.if %cond3A_93 {
        %dma_wait3A_246 = arith.constant 0 : i32
        %dma_wait3A_247 = tpu.memref_slice %arg7[%dma_wait3A_246] : memref<10000xi32, #tpu.memory_space<vmem>> -> memref<80xi32, #tpu.memory_space<vmem>>
        %dma_wait3A_248 = arith.constant 0 : i32
        %dma_wait3A_249 = arith.constant 0 : i32
        %dma_wait3A_250 = tpu.memref_slice %arg2[%dma_wait3A_248, %dma_wait3A_249] : memref<20000x128xf32, #tpu.memory_space<hbm>> -> memref<20000x128xf32, #tpu.memory_space<hbm>>
        tpu.wait_indirect_dma semaphore(%arg19 : memref<!tpu.dma_semaphore, #tpu.memory_space<semaphore_mem>>) src(%dma_wait3A_250 : memref<20000x128xf32, #tpu.memory_space<hbm>>) dst(%arg11 : memref<80x128xf32, #tpu.memory_space<vmem>>)
        %add3A_251 = arith.constant 2 : i32
        %add3A_252 = arith.addi %add3A_89, %add3A_251 : i32
        %mul3A_253 = arith.constant 80 : i32
        %mul3A_254 = arith.muli %add3A_252, %mul3A_253 : i32
        %dma_start3A_255 = tpu.memref_slice %arg8[%mul3A_254] : memref<10000xi32, #tpu.memory_space<vmem>> -> memref<80xi32, #tpu.memory_space<vmem>>
        %dma_start3A_256 = arith.constant 0 : i32
        %dma_start3A_257 = arith.constant 0 : i32
        %dma_start3A_258 = tpu.memref_slice %arg3[%dma_start3A_256, %dma_start3A_257] : memref<20000x128xf32, #tpu.memory_space<hbm>> -> memref<20000x128xf32, #tpu.memory_space<hbm>>
        tpu.enqueue_indirect_dma source(%dma_start3A_258 : memref<20000x128xf32, #tpu.memory_space<hbm>>) target(%arg11 : memref<80x128xf32, #tpu.memory_space<vmem>>) offsets(%dma_start3A_255 : memref<80xi32, #tpu.memory_space<vmem>>) semaphore(%arg23 : memref<!tpu.dma_semaphore, #tpu.memory_space<semaphore_mem>>) {add = true}
      } else {
      }
      %dma_wait3A_94 = arith.constant 0 : i32
      %dma_wait3A_95 = tpu.memref_slice %arg8[%dma_wait3A_94] : memref<10000xi32, #tpu.memory_space<vmem>> -> memref<80xi32, #tpu.memory_space<vmem>>
      %dma_wait3A_96 = arith.constant 0 : i32
      %dma_wait3A_97 = arith.constant 0 : i32
      %dma_wait3A_98 = tpu.memref_slice %arg3[%dma_wait3A_96, %dma_wait3A_97] : memref<20000x128xf32, #tpu.memory_space<hbm>> -> memref<20000x128xf32, #tpu.memory_space<hbm>>
      tpu.wait_indirect_dma semaphore(%arg21 : memref<!tpu.dma_semaphore, #tpu.memory_space<semaphore_mem>>) src(%dma_wait3A_98 : memref<20000x128xf32, #tpu.memory_space<hbm>>) dst(%arg9 : memref<80x128xf32, #tpu.memory_space<vmem>>)
      %gt3A = arith.constant 0 : i32
      %gt3A_99 = arith.cmpi sgt, %scan3A_85, %gt3A : i32
      %convert_element_type3A_100 = arith.extui %gt3A_99 : i1 to i32
      %cond3A_101 = arith.constant 0 : i32
      %cond3A_102 = arith.cmpi ne, %convert_element_type3A_100, %cond3A_101 : i32
      scf.if %cond3A_102 {
        %dma_wait3A_246 = arith.constant 0 : i32
        %dma_wait3A_247 = tpu.memref_slice %arg6[%dma_wait3A_246] : memref<2560000xf32, #tpu.memory_space<hbm>> -> memref<640xf32, #tpu.memory_space<hbm>>
        %dma_wait3A_248 = arith.constant 0 : i32
        %dma_wait3A_249 = tpu.memref_slice %arg6[%dma_wait3A_248] : memref<2560000xf32, #tpu.memory_space<hbm>> -> memref<640xf32, #tpu.memory_space<hbm>>
        tpu.wait_dma2 semaphore(%arg25 : memref<!tpu.dma_semaphore, #tpu.memory_space<semaphore_mem>>) src(%arg13 : memref<640xf32, #tpu.memory_space<vmem>>) dst(%dma_wait3A_249 : memref<640xf32, #tpu.memory_space<hbm>>)
      } else {
      }
      %scan3A_103 = arith.constant 0 : i32
      %scan3A_104 = arith.constant 0 : i32
      %scan3A_105 = arith.constant 5 : i32
      %scan3A_106 = arith.addi %scan3A_104, %scan3A_105 : i32
      %scan3A_107 = arith.constant 1 : i32
      scf.for %scan3A_246 = %scan3A_104 to %scan3A_106 step %scan3A_107  : i32 {
        %mul3A_247 = arith.constant 16 : i32
        %mul3A_248 = arith.muli %scan3A_246, %mul3A_247 : i32
        %add3A_249 = arith.constant 0 : i32
        %add3A_250 = arith.addi %mul3A_248, %add3A_249 : i32
        %get3A = arith.index_cast %add3A_250 : i32 to index
        %get3A_251 = arith.constant 0 : index
        %get3A_252 = tpu.vector_load %arg9[%get3A, %get3A_251] {strides = array<i32>} : memref<80x128xf32, #tpu.memory_space<vmem>>, vector<1x16xf32>,
        %get3A_253 = vector.shape_cast %get3A_252 : vector<1x16xf32> to vector<16xf32>
        %add3A_254 = arith.constant 1 : i32
        %add3A_255 = arith.addi %mul3A_248, %add3A_254 : i32
        %get3A_256 = arith.index_cast %add3A_255 : i32 to index
        %get3A_257 = arith.constant 0 : index
        %get3A_258 = tpu.vector_load %arg9[%get3A_256, %get3A_257] {strides = array<i32>} : memref<80x128xf32, #tpu.memory_space<vmem>>, vector<1x16xf32>,
        %get3A_259 = vector.shape_cast %get3A_258 : vector<1x16xf32> to vector<16xf32>
        %max3A = arith.maximumf %get3A_253, %get3A_259 : vector<16xf32>
        %add3A_260 = arith.constant 2 : i32
        %add3A_261 = arith.addi %mul3A_248, %add3A_260 : i32
        %get3A_262 = arith.index_cast %add3A_261 : i32 to index
        %get3A_263 = arith.constant 0 : index
        %get3A_264 = tpu.vector_load %arg9[%get3A_262, %get3A_263] {strides = array<i32>} : memref<80x128xf32, #tpu.memory_space<vmem>>, vector<1x16xf32>,
        %get3A_265 = vector.shape_cast %get3A_264 : vector<1x16xf32> to vector<16xf32>
        %add3A_266 = arith.constant 3 : i32
        %add3A_267 = arith.addi %mul3A_248, %add3A_266 : i32
        %get3A_268 = arith.index_cast %add3A_267 : i32 to index
        %get3A_269 = arith.constant 0 : index
        %get3A_270 = tpu.vector_load %arg9[%get3A_268, %get3A_269] {strides = array<i32>} : memref<80x128xf32, #tpu.memory_space<vmem>>, vector<1x16xf32>,
        %get3A_271 = vector.shape_cast %get3A_270 : vector<1x16xf32> to vector<16xf32>
        %max3A_272 = arith.maximumf %get3A_265, %get3A_271 : vector<16xf32>
        %max3A_273 = arith.maximumf %max3A, %max3A_272 : vector<16xf32>
        %add3A_274 = arith.constant 4 : i32
        %add3A_275 = arith.addi %mul3A_248, %add3A_274 : i32
        %get3A_276 = arith.index_cast %add3A_275 : i32 to index
        %get3A_277 = arith.constant 0 : index
        %get3A_278 = tpu.vector_load %arg9[%get3A_276, %get3A_277] {strides = array<i32>} : memref<80x128xf32, #tpu.memory_space<vmem>>, vector<1x16xf32>,
        %get3A_279 = vector.shape_cast %get3A_278 : vector<1x16xf32> to vector<16xf32>
        %add3A_280 = arith.constant 5 : i32
        %add3A_281 = arith.addi %mul3A_248, %add3A_280 : i32
        %get3A_282 = arith.index_cast %add3A_281 : i32 to index
        %get3A_283 = arith.constant 0 : index
        %get3A_284 = tpu.vector_load %arg9[%get3A_282, %get3A_283] {strides = array<i32>} : memref<80x128xf32, #tpu.memory_space<vmem>>, vector<1x16xf32>,
        %get3A_285 = vector.shape_cast %get3A_284 : vector<1x16xf32> to vector<16xf32>
        %max3A_286 = arith.maximumf %get3A_279, %get3A_285 : vector<16xf32>
        %add3A_287 = arith.constant 6 : i32
        %add3A_288 = arith.addi %mul3A_248, %add3A_287 : i32
        %get3A_289 = arith.index_cast %add3A_288 : i32 to index
        %get3A_290 = arith.constant 0 : index
        %get3A_291 = tpu.vector_load %arg9[%get3A_289, %get3A_290] {strides = array<i32>} : memref<80x128xf32, #tpu.memory_space<vmem>>, vector<1x16xf32>,
        %get3A_292 = vector.shape_cast %get3A_291 : vector<1x16xf32> to vector<16xf32>
        %add3A_293 = arith.constant 7 : i32
        %add3A_294 = arith.addi %mul3A_248, %add3A_293 : i32
        %get3A_295 = arith.index_cast %add3A_294 : i32 to index
        %get3A_296 = arith.constant 0 : index
        %get3A_297 = tpu.vector_load %arg9[%get3A_295, %get3A_296] {strides = array<i32>} : memref<80x128xf32, #tpu.memory_space<vmem>>, vector<1x16xf32>,
        %get3A_298 = vector.shape_cast %get3A_297 : vector<1x16xf32> to vector<16xf32>
        %max3A_299 = arith.maximumf %get3A_292, %get3A_298 : vector<16xf32>
        %max3A_300 = arith.maximumf %max3A_286, %max3A_299 : vector<16xf32>
        %max3A_301 = arith.maximumf %max3A_273, %max3A_300 : vector<16xf32>
        %add3A_302 = arith.constant 8 : i32
        %add3A_303 = arith.addi %mul3A_248, %add3A_302 : i32
        %get3A_304 = arith.index_cast %add3A_303 : i32 to index
        %get3A_305 = arith.constant 0 : index
        %get3A_306 = tpu.vector_load %arg9[%get3A_304, %get3A_305] {strides = array<i32>} : memref<80x128xf32, #tpu.memory_space<vmem>>, vector<1x16xf32>,
        %get3A_307 = vector.shape_cast %get3A_306 : vector<1x16xf32> to vector<16xf32>
        %add3A_308 = arith.constant 9 : i32
        %add3A_309 = arith.addi %mul3A_248, %add3A_308 : i32
        %get3A_310 = arith.index_cast %add3A_309 : i32 to index
        %get3A_311 = arith.constant 0 : index
        %get3A_312 = tpu.vector_load %arg9[%get3A_310, %get3A_311] {strides = array<i32>} : memref<80x128xf32, #tpu.memory_space<vmem>>, vector<1x16xf32>,
        %get3A_313 = vector.shape_cast %get3A_312 : vector<1x16xf32> to vector<16xf32>
        %max3A_314 = arith.maximumf %get3A_307, %get3A_313 : vector<16xf32>
        %add3A_315 = arith.constant 10 : i32
        %add3A_316 = arith.addi %mul3A_248, %add3A_315 : i32
        %get3A_317 = arith.index_cast %add3A_316 : i32 to index
        %get3A_318 = arith.constant 0 : index
        %get3A_319 = tpu.vector_load %arg9[%get3A_317, %get3A_318] {strides = array<i32>} : memref<80x128xf32, #tpu.memory_space<vmem>>, vector<1x16xf32>,
        %get3A_320 = vector.shape_cast %get3A_319 : vector<1x16xf32> to vector<16xf32>
        %add3A_321 = arith.constant 11 : i32
        %add3A_322 = arith.addi %mul3A_248, %add3A_321 : i32
        %get3A_323 = arith.index_cast %add3A_322 : i32 to index
        %get3A_324 = arith.constant 0 : index
        %get3A_325 = tpu.vector_load %arg9[%get3A_323, %get3A_324] {strides = array<i32>} : memref<80x128xf32, #tpu.memory_space<vmem>>, vector<1x16xf32>,
        %get3A_326 = vector.shape_cast %get3A_325 : vector<1x16xf32> to vector<16xf32>
        %max3A_327 = arith.maximumf %get3A_320, %get3A_326 : vector<16xf32>
        %max3A_328 = arith.maximumf %max3A_314, %max3A_327 : vector<16xf32>
        %max3A_329 = arith.maximumf %max3A_301, %max3A_328 : vector<16xf32>
        %add3A_330 = arith.constant 12 : i32
        %add3A_331 = arith.addi %mul3A_248, %add3A_330 : i32
        %get3A_332 = arith.index_cast %add3A_331 : i32 to index
        %get3A_333 = arith.constant 0 : index
        %get3A_334 = tpu.vector_load %arg9[%get3A_332, %get3A_333] {strides = array<i32>} : memref<80x128xf32, #tpu.memory_space<vmem>>, vector<1x16xf32>,
        %get3A_335 = vector.shape_cast %get3A_334 : vector<1x16xf32> to vector<16xf32>
        %add3A_336 = arith.constant 13 : i32
        %add3A_337 = arith.addi %mul3A_248, %add3A_336 : i32
        %get3A_338 = arith.index_cast %add3A_337 : i32 to index
        %get3A_339 = arith.constant 0 : index
        %get3A_340 = tpu.vector_load %arg9[%get3A_338, %get3A_339] {strides = array<i32>} : memref<80x128xf32, #tpu.memory_space<vmem>>, vector<1x16xf32>,
        %get3A_341 = vector.shape_cast %get3A_340 : vector<1x16xf32> to vector<16xf32>
        %max3A_342 = arith.maximumf %get3A_335, %get3A_341 : vector<16xf32>
        %add3A_343 = arith.constant 14 : i32
        %add3A_344 = arith.addi %mul3A_248, %add3A_343 : i32
        %get3A_345 = arith.index_cast %add3A_344 : i32 to index
        %get3A_346 = arith.constant 0 : index
        %get3A_347 = tpu.vector_load %arg9[%get3A_345, %get3A_346] {strides = array<i32>} : memref<80x128xf32, #tpu.memory_space<vmem>>, vector<1x16xf32>,
        %get3A_348 = vector.shape_cast %get3A_347 : vector<1x16xf32> to vector<16xf32>
        %add3A_349 = arith.constant 15 : i32
        %add3A_350 = arith.addi %mul3A_248, %add3A_349 : i32
        %get3A_351 = arith.index_cast %add3A_350 : i32 to index
        %get3A_352 = arith.constant 0 : index
        %get3A_353 = tpu.vector_load %arg9[%get3A_351, %get3A_352] {strides = array<i32>} : memref<80x128xf32, #tpu.memory_space<vmem>>, vector<1x16xf32>,
        %get3A_354 = vector.shape_cast %get3A_353 : vector<1x16xf32> to vector<16xf32>
        %max3A_355 = arith.maximumf %get3A_348, %get3A_354 : vector<16xf32>
        %max3A_356 = arith.maximumf %max3A_342, %max3A_355 : vector<16xf32>
        %max3A_357 = arith.maximumf %max3A_329, %max3A_356 : vector<16xf32>
        %max3A_358 = arith.constant 0.000000e+00 : f32
        %max3A_359 = vector.broadcast %max3A_358 : f32 to vector<16xf32>
        %max3A_360 = arith.maximumf %max3A_357, %max3A_359 : vector<16xf32>
        %mul3A_361 = arith.constant 128 : i32
        %mul3A_362 = arith.muli %scan3A_246, %mul3A_361 : i32
        %add3A_363 = arith.constant 0 : i32
        %add3A_364 = arith.addi %mul3A_362, %add3A_363 : i32
        %swap3A = arith.index_cast %add3A_364 : i32 to index
        %swap3A_365 = tpu.vector_load %arg13[%swap3A] {strides = array<i32>} : memref<640xf32, #tpu.memory_space<vmem>>, vector<16xf32>,
        %swap3A_366 = vector.shape_cast %swap3A_365 : vector<16xf32> to vector<16xf32>
        %swap3A_367 = vector.shape_cast %max3A_360 : vector<16xf32> to vector<16xf32>
        tpu.vector_store %arg13[%swap3A], %swap3A_367 {strides = array<i32>} : memref<640xf32, #tpu.memory_space<vmem>>, vector<16xf32>,
        %add3A_368 = arith.constant 0 : i32
        %add3A_369 = arith.addi %mul3A_248, %add3A_368 : i32
        %get3A_370 = arith.index_cast %add3A_369 : i32 to index
        %get3A_371 = arith.constant 16 : index
        %get3A_372 = tpu.vector_load %arg9[%get3A_370, %get3A_371] {strides = array<i32>} : memref<80x128xf32, #tpu.memory_space<vmem>>, vector<1x16xf32>,
        %get3A_373 = vector.shape_cast %get3A_372 : vector<1x16xf32> to vector<16xf32>
        %add3A_374 = arith.constant 1 : i32
        %add3A_375 = arith.addi %mul3A_248, %add3A_374 : i32
        %get3A_376 = arith.index_cast %add3A_375 : i32 to index
        %get3A_377 = arith.constant 16 : index
        %get3A_378 = tpu.vector_load %arg9[%get3A_376, %get3A_377] {strides = array<i32>} : memref<80x128xf32, #tpu.memory_space<vmem>>, vector<1x16xf32>,
        %get3A_379 = vector.shape_cast %get3A_378 : vector<1x16xf32> to vector<16xf32>
        %max3A_380 = arith.maximumf %get3A_373, %get3A_379 : vector<16xf32>
        %add3A_381 = arith.constant 2 : i32
        %add3A_382 = arith.addi %mul3A_248, %add3A_381 : i32
        %get3A_383 = arith.index_cast %add3A_382 : i32 to index
        %get3A_384 = arith.constant 16 : index
        %get3A_385 = tpu.vector_load %arg9[%get3A_383, %get3A_384] {strides = array<i32>} : memref<80x128xf32, #tpu.memory_space<vmem>>, vector<1x16xf32>,
        %get3A_386 = vector.shape_cast %get3A_385 : vector<1x16xf32> to vector<16xf32>
        %add3A_387 = arith.constant 3 : i32
        %add3A_388 = arith.addi %mul3A_248, %add3A_387 : i32
        %get3A_389 = arith.index_cast %add3A_388 : i32 to index
        %get3A_390 = arith.constant 16 : index
        %get3A_391 = tpu.vector_load %arg9[%get3A_389, %get3A_390] {strides = array<i32>} : memref<80x128xf32, #tpu.memory_space<vmem>>, vector<1x16xf32>,
        %get3A_392 = vector.shape_cast %get3A_391 : vector<1x16xf32> to vector<16xf32>
        %max3A_393 = arith.maximumf %get3A_386, %get3A_392 : vector<16xf32>
        %max3A_394 = arith.maximumf %max3A_380, %max3A_393 : vector<16xf32>
        %add3A_395 = arith.constant 4 : i32
        %add3A_396 = arith.addi %mul3A_248, %add3A_395 : i32
        %get3A_397 = arith.index_cast %add3A_396 : i32 to index
        %get3A_398 = arith.constant 16 : index
        %get3A_399 = tpu.vector_load %arg9[%get3A_397, %get3A_398] {strides = array<i32>} : memref<80x128xf32, #tpu.memory_space<vmem>>, vector<1x16xf32>,
        %get3A_400 = vector.shape_cast %get3A_399 : vector<1x16xf32> to vector<16xf32>
        %add3A_401 = arith.constant 5 : i32
        %add3A_402 = arith.addi %mul3A_248, %add3A_401 : i32
        %get3A_403 = arith.index_cast %add3A_402 : i32 to index
        %get3A_404 = arith.constant 16 : index
        %get3A_405 = tpu.vector_load %arg9[%get3A_403, %get3A_404] {strides = array<i32>} : memref<80x128xf32, #tpu.memory_space<vmem>>, vector<1x16xf32>,
        %get3A_406 = vector.shape_cast %get3A_405 : vector<1x16xf32> to vector<16xf32>
        %max3A_407 = arith.maximumf %get3A_400, %get3A_406 : vector<16xf32>
        %add3A_408 = arith.constant 6 : i32
        %add3A_409 = arith.addi %mul3A_248, %add3A_408 : i32
        %get3A_410 = arith.index_cast %add3A_409 : i32 to index
        %get3A_411 = arith.constant 16 : index
        %get3A_412 = tpu.vector_load %arg9[%get3A_410, %get3A_411] {strides = array<i32>} : memref<80x128xf32, #tpu.memory_space<vmem>>, vector<1x16xf32>,
        %get3A_413 = vector.shape_cast %get3A_412 : vector<1x16xf32> to vector<16xf32>
        %add3A_414 = arith.constant 7 : i32
        %add3A_415 = arith.addi %mul3A_248, %add3A_414 : i32
        %get3A_416 = arith.index_cast %add3A_415 : i32 to index
        %get3A_417 = arith.constant 16 : index
        %get3A_418 = tpu.vector_load %arg9[%get3A_416, %get3A_417] {strides = array<i32>} : memref<80x128xf32, #tpu.memory_space<vmem>>, vector<1x16xf32>,
        %get3A_419 = vector.shape_cast %get3A_418 : vector<1x16xf32> to vector<16xf32>
        %max3A_420 = arith.maximumf %get3A_413, %get3A_419 : vector<16xf32>
        %max3A_421 = arith.maximumf %max3A_407, %max3A_420 : vector<16xf32>
        %max3A_422 = arith.maximumf %max3A_394, %max3A_421 : vector<16xf32>
        %add3A_423 = arith.constant 8 : i32
        %add3A_424 = arith.addi %mul3A_248, %add3A_423 : i32
        %get3A_425 = arith.index_cast %add3A_424 : i32 to index
        %get3A_426 = arith.constant 16 : index
        %get3A_427 = tpu.vector_load %arg9[%get3A_425, %get3A_426] {strides = array<i32>} : memref<80x128xf32, #tpu.memory_space<vmem>>, vector<1x16xf32>,
        %get3A_428 = vector.shape_cast %get3A_427 : vector<1x16xf32> to vector<16xf32>
        %add3A_429 = arith.constant 9 : i32
        %add3A_430 = arith.addi %mul3A_248, %add3A_429 : i32
        %get3A_431 = arith.index_cast %add3A_430 : i32 to index
        %get3A_432 = arith.constant 16 : index
        %get3A_433 = tpu.vector_load %arg9[%get3A_431, %get3A_432] {strides = array<i32>} : memref<80x128xf32, #tpu.memory_space<vmem>>, vector<1x16xf32>,
        %get3A_434 = vector.shape_cast %get3A_433 : vector<1x16xf32> to vector<16xf32>
        %max3A_435 = arith.maximumf %get3A_428, %get3A_434 : vector<16xf32>
        %add3A_436 = arith.constant 10 : i32
        %add3A_437 = arith.addi %mul3A_248, %add3A_436 : i32
        %get3A_438 = arith.index_cast %add3A_437 : i32 to index
        %get3A_439 = arith.constant 16 : index
        %get3A_440 = tpu.vector_load %arg9[%get3A_438, %get3A_439] {strides = array<i32>} : memref<80x128xf32, #tpu.memory_space<vmem>>, vector<1x16xf32>,
        %get3A_441 = vector.shape_cast %get3A_440 : vector<1x16xf32> to vector<16xf32>
        %add3A_442 = arith.constant 11 : i32
        %add3A_443 = arith.addi %mul3A_248, %add3A_442 : i32
        %get3A_444 = arith.index_cast %add3A_443 : i32 to index
        %get3A_445 = arith.constant 16 : index
        %get3A_446 = tpu.vector_load %arg9[%get3A_444, %get3A_445] {strides = array<i32>} : memref<80x128xf32, #tpu.memory_space<vmem>>, vector<1x16xf32>,
        %get3A_447 = vector.shape_cast %get3A_446 : vector<1x16xf32> to vector<16xf32>
        %max3A_448 = arith.maximumf %get3A_441, %get3A_447 : vector<16xf32>
        %max3A_449 = arith.maximumf %max3A_435, %max3A_448 : vector<16xf32>
        %max3A_450 = arith.maximumf %max3A_422, %max3A_449 : vector<16xf32>
        %add3A_451 = arith.constant 12 : i32
        %add3A_452 = arith.addi %mul3A_248, %add3A_451 : i32
        %get3A_453 = arith.index_cast %add3A_452 : i32 to index
        %get3A_454 = arith.constant 16 : index
        %get3A_455 = tpu.vector_load %arg9[%get3A_453, %get3A_454] {strides = array<i32>} : memref<80x128xf32, #tpu.memory_space<vmem>>, vector<1x16xf32>,
        %get3A_456 = vector.shape_cast %get3A_455 : vector<1x16xf32> to vector<16xf32>
        %add3A_457 = arith.constant 13 : i32
        %add3A_458 = arith.addi %mul3A_248, %add3A_457 : i32
        %get3A_459 = arith.index_cast %add3A_458 : i32 to index
        %get3A_460 = arith.constant 16 : index
        %get3A_461 = tpu.vector_load %arg9[%get3A_459, %get3A_460] {strides = array<i32>} : memref<80x128xf32, #tpu.memory_space<vmem>>, vector<1x16xf32>,
        %get3A_462 = vector.shape_cast %get3A_461 : vector<1x16xf32> to vector<16xf32>
        %max3A_463 = arith.maximumf %get3A_456, %get3A_462 : vector<16xf32>
        %add3A_464 = arith.constant 14 : i32
        %add3A_465 = arith.addi %mul3A_248, %add3A_464 : i32
        %get3A_466 = arith.index_cast %add3A_465 : i32 to index
        %get3A_467 = arith.constant 16 : index
        %get3A_468 = tpu.vector_load %arg9[%get3A_466, %get3A_467] {strides = array<i32>} : memref<80x128xf32, #tpu.memory_space<vmem>>, vector<1x16xf32>,
        %get3A_469 = vector.shape_cast %get3A_468 : vector<1x16xf32> to vector<16xf32>
        %add3A_470 = arith.constant 15 : i32
        %add3A_471 = arith.addi %mul3A_248, %add3A_470 : i32
        %get3A_472 = arith.index_cast %add3A_471 : i32 to index
        %get3A_473 = arith.constant 16 : index
        %get3A_474 = tpu.vector_load %arg9[%get3A_472, %get3A_473] {strides = array<i32>} : memref<80x128xf32, #tpu.memory_space<vmem>>, vector<1x16xf32>,
        %get3A_475 = vector.shape_cast %get3A_474 : vector<1x16xf32> to vector<16xf32>
        %max3A_476 = arith.maximumf %get3A_469, %get3A_475 : vector<16xf32>
        %max3A_477 = arith.maximumf %max3A_463, %max3A_476 : vector<16xf32>
        %max3A_478 = arith.maximumf %max3A_450, %max3A_477 : vector<16xf32>
        %max3A_479 = arith.constant 0.000000e+00 : f32
        %max3A_480 = vector.broadcast %max3A_479 : f32 to vector<16xf32>
        %max3A_481 = arith.maximumf %max3A_478, %max3A_480 : vector<16xf32>
        %mul3A_482 = arith.constant 128 : i32
        %mul3A_483 = arith.muli %scan3A_246, %mul3A_482 : i32
        %add3A_484 = arith.constant 16 : i32
        %add3A_485 = arith.addi %mul3A_483, %add3A_484 : i32
        %swap3A_486 = arith.index_cast %add3A_485 : i32 to index
        %swap3A_487 = tpu.vector_load %arg13[%swap3A_486] {strides = array<i32>} : memref<640xf32, #tpu.memory_space<vmem>>, vector<16xf32>,
        %swap3A_488 = vector.shape_cast %swap3A_487 : vector<16xf32> to vector<16xf32>
        %swap3A_489 = vector.shape_cast %max3A_481 : vector<16xf32> to vector<16xf32>
        tpu.vector_store %arg13[%swap3A_486], %swap3A_489 {strides = array<i32>} : memref<640xf32, #tpu.memory_space<vmem>>, vector<16xf32>,
        %add3A_490 = arith.constant 0 : i32
        %add3A_491 = arith.addi %mul3A_248, %add3A_490 : i32
        %get3A_492 = arith.index_cast %add3A_491 : i32 to index
        %get3A_493 = arith.constant 32 : index
        %get3A_494 = tpu.vector_load %arg9[%get3A_492, %get3A_493] {strides = array<i32>} : memref<80x128xf32, #tpu.memory_space<vmem>>, vector<1x16xf32>,
        %get3A_495 = vector.shape_cast %get3A_494 : vector<1x16xf32> to vector<16xf32>
        %add3A_496 = arith.constant 1 : i32
        %add3A_497 = arith.addi %mul3A_248, %add3A_496 : i32
        %get3A_498 = arith.index_cast %add3A_497 : i32 to index
        %get3A_499 = arith.constant 32 : index
        %get3A_500 = tpu.vector_load %arg9[%get3A_498, %get3A_499] {strides = array<i32>} : memref<80x128xf32, #tpu.memory_space<vmem>>, vector<1x16xf32>,
        %get3A_501 = vector.shape_cast %get3A_500 : vector<1x16xf32> to vector<16xf32>
        %max3A_502 = arith.maximumf %get3A_495, %get3A_501 : vector<16xf32>
        %add3A_503 = arith.constant 2 : i32
        %add3A_504 = arith.addi %mul3A_248, %add3A_503 : i32
        %get3A_505 = arith.index_cast %add3A_504 : i32 to index
        %get3A_506 = arith.constant 32 : index
        %get3A_507 = tpu.vector_load %arg9[%get3A_505, %get3A_506] {strides = array<i32>} : memref<80x128xf32, #tpu.memory_space<vmem>>, vector<1x16xf32>,
        %get3A_508 = vector.shape_cast %get3A_507 : vector<1x16xf32> to vector<16xf32>
        %add3A_509 = arith.constant 3 : i32
        %add3A_510 = arith.addi %mul3A_248, %add3A_509 : i32
        %get3A_511 = arith.index_cast %add3A_510 : i32 to index
        %get3A_512 = arith.constant 32 : index
        %get3A_513 = tpu.vector_load %arg9[%get3A_511, %get3A_512] {strides = array<i32>} : memref<80x128xf32, #tpu.memory_space<vmem>>, vector<1x16xf32>,
        %get3A_514 = vector.shape_cast %get3A_513 : vector<1x16xf32> to vector<16xf32>
        %max3A_515 = arith.maximumf %get3A_508, %get3A_514 : vector<16xf32>
        %max3A_516 = arith.maximumf %max3A_502, %max3A_515 : vector<16xf32>
        %add3A_517 = arith.constant 4 : i32
        %add3A_518 = arith.addi %mul3A_248, %add3A_517 : i32
        %get3A_519 = arith.index_cast %add3A_518 : i32 to index
        %get3A_520 = arith.constant 32 : index
        %get3A_521 = tpu.vector_load %arg9[%get3A_519, %get3A_520] {strides = array<i32>} : memref<80x128xf32, #tpu.memory_space<vmem>>, vector<1x16xf32>,
        %get3A_522 = vector.shape_cast %get3A_521 : vector<1x16xf32> to vector<16xf32>
        %add3A_523 = arith.constant 5 : i32
        %add3A_524 = arith.addi %mul3A_248, %add3A_523 : i32
        %get3A_525 = arith.index_cast %add3A_524 : i32 to index
        %get3A_526 = arith.constant 32 : index
        %get3A_527 = tpu.vector_load %arg9[%get3A_525, %get3A_526] {strides = array<i32>} : memref<80x128xf32, #tpu.memory_space<vmem>>, vector<1x16xf32>,
        %get3A_528 = vector.shape_cast %get3A_527 : vector<1x16xf32> to vector<16xf32>
        %max3A_529 = arith.maximumf %get3A_522, %get3A_528 : vector<16xf32>
        %add3A_530 = arith.constant 6 : i32
        %add3A_531 = arith.addi %mul3A_248, %add3A_530 : i32
        %get3A_532 = arith.index_cast %add3A_531 : i32 to index
        %get3A_533 = arith.constant 32 : index
        %get3A_534 = tpu.vector_load %arg9[%get3A_532, %get3A_533] {strides = array<i32>} : memref<80x128xf32, #tpu.memory_space<vmem>>, vector<1x16xf32>,
        %get3A_535 = vector.shape_cast %get3A_534 : vector<1x16xf32> to vector<16xf32>
        %add3A_536 = arith.constant 7 : i32
        %add3A_537 = arith.addi %mul3A_248, %add3A_536 : i32
        %get3A_538 = arith.index_cast %add3A_537 : i32 to index
        %get3A_539 = arith.constant 32 : index
        %get3A_540 = tpu.vector_load %arg9[%get3A_538, %get3A_539] {strides = array<i32>} : memref<80x128xf32, #tpu.memory_space<vmem>>, vector<1x16xf32>,
        %get3A_541 = vector.shape_cast %get3A_540 : vector<1x16xf32> to vector<16xf32>
        %max3A_542 = arith.maximumf %get3A_535, %get3A_541 : vector<16xf32>
        %max3A_543 = arith.maximumf %max3A_529, %max3A_542 : vector<16xf32>
        %max3A_544 = arith.maximumf %max3A_516, %max3A_543 : vector<16xf32>
        %add3A_545 = arith.constant 8 : i32
        %add3A_546 = arith.addi %mul3A_248, %add3A_545 : i32
        %get3A_547 = arith.index_cast %add3A_546 : i32 to index
        %get3A_548 = arith.constant 32 : index
        %get3A_549 = tpu.vector_load %arg9[%get3A_547, %get3A_548] {strides = array<i32>} : memref<80x128xf32, #tpu.memory_space<vmem>>, vector<1x16xf32>,
        %get3A_550 = vector.shape_cast %get3A_549 : vector<1x16xf32> to vector<16xf32>
        %add3A_551 = arith.constant 9 : i32
        %add3A_552 = arith.addi %mul3A_248, %add3A_551 : i32
        %get3A_553 = arith.index_cast %add3A_552 : i32 to index
        %get3A_554 = arith.constant 32 : index
        %get3A_555 = tpu.vector_load %arg9[%get3A_553, %get3A_554] {strides = array<i32>} : memref<80x128xf32, #tpu.memory_space<vmem>>, vector<1x16xf32>,
        %get3A_556 = vector.shape_cast %get3A_555 : vector<1x16xf32> to vector<16xf32>
        %max3A_557 = arith.maximumf %get3A_550, %get3A_556 : vector<16xf32>
        %add3A_558 = arith.constant 10 : i32
        %add3A_559 = arith.addi %mul3A_248, %add3A_558 : i32
        %get3A_560 = arith.index_cast %add3A_559 : i32 to index
        %get3A_561 = arith.constant 32 : index
        %get3A_562 = tpu.vector_load %arg9[%get3A_560, %get3A_561] {strides = array<i32>} : memref<80x128xf32, #tpu.memory_space<vmem>>, vector<1x16xf32>,
        %get3A_563 = vector.shape_cast %get3A_562 : vector<1x16xf32> to vector<16xf32>
        %add3A_564 = arith.constant 11 : i32
        %add3A_565 = arith.addi %mul3A_248, %add3A_564 : i32
        %get3A_566 = arith.index_cast %add3A_565 : i32 to index
        %get3A_567 = arith.constant 32 : index
        %get3A_568 = tpu.vector_load %arg9[%get3A_566, %get3A_567] {strides = array<i32>} : memref<80x128xf32, #tpu.memory_space<vmem>>, vector<1x16xf32>,
        %get3A_569 = vector.shape_cast %get3A_568 : vector<1x16xf32> to vector<16xf32>
        %max3A_570 = arith.maximumf %get3A_563, %get3A_569 : vector<16xf32>
        %max3A_571 = arith.maximumf %max3A_557, %max3A_570 : vector<16xf32>
        %max3A_572 = arith.maximumf %max3A_544, %max3A_571 : vector<16xf32>
        %add3A_573 = arith.constant 12 : i32
        %add3A_574 = arith.addi %mul3A_248, %add3A_573 : i32
        %get3A_575 = arith.index_cast %add3A_574 : i32 to index
        %get3A_576 = arith.constant 32 : index
        %get3A_577 = tpu.vector_load %arg9[%get3A_575, %get3A_576] {strides = array<i32>} : memref<80x128xf32, #tpu.memory_space<vmem>>, vector<1x16xf32>,
        %get3A_578 = vector.shape_cast %get3A_577 : vector<1x16xf32> to vector<16xf32>
        %add3A_579 = arith.constant 13 : i32
        %add3A_580 = arith.addi %mul3A_248, %add3A_579 : i32
        %get3A_581 = arith.index_cast %add3A_580 : i32 to index
        %get3A_582 = arith.constant 32 : index
        %get3A_583 = tpu.vector_load %arg9[%get3A_581, %get3A_582] {strides = array<i32>} : memref<80x128xf32, #tpu.memory_space<vmem>>, vector<1x16xf32>,
        %get3A_584 = vector.shape_cast %get3A_583 : vector<1x16xf32> to vector<16xf32>
        %max3A_585 = arith.maximumf %get3A_578, %get3A_584 : vector<16xf32>
        %add3A_586 = arith.constant 14 : i32
        %add3A_587 = arith.addi %mul3A_248, %add3A_586 : i32
        %get3A_588 = arith.index_cast %add3A_587 : i32 to index
        %get3A_589 = arith.constant 32 : index
        %get3A_590 = tpu.vector_load %arg9[%get3A_588, %get3A_589] {strides = array<i32>} : memref<80x128xf32, #tpu.memory_space<vmem>>, vector<1x16xf32>,
        %get3A_591 = vector.shape_cast %get3A_590 : vector<1x16xf32> to vector<16xf32>
        %add3A_592 = arith.constant 15 : i32
        %add3A_593 = arith.addi %mul3A_248, %add3A_592 : i32
        %get3A_594 = arith.index_cast %add3A_593 : i32 to index
        %get3A_595 = arith.constant 32 : index
        %get3A_596 = tpu.vector_load %arg9[%get3A_594, %get3A_595] {strides = array<i32>} : memref<80x128xf32, #tpu.memory_space<vmem>>, vector<1x16xf32>,
        %get3A_597 = vector.shape_cast %get3A_596 : vector<1x16xf32> to vector<16xf32>
        %max3A_598 = arith.maximumf %get3A_591, %get3A_597 : vector<16xf32>
        %max3A_599 = arith.maximumf %max3A_585, %max3A_598 : vector<16xf32>
        %max3A_600 = arith.maximumf %max3A_572, %max3A_599 : vector<16xf32>
        %max3A_601 = arith.constant 0.000000e+00 : f32
        %max3A_602 = vector.broadcast %max3A_601 : f32 to vector<16xf32>
        %max3A_603 = arith.maximumf %max3A_600, %max3A_602 : vector<16xf32>
        %mul3A_604 = arith.constant 128 : i32
        %mul3A_605 = arith.muli %scan3A_246, %mul3A_604 : i32
        %add3A_606 = arith.constant 32 : i32
        %add3A_607 = arith.addi %mul3A_605, %add3A_606 : i32
        %swap3A_608 = arith.index_cast %add3A_607 : i32 to index
        %swap3A_609 = tpu.vector_load %arg13[%swap3A_608] {strides = array<i32>} : memref<640xf32, #tpu.memory_space<vmem>>, vector<16xf32>,
        %swap3A_610 = vector.shape_cast %swap3A_609 : vector<16xf32> to vector<16xf32>
        %swap3A_611 = vector.shape_cast %max3A_603 : vector<16xf32> to vector<16xf32>
        tpu.vector_store %arg13[%swap3A_608], %swap3A_611 {strides = array<i32>} : memref<640xf32, #tpu.memory_space<vmem>>, vector<16xf32>,
        %add3A_612 = arith.constant 0 : i32
        %add3A_613 = arith.addi %mul3A_248, %add3A_612 : i32
        %get3A_614 = arith.index_cast %add3A_613 : i32 to index
        %get3A_615 = arith.constant 48 : index
        %get3A_616 = tpu.vector_load %arg9[%get3A_614, %get3A_615] {strides = array<i32>} : memref<80x128xf32, #tpu.memory_space<vmem>>, vector<1x16xf32>,
        %get3A_617 = vector.shape_cast %get3A_616 : vector<1x16xf32> to vector<16xf32>
        %add3A_618 = arith.constant 1 : i32
        %add3A_619 = arith.addi %mul3A_248, %add3A_618 : i32
        %get3A_620 = arith.index_cast %add3A_619 : i32 to index
        %get3A_621 = arith.constant 48 : index
        %get3A_622 = tpu.vector_load %arg9[%get3A_620, %get3A_621] {strides = array<i32>} : memref<80x128xf32, #tpu.memory_space<vmem>>, vector<1x16xf32>,
        %get3A_623 = vector.shape_cast %get3A_622 : vector<1x16xf32> to vector<16xf32>
        %max3A_624 = arith.maximumf %get3A_617, %get3A_623 : vector<16xf32>
        %add3A_625 = arith.constant 2 : i32
        %add3A_626 = arith.addi %mul3A_248, %add3A_625 : i32
        %get3A_627 = arith.index_cast %add3A_626 : i32 to index
        %get3A_628 = arith.constant 48 : index
        %get3A_629 = tpu.vector_load %arg9[%get3A_627, %get3A_628] {strides = array<i32>} : memref<80x128xf32, #tpu.memory_space<vmem>>, vector<1x16xf32>,
        %get3A_630 = vector.shape_cast %get3A_629 : vector<1x16xf32> to vector<16xf32>
        %add3A_631 = arith.constant 3 : i32
        %add3A_632 = arith.addi %mul3A_248, %add3A_631 : i32
        %get3A_633 = arith.index_cast %add3A_632 : i32 to index
        %get3A_634 = arith.constant 48 : index
        %get3A_635 = tpu.vector_load %arg9[%get3A_633, %get3A_634] {strides = array<i32>} : memref<80x128xf32, #tpu.memory_space<vmem>>, vector<1x16xf32>,
        %get3A_636 = vector.shape_cast %get3A_635 : vector<1x16xf32> to vector<16xf32>
        %max3A_637 = arith.maximumf %get3A_630, %get3A_636 : vector<16xf32>
        %max3A_638 = arith.maximumf %max3A_624, %max3A_637 : vector<16xf32>
        %add3A_639 = arith.constant 4 : i32
        %add3A_640 = arith.addi %mul3A_248, %add3A_639 : i32
        %get3A_641 = arith.index_cast %add3A_640 : i32 to index
        %get3A_642 = arith.constant 48 : index
        %get3A_643 = tpu.vector_load %arg9[%get3A_641, %get3A_642] {strides = array<i32>} : memref<80x128xf32, #tpu.memory_space<vmem>>, vector<1x16xf32>,
        %get3A_644 = vector.shape_cast %get3A_643 : vector<1x16xf32> to vector<16xf32>
        %add3A_645 = arith.constant 5 : i32
        %add3A_646 = arith.addi %mul3A_248, %add3A_645 : i32
        %get3A_647 = arith.index_cast %add3A_646 : i32 to index
        %get3A_648 = arith.constant 48 : index
        %get3A_649 = tpu.vector_load %arg9[%get3A_647, %get3A_648] {strides = array<i32>} : memref<80x128xf32, #tpu.memory_space<vmem>>, vector<1x16xf32>,
        %get3A_650 = vector.shape_cast %get3A_649 : vector<1x16xf32> to vector<16xf32>
        %max3A_651 = arith.maximumf %get3A_644, %get3A_650 : vector<16xf32>
        %add3A_652 = arith.constant 6 : i32
        %add3A_653 = arith.addi %mul3A_248, %add3A_652 : i32
        %get3A_654 = arith.index_cast %add3A_653 : i32 to index
        %get3A_655 = arith.constant 48 : index
        %get3A_656 = tpu.vector_load %arg9[%get3A_654, %get3A_655] {strides = array<i32>} : memref<80x128xf32, #tpu.memory_space<vmem>>, vector<1x16xf32>,
        %get3A_657 = vector.shape_cast %get3A_656 : vector<1x16xf32> to vector<16xf32>
        %add3A_658 = arith.constant 7 : i32
        %add3A_659 = arith.addi %mul3A_248, %add3A_658 : i32
        %get3A_660 = arith.index_cast %add3A_659 : i32 to index
        %get3A_661 = arith.constant 48 : index
        %get3A_662 = tpu.vector_load %arg9[%get3A_660, %get3A_661] {strides = array<i32>} : memref<80x128xf32, #tpu.memory_space<vmem>>, vector<1x16xf32>,
        %get3A_663 = vector.shape_cast %get3A_662 : vector<1x16xf32> to vector<16xf32>
        %max3A_664 = arith.maximumf %get3A_657, %get3A_663 : vector<16xf32>
        %max3A_665 = arith.maximumf %max3A_651, %max3A_664 : vector<16xf32>
        %max3A_666 = arith.maximumf %max3A_638, %max3A_665 : vector<16xf32>
        %add3A_667 = arith.constant 8 : i32
        %add3A_668 = arith.addi %mul3A_248, %add3A_667 : i32
        %get3A_669 = arith.index_cast %add3A_668 : i32 to index
        %get3A_670 = arith.constant 48 : index
        %get3A_671 = tpu.vector_load %arg9[%get3A_669, %get3A_670] {strides = array<i32>} : memref<80x128xf32, #tpu.memory_space<vmem>>, vector<1x16xf32>,
        %get3A_672 = vector.shape_cast %get3A_671 : vector<1x16xf32> to vector<16xf32>
        %add3A_673 = arith.constant 9 : i32
        %add3A_674 = arith.addi %mul3A_248, %add3A_673 : i32
        %get3A_675 = arith.index_cast %add3A_674 : i32 to index
        %get3A_676 = arith.constant 48 : index
        %get3A_677 = tpu.vector_load %arg9[%get3A_675, %get3A_676] {strides = array<i32>} : memref<80x128xf32, #tpu.memory_space<vmem>>, vector<1x16xf32>,
        %get3A_678 = vector.shape_cast %get3A_677 : vector<1x16xf32> to vector<16xf32>
        %max3A_679 = arith.maximumf %get3A_672, %get3A_678 : vector<16xf32>
        %add3A_680 = arith.constant 10 : i32
        %add3A_681 = arith.addi %mul3A_248, %add3A_680 : i32
        %get3A_682 = arith.index_cast %add3A_681 : i32 to index
        %get3A_683 = arith.constant 48 : index
        %get3A_684 = tpu.vector_load %arg9[%get3A_682, %get3A_683] {strides = array<i32>} : memref<80x128xf32, #tpu.memory_space<vmem>>, vector<1x16xf32>,
        %get3A_685 = vector.shape_cast %get3A_684 : vector<1x16xf32> to vector<16xf32>
        %add3A_686 = arith.constant 11 : i32
        %add3A_687 = arith.addi %mul3A_248, %add3A_686 : i32
        %get3A_688 = arith.index_cast %add3A_687 : i32 to index
        %get3A_689 = arith.constant 48 : index
        %get3A_690 = tpu.vector_load %arg9[%get3A_688, %get3A_689] {strides = array<i32>} : memref<80x128xf32, #tpu.memory_space<vmem>>, vector<1x16xf32>,
        %get3A_691 = vector.shape_cast %get3A_690 : vector<1x16xf32> to vector<16xf32>
        %max3A_692 = arith.maximumf %get3A_685, %get3A_691 : vector<16xf32>
        %max3A_693 = arith.maximumf %max3A_679, %max3A_692 : vector<16xf32>
        %max3A_694 = arith.maximumf %max3A_666, %max3A_693 : vector<16xf32>
        %add3A_695 = arith.constant 12 : i32
        %add3A_696 = arith.addi %mul3A_248, %add3A_695 : i32
        %get3A_697 = arith.index_cast %add3A_696 : i32 to index
        %get3A_698 = arith.constant 48 : index
        %get3A_699 = tpu.vector_load %arg9[%get3A_697, %get3A_698] {strides = array<i32>} : memref<80x128xf32, #tpu.memory_space<vmem>>, vector<1x16xf32>,
        %get3A_700 = vector.shape_cast %get3A_699 : vector<1x16xf32> to vector<16xf32>
        %add3A_701 = arith.constant 13 : i32
        %add3A_702 = arith.addi %mul3A_248, %add3A_701 : i32
        %get3A_703 = arith.index_cast %add3A_702 : i32 to index
        %get3A_704 = arith.constant 48 : index
        %get3A_705 = tpu.vector_load %arg9[%get3A_703, %get3A_704] {strides = array<i32>} : memref<80x128xf32, #tpu.memory_space<vmem>>, vector<1x16xf32>,
        %get3A_706 = vector.shape_cast %get3A_705 : vector<1x16xf32> to vector<16xf32>
        %max3A_707 = arith.maximumf %get3A_700, %get3A_706 : vector<16xf32>
        %add3A_708 = arith.constant 14 : i32
        %add3A_709 = arith.addi %mul3A_248, %add3A_708 : i32
        %get3A_710 = arith.index_cast %add3A_709 : i32 to index
        %get3A_711 = arith.constant 48 : index
        %get3A_712 = tpu.vector_load %arg9[%get3A_710, %get3A_711] {strides = array<i32>} : memref<80x128xf32, #tpu.memory_space<vmem>>, vector<1x16xf32>,
        %get3A_713 = vector.shape_cast %get3A_712 : vector<1x16xf32> to vector<16xf32>
        %add3A_714 = arith.constant 15 : i32
        %add3A_715 = arith.addi %mul3A_248, %add3A_714 : i32
        %get3A_716 = arith.index_cast %add3A_715 : i32 to index
        %get3A_717 = arith.constant 48 : index
        %get3A_718 = tpu.vector_load %arg9[%get3A_716, %get3A_717] {strides = array<i32>} : memref<80x128xf32, #tpu.memory_space<vmem>>, vector<1x16xf32>,
        %get3A_719 = vector.shape_cast %get3A_718 : vector<1x16xf32> to vector<16xf32>
        %max3A_720 = arith.maximumf %get3A_713, %get3A_719 : vector<16xf32>
        %max3A_721 = arith.maximumf %max3A_707, %max3A_720 : vector<16xf32>
        %max3A_722 = arith.maximumf %max3A_694, %max3A_721 : vector<16xf32>
        %max3A_723 = arith.constant 0.000000e+00 : f32
        %max3A_724 = vector.broadcast %max3A_723 : f32 to vector<16xf32>
        %max3A_725 = arith.maximumf %max3A_722, %max3A_724 : vector<16xf32>
        %mul3A_726 = arith.constant 128 : i32
        %mul3A_727 = arith.muli %scan3A_246, %mul3A_726 : i32
        %add3A_728 = arith.constant 48 : i32
        %add3A_729 = arith.addi %mul3A_727, %add3A_728 : i32
        %swap3A_730 = arith.index_cast %add3A_729 : i32 to index
        %swap3A_731 = tpu.vector_load %arg13[%swap3A_730] {strides = array<i32>} : memref<640xf32, #tpu.memory_space<vmem>>, vector<16xf32>,
        %swap3A_732 = vector.shape_cast %swap3A_731 : vector<16xf32> to vector<16xf32>
        %swap3A_733 = vector.shape_cast %max3A_725 : vector<16xf32> to vector<16xf32>
        tpu.vector_store %arg13[%swap3A_730], %swap3A_733 {strides = array<i32>} : memref<640xf32, #tpu.memory_space<vmem>>, vector<16xf32>,
        %add3A_734 = arith.constant 0 : i32
        %add3A_735 = arith.addi %mul3A_248, %add3A_734 : i32
        %get3A_736 = arith.index_cast %add3A_735 : i32 to index
        %get3A_737 = arith.constant 64 : index
        %get3A_738 = tpu.vector_load %arg9[%get3A_736, %get3A_737] {strides = array<i32>} : memref<80x128xf32, #tpu.memory_space<vmem>>, vector<1x16xf32>,
        %get3A_739 = vector.shape_cast %get3A_738 : vector<1x16xf32> to vector<16xf32>
        %add3A_740 = arith.constant 1 : i32
        %add3A_741 = arith.addi %mul3A_248, %add3A_740 : i32
        %get3A_742 = arith.index_cast %add3A_741 : i32 to index
        %get3A_743 = arith.constant 64 : index
        %get3A_744 = tpu.vector_load %arg9[%get3A_742, %get3A_743] {strides = array<i32>} : memref<80x128xf32, #tpu.memory_space<vmem>>, vector<1x16xf32>,
        %get3A_745 = vector.shape_cast %get3A_744 : vector<1x16xf32> to vector<16xf32>
        %max3A_746 = arith.maximumf %get3A_739, %get3A_745 : vector<16xf32>
        %add3A_747 = arith.constant 2 : i32
        %add3A_748 = arith.addi %mul3A_248, %add3A_747 : i32
        %get3A_749 = arith.index_cast %add3A_748 : i32 to index
        %get3A_750 = arith.constant 64 : index
        %get3A_751 = tpu.vector_load %arg9[%get3A_749, %get3A_750] {strides = array<i32>} : memref<80x128xf32, #tpu.memory_space<vmem>>, vector<1x16xf32>,
        %get3A_752 = vector.shape_cast %get3A_751 : vector<1x16xf32> to vector<16xf32>
        %add3A_753 = arith.constant 3 : i32
        %add3A_754 = arith.addi %mul3A_248, %add3A_753 : i32
        %get3A_755 = arith.index_cast %add3A_754 : i32 to index
        %get3A_756 = arith.constant 64 : index
        %get3A_757 = tpu.vector_load %arg9[%get3A_755, %get3A_756] {strides = array<i32>} : memref<80x128xf32, #tpu.memory_space<vmem>>, vector<1x16xf32>,
        %get3A_758 = vector.shape_cast %get3A_757 : vector<1x16xf32> to vector<16xf32>
        %max3A_759 = arith.maximumf %get3A_752, %get3A_758 : vector<16xf32>
        %max3A_760 = arith.maximumf %max3A_746, %max3A_759 : vector<16xf32>
        %add3A_761 = arith.constant 4 : i32
        %add3A_762 = arith.addi %mul3A_248, %add3A_761 : i32
        %get3A_763 = arith.index_cast %add3A_762 : i32 to index
        %get3A_764 = arith.constant 64 : index
        %get3A_765 = tpu.vector_load %arg9[%get3A_763, %get3A_764] {strides = array<i32>} : memref<80x128xf32, #tpu.memory_space<vmem>>, vector<1x16xf32>,
        %get3A_766 = vector.shape_cast %get3A_765 : vector<1x16xf32> to vector<16xf32>
        %add3A_767 = arith.constant 5 : i32
        %add3A_768 = arith.addi %mul3A_248, %add3A_767 : i32
        %get3A_769 = arith.index_cast %add3A_768 : i32 to index
        %get3A_770 = arith.constant 64 : index
        %get3A_771 = tpu.vector_load %arg9[%get3A_769, %get3A_770] {strides = array<i32>} : memref<80x128xf32, #tpu.memory_space<vmem>>, vector<1x16xf32>,
        %get3A_772 = vector.shape_cast %get3A_771 : vector<1x16xf32> to vector<16xf32>
        %max3A_773 = arith.maximumf %get3A_766, %get3A_772 : vector<16xf32>
        %add3A_774 = arith.constant 6 : i32
        %add3A_775 = arith.addi %mul3A_248, %add3A_774 : i32
        %get3A_776 = arith.index_cast %add3A_775 : i32 to index
        %get3A_777 = arith.constant 64 : index
        %get3A_778 = tpu.vector_load %arg9[%get3A_776, %get3A_777] {strides = array<i32>} : memref<80x128xf32, #tpu.memory_space<vmem>>, vector<1x16xf32>,
        %get3A_779 = vector.shape_cast %get3A_778 : vector<1x16xf32> to vector<16xf32>
        %add3A_780 = arith.constant 7 : i32
        %add3A_781 = arith.addi %mul3A_248, %add3A_780 : i32
        %get3A_782 = arith.index_cast %add3A_781 : i32 to index
        %get3A_783 = arith.constant 64 : index
        %get3A_784 = tpu.vector_load %arg9[%get3A_782, %get3A_783] {strides = array<i32>} : memref<80x128xf32, #tpu.memory_space<vmem>>, vector<1x16xf32>,
        %get3A_785 = vector.shape_cast %get3A_784 : vector<1x16xf32> to vector<16xf32>
        %max3A_786 = arith.maximumf %get3A_779, %get3A_785 : vector<16xf32>
        %max3A_787 = arith.maximumf %max3A_773, %max3A_786 : vector<16xf32>
        %max3A_788 = arith.maximumf %max3A_760, %max3A_787 : vector<16xf32>
        %add3A_789 = arith.constant 8 : i32
        %add3A_790 = arith.addi %mul3A_248, %add3A_789 : i32
        %get3A_791 = arith.index_cast %add3A_790 : i32 to index
        %get3A_792 = arith.constant 64 : index
        %get3A_793 = tpu.vector_load %arg9[%get3A_791, %get3A_792] {strides = array<i32>} : memref<80x128xf32, #tpu.memory_space<vmem>>, vector<1x16xf32>,
        %get3A_794 = vector.shape_cast %get3A_793 : vector<1x16xf32> to vector<16xf32>
        %add3A_795 = arith.constant 9 : i32
        %add3A_796 = arith.addi %mul3A_248, %add3A_795 : i32
        %get3A_797 = arith.index_cast %add3A_796 : i32 to index
        %get3A_798 = arith.constant 64 : index
        %get3A_799 = tpu.vector_load %arg9[%get3A_797, %get3A_798] {strides = array<i32>} : memref<80x128xf32, #tpu.memory_space<vmem>>, vector<1x16xf32>,
        %get3A_800 = vector.shape_cast %get3A_799 : vector<1x16xf32> to vector<16xf32>
        %max3A_801 = arith.maximumf %get3A_794, %get3A_800 : vector<16xf32>
        %add3A_802 = arith.constant 10 : i32
        %add3A_803 = arith.addi %mul3A_248, %add3A_802 : i32
        %get3A_804 = arith.index_cast %add3A_803 : i32 to index
        %get3A_805 = arith.constant 64 : index
        %get3A_806 = tpu.vector_load %arg9[%get3A_804, %get3A_805] {strides = array<i32>} : memref<80x128xf32, #tpu.memory_space<vmem>>, vector<1x16xf32>,
        %get3A_807 = vector.shape_cast %get3A_806 : vector<1x16xf32> to vector<16xf32>
        %add3A_808 = arith.constant 11 : i32
        %add3A_809 = arith.addi %mul3A_248, %add3A_808 : i32
        %get3A_810 = arith.index_cast %add3A_809 : i32 to index
        %get3A_811 = arith.constant 64 : index
        %get3A_812 = tpu.vector_load %arg9[%get3A_810, %get3A_811] {strides = array<i32>} : memref<80x128xf32, #tpu.memory_space<vmem>>, vector<1x16xf32>,
        %get3A_813 = vector.shape_cast %get3A_812 : vector<1x16xf32> to vector<16xf32>
        %max3A_814 = arith.maximumf %get3A_807, %get3A_813 : vector<16xf32>
        %max3A_815 = arith.maximumf %max3A_801, %max3A_814 : vector<16xf32>
        %max3A_816 = arith.maximumf %max3A_788, %max3A_815 : vector<16xf32>
        %add3A_817 = arith.constant 12 : i32
        %add3A_818 = arith.addi %mul3A_248, %add3A_817 : i32
        %get3A_819 = arith.index_cast %add3A_818 : i32 to index
        %get3A_820 = arith.constant 64 : index
        %get3A_821 = tpu.vector_load %arg9[%get3A_819, %get3A_820] {strides = array<i32>} : memref<80x128xf32, #tpu.memory_space<vmem>>, vector<1x16xf32>,
        %get3A_822 = vector.shape_cast %get3A_821 : vector<1x16xf32> to vector<16xf32>
        %add3A_823 = arith.constant 13 : i32
        %add3A_824 = arith.addi %mul3A_248, %add3A_823 : i32
        %get3A_825 = arith.index_cast %add3A_824 : i32 to index
        %get3A_826 = arith.constant 64 : index
        %get3A_827 = tpu.vector_load %arg9[%get3A_825, %get3A_826] {strides = array<i32>} : memref<80x128xf32, #tpu.memory_space<vmem>>, vector<1x16xf32>,
        %get3A_828 = vector.shape_cast %get3A_827 : vector<1x16xf32> to vector<16xf32>
        %max3A_829 = arith.maximumf %get3A_822, %get3A_828 : vector<16xf32>
        %add3A_830 = arith.constant 14 : i32
        %add3A_831 = arith.addi %mul3A_248, %add3A_830 : i32
        %get3A_832 = arith.index_cast %add3A_831 : i32 to index
        %get3A_833 = arith.constant 64 : index
        %get3A_834 = tpu.vector_load %arg9[%get3A_832, %get3A_833] {strides = array<i32>} : memref<80x128xf32, #tpu.memory_space<vmem>>, vector<1x16xf32>,
        %get3A_835 = vector.shape_cast %get3A_834 : vector<1x16xf32> to vector<16xf32>
        %add3A_836 = arith.constant 15 : i32
        %add3A_837 = arith.addi %mul3A_248, %add3A_836 : i32
        %get3A_838 = arith.index_cast %add3A_837 : i32 to index
        %get3A_839 = arith.constant 64 : index
        %get3A_840 = tpu.vector_load %arg9[%get3A_838, %get3A_839] {strides = array<i32>} : memref<80x128xf32, #tpu.memory_space<vmem>>, vector<1x16xf32>,
        %get3A_841 = vector.shape_cast %get3A_840 : vector<1x16xf32> to vector<16xf32>
        %max3A_842 = arith.maximumf %get3A_835, %get3A_841 : vector<16xf32>
        %max3A_843 = arith.maximumf %max3A_829, %max3A_842 : vector<16xf32>
        %max3A_844 = arith.maximumf %max3A_816, %max3A_843 : vector<16xf32>
        %max3A_845 = arith.constant 0.000000e+00 : f32
        %max3A_846 = vector.broadcast %max3A_845 : f32 to vector<16xf32>
        %max3A_847 = arith.maximumf %max3A_844, %max3A_846 : vector<16xf32>
        %mul3A_848 = arith.constant 128 : i32
        %mul3A_849 = arith.muli %scan3A_246, %mul3A_848 : i32
        %add3A_850 = arith.constant 64 : i32
        %add3A_851 = arith.addi %mul3A_849, %add3A_850 : i32
        %swap3A_852 = arith.index_cast %add3A_851 : i32 to index
        %swap3A_853 = tpu.vector_load %arg13[%swap3A_852] {strides = array<i32>} : memref<640xf32, #tpu.memory_space<vmem>>, vector<16xf32>,
        %swap3A_854 = vector.shape_cast %swap3A_853 : vector<16xf32> to vector<16xf32>
        %swap3A_855 = vector.shape_cast %max3A_847 : vector<16xf32> to vector<16xf32>
        tpu.vector_store %arg13[%swap3A_852], %swap3A_855 {strides = array<i32>} : memref<640xf32, #tpu.memory_space<vmem>>, vector<16xf32>,
        %add3A_856 = arith.constant 0 : i32
        %add3A_857 = arith.addi %mul3A_248, %add3A_856 : i32
        %get3A_858 = arith.index_cast %add3A_857 : i32 to index
        %get3A_859 = arith.constant 80 : index
        %get3A_860 = tpu.vector_load %arg9[%get3A_858, %get3A_859] {strides = array<i32>} : memref<80x128xf32, #tpu.memory_space<vmem>>, vector<1x16xf32>,
        %get3A_861 = vector.shape_cast %get3A_860 : vector<1x16xf32> to vector<16xf32>
        %add3A_862 = arith.constant 1 : i32
        %add3A_863 = arith.addi %mul3A_248, %add3A_862 : i32
        %get3A_864 = arith.index_cast %add3A_863 : i32 to index
        %get3A_865 = arith.constant 80 : index
        %get3A_866 = tpu.vector_load %arg9[%get3A_864, %get3A_865] {strides = array<i32>} : memref<80x128xf32, #tpu.memory_space<vmem>>, vector<1x16xf32>,
        %get3A_867 = vector.shape_cast %get3A_866 : vector<1x16xf32> to vector<16xf32>
        %max3A_868 = arith.maximumf %get3A_861, %get3A_867 : vector<16xf32>
        %add3A_869 = arith.constant 2 : i32
        %add3A_870 = arith.addi %mul3A_248, %add3A_869 : i32
        %get3A_871 = arith.index_cast %add3A_870 : i32 to index
        %get3A_872 = arith.constant 80 : index
        %get3A_873 = tpu.vector_load %arg9[%get3A_871, %get3A_872] {strides = array<i32>} : memref<80x128xf32, #tpu.memory_space<vmem>>, vector<1x16xf32>,
        %get3A_874 = vector.shape_cast %get3A_873 : vector<1x16xf32> to vector<16xf32>
        %add3A_875 = arith.constant 3 : i32
        %add3A_876 = arith.addi %mul3A_248, %add3A_875 : i32
        %get3A_877 = arith.index_cast %add3A_876 : i32 to index
        %get3A_878 = arith.constant 80 : index
        %get3A_879 = tpu.vector_load %arg9[%get3A_877, %get3A_878] {strides = array<i32>} : memref<80x128xf32, #tpu.memory_space<vmem>>, vector<1x16xf32>,
        %get3A_880 = vector.shape_cast %get3A_879 : vector<1x16xf32> to vector<16xf32>
        %max3A_881 = arith.maximumf %get3A_874, %get3A_880 : vector<16xf32>
        %max3A_882 = arith.maximumf %max3A_868, %max3A_881 : vector<16xf32>
        %add3A_883 = arith.constant 4 : i32
        %add3A_884 = arith.addi %mul3A_248, %add3A_883 : i32
        %get3A_885 = arith.index_cast %add3A_884 : i32 to index
        %get3A_886 = arith.constant 80 : index
        %get3A_887 = tpu.vector_load %arg9[%get3A_885, %get3A_886] {strides = array<i32>} : memref<80x128xf32, #tpu.memory_space<vmem>>, vector<1x16xf32>,
        %get3A_888 = vector.shape_cast %get3A_887 : vector<1x16xf32> to vector<16xf32>
        %add3A_889 = arith.constant 5 : i32
        %add3A_890 = arith.addi %mul3A_248, %add3A_889 : i32
        %get3A_891 = arith.index_cast %add3A_890 : i32 to index
        %get3A_892 = arith.constant 80 : index
        %get3A_893 = tpu.vector_load %arg9[%get3A_891, %get3A_892] {strides = array<i32>} : memref<80x128xf32, #tpu.memory_space<vmem>>, vector<1x16xf32>,
        %get3A_894 = vector.shape_cast %get3A_893 : vector<1x16xf32> to vector<16xf32>
        %max3A_895 = arith.maximumf %get3A_888, %get3A_894 : vector<16xf32>
        %add3A_896 = arith.constant 6 : i32
        %add3A_897 = arith.addi %mul3A_248, %add3A_896 : i32
        %get3A_898 = arith.index_cast %add3A_897 : i32 to index
        %get3A_899 = arith.constant 80 : index
        %get3A_900 = tpu.vector_load %arg9[%get3A_898, %get3A_899] {strides = array<i32>} : memref<80x128xf32, #tpu.memory_space<vmem>>, vector<1x16xf32>,
        %get3A_901 = vector.shape_cast %get3A_900 : vector<1x16xf32> to vector<16xf32>
        %add3A_902 = arith.constant 7 : i32
        %add3A_903 = arith.addi %mul3A_248, %add3A_902 : i32
        %get3A_904 = arith.index_cast %add3A_903 : i32 to index
        %get3A_905 = arith.constant 80 : index
        %get3A_906 = tpu.vector_load %arg9[%get3A_904, %get3A_905] {strides = array<i32>} : memref<80x128xf32, #tpu.memory_space<vmem>>, vector<1x16xf32>,
        %get3A_907 = vector.shape_cast %get3A_906 : vector<1x16xf32> to vector<16xf32>
        %max3A_908 = arith.maximumf %get3A_901, %get3A_907 : vector<16xf32>
        %max3A_909 = arith.maximumf %max3A_895, %max3A_908 : vector<16xf32>
        %max3A_910 = arith.maximumf %max3A_882, %max3A_909 : vector<16xf32>
        %add3A_911 = arith.constant 8 : i32
        %add3A_912 = arith.addi %mul3A_248, %add3A_911 : i32
        %get3A_913 = arith.index_cast %add3A_912 : i32 to index
        %get3A_914 = arith.constant 80 : index
        %get3A_915 = tpu.vector_load %arg9[%get3A_913, %get3A_914] {strides = array<i32>} : memref<80x128xf32, #tpu.memory_space<vmem>>, vector<1x16xf32>,
        %get3A_916 = vector.shape_cast %get3A_915 : vector<1x16xf32> to vector<16xf32>
        %add3A_917 = arith.constant 9 : i32
        %add3A_918 = arith.addi %mul3A_248, %add3A_917 : i32
        %get3A_919 = arith.index_cast %add3A_918 : i32 to index
        %get3A_920 = arith.constant 80 : index
        %get3A_921 = tpu.vector_load %arg9[%get3A_919, %get3A_920] {strides = array<i32>} : memref<80x128xf32, #tpu.memory_space<vmem>>, vector<1x16xf32>,
        %get3A_922 = vector.shape_cast %get3A_921 : vector<1x16xf32> to vector<16xf32>
        %max3A_923 = arith.maximumf %get3A_916, %get3A_922 : vector<16xf32>
        %add3A_924 = arith.constant 10 : i32
        %add3A_925 = arith.addi %mul3A_248, %add3A_924 : i32
        %get3A_926 = arith.index_cast %add3A_925 : i32 to index
        %get3A_927 = arith.constant 80 : index
        %get3A_928 = tpu.vector_load %arg9[%get3A_926, %get3A_927] {strides = array<i32>} : memref<80x128xf32, #tpu.memory_space<vmem>>, vector<1x16xf32>,
        %get3A_929 = vector.shape_cast %get3A_928 : vector<1x16xf32> to vector<16xf32>
        %add3A_930 = arith.constant 11 : i32
        %add3A_931 = arith.addi %mul3A_248, %add3A_930 : i32
        %get3A_932 = arith.index_cast %add3A_931 : i32 to index
        %get3A_933 = arith.constant 80 : index
        %get3A_934 = tpu.vector_load %arg9[%get3A_932, %get3A_933] {strides = array<i32>} : memref<80x128xf32, #tpu.memory_space<vmem>>, vector<1x16xf32>,
        %get3A_935 = vector.shape_cast %get3A_934 : vector<1x16xf32> to vector<16xf32>
        %max3A_936 = arith.maximumf %get3A_929, %get3A_935 : vector<16xf32>
        %max3A_937 = arith.maximumf %max3A_923, %max3A_936 : vector<16xf32>
        %max3A_938 = arith.maximumf %max3A_910, %max3A_937 : vector<16xf32>
        %add3A_939 = arith.constant 12 : i32
        %add3A_940 = arith.addi %mul3A_248, %add3A_939 : i32
        %get3A_941 = arith.index_cast %add3A_940 : i32 to index
        %get3A_942 = arith.constant 80 : index
        %get3A_943 = tpu.vector_load %arg9[%get3A_941, %get3A_942] {strides = array<i32>} : memref<80x128xf32, #tpu.memory_space<vmem>>, vector<1x16xf32>,
        %get3A_944 = vector.shape_cast %get3A_943 : vector<1x16xf32> to vector<16xf32>
        %add3A_945 = arith.constant 13 : i32
        %add3A_946 = arith.addi %mul3A_248, %add3A_945 : i32
        %get3A_947 = arith.index_cast %add3A_946 : i32 to index
        %get3A_948 = arith.constant 80 : index
        %get3A_949 = tpu.vector_load %arg9[%get3A_947, %get3A_948] {strides = array<i32>} : memref<80x128xf32, #tpu.memory_space<vmem>>, vector<1x16xf32>,
        %get3A_950 = vector.shape_cast %get3A_949 : vector<1x16xf32> to vector<16xf32>
        %max3A_951 = arith.maximumf %get3A_944, %get3A_950 : vector<16xf32>
        %add3A_952 = arith.constant 14 : i32
        %add3A_953 = arith.addi %mul3A_248, %add3A_952 : i32
        %get3A_954 = arith.index_cast %add3A_953 : i32 to index
        %get3A_955 = arith.constant 80 : index
        %get3A_956 = tpu.vector_load %arg9[%get3A_954, %get3A_955] {strides = array<i32>} : memref<80x128xf32, #tpu.memory_space<vmem>>, vector<1x16xf32>,
        %get3A_957 = vector.shape_cast %get3A_956 : vector<1x16xf32> to vector<16xf32>
        %add3A_958 = arith.constant 15 : i32
        %add3A_959 = arith.addi %mul3A_248, %add3A_958 : i32
        %get3A_960 = arith.index_cast %add3A_959 : i32 to index
        %get3A_961 = arith.constant 80 : index
        %get3A_962 = tpu.vector_load %arg9[%get3A_960, %get3A_961] {strides = array<i32>} : memref<80x128xf32, #tpu.memory_space<vmem>>, vector<1x16xf32>,
        %get3A_963 = vector.shape_cast %get3A_962 : vector<1x16xf32> to vector<16xf32>
        %max3A_964 = arith.maximumf %get3A_957, %get3A_963 : vector<16xf32>
        %max3A_965 = arith.maximumf %max3A_951, %max3A_964 : vector<16xf32>
        %max3A_966 = arith.maximumf %max3A_938, %max3A_965 : vector<16xf32>
        %max3A_967 = arith.constant 0.000000e+00 : f32
        %max3A_968 = vector.broadcast %max3A_967 : f32 to vector<16xf32>
        %max3A_969 = arith.maximumf %max3A_966, %max3A_968 : vector<16xf32>
        %mul3A_970 = arith.constant 128 : i32
        %mul3A_971 = arith.muli %scan3A_246, %mul3A_970 : i32
        %add3A_972 = arith.constant 80 : i32
        %add3A_973 = arith.addi %mul3A_971, %add3A_972 : i32
        %swap3A_974 = arith.index_cast %add3A_973 : i32 to index
        %swap3A_975 = tpu.vector_load %arg13[%swap3A_974] {strides = array<i32>} : memref<640xf32, #tpu.memory_space<vmem>>, vector<16xf32>,
        %swap3A_976 = vector.shape_cast %swap3A_975 : vector<16xf32> to vector<16xf32>
        %swap3A_977 = vector.shape_cast %max3A_969 : vector<16xf32> to vector<16xf32>
        tpu.vector_store %arg13[%swap3A_974], %swap3A_977 {strides = array<i32>} : memref<640xf32, #tpu.memory_space<vmem>>, vector<16xf32>,
        %add3A_978 = arith.constant 0 : i32
        %add3A_979 = arith.addi %mul3A_248, %add3A_978 : i32
        %get3A_980 = arith.index_cast %add3A_979 : i32 to index
        %get3A_981 = arith.constant 96 : index
        %get3A_982 = tpu.vector_load %arg9[%get3A_980, %get3A_981] {strides = array<i32>} : memref<80x128xf32, #tpu.memory_space<vmem>>, vector<1x16xf32>,
        %get3A_983 = vector.shape_cast %get3A_982 : vector<1x16xf32> to vector<16xf32>
        %add3A_984 = arith.constant 1 : i32
        %add3A_985 = arith.addi %mul3A_248, %add3A_984 : i32
        %get3A_986 = arith.index_cast %add3A_985 : i32 to index
        %get3A_987 = arith.constant 96 : index
        %get3A_988 = tpu.vector_load %arg9[%get3A_986, %get3A_987] {strides = array<i32>} : memref<80x128xf32, #tpu.memory_space<vmem>>, vector<1x16xf32>,
        %get3A_989 = vector.shape_cast %get3A_988 : vector<1x16xf32> to vector<16xf32>
        %max3A_990 = arith.maximumf %get3A_983, %get3A_989 : vector<16xf32>
        %add3A_991 = arith.constant 2 : i32
        %add3A_992 = arith.addi %mul3A_248, %add3A_991 : i32
        %get3A_993 = arith.index_cast %add3A_992 : i32 to index
        %get3A_994 = arith.constant 96 : index
        %get3A_995 = tpu.vector_load %arg9[%get3A_993, %get3A_994] {strides = array<i32>} : memref<80x128xf32, #tpu.memory_space<vmem>>, vector<1x16xf32>,
        %get3A_996 = vector.shape_cast %get3A_995 : vector<1x16xf32> to vector<16xf32>
        %add3A_997 = arith.constant 3 : i32
        %add3A_998 = arith.addi %mul3A_248, %add3A_997 : i32
        %get3A_999 = arith.index_cast %add3A_998 : i32 to index
        %get3A_1000 = arith.constant 96 : index
        %get3A_1001 = tpu.vector_load %arg9[%get3A_999, %get3A_1000] {strides = array<i32>} : memref<80x128xf32, #tpu.memory_space<vmem>>, vector<1x16xf32>,
        %get3A_1002 = vector.shape_cast %get3A_1001 : vector<1x16xf32> to vector<16xf32>
        %max3A_1003 = arith.maximumf %get3A_996, %get3A_1002 : vector<16xf32>
        %max3A_1004 = arith.maximumf %max3A_990, %max3A_1003 : vector<16xf32>
        %add3A_1005 = arith.constant 4 : i32
        %add3A_1006 = arith.addi %mul3A_248, %add3A_1005 : i32
        %get3A_1007 = arith.index_cast %add3A_1006 : i32 to index
        %get3A_1008 = arith.constant 96 : index
        %get3A_1009 = tpu.vector_load %arg9[%get3A_1007, %get3A_1008] {strides = array<i32>} : memref<80x128xf32, #tpu.memory_space<vmem>>, vector<1x16xf32>,
        %get3A_1010 = vector.shape_cast %get3A_1009 : vector<1x16xf32> to vector<16xf32>
        %add3A_1011 = arith.constant 5 : i32
        %add3A_1012 = arith.addi %mul3A_248, %add3A_1011 : i32
        %get3A_1013 = arith.index_cast %add3A_1012 : i32 to index
        %get3A_1014 = arith.constant 96 : index
        %get3A_1015 = tpu.vector_load %arg9[%get3A_1013, %get3A_1014] {strides = array<i32>} : memref<80x128xf32, #tpu.memory_space<vmem>>, vector<1x16xf32>,
        %get3A_1016 = vector.shape_cast %get3A_1015 : vector<1x16xf32> to vector<16xf32>
        %max3A_1017 = arith.maximumf %get3A_1010, %get3A_1016 : vector<16xf32>
        %add3A_1018 = arith.constant 6 : i32
        %add3A_1019 = arith.addi %mul3A_248, %add3A_1018 : i32
        %get3A_1020 = arith.index_cast %add3A_1019 : i32 to index
        %get3A_1021 = arith.constant 96 : index
        %get3A_1022 = tpu.vector_load %arg9[%get3A_1020, %get3A_1021] {strides = array<i32>} : memref<80x128xf32, #tpu.memory_space<vmem>>, vector<1x16xf32>,
        %get3A_1023 = vector.shape_cast %get3A_1022 : vector<1x16xf32> to vector<16xf32>
        %add3A_1024 = arith.constant 7 : i32
        %add3A_1025 = arith.addi %mul3A_248, %add3A_1024 : i32
        %get3A_1026 = arith.index_cast %add3A_1025 : i32 to index
        %get3A_1027 = arith.constant 96 : index
        %get3A_1028 = tpu.vector_load %arg9[%get3A_1026, %get3A_1027] {strides = array<i32>} : memref<80x128xf32, #tpu.memory_space<vmem>>, vector<1x16xf32>,
        %get3A_1029 = vector.shape_cast %get3A_1028 : vector<1x16xf32> to vector<16xf32>
        %max3A_1030 = arith.maximumf %get3A_1023, %get3A_1029 : vector<16xf32>
        %max3A_1031 = arith.maximumf %max3A_1017, %max3A_1030 : vector<16xf32>
        %max3A_1032 = arith.maximumf %max3A_1004, %max3A_1031 : vector<16xf32>
        %add3A_1033 = arith.constant 8 : i32
        %add3A_1034 = arith.addi %mul3A_248, %add3A_1033 : i32
        %get3A_1035 = arith.index_cast %add3A_1034 : i32 to index
        %get3A_1036 = arith.constant 96 : index
        %get3A_1037 = tpu.vector_load %arg9[%get3A_1035, %get3A_1036] {strides = array<i32>} : memref<80x128xf32, #tpu.memory_space<vmem>>, vector<1x16xf32>,
        %get3A_1038 = vector.shape_cast %get3A_1037 : vector<1x16xf32> to vector<16xf32>
        %add3A_1039 = arith.constant 9 : i32
        %add3A_1040 = arith.addi %mul3A_248, %add3A_1039 : i32
        %get3A_1041 = arith.index_cast %add3A_1040 : i32 to index
        %get3A_1042 = arith.constant 96 : index
        %get3A_1043 = tpu.vector_load %arg9[%get3A_1041, %get3A_1042] {strides = array<i32>} : memref<80x128xf32, #tpu.memory_space<vmem>>, vector<1x16xf32>,
        %get3A_1044 = vector.shape_cast %get3A_1043 : vector<1x16xf32> to vector<16xf32>
        %max3A_1045 = arith.maximumf %get3A_1038, %get3A_1044 : vector<16xf32>
        %add3A_1046 = arith.constant 10 : i32
        %add3A_1047 = arith.addi %mul3A_248, %add3A_1046 : i32
        %get3A_1048 = arith.index_cast %add3A_1047 : i32 to index
        %get3A_1049 = arith.constant 96 : index
        %get3A_1050 = tpu.vector_load %arg9[%get3A_1048, %get3A_1049] {strides = array<i32>} : memref<80x128xf32, #tpu.memory_space<vmem>>, vector<1x16xf32>,
        %get3A_1051 = vector.shape_cast %get3A_1050 : vector<1x16xf32> to vector<16xf32>
        %add3A_1052 = arith.constant 11 : i32
        %add3A_1053 = arith.addi %mul3A_248, %add3A_1052 : i32
        %get3A_1054 = arith.index_cast %add3A_1053 : i32 to index
        %get3A_1055 = arith.constant 96 : index
        %get3A_1056 = tpu.vector_load %arg9[%get3A_1054, %get3A_1055] {strides = array<i32>} : memref<80x128xf32, #tpu.memory_space<vmem>>, vector<1x16xf32>,
        %get3A_1057 = vector.shape_cast %get3A_1056 : vector<1x16xf32> to vector<16xf32>
        %max3A_1058 = arith.maximumf %get3A_1051, %get3A_1057 : vector<16xf32>
        %max3A_1059 = arith.maximumf %max3A_1045, %max3A_1058 : vector<16xf32>
        %max3A_1060 = arith.maximumf %max3A_1032, %max3A_1059 : vector<16xf32>
        %add3A_1061 = arith.constant 12 : i32
        %add3A_1062 = arith.addi %mul3A_248, %add3A_1061 : i32
        %get3A_1063 = arith.index_cast %add3A_1062 : i32 to index
        %get3A_1064 = arith.constant 96 : index
        %get3A_1065 = tpu.vector_load %arg9[%get3A_1063, %get3A_1064] {strides = array<i32>} : memref<80x128xf32, #tpu.memory_space<vmem>>, vector<1x16xf32>,
        %get3A_1066 = vector.shape_cast %get3A_1065 : vector<1x16xf32> to vector<16xf32>
        %add3A_1067 = arith.constant 13 : i32
        %add3A_1068 = arith.addi %mul3A_248, %add3A_1067 : i32
        %get3A_1069 = arith.index_cast %add3A_1068 : i32 to index
        %get3A_1070 = arith.constant 96 : index
        %get3A_1071 = tpu.vector_load %arg9[%get3A_1069, %get3A_1070] {strides = array<i32>} : memref<80x128xf32, #tpu.memory_space<vmem>>, vector<1x16xf32>,
        %get3A_1072 = vector.shape_cast %get3A_1071 : vector<1x16xf32> to vector<16xf32>
        %max3A_1073 = arith.maximumf %get3A_1066, %get3A_1072 : vector<16xf32>
        %add3A_1074 = arith.constant 14 : i32
        %add3A_1075 = arith.addi %mul3A_248, %add3A_1074 : i32
        %get3A_1076 = arith.index_cast %add3A_1075 : i32 to index
        %get3A_1077 = arith.constant 96 : index
        %get3A_1078 = tpu.vector_load %arg9[%get3A_1076, %get3A_1077] {strides = array<i32>} : memref<80x128xf32, #tpu.memory_space<vmem>>, vector<1x16xf32>,
        %get3A_1079 = vector.shape_cast %get3A_1078 : vector<1x16xf32> to vector<16xf32>
        %add3A_1080 = arith.constant 15 : i32
        %add3A_1081 = arith.addi %mul3A_248, %add3A_1080 : i32
        %get3A_1082 = arith.index_cast %add3A_1081 : i32 to index
        %get3A_1083 = arith.constant 96 : index
        %get3A_1084 = tpu.vector_load %arg9[%get3A_1082, %get3A_1083] {strides = array<i32>} : memref<80x128xf32, #tpu.memory_space<vmem>>, vector<1x16xf32>,
        %get3A_1085 = vector.shape_cast %get3A_1084 : vector<1x16xf32> to vector<16xf32>
        %max3A_1086 = arith.maximumf %get3A_1079, %get3A_1085 : vector<16xf32>
        %max3A_1087 = arith.maximumf %max3A_1073, %max3A_1086 : vector<16xf32>
        %max3A_1088 = arith.maximumf %max3A_1060, %max3A_1087 : vector<16xf32>
        %max3A_1089 = arith.constant 0.000000e+00 : f32
        %max3A_1090 = vector.broadcast %max3A_1089 : f32 to vector<16xf32>
        %max3A_1091 = arith.maximumf %max3A_1088, %max3A_1090 : vector<16xf32>
        %mul3A_1092 = arith.constant 128 : i32
        %mul3A_1093 = arith.muli %scan3A_246, %mul3A_1092 : i32
        %add3A_1094 = arith.constant 96 : i32
        %add3A_1095 = arith.addi %mul3A_1093, %add3A_1094 : i32
        %swap3A_1096 = arith.index_cast %add3A_1095 : i32 to index
        %swap3A_1097 = tpu.vector_load %arg13[%swap3A_1096] {strides = array<i32>} : memref<640xf32, #tpu.memory_space<vmem>>, vector<16xf32>,
        %swap3A_1098 = vector.shape_cast %swap3A_1097 : vector<16xf32> to vector<16xf32>
        %swap3A_1099 = vector.shape_cast %max3A_1091 : vector<16xf32> to vector<16xf32>
        tpu.vector_store %arg13[%swap3A_1096], %swap3A_1099 {strides = array<i32>} : memref<640xf32, #tpu.memory_space<vmem>>, vector<16xf32>,
        %add3A_1100 = arith.constant 0 : i32
        %add3A_1101 = arith.addi %mul3A_248, %add3A_1100 : i32
        %get3A_1102 = arith.index_cast %add3A_1101 : i32 to index
        %get3A_1103 = arith.constant 112 : index
        %get3A_1104 = tpu.vector_load %arg9[%get3A_1102, %get3A_1103] {strides = array<i32>} : memref<80x128xf32, #tpu.memory_space<vmem>>, vector<1x16xf32>,
        %get3A_1105 = vector.shape_cast %get3A_1104 : vector<1x16xf32> to vector<16xf32>
        %add3A_1106 = arith.constant 1 : i32
        %add3A_1107 = arith.addi %mul3A_248, %add3A_1106 : i32
        %get3A_1108 = arith.index_cast %add3A_1107 : i32 to index
        %get3A_1109 = arith.constant 112 : index
        %get3A_1110 = tpu.vector_load %arg9[%get3A_1108, %get3A_1109] {strides = array<i32>} : memref<80x128xf32, #tpu.memory_space<vmem>>, vector<1x16xf32>,
        %get3A_1111 = vector.shape_cast %get3A_1110 : vector<1x16xf32> to vector<16xf32>
        %max3A_1112 = arith.maximumf %get3A_1105, %get3A_1111 : vector<16xf32>
        %add3A_1113 = arith.constant 2 : i32
        %add3A_1114 = arith.addi %mul3A_248, %add3A_1113 : i32
        %get3A_1115 = arith.index_cast %add3A_1114 : i32 to index
        %get3A_1116 = arith.constant 112 : index
        %get3A_1117 = tpu.vector_load %arg9[%get3A_1115, %get3A_1116] {strides = array<i32>} : memref<80x128xf32, #tpu.memory_space<vmem>>, vector<1x16xf32>,
        %get3A_1118 = vector.shape_cast %get3A_1117 : vector<1x16xf32> to vector<16xf32>
        %add3A_1119 = arith.constant 3 : i32
        %add3A_1120 = arith.addi %mul3A_248, %add3A_1119 : i32
        %get3A_1121 = arith.index_cast %add3A_1120 : i32 to index
        %get3A_1122 = arith.constant 112 : index
        %get3A_1123 = tpu.vector_load %arg9[%get3A_1121, %get3A_1122] {strides = array<i32>} : memref<80x128xf32, #tpu.memory_space<vmem>>, vector<1x16xf32>,
        %get3A_1124 = vector.shape_cast %get3A_1123 : vector<1x16xf32> to vector<16xf32>
        %max3A_1125 = arith.maximumf %get3A_1118, %get3A_1124 : vector<16xf32>
        %max3A_1126 = arith.maximumf %max3A_1112, %max3A_1125 : vector<16xf32>
        %add3A_1127 = arith.constant 4 : i32
        %add3A_1128 = arith.addi %mul3A_248, %add3A_1127 : i32
        %get3A_1129 = arith.index_cast %add3A_1128 : i32 to index
        %get3A_1130 = arith.constant 112 : index
        %get3A_1131 = tpu.vector_load %arg9[%get3A_1129, %get3A_1130] {strides = array<i32>} : memref<80x128xf32, #tpu.memory_space<vmem>>, vector<1x16xf32>,
        %get3A_1132 = vector.shape_cast %get3A_1131 : vector<1x16xf32> to vector<16xf32>
        %add3A_1133 = arith.constant 5 : i32
        %add3A_1134 = arith.addi %mul3A_248, %add3A_1133 : i32
        %get3A_1135 = arith.index_cast %add3A_1134 : i32 to index
        %get3A_1136 = arith.constant 112 : index
        %get3A_1137 = tpu.vector_load %arg9[%get3A_1135, %get3A_1136] {strides = array<i32>} : memref<80x128xf32, #tpu.memory_space<vmem>>, vector<1x16xf32>,
        %get3A_1138 = vector.shape_cast %get3A_1137 : vector<1x16xf32> to vector<16xf32>
        %max3A_1139 = arith.maximumf %get3A_1132, %get3A_1138 : vector<16xf32>
        %add3A_1140 = arith.constant 6 : i32
        %add3A_1141 = arith.addi %mul3A_248, %add3A_1140 : i32
        %get3A_1142 = arith.index_cast %add3A_1141 : i32 to index
        %get3A_1143 = arith.constant 112 : index
        %get3A_1144 = tpu.vector_load %arg9[%get3A_1142, %get3A_1143] {strides = array<i32>} : memref<80x128xf32, #tpu.memory_space<vmem>>, vector<1x16xf32>,
        %get3A_1145 = vector.shape_cast %get3A_1144 : vector<1x16xf32> to vector<16xf32>
        %add3A_1146 = arith.constant 7 : i32
        %add3A_1147 = arith.addi %mul3A_248, %add3A_1146 : i32
        %get3A_1148 = arith.index_cast %add3A_1147 : i32 to index
        %get3A_1149 = arith.constant 112 : index
        %get3A_1150 = tpu.vector_load %arg9[%get3A_1148, %get3A_1149] {strides = array<i32>} : memref<80x128xf32, #tpu.memory_space<vmem>>, vector<1x16xf32>,
        %get3A_1151 = vector.shape_cast %get3A_1150 : vector<1x16xf32> to vector<16xf32>
        %max3A_1152 = arith.maximumf %get3A_1145, %get3A_1151 : vector<16xf32>
        %max3A_1153 = arith.maximumf %max3A_1139, %max3A_1152 : vector<16xf32>
        %max3A_1154 = arith.maximumf %max3A_1126, %max3A_1153 : vector<16xf32>
        %add3A_1155 = arith.constant 8 : i32
        %add3A_1156 = arith.addi %mul3A_248, %add3A_1155 : i32
        %get3A_1157 = arith.index_cast %add3A_1156 : i32 to index
        %get3A_1158 = arith.constant 112 : index
        %get3A_1159 = tpu.vector_load %arg9[%get3A_1157, %get3A_1158] {strides = array<i32>} : memref<80x128xf32, #tpu.memory_space<vmem>>, vector<1x16xf32>,
        %get3A_1160 = vector.shape_cast %get3A_1159 : vector<1x16xf32> to vector<16xf32>
        %add3A_1161 = arith.constant 9 : i32
        %add3A_1162 = arith.addi %mul3A_248, %add3A_1161 : i32
        %get3A_1163 = arith.index_cast %add3A_1162 : i32 to index
        %get3A_1164 = arith.constant 112 : index
        %get3A_1165 = tpu.vector_load %arg9[%get3A_1163, %get3A_1164] {strides = array<i32>} : memref<80x128xf32, #tpu.memory_space<vmem>>, vector<1x16xf32>,
        %get3A_1166 = vector.shape_cast %get3A_1165 : vector<1x16xf32> to vector<16xf32>
        %max3A_1167 = arith.maximumf %get3A_1160, %get3A_1166 : vector<16xf32>
        %add3A_1168 = arith.constant 10 : i32
        %add3A_1169 = arith.addi %mul3A_248, %add3A_1168 : i32
        %get3A_1170 = arith.index_cast %add3A_1169 : i32 to index
        %get3A_1171 = arith.constant 112 : index
        %get3A_1172 = tpu.vector_load %arg9[%get3A_1170, %get3A_1171] {strides = array<i32>} : memref<80x128xf32, #tpu.memory_space<vmem>>, vector<1x16xf32>,
        %get3A_1173 = vector.shape_cast %get3A_1172 : vector<1x16xf32> to vector<16xf32>
        %add3A_1174 = arith.constant 11 : i32
        %add3A_1175 = arith.addi %mul3A_248, %add3A_1174 : i32
        %get3A_1176 = arith.index_cast %add3A_1175 : i32 to index
        %get3A_1177 = arith.constant 112 : index
        %get3A_1178 = tpu.vector_load %arg9[%get3A_1176, %get3A_1177] {strides = array<i32>} : memref<80x128xf32, #tpu.memory_space<vmem>>, vector<1x16xf32>,
        %get3A_1179 = vector.shape_cast %get3A_1178 : vector<1x16xf32> to vector<16xf32>
        %max3A_1180 = arith.maximumf %get3A_1173, %get3A_1179 : vector<16xf32>
        %max3A_1181 = arith.maximumf %max3A_1167, %max3A_1180 : vector<16xf32>
        %max3A_1182 = arith.maximumf %max3A_1154, %max3A_1181 : vector<16xf32>
        %add3A_1183 = arith.constant 12 : i32
        %add3A_1184 = arith.addi %mul3A_248, %add3A_1183 : i32
        %get3A_1185 = arith.index_cast %add3A_1184 : i32 to index
        %get3A_1186 = arith.constant 112 : index
        %get3A_1187 = tpu.vector_load %arg9[%get3A_1185, %get3A_1186] {strides = array<i32>} : memref<80x128xf32, #tpu.memory_space<vmem>>, vector<1x16xf32>,
        %get3A_1188 = vector.shape_cast %get3A_1187 : vector<1x16xf32> to vector<16xf32>
        %add3A_1189 = arith.constant 13 : i32
        %add3A_1190 = arith.addi %mul3A_248, %add3A_1189 : i32
        %get3A_1191 = arith.index_cast %add3A_1190 : i32 to index
        %get3A_1192 = arith.constant 112 : index
        %get3A_1193 = tpu.vector_load %arg9[%get3A_1191, %get3A_1192] {strides = array<i32>} : memref<80x128xf32, #tpu.memory_space<vmem>>, vector<1x16xf32>,
        %get3A_1194 = vector.shape_cast %get3A_1193 : vector<1x16xf32> to vector<16xf32>
        %max3A_1195 = arith.maximumf %get3A_1188, %get3A_1194 : vector<16xf32>
        %add3A_1196 = arith.constant 14 : i32
        %add3A_1197 = arith.addi %mul3A_248, %add3A_1196 : i32
        %get3A_1198 = arith.index_cast %add3A_1197 : i32 to index
        %get3A_1199 = arith.constant 112 : index
        %get3A_1200 = tpu.vector_load %arg9[%get3A_1198, %get3A_1199] {strides = array<i32>} : memref<80x128xf32, #tpu.memory_space<vmem>>, vector<1x16xf32>,
        %get3A_1201 = vector.shape_cast %get3A_1200 : vector<1x16xf32> to vector<16xf32>
        %add3A_1202 = arith.constant 15 : i32
        %add3A_1203 = arith.addi %mul3A_248, %add3A_1202 : i32
        %get3A_1204 = arith.index_cast %add3A_1203 : i32 to index
        %get3A_1205 = arith.constant 112 : index
        %get3A_1206 = tpu.vector_load %arg9[%get3A_1204, %get3A_1205] {strides = array<i32>} : memref<80x128xf32, #tpu.memory_space<vmem>>, vector<1x16xf32>,
        %get3A_1207 = vector.shape_cast %get3A_1206 : vector<1x16xf32> to vector<16xf32>
        %max3A_1208 = arith.maximumf %get3A_1201, %get3A_1207 : vector<16xf32>
        %max3A_1209 = arith.maximumf %max3A_1195, %max3A_1208 : vector<16xf32>
        %max3A_1210 = arith.maximumf %max3A_1182, %max3A_1209 : vector<16xf32>
        %max3A_1211 = arith.constant 0.000000e+00 : f32
        %max3A_1212 = vector.broadcast %max3A_1211 : f32 to vector<16xf32>
        %max3A_1213 = arith.maximumf %max3A_1210, %max3A_1212 : vector<16xf32>
        %mul3A_1214 = arith.constant 128 : i32
        %mul3A_1215 = arith.muli %scan3A_246, %mul3A_1214 : i32
        %add3A_1216 = arith.constant 112 : i32
        %add3A_1217 = arith.addi %mul3A_1215, %add3A_1216 : i32
        %swap3A_1218 = arith.index_cast %add3A_1217 : i32 to index
        %swap3A_1219 = tpu.vector_load %arg13[%swap3A_1218] {strides = array<i32>} : memref<640xf32, #tpu.memory_space<vmem>>, vector<16xf32>,
        %swap3A_1220 = vector.shape_cast %swap3A_1219 : vector<16xf32> to vector<16xf32>
        %swap3A_1221 = vector.shape_cast %max3A_1213 : vector<16xf32> to vector<16xf32>
        tpu.vector_store %arg13[%swap3A_1218], %swap3A_1221 {strides = array<i32>} : memref<640xf32, #tpu.memory_space<vmem>>, vector<16xf32>,
      }
      %scan3A_108 = arith.constant 5 : i32
      %mul3A_109 = arith.constant 5 : i32
      %mul3A_110 = arith.muli %add3A_89, %mul3A_109 : i32
      %add3A_111 = arith.addi %mul3A_2, %mul3A_110 : i32
      %mul3A_112 = arith.constant 128 : i32
      %mul3A_113 = arith.muli %add3A_111, %mul3A_112 : i32
      %dma_start3A_114 = tpu.memref_slice %arg6[%mul3A_113] : memref<2560000xf32, #tpu.memory_space<hbm>> -> memref<640xf32, #tpu.memory_space<hbm>>
      %dma_start3A_115 = tpu.memref_slice %arg6[%mul3A_113] : memref<2560000xf32, #tpu.memory_space<hbm>> -> memref<640xf32, #tpu.memory_space<hbm>>
      tpu.enqueue_dma source(%arg13 : memref<640xf32, #tpu.memory_space<vmem>>) target(%dma_start3A_115 : memref<640xf32, #tpu.memory_space<hbm>>) target_semaphore(%arg25 : memref<!tpu.dma_semaphore, #tpu.memory_space<semaphore_mem>>)
      %add3A_116 = arith.constant 4 : i32
      %add3A_117 = arith.addi %add3A_89, %add3A_116 : i32
      %lt3A_118 = arith.constant 125 : i32
      %lt3A_119 = arith.cmpi slt, %add3A_117, %lt3A_118 : i32
      %convert_element_type3A_120 = arith.extui %lt3A_119 : i1 to i32
      %cond3A_121 = arith.constant 0 : i32
      %cond3A_122 = arith.cmpi ne, %convert_element_type3A_120, %cond3A_121 : i32
      scf.if %cond3A_122 {
        %add3A_246 = arith.constant 4 : i32
        %add3A_247 = arith.addi %add3A_89, %add3A_246 : i32
        %mul3A_248 = arith.constant 80 : i32
        %mul3A_249 = arith.muli %add3A_247, %mul3A_248 : i32
        %dma_start3A_250 = tpu.memref_slice %arg7[%mul3A_249] : memref<10000xi32, #tpu.memory_space<vmem>> -> memref<80xi32, #tpu.memory_space<vmem>>
        %dma_start3A_251 = arith.constant 0 : i32
        %dma_start3A_252 = arith.constant 0 : i32
        %dma_start3A_253 = tpu.memref_slice %arg2[%dma_start3A_251, %dma_start3A_252] : memref<20000x128xf32, #tpu.memory_space<hbm>> -> memref<20000x128xf32, #tpu.memory_space<hbm>>
        tpu.enqueue_indirect_dma source(%dma_start3A_253 : memref<20000x128xf32, #tpu.memory_space<hbm>>) target(%arg9 : memref<80x128xf32, #tpu.memory_space<vmem>>) offsets(%dma_start3A_250 : memref<80xi32, #tpu.memory_space<vmem>>) semaphore(%arg17 : memref<!tpu.dma_semaphore, #tpu.memory_space<semaphore_mem>>)
      } else {
      }
      %mul3A_123 = arith.constant 4 : i32
      %mul3A_124 = arith.muli %mul3A_123, %scan3A_85 : i32
      %add3A_125 = arith.constant 1 : i32
      %add3A_126 = arith.addi %mul3A_124, %add3A_125 : i32
      %add3A_127 = arith.constant 2 : i32
      %add3A_128 = arith.addi %add3A_126, %add3A_127 : i32
      %lt3A_129 = arith.constant 125 : i32
      %lt3A_130 = arith.cmpi slt, %add3A_128, %lt3A_129 : i32
      %convert_element_type3A_131 = arith.extui %lt3A_130 : i1 to i32
      %cond3A_132 = arith.constant 0 : i32
      %cond3A_133 = arith.cmpi ne, %convert_element_type3A_131, %cond3A_132 : i32
      scf.if %cond3A_133 {
        %dma_wait3A_246 = arith.constant 0 : i32
        %dma_wait3A_247 = tpu.memref_slice %arg7[%dma_wait3A_246] : memref<10000xi32, #tpu.memory_space<vmem>> -> memref<80xi32, #tpu.memory_space<vmem>>
        %dma_wait3A_248 = arith.constant 0 : i32
        %dma_wait3A_249 = arith.constant 0 : i32
        %dma_wait3A_250 = tpu.memref_slice %arg2[%dma_wait3A_248, %dma_wait3A_249] : memref<20000x128xf32, #tpu.memory_space<hbm>> -> memref<20000x128xf32, #tpu.memory_space<hbm>>
        tpu.wait_indirect_dma semaphore(%arg20 : memref<!tpu.dma_semaphore, #tpu.memory_space<semaphore_mem>>) src(%dma_wait3A_250 : memref<20000x128xf32, #tpu.memory_space<hbm>>) dst(%arg12 : memref<80x128xf32, #tpu.memory_space<vmem>>)
        %add3A_251 = arith.constant 2 : i32
        %add3A_252 = arith.addi %add3A_126, %add3A_251 : i32
        %mul3A_253 = arith.constant 80 : i32
        %mul3A_254 = arith.muli %add3A_252, %mul3A_253 : i32
        %dma_start3A_255 = tpu.memref_slice %arg8[%mul3A_254] : memref<10000xi32, #tpu.memory_space<vmem>> -> memref<80xi32, #tpu.memory_space<vmem>>
        %dma_start3A_256 = arith.constant 0 : i32
        %dma_start3A_257 = arith.constant 0 : i32
        %dma_start3A_258 = tpu.memref_slice %arg3[%dma_start3A_256, %dma_start3A_257] : memref<20000x128xf32, #tpu.memory_space<hbm>> -> memref<20000x128xf32, #tpu.memory_space<hbm>>
        tpu.enqueue_indirect_dma source(%dma_start3A_258 : memref<20000x128xf32, #tpu.memory_space<hbm>>) target(%arg12 : memref<80x128xf32, #tpu.memory_space<vmem>>) offsets(%dma_start3A_255 : memref<80xi32, #tpu.memory_space<vmem>>) semaphore(%arg24 : memref<!tpu.dma_semaphore, #tpu.memory_space<semaphore_mem>>) {add = true}
      } else {
      }
      %dma_wait3A_134 = arith.constant 0 : i32
      %dma_wait3A_135 = tpu.memref_slice %arg8[%dma_wait3A_134] : memref<10000xi32, #tpu.memory_space<vmem>> -> memref<80xi32, #tpu.memory_space<vmem>>
      %dma_wait3A_136 = arith.constant 0 : i32
      %dma_wait3A_137 = arith.constant 0 : i32
      %dma_wait3A_138 = tpu.memref_slice %arg3[%dma_wait3A_136, %dma_wait3A_137] : memref<20000x128xf32, #tpu.memory_space<hbm>> -> memref<20000x128xf32, #tpu.memory_space<hbm>>
      tpu.wait_indirect_dma semaphore(%arg22 : memref<!tpu.dma_semaphore, #tpu.memory_space<semaphore_mem>>) src(%dma_wait3A_138 : memref<20000x128xf32, #tpu.memory_space<hbm>>) dst(%arg10 : memref<80x128xf32, #tpu.memory_space<vmem>>)
      %gt3A_139 = arith.constant 0 : i32
      %gt3A_140 = arith.cmpi sgt, %scan3A_85, %gt3A_139 : i32
      %convert_element_type3A_141 = arith.extui %gt3A_140 : i1 to i32
      %cond3A_142 = arith.constant 0 : i32
      %cond3A_143 = arith.cmpi ne, %convert_element_type3A_141, %cond3A_142 : i32
      scf.if %cond3A_143 {
        %dma_wait3A_246 = arith.constant 0 : i32
        %dma_wait3A_247 = tpu.memref_slice %arg6[%dma_wait3A_246] : memref<2560000xf32, #tpu.memory_space<hbm>> -> memref<640xf32, #tpu.memory_space<hbm>>
        %dma_wait3A_248 = arith.constant 0 : i32
        %dma_wait3A_249 = tpu.memref_slice %arg6[%dma_wait3A_248] : memref<2560000xf32, #tpu.memory_space<hbm>> -> memref<640xf32, #tpu.memory_space<hbm>>
        tpu.wait_dma2 semaphore(%arg26 : memref<!tpu.dma_semaphore, #tpu.memory_space<semaphore_mem>>) src(%arg14 : memref<640xf32, #tpu.memory_space<vmem>>) dst(%dma_wait3A_249 : memref<640xf32, #tpu.memory_space<hbm>>)
      } else {
      }
      %scan3A_144 = arith.constant 0 : i32
      %scan3A_145 = arith.constant 0 : i32
      %scan3A_146 = arith.constant 5 : i32
      %scan3A_147 = arith.addi %scan3A_145, %scan3A_146 : i32
      %scan3A_148 = arith.constant 1 : i32
      scf.for %scan3A_246 = %scan3A_145 to %scan3A_147 step %scan3A_148  : i32 {
        %mul3A_247 = arith.constant 16 : i32
        %mul3A_248 = arith.muli %scan3A_246, %mul3A_247 : i32
        %add3A_249 = arith.constant 0 : i32
        %add3A_250 = arith.addi %mul3A_248, %add3A_249 : i32
        %get3A = arith.index_cast %add3A_250 : i32 to index
        %get3A_251 = arith.constant 0 : index
        %get3A_252 = tpu.vector_load %arg10[%get3A, %get3A_251] {strides = array<i32>} : memref<80x128xf32, #tpu.memory_space<vmem>>, vector<1x16xf32>,
        %get3A_253 = vector.shape_cast %get3A_252 : vector<1x16xf32> to vector<16xf32>
        %add3A_254 = arith.constant 1 : i32
        %add3A_255 = arith.addi %mul3A_248, %add3A_254 : i32
        %get3A_256 = arith.index_cast %add3A_255 : i32 to index
        %get3A_257 = arith.constant 0 : index
        %get3A_258 = tpu.vector_load %arg10[%get3A_256, %get3A_257] {strides = array<i32>} : memref<80x128xf32, #tpu.memory_space<vmem>>, vector<1x16xf32>,
        %get3A_259 = vector.shape_cast %get3A_258 : vector<1x16xf32> to vector<16xf32>
        %max3A = arith.maximumf %get3A_253, %get3A_259 : vector<16xf32>
        %add3A_260 = arith.constant 2 : i32
        %add3A_261 = arith.addi %mul3A_248, %add3A_260 : i32
        %get3A_262 = arith.index_cast %add3A_261 : i32 to index
        %get3A_263 = arith.constant 0 : index
        %get3A_264 = tpu.vector_load %arg10[%get3A_262, %get3A_263] {strides = array<i32>} : memref<80x128xf32, #tpu.memory_space<vmem>>, vector<1x16xf32>,
        %get3A_265 = vector.shape_cast %get3A_264 : vector<1x16xf32> to vector<16xf32>
        %add3A_266 = arith.constant 3 : i32
        %add3A_267 = arith.addi %mul3A_248, %add3A_266 : i32
        %get3A_268 = arith.index_cast %add3A_267 : i32 to index
        %get3A_269 = arith.constant 0 : index
        %get3A_270 = tpu.vector_load %arg10[%get3A_268, %get3A_269] {strides = array<i32>} : memref<80x128xf32, #tpu.memory_space<vmem>>, vector<1x16xf32>,
        %get3A_271 = vector.shape_cast %get3A_270 : vector<1x16xf32> to vector<16xf32>
        %max3A_272 = arith.maximumf %get3A_265, %get3A_271 : vector<16xf32>
        %max3A_273 = arith.maximumf %max3A, %max3A_272 : vector<16xf32>
        %add3A_274 = arith.constant 4 : i32
        %add3A_275 = arith.addi %mul3A_248, %add3A_274 : i32
        %get3A_276 = arith.index_cast %add3A_275 : i32 to index
        %get3A_277 = arith.constant 0 : index
        %get3A_278 = tpu.vector_load %arg10[%get3A_276, %get3A_277] {strides = array<i32>} : memref<80x128xf32, #tpu.memory_space<vmem>>, vector<1x16xf32>,
        %get3A_279 = vector.shape_cast %get3A_278 : vector<1x16xf32> to vector<16xf32>
        %add3A_280 = arith.constant 5 : i32
        %add3A_281 = arith.addi %mul3A_248, %add3A_280 : i32
        %get3A_282 = arith.index_cast %add3A_281 : i32 to index
        %get3A_283 = arith.constant 0 : index
        %get3A_284 = tpu.vector_load %arg10[%get3A_282, %get3A_283] {strides = array<i32>} : memref<80x128xf32, #tpu.memory_space<vmem>>, vector<1x16xf32>,
        %get3A_285 = vector.shape_cast %get3A_284 : vector<1x16xf32> to vector<16xf32>
        %max3A_286 = arith.maximumf %get3A_279, %get3A_285 : vector<16xf32>
        %add3A_287 = arith.constant 6 : i32
        %add3A_288 = arith.addi %mul3A_248, %add3A_287 : i32
        %get3A_289 = arith.index_cast %add3A_288 : i32 to index
        %get3A_290 = arith.constant 0 : index
        %get3A_291 = tpu.vector_load %arg10[%get3A_289, %get3A_290] {strides = array<i32>} : memref<80x128xf32, #tpu.memory_space<vmem>>, vector<1x16xf32>,
        %get3A_292 = vector.shape_cast %get3A_291 : vector<1x16xf32> to vector<16xf32>
        %add3A_293 = arith.constant 7 : i32
        %add3A_294 = arith.addi %mul3A_248, %add3A_293 : i32
        %get3A_295 = arith.index_cast %add3A_294 : i32 to index
        %get3A_296 = arith.constant 0 : index
        %get3A_297 = tpu.vector_load %arg10[%get3A_295, %get3A_296] {strides = array<i32>} : memref<80x128xf32, #tpu.memory_space<vmem>>, vector<1x16xf32>,
        %get3A_298 = vector.shape_cast %get3A_297 : vector<1x16xf32> to vector<16xf32>
        %max3A_299 = arith.maximumf %get3A_292, %get3A_298 : vector<16xf32>
        %max3A_300 = arith.maximumf %max3A_286, %max3A_299 : vector<16xf32>
        %max3A_301 = arith.maximumf %max3A_273, %max3A_300 : vector<16xf32>
        %add3A_302 = arith.constant 8 : i32
        %add3A_303 = arith.addi %mul3A_248, %add3A_302 : i32
        %get3A_304 = arith.index_cast %add3A_303 : i32 to index
        %get3A_305 = arith.constant 0 : index
        %get3A_306 = tpu.vector_load %arg10[%get3A_304, %get3A_305] {strides = array<i32>} : memref<80x128xf32, #tpu.memory_space<vmem>>, vector<1x16xf32>,
        %get3A_307 = vector.shape_cast %get3A_306 : vector<1x16xf32> to vector<16xf32>
        %add3A_308 = arith.constant 9 : i32
        %add3A_309 = arith.addi %mul3A_248, %add3A_308 : i32
        %get3A_310 = arith.index_cast %add3A_309 : i32 to index
        %get3A_311 = arith.constant 0 : index
        %get3A_312 = tpu.vector_load %arg10[%get3A_310, %get3A_311] {strides = array<i32>} : memref<80x128xf32, #tpu.memory_space<vmem>>, vector<1x16xf32>,
        %get3A_313 = vector.shape_cast %get3A_312 : vector<1x16xf32> to vector<16xf32>
        %max3A_314 = arith.maximumf %get3A_307, %get3A_313 : vector<16xf32>
        %add3A_315 = arith.constant 10 : i32
        %add3A_316 = arith.addi %mul3A_248, %add3A_315 : i32
        %get3A_317 = arith.index_cast %add3A_316 : i32 to index
        %get3A_318 = arith.constant 0 : index
        %get3A_319 = tpu.vector_load %arg10[%get3A_317, %get3A_318] {strides = array<i32>} : memref<80x128xf32, #tpu.memory_space<vmem>>, vector<1x16xf32>,
        %get3A_320 = vector.shape_cast %get3A_319 : vector<1x16xf32> to vector<16xf32>
        %add3A_321 = arith.constant 11 : i32
        %add3A_322 = arith.addi %mul3A_248, %add3A_321 : i32
        %get3A_323 = arith.index_cast %add3A_322 : i32 to index
        %get3A_324 = arith.constant 0 : index
        %get3A_325 = tpu.vector_load %arg10[%get3A_323, %get3A_324] {strides = array<i32>} : memref<80x128xf32, #tpu.memory_space<vmem>>, vector<1x16xf32>,
        %get3A_326 = vector.shape_cast %get3A_325 : vector<1x16xf32> to vector<16xf32>
        %max3A_327 = arith.maximumf %get3A_320, %get3A_326 : vector<16xf32>
        %max3A_328 = arith.maximumf %max3A_314, %max3A_327 : vector<16xf32>
        %max3A_329 = arith.maximumf %max3A_301, %max3A_328 : vector<16xf32>
        %add3A_330 = arith.constant 12 : i32
        %add3A_331 = arith.addi %mul3A_248, %add3A_330 : i32
        %get3A_332 = arith.index_cast %add3A_331 : i32 to index
        %get3A_333 = arith.constant 0 : index
        %get3A_334 = tpu.vector_load %arg10[%get3A_332, %get3A_333] {strides = array<i32>} : memref<80x128xf32, #tpu.memory_space<vmem>>, vector<1x16xf32>,
        %get3A_335 = vector.shape_cast %get3A_334 : vector<1x16xf32> to vector<16xf32>
        %add3A_336 = arith.constant 13 : i32
        %add3A_337 = arith.addi %mul3A_248, %add3A_336 : i32
        %get3A_338 = arith.index_cast %add3A_337 : i32 to index
        %get3A_339 = arith.constant 0 : index
        %get3A_340 = tpu.vector_load %arg10[%get3A_338, %get3A_339] {strides = array<i32>} : memref<80x128xf32, #tpu.memory_space<vmem>>, vector<1x16xf32>,
        %get3A_341 = vector.shape_cast %get3A_340 : vector<1x16xf32> to vector<16xf32>
        %max3A_342 = arith.maximumf %get3A_335, %get3A_341 : vector<16xf32>
        %add3A_343 = arith.constant 14 : i32
        %add3A_344 = arith.addi %mul3A_248, %add3A_343 : i32
        %get3A_345 = arith.index_cast %add3A_344 : i32 to index
        %get3A_346 = arith.constant 0 : index
        %get3A_347 = tpu.vector_load %arg10[%get3A_345, %get3A_346] {strides = array<i32>} : memref<80x128xf32, #tpu.memory_space<vmem>>, vector<1x16xf32>,
        %get3A_348 = vector.shape_cast %get3A_347 : vector<1x16xf32> to vector<16xf32>
        %add3A_349 = arith.constant 15 : i32
        %add3A_350 = arith.addi %mul3A_248, %add3A_349 : i32
        %get3A_351 = arith.index_cast %add3A_350 : i32 to index
        %get3A_352 = arith.constant 0 : index
        %get3A_353 = tpu.vector_load %arg10[%get3A_351, %get3A_352] {strides = array<i32>} : memref<80x128xf32, #tpu.memory_space<vmem>>, vector<1x16xf32>,
        %get3A_354 = vector.shape_cast %get3A_353 : vector<1x16xf32> to vector<16xf32>
        %max3A_355 = arith.maximumf %get3A_348, %get3A_354 : vector<16xf32>
        %max3A_356 = arith.maximumf %max3A_342, %max3A_355 : vector<16xf32>
        %max3A_357 = arith.maximumf %max3A_329, %max3A_356 : vector<16xf32>
        %max3A_358 = arith.constant 0.000000e+00 : f32
        %max3A_359 = vector.broadcast %max3A_358 : f32 to vector<16xf32>
        %max3A_360 = arith.maximumf %max3A_357, %max3A_359 : vector<16xf32>
        %mul3A_361 = arith.constant 128 : i32
        %mul3A_362 = arith.muli %scan3A_246, %mul3A_361 : i32
        %add3A_363 = arith.constant 0 : i32
        %add3A_364 = arith.addi %mul3A_362, %add3A_363 : i32
        %swap3A = arith.index_cast %add3A_364 : i32 to index
        %swap3A_365 = tpu.vector_load %arg14[%swap3A] {strides = array<i32>} : memref<640xf32, #tpu.memory_space<vmem>>, vector<16xf32>,
        %swap3A_366 = vector.shape_cast %swap3A_365 : vector<16xf32> to vector<16xf32>
        %swap3A_367 = vector.shape_cast %max3A_360 : vector<16xf32> to vector<16xf32>
        tpu.vector_store %arg14[%swap3A], %swap3A_367 {strides = array<i32>} : memref<640xf32, #tpu.memory_space<vmem>>, vector<16xf32>,
        %add3A_368 = arith.constant 0 : i32
        %add3A_369 = arith.addi %mul3A_248, %add3A_368 : i32
        %get3A_370 = arith.index_cast %add3A_369 : i32 to index
        %get3A_371 = arith.constant 16 : index
        %get3A_372 = tpu.vector_load %arg10[%get3A_370, %get3A_371] {strides = array<i32>} : memref<80x128xf32, #tpu.memory_space<vmem>>, vector<1x16xf32>,
        %get3A_373 = vector.shape_cast %get3A_372 : vector<1x16xf32> to vector<16xf32>
        %add3A_374 = arith.constant 1 : i32
        %add3A_375 = arith.addi %mul3A_248, %add3A_374 : i32
        %get3A_376 = arith.index_cast %add3A_375 : i32 to index
        %get3A_377 = arith.constant 16 : index
        %get3A_378 = tpu.vector_load %arg10[%get3A_376, %get3A_377] {strides = array<i32>} : memref<80x128xf32, #tpu.memory_space<vmem>>, vector<1x16xf32>,
        %get3A_379 = vector.shape_cast %get3A_378 : vector<1x16xf32> to vector<16xf32>
        %max3A_380 = arith.maximumf %get3A_373, %get3A_379 : vector<16xf32>
        %add3A_381 = arith.constant 2 : i32
        %add3A_382 = arith.addi %mul3A_248, %add3A_381 : i32
        %get3A_383 = arith.index_cast %add3A_382 : i32 to index
        %get3A_384 = arith.constant 16 : index
        %get3A_385 = tpu.vector_load %arg10[%get3A_383, %get3A_384] {strides = array<i32>} : memref<80x128xf32, #tpu.memory_space<vmem>>, vector<1x16xf32>,
        %get3A_386 = vector.shape_cast %get3A_385 : vector<1x16xf32> to vector<16xf32>
        %add3A_387 = arith.constant 3 : i32
        %add3A_388 = arith.addi %mul3A_248, %add3A_387 : i32
        %get3A_389 = arith.index_cast %add3A_388 : i32 to index
        %get3A_390 = arith.constant 16 : index
        %get3A_391 = tpu.vector_load %arg10[%get3A_389, %get3A_390] {strides = array<i32>} : memref<80x128xf32, #tpu.memory_space<vmem>>, vector<1x16xf32>,
        %get3A_392 = vector.shape_cast %get3A_391 : vector<1x16xf32> to vector<16xf32>
        %max3A_393 = arith.maximumf %get3A_386, %get3A_392 : vector<16xf32>
        %max3A_394 = arith.maximumf %max3A_380, %max3A_393 : vector<16xf32>
        %add3A_395 = arith.constant 4 : i32
        %add3A_396 = arith.addi %mul3A_248, %add3A_395 : i32
        %get3A_397 = arith.index_cast %add3A_396 : i32 to index
        %get3A_398 = arith.constant 16 : index
        %get3A_399 = tpu.vector_load %arg10[%get3A_397, %get3A_398] {strides = array<i32>} : memref<80x128xf32, #tpu.memory_space<vmem>>, vector<1x16xf32>,
        %get3A_400 = vector.shape_cast %get3A_399 : vector<1x16xf32> to vector<16xf32>
        %add3A_401 = arith.constant 5 : i32
        %add3A_402 = arith.addi %mul3A_248, %add3A_401 : i32
        %get3A_403 = arith.index_cast %add3A_402 : i32 to index
        %get3A_404 = arith.constant 16 : index
        %get3A_405 = tpu.vector_load %arg10[%get3A_403, %get3A_404] {strides = array<i32>} : memref<80x128xf32, #tpu.memory_space<vmem>>, vector<1x16xf32>,
        %get3A_406 = vector.shape_cast %get3A_405 : vector<1x16xf32> to vector<16xf32>
        %max3A_407 = arith.maximumf %get3A_400, %get3A_406 : vector<16xf32>
        %add3A_408 = arith.constant 6 : i32
        %add3A_409 = arith.addi %mul3A_248, %add3A_408 : i32
        %get3A_410 = arith.index_cast %add3A_409 : i32 to index
        %get3A_411 = arith.constant 16 : index
        %get3A_412 = tpu.vector_load %arg10[%get3A_410, %get3A_411] {strides = array<i32>} : memref<80x128xf32, #tpu.memory_space<vmem>>, vector<1x16xf32>,
        %get3A_413 = vector.shape_cast %get3A_412 : vector<1x16xf32> to vector<16xf32>
        %add3A_414 = arith.constant 7 : i32
        %add3A_415 = arith.addi %mul3A_248, %add3A_414 : i32
        %get3A_416 = arith.index_cast %add3A_415 : i32 to index
        %get3A_417 = arith.constant 16 : index
        %get3A_418 = tpu.vector_load %arg10[%get3A_416, %get3A_417] {strides = array<i32>} : memref<80x128xf32, #tpu.memory_space<vmem>>, vector<1x16xf32>,
        %get3A_419 = vector.shape_cast %get3A_418 : vector<1x16xf32> to vector<16xf32>
        %max3A_420 = arith.maximumf %get3A_413, %get3A_419 : vector<16xf32>
        %max3A_421 = arith.maximumf %max3A_407, %max3A_420 : vector<16xf32>
        %max3A_422 = arith.maximumf %max3A_394, %max3A_421 : vector<16xf32>
        %add3A_423 = arith.constant 8 : i32
        %add3A_424 = arith.addi %mul3A_248, %add3A_423 : i32
        %get3A_425 = arith.index_cast %add3A_424 : i32 to index
        %get3A_426 = arith.constant 16 : index
        %get3A_427 = tpu.vector_load %arg10[%get3A_425, %get3A_426] {strides = array<i32>} : memref<80x128xf32, #tpu.memory_space<vmem>>, vector<1x16xf32>,
        %get3A_428 = vector.shape_cast %get3A_427 : vector<1x16xf32> to vector<16xf32>
        %add3A_429 = arith.constant 9 : i32
        %add3A_430 = arith.addi %mul3A_248, %add3A_429 : i32
        %get3A_431 = arith.index_cast %add3A_430 : i32 to index
        %get3A_432 = arith.constant 16 : index
        %get3A_433 = tpu.vector_load %arg10[%get3A_431, %get3A_432] {strides = array<i32>} : memref<80x128xf32, #tpu.memory_space<vmem>>, vector<1x16xf32>,
        %get3A_434 = vector.shape_cast %get3A_433 : vector<1x16xf32> to vector<16xf32>
        %max3A_435 = arith.maximumf %get3A_428, %get3A_434 : vector<16xf32>
        %add3A_436 = arith.constant 10 : i32
        %add3A_437 = arith.addi %mul3A_248, %add3A_436 : i32
        %get3A_438 = arith.index_cast %add3A_437 : i32 to index
        %get3A_439 = arith.constant 16 : index
        %get3A_440 = tpu.vector_load %arg10[%get3A_438, %get3A_439] {strides = array<i32>} : memref<80x128xf32, #tpu.memory_space<vmem>>, vector<1x16xf32>,
        %get3A_441 = vector.shape_cast %get3A_440 : vector<1x16xf32> to vector<16xf32>
        %add3A_442 = arith.constant 11 : i32
        %add3A_443 = arith.addi %mul3A_248, %add3A_442 : i32
        %get3A_444 = arith.index_cast %add3A_443 : i32 to index
        %get3A_445 = arith.constant 16 : index
        %get3A_446 = tpu.vector_load %arg10[%get3A_444, %get3A_445] {strides = array<i32>} : memref<80x128xf32, #tpu.memory_space<vmem>>, vector<1x16xf32>,
        %get3A_447 = vector.shape_cast %get3A_446 : vector<1x16xf32> to vector<16xf32>
        %max3A_448 = arith.maximumf %get3A_441, %get3A_447 : vector<16xf32>
        %max3A_449 = arith.maximumf %max3A_435, %max3A_448 : vector<16xf32>
        %max3A_450 = arith.maximumf %max3A_422, %max3A_449 : vector<16xf32>
        %add3A_451 = arith.constant 12 : i32
        %add3A_452 = arith.addi %mul3A_248, %add3A_451 : i32
        %get3A_453 = arith.index_cast %add3A_452 : i32 to index
        %get3A_454 = arith.constant 16 : index
        %get3A_455 = tpu.vector_load %arg10[%get3A_453, %get3A_454] {strides = array<i32>} : memref<80x128xf32, #tpu.memory_space<vmem>>, vector<1x16xf32>,
        %get3A_456 = vector.shape_cast %get3A_455 : vector<1x16xf32> to vector<16xf32>
        %add3A_457 = arith.constant 13 : i32
        %add3A_458 = arith.addi %mul3A_248, %add3A_457 : i32
        %get3A_459 = arith.index_cast %add3A_458 : i32 to index
        %get3A_460 = arith.constant 16 : index
        %get3A_461 = tpu.vector_load %arg10[%get3A_459, %get3A_460] {strides = array<i32>} : memref<80x128xf32, #tpu.memory_space<vmem>>, vector<1x16xf32>,
        %get3A_462 = vector.shape_cast %get3A_461 : vector<1x16xf32> to vector<16xf32>
        %max3A_463 = arith.maximumf %get3A_456, %get3A_462 : vector<16xf32>
        %add3A_464 = arith.constant 14 : i32
        %add3A_465 = arith.addi %mul3A_248, %add3A_464 : i32
        %get3A_466 = arith.index_cast %add3A_465 : i32 to index
        %get3A_467 = arith.constant 16 : index
        %get3A_468 = tpu.vector_load %arg10[%get3A_466, %get3A_467] {strides = array<i32>} : memref<80x128xf32, #tpu.memory_space<vmem>>, vector<1x16xf32>,
        %get3A_469 = vector.shape_cast %get3A_468 : vector<1x16xf32> to vector<16xf32>
        %add3A_470 = arith.constant 15 : i32
        %add3A_471 = arith.addi %mul3A_248, %add3A_470 : i32
        %get3A_472 = arith.index_cast %add3A_471 : i32 to index
        %get3A_473 = arith.constant 16 : index
        %get3A_474 = tpu.vector_load %arg10[%get3A_472, %get3A_473] {strides = array<i32>} : memref<80x128xf32, #tpu.memory_space<vmem>>, vector<1x16xf32>,
        %get3A_475 = vector.shape_cast %get3A_474 : vector<1x16xf32> to vector<16xf32>
        %max3A_476 = arith.maximumf %get3A_469, %get3A_475 : vector<16xf32>
        %max3A_477 = arith.maximumf %max3A_463, %max3A_476 : vector<16xf32>
        %max3A_478 = arith.maximumf %max3A_450, %max3A_477 : vector<16xf32>
        %max3A_479 = arith.constant 0.000000e+00 : f32
        %max3A_480 = vector.broadcast %max3A_479 : f32 to vector<16xf32>
        %max3A_481 = arith.maximumf %max3A_478, %max3A_480 : vector<16xf32>
        %mul3A_482 = arith.constant 128 : i32
        %mul3A_483 = arith.muli %scan3A_246, %mul3A_482 : i32
        %add3A_484 = arith.constant 16 : i32
        %add3A_485 = arith.addi %mul3A_483, %add3A_484 : i32
        %swap3A_486 = arith.index_cast %add3A_485 : i32 to index
        %swap3A_487 = tpu.vector_load %arg14[%swap3A_486] {strides = array<i32>} : memref<640xf32, #tpu.memory_space<vmem>>, vector<16xf32>,
        %swap3A_488 = vector.shape_cast %swap3A_487 : vector<16xf32> to vector<16xf32>
        %swap3A_489 = vector.shape_cast %max3A_481 : vector<16xf32> to vector<16xf32>
        tpu.vector_store %arg14[%swap3A_486], %swap3A_489 {strides = array<i32>} : memref<640xf32, #tpu.memory_space<vmem>>, vector<16xf32>,
        %add3A_490 = arith.constant 0 : i32
        %add3A_491 = arith.addi %mul3A_248, %add3A_490 : i32
        %get3A_492 = arith.index_cast %add3A_491 : i32 to index
        %get3A_493 = arith.constant 32 : index
        %get3A_494 = tpu.vector_load %arg10[%get3A_492, %get3A_493] {strides = array<i32>} : memref<80x128xf32, #tpu.memory_space<vmem>>, vector<1x16xf32>,
        %get3A_495 = vector.shape_cast %get3A_494 : vector<1x16xf32> to vector<16xf32>
        %add3A_496 = arith.constant 1 : i32
        %add3A_497 = arith.addi %mul3A_248, %add3A_496 : i32
        %get3A_498 = arith.index_cast %add3A_497 : i32 to index
        %get3A_499 = arith.constant 32 : index
        %get3A_500 = tpu.vector_load %arg10[%get3A_498, %get3A_499] {strides = array<i32>} : memref<80x128xf32, #tpu.memory_space<vmem>>, vector<1x16xf32>,
        %get3A_501 = vector.shape_cast %get3A_500 : vector<1x16xf32> to vector<16xf32>
        %max3A_502 = arith.maximumf %get3A_495, %get3A_501 : vector<16xf32>
        %add3A_503 = arith.constant 2 : i32
        %add3A_504 = arith.addi %mul3A_248, %add3A_503 : i32
        %get3A_505 = arith.index_cast %add3A_504 : i32 to index
        %get3A_506 = arith.constant 32 : index
        %get3A_507 = tpu.vector_load %arg10[%get3A_505, %get3A_506] {strides = array<i32>} : memref<80x128xf32, #tpu.memory_space<vmem>>, vector<1x16xf32>,
        %get3A_508 = vector.shape_cast %get3A_507 : vector<1x16xf32> to vector<16xf32>
        %add3A_509 = arith.constant 3 : i32
        %add3A_510 = arith.addi %mul3A_248, %add3A_509 : i32
        %get3A_511 = arith.index_cast %add3A_510 : i32 to index
        %get3A_512 = arith.constant 32 : index
        %get3A_513 = tpu.vector_load %arg10[%get3A_511, %get3A_512] {strides = array<i32>} : memref<80x128xf32, #tpu.memory_space<vmem>>, vector<1x16xf32>,
        %get3A_514 = vector.shape_cast %get3A_513 : vector<1x16xf32> to vector<16xf32>
        %max3A_515 = arith.maximumf %get3A_508, %get3A_514 : vector<16xf32>
        %max3A_516 = arith.maximumf %max3A_502, %max3A_515 : vector<16xf32>
        %add3A_517 = arith.constant 4 : i32
        %add3A_518 = arith.addi %mul3A_248, %add3A_517 : i32
        %get3A_519 = arith.index_cast %add3A_518 : i32 to index
        %get3A_520 = arith.constant 32 : index
        %get3A_521 = tpu.vector_load %arg10[%get3A_519, %get3A_520] {strides = array<i32>} : memref<80x128xf32, #tpu.memory_space<vmem>>, vector<1x16xf32>,
        %get3A_522 = vector.shape_cast %get3A_521 : vector<1x16xf32> to vector<16xf32>
        %add3A_523 = arith.constant 5 : i32
        %add3A_524 = arith.addi %mul3A_248, %add3A_523 : i32
        %get3A_525 = arith.index_cast %add3A_524 : i32 to index
        %get3A_526 = arith.constant 32 : index
        %get3A_527 = tpu.vector_load %arg10[%get3A_525, %get3A_526] {strides = array<i32>} : memref<80x128xf32, #tpu.memory_space<vmem>>, vector<1x16xf32>,
        %get3A_528 = vector.shape_cast %get3A_527 : vector<1x16xf32> to vector<16xf32>
        %max3A_529 = arith.maximumf %get3A_522, %get3A_528 : vector<16xf32>
        %add3A_530 = arith.constant 6 : i32
        %add3A_531 = arith.addi %mul3A_248, %add3A_530 : i32
        %get3A_532 = arith.index_cast %add3A_531 : i32 to index
        %get3A_533 = arith.constant 32 : index
        %get3A_534 = tpu.vector_load %arg10[%get3A_532, %get3A_533] {strides = array<i32>} : memref<80x128xf32, #tpu.memory_space<vmem>>, vector<1x16xf32>,
        %get3A_535 = vector.shape_cast %get3A_534 : vector<1x16xf32> to vector<16xf32>
        %add3A_536 = arith.constant 7 : i32
        %add3A_537 = arith.addi %mul3A_248, %add3A_536 : i32
        %get3A_538 = arith.index_cast %add3A_537 : i32 to index
        %get3A_539 = arith.constant 32 : index
        %get3A_540 = tpu.vector_load %arg10[%get3A_538, %get3A_539] {strides = array<i32>} : memref<80x128xf32, #tpu.memory_space<vmem>>, vector<1x16xf32>,
        %get3A_541 = vector.shape_cast %get3A_540 : vector<1x16xf32> to vector<16xf32>
        %max3A_542 = arith.maximumf %get3A_535, %get3A_541 : vector<16xf32>
        %max3A_543 = arith.maximumf %max3A_529, %max3A_542 : vector<16xf32>
        %max3A_544 = arith.maximumf %max3A_516, %max3A_543 : vector<16xf32>
        %add3A_545 = arith.constant 8 : i32
        %add3A_546 = arith.addi %mul3A_248, %add3A_545 : i32
        %get3A_547 = arith.index_cast %add3A_546 : i32 to index
        %get3A_548 = arith.constant 32 : index
        %get3A_549 = tpu.vector_load %arg10[%get3A_547, %get3A_548] {strides = array<i32>} : memref<80x128xf32, #tpu.memory_space<vmem>>, vector<1x16xf32>,
        %get3A_550 = vector.shape_cast %get3A_549 : vector<1x16xf32> to vector<16xf32>
        %add3A_551 = arith.constant 9 : i32
        %add3A_552 = arith.addi %mul3A_248, %add3A_551 : i32
        %get3A_553 = arith.index_cast %add3A_552 : i32 to index
        %get3A_554 = arith.constant 32 : index
        %get3A_555 = tpu.vector_load %arg10[%get3A_553, %get3A_554] {strides = array<i32>} : memref<80x128xf32, #tpu.memory_space<vmem>>, vector<1x16xf32>,
        %get3A_556 = vector.shape_cast %get3A_555 : vector<1x16xf32> to vector<16xf32>
        %max3A_557 = arith.maximumf %get3A_550, %get3A_556 : vector<16xf32>
        %add3A_558 = arith.constant 10 : i32
        %add3A_559 = arith.addi %mul3A_248, %add3A_558 : i32
        %get3A_560 = arith.index_cast %add3A_559 : i32 to index
        %get3A_561 = arith.constant 32 : index
        %get3A_562 = tpu.vector_load %arg10[%get3A_560, %get3A_561] {strides = array<i32>} : memref<80x128xf32, #tpu.memory_space<vmem>>, vector<1x16xf32>,
        %get3A_563 = vector.shape_cast %get3A_562 : vector<1x16xf32> to vector<16xf32>
        %add3A_564 = arith.constant 11 : i32
        %add3A_565 = arith.addi %mul3A_248, %add3A_564 : i32
        %get3A_566 = arith.index_cast %add3A_565 : i32 to index
        %get3A_567 = arith.constant 32 : index
        %get3A_568 = tpu.vector_load %arg10[%get3A_566, %get3A_567] {strides = array<i32>} : memref<80x128xf32, #tpu.memory_space<vmem>>, vector<1x16xf32>,
        %get3A_569 = vector.shape_cast %get3A_568 : vector<1x16xf32> to vector<16xf32>
        %max3A_570 = arith.maximumf %get3A_563, %get3A_569 : vector<16xf32>
        %max3A_571 = arith.maximumf %max3A_557, %max3A_570 : vector<16xf32>
        %max3A_572 = arith.maximumf %max3A_544, %max3A_571 : vector<16xf32>
        %add3A_573 = arith.constant 12 : i32
        %add3A_574 = arith.addi %mul3A_248, %add3A_573 : i32
        %get3A_575 = arith.index_cast %add3A_574 : i32 to index
        %get3A_576 = arith.constant 32 : index
        %get3A_577 = tpu.vector_load %arg10[%get3A_575, %get3A_576] {strides = array<i32>} : memref<80x128xf32, #tpu.memory_space<vmem>>, vector<1x16xf32>,
        %get3A_578 = vector.shape_cast %get3A_577 : vector<1x16xf32> to vector<16xf32>
        %add3A_579 = arith.constant 13 : i32
        %add3A_580 = arith.addi %mul3A_248, %add3A_579 : i32
        %get3A_581 = arith.index_cast %add3A_580 : i32 to index
        %get3A_582 = arith.constant 32 : index
        %get3A_583 = tpu.vector_load %arg10[%get3A_581, %get3A_582] {strides = array<i32>} : memref<80x128xf32, #tpu.memory_space<vmem>>, vector<1x16xf32>,
        %get3A_584 = vector.shape_cast %get3A_583 : vector<1x16xf32> to vector<16xf32>
        %max3A_585 = arith.maximumf %get3A_578, %get3A_584 : vector<16xf32>
        %add3A_586 = arith.constant 14 : i32
        %add3A_587 = arith.addi %mul3A_248, %add3A_586 : i32
        %get3A_588 = arith.index_cast %add3A_587 : i32 to index
        %get3A_589 = arith.constant 32 : index
        %get3A_590 = tpu.vector_load %arg10[%get3A_588, %get3A_589] {strides = array<i32>} : memref<80x128xf32, #tpu.memory_space<vmem>>, vector<1x16xf32>,
        %get3A_591 = vector.shape_cast %get3A_590 : vector<1x16xf32> to vector<16xf32>
        %add3A_592 = arith.constant 15 : i32
        %add3A_593 = arith.addi %mul3A_248, %add3A_592 : i32
        %get3A_594 = arith.index_cast %add3A_593 : i32 to index
        %get3A_595 = arith.constant 32 : index
        %get3A_596 = tpu.vector_load %arg10[%get3A_594, %get3A_595] {strides = array<i32>} : memref<80x128xf32, #tpu.memory_space<vmem>>, vector<1x16xf32>,
        %get3A_597 = vector.shape_cast %get3A_596 : vector<1x16xf32> to vector<16xf32>
        %max3A_598 = arith.maximumf %get3A_591, %get3A_597 : vector<16xf32>
        %max3A_599 = arith.maximumf %max3A_585, %max3A_598 : vector<16xf32>
        %max3A_600 = arith.maximumf %max3A_572, %max3A_599 : vector<16xf32>
        %max3A_601 = arith.constant 0.000000e+00 : f32
        %max3A_602 = vector.broadcast %max3A_601 : f32 to vector<16xf32>
        %max3A_603 = arith.maximumf %max3A_600, %max3A_602 : vector<16xf32>
        %mul3A_604 = arith.constant 128 : i32
        %mul3A_605 = arith.muli %scan3A_246, %mul3A_604 : i32
        %add3A_606 = arith.constant 32 : i32
        %add3A_607 = arith.addi %mul3A_605, %add3A_606 : i32
        %swap3A_608 = arith.index_cast %add3A_607 : i32 to index
        %swap3A_609 = tpu.vector_load %arg14[%swap3A_608] {strides = array<i32>} : memref<640xf32, #tpu.memory_space<vmem>>, vector<16xf32>,
        %swap3A_610 = vector.shape_cast %swap3A_609 : vector<16xf32> to vector<16xf32>
        %swap3A_611 = vector.shape_cast %max3A_603 : vector<16xf32> to vector<16xf32>
        tpu.vector_store %arg14[%swap3A_608], %swap3A_611 {strides = array<i32>} : memref<640xf32, #tpu.memory_space<vmem>>, vector<16xf32>,
        %add3A_612 = arith.constant 0 : i32
        %add3A_613 = arith.addi %mul3A_248, %add3A_612 : i32
        %get3A_614 = arith.index_cast %add3A_613 : i32 to index
        %get3A_615 = arith.constant 48 : index
        %get3A_616 = tpu.vector_load %arg10[%get3A_614, %get3A_615] {strides = array<i32>} : memref<80x128xf32, #tpu.memory_space<vmem>>, vector<1x16xf32>,
        %get3A_617 = vector.shape_cast %get3A_616 : vector<1x16xf32> to vector<16xf32>
        %add3A_618 = arith.constant 1 : i32
        %add3A_619 = arith.addi %mul3A_248, %add3A_618 : i32
        %get3A_620 = arith.index_cast %add3A_619 : i32 to index
        %get3A_621 = arith.constant 48 : index
        %get3A_622 = tpu.vector_load %arg10[%get3A_620, %get3A_621] {strides = array<i32>} : memref<80x128xf32, #tpu.memory_space<vmem>>, vector<1x16xf32>,
        %get3A_623 = vector.shape_cast %get3A_622 : vector<1x16xf32> to vector<16xf32>
        %max3A_624 = arith.maximumf %get3A_617, %get3A_623 : vector<16xf32>
        %add3A_625 = arith.constant 2 : i32
        %add3A_626 = arith.addi %mul3A_248, %add3A_625 : i32
        %get3A_627 = arith.index_cast %add3A_626 : i32 to index
        %get3A_628 = arith.constant 48 : index
        %get3A_629 = tpu.vector_load %arg10[%get3A_627, %get3A_628] {strides = array<i32>} : memref<80x128xf32, #tpu.memory_space<vmem>>, vector<1x16xf32>,
        %get3A_630 = vector.shape_cast %get3A_629 : vector<1x16xf32> to vector<16xf32>
        %add3A_631 = arith.constant 3 : i32
        %add3A_632 = arith.addi %mul3A_248, %add3A_631 : i32
        %get3A_633 = arith.index_cast %add3A_632 : i32 to index
        %get3A_634 = arith.constant 48 : index
        %get3A_635 = tpu.vector_load %arg10[%get3A_633, %get3A_634] {strides = array<i32>} : memref<80x128xf32, #tpu.memory_space<vmem>>, vector<1x16xf32>,
        %get3A_636 = vector.shape_cast %get3A_635 : vector<1x16xf32> to vector<16xf32>
        %max3A_637 = arith.maximumf %get3A_630, %get3A_636 : vector<16xf32>
        %max3A_638 = arith.maximumf %max3A_624, %max3A_637 : vector<16xf32>
        %add3A_639 = arith.constant 4 : i32
        %add3A_640 = arith.addi %mul3A_248, %add3A_639 : i32
        %get3A_641 = arith.index_cast %add3A_640 : i32 to index
        %get3A_642 = arith.constant 48 : index
        %get3A_643 = tpu.vector_load %arg10[%get3A_641, %get3A_642] {strides = array<i32>} : memref<80x128xf32, #tpu.memory_space<vmem>>, vector<1x16xf32>,
        %get3A_644 = vector.shape_cast %get3A_643 : vector<1x16xf32> to vector<16xf32>
        %add3A_645 = arith.constant 5 : i32
        %add3A_646 = arith.addi %mul3A_248, %add3A_645 : i32
        %get3A_647 = arith.index_cast %add3A_646 : i32 to index
        %get3A_648 = arith.constant 48 : index
        %get3A_649 = tpu.vector_load %arg10[%get3A_647, %get3A_648] {strides = array<i32>} : memref<80x128xf32, #tpu.memory_space<vmem>>, vector<1x16xf32>,
        %get3A_650 = vector.shape_cast %get3A_649 : vector<1x16xf32> to vector<16xf32>
        %max3A_651 = arith.maximumf %get3A_644, %get3A_650 : vector<16xf32>
        %add3A_652 = arith.constant 6 : i32
        %add3A_653 = arith.addi %mul3A_248, %add3A_652 : i32
        %get3A_654 = arith.index_cast %add3A_653 : i32 to index
        %get3A_655 = arith.constant 48 : index
        %get3A_656 = tpu.vector_load %arg10[%get3A_654, %get3A_655] {strides = array<i32>} : memref<80x128xf32, #tpu.memory_space<vmem>>, vector<1x16xf32>,
        %get3A_657 = vector.shape_cast %get3A_656 : vector<1x16xf32> to vector<16xf32>
        %add3A_658 = arith.constant 7 : i32
        %add3A_659 = arith.addi %mul3A_248, %add3A_658 : i32
        %get3A_660 = arith.index_cast %add3A_659 : i32 to index
        %get3A_661 = arith.constant 48 : index
        %get3A_662 = tpu.vector_load %arg10[%get3A_660, %get3A_661] {strides = array<i32>} : memref<80x128xf32, #tpu.memory_space<vmem>>, vector<1x16xf32>,
        %get3A_663 = vector.shape_cast %get3A_662 : vector<1x16xf32> to vector<16xf32>
        %max3A_664 = arith.maximumf %get3A_657, %get3A_663 : vector<16xf32>
        %max3A_665 = arith.maximumf %max3A_651, %max3A_664 : vector<16xf32>
        %max3A_666 = arith.maximumf %max3A_638, %max3A_665 : vector<16xf32>
        %add3A_667 = arith.constant 8 : i32
        %add3A_668 = arith.addi %mul3A_248, %add3A_667 : i32
        %get3A_669 = arith.index_cast %add3A_668 : i32 to index
        %get3A_670 = arith.constant 48 : index
        %get3A_671 = tpu.vector_load %arg10[%get3A_669, %get3A_670] {strides = array<i32>} : memref<80x128xf32, #tpu.memory_space<vmem>>, vector<1x16xf32>,
        %get3A_672 = vector.shape_cast %get3A_671 : vector<1x16xf32> to vector<16xf32>
        %add3A_673 = arith.constant 9 : i32
        %add3A_674 = arith.addi %mul3A_248, %add3A_673 : i32
        %get3A_675 = arith.index_cast %add3A_674 : i32 to index
        %get3A_676 = arith.constant 48 : index
        %get3A_677 = tpu.vector_load %arg10[%get3A_675, %get3A_676] {strides = array<i32>} : memref<80x128xf32, #tpu.memory_space<vmem>>, vector<1x16xf32>,
        %get3A_678 = vector.shape_cast %get3A_677 : vector<1x16xf32> to vector<16xf32>
        %max3A_679 = arith.maximumf %get3A_672, %get3A_678 : vector<16xf32>
        %add3A_680 = arith.constant 10 : i32
        %add3A_681 = arith.addi %mul3A_248, %add3A_680 : i32
        %get3A_682 = arith.index_cast %add3A_681 : i32 to index
        %get3A_683 = arith.constant 48 : index
        %get3A_684 = tpu.vector_load %arg10[%get3A_682, %get3A_683] {strides = array<i32>} : memref<80x128xf32, #tpu.memory_space<vmem>>, vector<1x16xf32>,
        %get3A_685 = vector.shape_cast %get3A_684 : vector<1x16xf32> to vector<16xf32>
        %add3A_686 = arith.constant 11 : i32
        %add3A_687 = arith.addi %mul3A_248, %add3A_686 : i32
        %get3A_688 = arith.index_cast %add3A_687 : i32 to index
        %get3A_689 = arith.constant 48 : index
        %get3A_690 = tpu.vector_load %arg10[%get3A_688, %get3A_689] {strides = array<i32>} : memref<80x128xf32, #tpu.memory_space<vmem>>, vector<1x16xf32>,
        %get3A_691 = vector.shape_cast %get3A_690 : vector<1x16xf32> to vector<16xf32>
        %max3A_692 = arith.maximumf %get3A_685, %get3A_691 : vector<16xf32>
        %max3A_693 = arith.maximumf %max3A_679, %max3A_692 : vector<16xf32>
        %max3A_694 = arith.maximumf %max3A_666, %max3A_693 : vector<16xf32>
        %add3A_695 = arith.constant 12 : i32
        %add3A_696 = arith.addi %mul3A_248, %add3A_695 : i32
        %get3A_697 = arith.index_cast %add3A_696 : i32 to index
        %get3A_698 = arith.constant 48 : index
        %get3A_699 = tpu.vector_load %arg10[%get3A_697, %get3A_698] {strides = array<i32>} : memref<80x128xf32, #tpu.memory_space<vmem>>, vector<1x16xf32>,
        %get3A_700 = vector.shape_cast %get3A_699 : vector<1x16xf32> to vector<16xf32>
        %add3A_701 = arith.constant 13 : i32
        %add3A_702 = arith.addi %mul3A_248, %add3A_701 : i32
        %get3A_703 = arith.index_cast %add3A_702 : i32 to index
        %get3A_704 = arith.constant 48 : index
        %get3A_705 = tpu.vector_load %arg10[%get3A_703, %get3A_704] {strides = array<i32>} : memref<80x128xf32, #tpu.memory_space<vmem>>, vector<1x16xf32>,
        %get3A_706 = vector.shape_cast %get3A_705 : vector<1x16xf32> to vector<16xf32>
        %max3A_707 = arith.maximumf %get3A_700, %get3A_706 : vector<16xf32>
        %add3A_708 = arith.constant 14 : i32
        %add3A_709 = arith.addi %mul3A_248, %add3A_708 : i32
        %get3A_710 = arith.index_cast %add3A_709 : i32 to index
        %get3A_711 = arith.constant 48 : index
        %get3A_712 = tpu.vector_load %arg10[%get3A_710, %get3A_711] {strides = array<i32>} : memref<80x128xf32, #tpu.memory_space<vmem>>, vector<1x16xf32>,
        %get3A_713 = vector.shape_cast %get3A_712 : vector<1x16xf32> to vector<16xf32>
        %add3A_714 = arith.constant 15 : i32
        %add3A_715 = arith.addi %mul3A_248, %add3A_714 : i32
        %get3A_716 = arith.index_cast %add3A_715 : i32 to index
        %get3A_717 = arith.constant 48 : index
        %get3A_718 = tpu.vector_load %arg10[%get3A_716, %get3A_717] {strides = array<i32>} : memref<80x128xf32, #tpu.memory_space<vmem>>, vector<1x16xf32>,
        %get3A_719 = vector.shape_cast %get3A_718 : vector<1x16xf32> to vector<16xf32>
        %max3A_720 = arith.maximumf %get3A_713, %get3A_719 : vector<16xf32>
        %max3A_721 = arith.maximumf %max3A_707, %max3A_720 : vector<16xf32>
        %max3A_722 = arith.maximumf %max3A_694, %max3A_721 : vector<16xf32>
        %max3A_723 = arith.constant 0.000000e+00 : f32
        %max3A_724 = vector.broadcast %max3A_723 : f32 to vector<16xf32>
        %max3A_725 = arith.maximumf %max3A_722, %max3A_724 : vector<16xf32>
        %mul3A_726 = arith.constant 128 : i32
        %mul3A_727 = arith.muli %scan3A_246, %mul3A_726 : i32
        %add3A_728 = arith.constant 48 : i32
        %add3A_729 = arith.addi %mul3A_727, %add3A_728 : i32
        %swap3A_730 = arith.index_cast %add3A_729 : i32 to index
        %swap3A_731 = tpu.vector_load %arg14[%swap3A_730] {strides = array<i32>} : memref<640xf32, #tpu.memory_space<vmem>>, vector<16xf32>,
        %swap3A_732 = vector.shape_cast %swap3A_731 : vector<16xf32> to vector<16xf32>
        %swap3A_733 = vector.shape_cast %max3A_725 : vector<16xf32> to vector<16xf32>
        tpu.vector_store %arg14[%swap3A_730], %swap3A_733 {strides = array<i32>} : memref<640xf32, #tpu.memory_space<vmem>>, vector<16xf32>,
        %add3A_734 = arith.constant 0 : i32
        %add3A_735 = arith.addi %mul3A_248, %add3A_734 : i32
        %get3A_736 = arith.index_cast %add3A_735 : i32 to index
        %get3A_737 = arith.constant 64 : index
        %get3A_738 = tpu.vector_load %arg10[%get3A_736, %get3A_737] {strides = array<i32>} : memref<80x128xf32, #tpu.memory_space<vmem>>, vector<1x16xf32>,
        %get3A_739 = vector.shape_cast %get3A_738 : vector<1x16xf32> to vector<16xf32>
        %add3A_740 = arith.constant 1 : i32
        %add3A_741 = arith.addi %mul3A_248, %add3A_740 : i32
        %get3A_742 = arith.index_cast %add3A_741 : i32 to index
        %get3A_743 = arith.constant 64 : index
        %get3A_744 = tpu.vector_load %arg10[%get3A_742, %get3A_743] {strides = array<i32>} : memref<80x128xf32, #tpu.memory_space<vmem>>, vector<1x16xf32>,
        %get3A_745 = vector.shape_cast %get3A_744 : vector<1x16xf32> to vector<16xf32>
        %max3A_746 = arith.maximumf %get3A_739, %get3A_745 : vector<16xf32>
        %add3A_747 = arith.constant 2 : i32
        %add3A_748 = arith.addi %mul3A_248, %add3A_747 : i32
        %get3A_749 = arith.index_cast %add3A_748 : i32 to index
        %get3A_750 = arith.constant 64 : index
        %get3A_751 = tpu.vector_load %arg10[%get3A_749, %get3A_750] {strides = array<i32>} : memref<80x128xf32, #tpu.memory_space<vmem>>, vector<1x16xf32>,
        %get3A_752 = vector.shape_cast %get3A_751 : vector<1x16xf32> to vector<16xf32>
        %add3A_753 = arith.constant 3 : i32
        %add3A_754 = arith.addi %mul3A_248, %add3A_753 : i32
        %get3A_755 = arith.index_cast %add3A_754 : i32 to index
        %get3A_756 = arith.constant 64 : index
        %get3A_757 = tpu.vector_load %arg10[%get3A_755, %get3A_756] {strides = array<i32>} : memref<80x128xf32, #tpu.memory_space<vmem>>, vector<1x16xf32>,
        %get3A_758 = vector.shape_cast %get3A_757 : vector<1x16xf32> to vector<16xf32>
        %max3A_759 = arith.maximumf %get3A_752, %get3A_758 : vector<16xf32>
        %max3A_760 = arith.maximumf %max3A_746, %max3A_759 : vector<16xf32>
        %add3A_761 = arith.constant 4 : i32
        %add3A_762 = arith.addi %mul3A_248, %add3A_761 : i32
        %get3A_763 = arith.index_cast %add3A_762 : i32 to index
        %get3A_764 = arith.constant 64 : index
        %get3A_765 = tpu.vector_load %arg10[%get3A_763, %get3A_764] {strides = array<i32>} : memref<80x128xf32, #tpu.memory_space<vmem>>, vector<1x16xf32>,
        %get3A_766 = vector.shape_cast %get3A_765 : vector<1x16xf32> to vector<16xf32>
        %add3A_767 = arith.constant 5 : i32
        %add3A_768 = arith.addi %mul3A_248, %add3A_767 : i32
        %get3A_769 = arith.index_cast %add3A_768 : i32 to index
        %get3A_770 = arith.constant 64 : index
        %get3A_771 = tpu.vector_load %arg10[%get3A_769, %get3A_770] {strides = array<i32>} : memref<80x128xf32, #tpu.memory_space<vmem>>, vector<1x16xf32>,
        %get3A_772 = vector.shape_cast %get3A_771 : vector<1x16xf32> to vector<16xf32>
        %max3A_773 = arith.maximumf %get3A_766, %get3A_772 : vector<16xf32>
        %add3A_774 = arith.constant 6 : i32
        %add3A_775 = arith.addi %mul3A_248, %add3A_774 : i32
        %get3A_776 = arith.index_cast %add3A_775 : i32 to index
        %get3A_777 = arith.constant 64 : index
        %get3A_778 = tpu.vector_load %arg10[%get3A_776, %get3A_777] {strides = array<i32>} : memref<80x128xf32, #tpu.memory_space<vmem>>, vector<1x16xf32>,
        %get3A_779 = vector.shape_cast %get3A_778 : vector<1x16xf32> to vector<16xf32>
        %add3A_780 = arith.constant 7 : i32
        %add3A_781 = arith.addi %mul3A_248, %add3A_780 : i32
        %get3A_782 = arith.index_cast %add3A_781 : i32 to index
        %get3A_783 = arith.constant 64 : index
        %get3A_784 = tpu.vector_load %arg10[%get3A_782, %get3A_783] {strides = array<i32>} : memref<80x128xf32, #tpu.memory_space<vmem>>, vector<1x16xf32>,
        %get3A_785 = vector.shape_cast %get3A_784 : vector<1x16xf32> to vector<16xf32>
        %max3A_786 = arith.maximumf %get3A_779, %get3A_785 : vector<16xf32>
        %max3A_787 = arith.maximumf %max3A_773, %max3A_786 : vector<16xf32>
        %max3A_788 = arith.maximumf %max3A_760, %max3A_787 : vector<16xf32>
        %add3A_789 = arith.constant 8 : i32
        %add3A_790 = arith.addi %mul3A_248, %add3A_789 : i32
        %get3A_791 = arith.index_cast %add3A_790 : i32 to index
        %get3A_792 = arith.constant 64 : index
        %get3A_793 = tpu.vector_load %arg10[%get3A_791, %get3A_792] {strides = array<i32>} : memref<80x128xf32, #tpu.memory_space<vmem>>, vector<1x16xf32>,
        %get3A_794 = vector.shape_cast %get3A_793 : vector<1x16xf32> to vector<16xf32>
        %add3A_795 = arith.constant 9 : i32
        %add3A_796 = arith.addi %mul3A_248, %add3A_795 : i32
        %get3A_797 = arith.index_cast %add3A_796 : i32 to index
        %get3A_798 = arith.constant 64 : index
        %get3A_799 = tpu.vector_load %arg10[%get3A_797, %get3A_798] {strides = array<i32>} : memref<80x128xf32, #tpu.memory_space<vmem>>, vector<1x16xf32>,
        %get3A_800 = vector.shape_cast %get3A_799 : vector<1x16xf32> to vector<16xf32>
        %max3A_801 = arith.maximumf %get3A_794, %get3A_800 : vector<16xf32>
        %add3A_802 = arith.constant 10 : i32
        %add3A_803 = arith.addi %mul3A_248, %add3A_802 : i32
        %get3A_804 = arith.index_cast %add3A_803 : i32 to index
        %get3A_805 = arith.constant 64 : index
        %get3A_806 = tpu.vector_load %arg10[%get3A_804, %get3A_805] {strides = array<i32>} : memref<80x128xf32, #tpu.memory_space<vmem>>, vector<1x16xf32>,
        %get3A_807 = vector.shape_cast %get3A_806 : vector<1x16xf32> to vector<16xf32>
        %add3A_808 = arith.constant 11 : i32
        %add3A_809 = arith.addi %mul3A_248, %add3A_808 : i32
        %get3A_810 = arith.index_cast %add3A_809 : i32 to index
        %get3A_811 = arith.constant 64 : index
        %get3A_812 = tpu.vector_load %arg10[%get3A_810, %get3A_811] {strides = array<i32>} : memref<80x128xf32, #tpu.memory_space<vmem>>, vector<1x16xf32>,
        %get3A_813 = vector.shape_cast %get3A_812 : vector<1x16xf32> to vector<16xf32>
        %max3A_814 = arith.maximumf %get3A_807, %get3A_813 : vector<16xf32>
        %max3A_815 = arith.maximumf %max3A_801, %max3A_814 : vector<16xf32>
        %max3A_816 = arith.maximumf %max3A_788, %max3A_815 : vector<16xf32>
        %add3A_817 = arith.constant 12 : i32
        %add3A_818 = arith.addi %mul3A_248, %add3A_817 : i32
        %get3A_819 = arith.index_cast %add3A_818 : i32 to index
        %get3A_820 = arith.constant 64 : index
        %get3A_821 = tpu.vector_load %arg10[%get3A_819, %get3A_820] {strides = array<i32>} : memref<80x128xf32, #tpu.memory_space<vmem>>, vector<1x16xf32>,
        %get3A_822 = vector.shape_cast %get3A_821 : vector<1x16xf32> to vector<16xf32>
        %add3A_823 = arith.constant 13 : i32
        %add3A_824 = arith.addi %mul3A_248, %add3A_823 : i32
        %get3A_825 = arith.index_cast %add3A_824 : i32 to index
        %get3A_826 = arith.constant 64 : index
        %get3A_827 = tpu.vector_load %arg10[%get3A_825, %get3A_826] {strides = array<i32>} : memref<80x128xf32, #tpu.memory_space<vmem>>, vector<1x16xf32>,
        %get3A_828 = vector.shape_cast %get3A_827 : vector<1x16xf32> to vector<16xf32>
        %max3A_829 = arith.maximumf %get3A_822, %get3A_828 : vector<16xf32>
        %add3A_830 = arith.constant 14 : i32
        %add3A_831 = arith.addi %mul3A_248, %add3A_830 : i32
        %get3A_832 = arith.index_cast %add3A_831 : i32 to index
        %get3A_833 = arith.constant 64 : index
        %get3A_834 = tpu.vector_load %arg10[%get3A_832, %get3A_833] {strides = array<i32>} : memref<80x128xf32, #tpu.memory_space<vmem>>, vector<1x16xf32>,
        %get3A_835 = vector.shape_cast %get3A_834 : vector<1x16xf32> to vector<16xf32>
        %add3A_836 = arith.constant 15 : i32
        %add3A_837 = arith.addi %mul3A_248, %add3A_836 : i32
        %get3A_838 = arith.index_cast %add3A_837 : i32 to index
        %get3A_839 = arith.constant 64 : index
        %get3A_840 = tpu.vector_load %arg10[%get3A_838, %get3A_839] {strides = array<i32>} : memref<80x128xf32, #tpu.memory_space<vmem>>, vector<1x16xf32>,
        %get3A_841 = vector.shape_cast %get3A_840 : vector<1x16xf32> to vector<16xf32>
        %max3A_842 = arith.maximumf %get3A_835, %get3A_841 : vector<16xf32>
        %max3A_843 = arith.maximumf %max3A_829, %max3A_842 : vector<16xf32>
        %max3A_844 = arith.maximumf %max3A_816, %max3A_843 : vector<16xf32>
        %max3A_845 = arith.constant 0.000000e+00 : f32
        %max3A_846 = vector.broadcast %max3A_845 : f32 to vector<16xf32>
        %max3A_847 = arith.maximumf %max3A_844, %max3A_846 : vector<16xf32>
        %mul3A_848 = arith.constant 128 : i32
        %mul3A_849 = arith.muli %scan3A_246, %mul3A_848 : i32
        %add3A_850 = arith.constant 64 : i32
        %add3A_851 = arith.addi %mul3A_849, %add3A_850 : i32
        %swap3A_852 = arith.index_cast %add3A_851 : i32 to index
        %swap3A_853 = tpu.vector_load %arg14[%swap3A_852] {strides = array<i32>} : memref<640xf32, #tpu.memory_space<vmem>>, vector<16xf32>,
        %swap3A_854 = vector.shape_cast %swap3A_853 : vector<16xf32> to vector<16xf32>
        %swap3A_855 = vector.shape_cast %max3A_847 : vector<16xf32> to vector<16xf32>
        tpu.vector_store %arg14[%swap3A_852], %swap3A_855 {strides = array<i32>} : memref<640xf32, #tpu.memory_space<vmem>>, vector<16xf32>,
        %add3A_856 = arith.constant 0 : i32
        %add3A_857 = arith.addi %mul3A_248, %add3A_856 : i32
        %get3A_858 = arith.index_cast %add3A_857 : i32 to index
        %get3A_859 = arith.constant 80 : index
        %get3A_860 = tpu.vector_load %arg10[%get3A_858, %get3A_859] {strides = array<i32>} : memref<80x128xf32, #tpu.memory_space<vmem>>, vector<1x16xf32>,
        %get3A_861 = vector.shape_cast %get3A_860 : vector<1x16xf32> to vector<16xf32>
        %add3A_862 = arith.constant 1 : i32
        %add3A_863 = arith.addi %mul3A_248, %add3A_862 : i32
        %get3A_864 = arith.index_cast %add3A_863 : i32 to index
        %get3A_865 = arith.constant 80 : index
        %get3A_866 = tpu.vector_load %arg10[%get3A_864, %get3A_865] {strides = array<i32>} : memref<80x128xf32, #tpu.memory_space<vmem>>, vector<1x16xf32>,
        %get3A_867 = vector.shape_cast %get3A_866 : vector<1x16xf32> to vector<16xf32>
        %max3A_868 = arith.maximumf %get3A_861, %get3A_867 : vector<16xf32>
        %add3A_869 = arith.constant 2 : i32
        %add3A_870 = arith.addi %mul3A_248, %add3A_869 : i32
        %get3A_871 = arith.index_cast %add3A_870 : i32 to index
        %get3A_872 = arith.constant 80 : index
        %get3A_873 = tpu.vector_load %arg10[%get3A_871, %get3A_872] {strides = array<i32>} : memref<80x128xf32, #tpu.memory_space<vmem>>, vector<1x16xf32>,
        %get3A_874 = vector.shape_cast %get3A_873 : vector<1x16xf32> to vector<16xf32>
        %add3A_875 = arith.constant 3 : i32
        %add3A_876 = arith.addi %mul3A_248, %add3A_875 : i32
        %get3A_877 = arith.index_cast %add3A_876 : i32 to index
        %get3A_878 = arith.constant 80 : index
        %get3A_879 = tpu.vector_load %arg10[%get3A_877, %get3A_878] {strides = array<i32>} : memref<80x128xf32, #tpu.memory_space<vmem>>, vector<1x16xf32>,
        %get3A_880 = vector.shape_cast %get3A_879 : vector<1x16xf32> to vector<16xf32>
        %max3A_881 = arith.maximumf %get3A_874, %get3A_880 : vector<16xf32>
        %max3A_882 = arith.maximumf %max3A_868, %max3A_881 : vector<16xf32>
        %add3A_883 = arith.constant 4 : i32
        %add3A_884 = arith.addi %mul3A_248, %add3A_883 : i32
        %get3A_885 = arith.index_cast %add3A_884 : i32 to index
        %get3A_886 = arith.constant 80 : index
        %get3A_887 = tpu.vector_load %arg10[%get3A_885, %get3A_886] {strides = array<i32>} : memref<80x128xf32, #tpu.memory_space<vmem>>, vector<1x16xf32>,
        %get3A_888 = vector.shape_cast %get3A_887 : vector<1x16xf32> to vector<16xf32>
        %add3A_889 = arith.constant 5 : i32
        %add3A_890 = arith.addi %mul3A_248, %add3A_889 : i32
        %get3A_891 = arith.index_cast %add3A_890 : i32 to index
        %get3A_892 = arith.constant 80 : index
        %get3A_893 = tpu.vector_load %arg10[%get3A_891, %get3A_892] {strides = array<i32>} : memref<80x128xf32, #tpu.memory_space<vmem>>, vector<1x16xf32>,
        %get3A_894 = vector.shape_cast %get3A_893 : vector<1x16xf32> to vector<16xf32>
        %max3A_895 = arith.maximumf %get3A_888, %get3A_894 : vector<16xf32>
        %add3A_896 = arith.constant 6 : i32
        %add3A_897 = arith.addi %mul3A_248, %add3A_896 : i32
        %get3A_898 = arith.index_cast %add3A_897 : i32 to index
        %get3A_899 = arith.constant 80 : index
        %get3A_900 = tpu.vector_load %arg10[%get3A_898, %get3A_899] {strides = array<i32>} : memref<80x128xf32, #tpu.memory_space<vmem>>, vector<1x16xf32>,
        %get3A_901 = vector.shape_cast %get3A_900 : vector<1x16xf32> to vector<16xf32>
        %add3A_902 = arith.constant 7 : i32
        %add3A_903 = arith.addi %mul3A_248, %add3A_902 : i32
        %get3A_904 = arith.index_cast %add3A_903 : i32 to index
        %get3A_905 = arith.constant 80 : index
        %get3A_906 = tpu.vector_load %arg10[%get3A_904, %get3A_905] {strides = array<i32>} : memref<80x128xf32, #tpu.memory_space<vmem>>, vector<1x16xf32>,
        %get3A_907 = vector.shape_cast %get3A_906 : vector<1x16xf32> to vector<16xf32>
        %max3A_908 = arith.maximumf %get3A_901, %get3A_907 : vector<16xf32>
        %max3A_909 = arith.maximumf %max3A_895, %max3A_908 : vector<16xf32>
        %max3A_910 = arith.maximumf %max3A_882, %max3A_909 : vector<16xf32>
        %add3A_911 = arith.constant 8 : i32
        %add3A_912 = arith.addi %mul3A_248, %add3A_911 : i32
        %get3A_913 = arith.index_cast %add3A_912 : i32 to index
        %get3A_914 = arith.constant 80 : index
        %get3A_915 = tpu.vector_load %arg10[%get3A_913, %get3A_914] {strides = array<i32>} : memref<80x128xf32, #tpu.memory_space<vmem>>, vector<1x16xf32>,
        %get3A_916 = vector.shape_cast %get3A_915 : vector<1x16xf32> to vector<16xf32>
        %add3A_917 = arith.constant 9 : i32
        %add3A_918 = arith.addi %mul3A_248, %add3A_917 : i32
        %get3A_919 = arith.index_cast %add3A_918 : i32 to index
        %get3A_920 = arith.constant 80 : index
        %get3A_921 = tpu.vector_load %arg10[%get3A_919, %get3A_920] {strides = array<i32>} : memref<80x128xf32, #tpu.memory_space<vmem>>, vector<1x16xf32>,
        %get3A_922 = vector.shape_cast %get3A_921 : vector<1x16xf32> to vector<16xf32>
        %max3A_923 = arith.maximumf %get3A_916, %get3A_922 : vector<16xf32>
        %add3A_924 = arith.constant 10 : i32
        %add3A_925 = arith.addi %mul3A_248, %add3A_924 : i32
        %get3A_926 = arith.index_cast %add3A_925 : i32 to index
        %get3A_927 = arith.constant 80 : index
        %get3A_928 = tpu.vector_load %arg10[%get3A_926, %get3A_927] {strides = array<i32>} : memref<80x128xf32, #tpu.memory_space<vmem>>, vector<1x16xf32>,
        %get3A_929 = vector.shape_cast %get3A_928 : vector<1x16xf32> to vector<16xf32>
        %add3A_930 = arith.constant 11 : i32
        %add3A_931 = arith.addi %mul3A_248, %add3A_930 : i32
        %get3A_932 = arith.index_cast %add3A_931 : i32 to index
        %get3A_933 = arith.constant 80 : index
        %get3A_934 = tpu.vector_load %arg10[%get3A_932, %get3A_933] {strides = array<i32>} : memref<80x128xf32, #tpu.memory_space<vmem>>, vector<1x16xf32>,
        %get3A_935 = vector.shape_cast %get3A_934 : vector<1x16xf32> to vector<16xf32>
        %max3A_936 = arith.maximumf %get3A_929, %get3A_935 : vector<16xf32>
        %max3A_937 = arith.maximumf %max3A_923, %max3A_936 : vector<16xf32>
        %max3A_938 = arith.maximumf %max3A_910, %max3A_937 : vector<16xf32>
        %add3A_939 = arith.constant 12 : i32
        %add3A_940 = arith.addi %mul3A_248, %add3A_939 : i32
        %get3A_941 = arith.index_cast %add3A_940 : i32 to index
        %get3A_942 = arith.constant 80 : index
        %get3A_943 = tpu.vector_load %arg10[%get3A_941, %get3A_942] {strides = array<i32>} : memref<80x128xf32, #tpu.memory_space<vmem>>, vector<1x16xf32>,
        %get3A_944 = vector.shape_cast %get3A_943 : vector<1x16xf32> to vector<16xf32>
        %add3A_945 = arith.constant 13 : i32
        %add3A_946 = arith.addi %mul3A_248, %add3A_945 : i32
        %get3A_947 = arith.index_cast %add3A_946 : i32 to index
        %get3A_948 = arith.constant 80 : index
        %get3A_949 = tpu.vector_load %arg10[%get3A_947, %get3A_948] {strides = array<i32>} : memref<80x128xf32, #tpu.memory_space<vmem>>, vector<1x16xf32>,
        %get3A_950 = vector.shape_cast %get3A_949 : vector<1x16xf32> to vector<16xf32>
        %max3A_951 = arith.maximumf %get3A_944, %get3A_950 : vector<16xf32>
        %add3A_952 = arith.constant 14 : i32
        %add3A_953 = arith.addi %mul3A_248, %add3A_952 : i32
        %get3A_954 = arith.index_cast %add3A_953 : i32 to index
        %get3A_955 = arith.constant 80 : index
        %get3A_956 = tpu.vector_load %arg10[%get3A_954, %get3A_955] {strides = array<i32>} : memref<80x128xf32, #tpu.memory_space<vmem>>, vector<1x16xf32>,
        %get3A_957 = vector.shape_cast %get3A_956 : vector<1x16xf32> to vector<16xf32>
        %add3A_958 = arith.constant 15 : i32
        %add3A_959 = arith.addi %mul3A_248, %add3A_958 : i32
        %get3A_960 = arith.index_cast %add3A_959 : i32 to index
        %get3A_961 = arith.constant 80 : index
        %get3A_962 = tpu.vector_load %arg10[%get3A_960, %get3A_961] {strides = array<i32>} : memref<80x128xf32, #tpu.memory_space<vmem>>, vector<1x16xf32>,
        %get3A_963 = vector.shape_cast %get3A_962 : vector<1x16xf32> to vector<16xf32>
        %max3A_964 = arith.maximumf %get3A_957, %get3A_963 : vector<16xf32>
        %max3A_965 = arith.maximumf %max3A_951, %max3A_964 : vector<16xf32>
        %max3A_966 = arith.maximumf %max3A_938, %max3A_965 : vector<16xf32>
        %max3A_967 = arith.constant 0.000000e+00 : f32
        %max3A_968 = vector.broadcast %max3A_967 : f32 to vector<16xf32>
        %max3A_969 = arith.maximumf %max3A_966, %max3A_968 : vector<16xf32>
        %mul3A_970 = arith.constant 128 : i32
        %mul3A_971 = arith.muli %scan3A_246, %mul3A_970 : i32
        %add3A_972 = arith.constant 80 : i32
        %add3A_973 = arith.addi %mul3A_971, %add3A_972 : i32
        %swap3A_974 = arith.index_cast %add3A_973 : i32 to index
        %swap3A_975 = tpu.vector_load %arg14[%swap3A_974] {strides = array<i32>} : memref<640xf32, #tpu.memory_space<vmem>>, vector<16xf32>,
        %swap3A_976 = vector.shape_cast %swap3A_975 : vector<16xf32> to vector<16xf32>
        %swap3A_977 = vector.shape_cast %max3A_969 : vector<16xf32> to vector<16xf32>
        tpu.vector_store %arg14[%swap3A_974], %swap3A_977 {strides = array<i32>} : memref<640xf32, #tpu.memory_space<vmem>>, vector<16xf32>,
        %add3A_978 = arith.constant 0 : i32
        %add3A_979 = arith.addi %mul3A_248, %add3A_978 : i32
        %get3A_980 = arith.index_cast %add3A_979 : i32 to index
        %get3A_981 = arith.constant 96 : index
        %get3A_982 = tpu.vector_load %arg10[%get3A_980, %get3A_981] {strides = array<i32>} : memref<80x128xf32, #tpu.memory_space<vmem>>, vector<1x16xf32>,
        %get3A_983 = vector.shape_cast %get3A_982 : vector<1x16xf32> to vector<16xf32>
        %add3A_984 = arith.constant 1 : i32
        %add3A_985 = arith.addi %mul3A_248, %add3A_984 : i32
        %get3A_986 = arith.index_cast %add3A_985 : i32 to index
        %get3A_987 = arith.constant 96 : index
        %get3A_988 = tpu.vector_load %arg10[%get3A_986, %get3A_987] {strides = array<i32>} : memref<80x128xf32, #tpu.memory_space<vmem>>, vector<1x16xf32>,
        %get3A_989 = vector.shape_cast %get3A_988 : vector<1x16xf32> to vector<16xf32>
        %max3A_990 = arith.maximumf %get3A_983, %get3A_989 : vector<16xf32>
        %add3A_991 = arith.constant 2 : i32
        %add3A_992 = arith.addi %mul3A_248, %add3A_991 : i32
        %get3A_993 = arith.index_cast %add3A_992 : i32 to index
        %get3A_994 = arith.constant 96 : index
        %get3A_995 = tpu.vector_load %arg10[%get3A_993, %get3A_994] {strides = array<i32>} : memref<80x128xf32, #tpu.memory_space<vmem>>, vector<1x16xf32>,
        %get3A_996 = vector.shape_cast %get3A_995 : vector<1x16xf32> to vector<16xf32>
        %add3A_997 = arith.constant 3 : i32
        %add3A_998 = arith.addi %mul3A_248, %add3A_997 : i32
        %get3A_999 = arith.index_cast %add3A_998 : i32 to index
        %get3A_1000 = arith.constant 96 : index
        %get3A_1001 = tpu.vector_load %arg10[%get3A_999, %get3A_1000] {strides = array<i32>} : memref<80x128xf32, #tpu.memory_space<vmem>>, vector<1x16xf32>,
        %get3A_1002 = vector.shape_cast %get3A_1001 : vector<1x16xf32> to vector<16xf32>
        %max3A_1003 = arith.maximumf %get3A_996, %get3A_1002 : vector<16xf32>
        %max3A_1004 = arith.maximumf %max3A_990, %max3A_1003 : vector<16xf32>
        %add3A_1005 = arith.constant 4 : i32
        %add3A_1006 = arith.addi %mul3A_248, %add3A_1005 : i32
        %get3A_1007 = arith.index_cast %add3A_1006 : i32 to index
        %get3A_1008 = arith.constant 96 : index
        %get3A_1009 = tpu.vector_load %arg10[%get3A_1007, %get3A_1008] {strides = array<i32>} : memref<80x128xf32, #tpu.memory_space<vmem>>, vector<1x16xf32>,
        %get3A_1010 = vector.shape_cast %get3A_1009 : vector<1x16xf32> to vector<16xf32>
        %add3A_1011 = arith.constant 5 : i32
        %add3A_1012 = arith.addi %mul3A_248, %add3A_1011 : i32
        %get3A_1013 = arith.index_cast %add3A_1012 : i32 to index
        %get3A_1014 = arith.constant 96 : index
        %get3A_1015 = tpu.vector_load %arg10[%get3A_1013, %get3A_1014] {strides = array<i32>} : memref<80x128xf32, #tpu.memory_space<vmem>>, vector<1x16xf32>,
        %get3A_1016 = vector.shape_cast %get3A_1015 : vector<1x16xf32> to vector<16xf32>
        %max3A_1017 = arith.maximumf %get3A_1010, %get3A_1016 : vector<16xf32>
        %add3A_1018 = arith.constant 6 : i32
        %add3A_1019 = arith.addi %mul3A_248, %add3A_1018 : i32
        %get3A_1020 = arith.index_cast %add3A_1019 : i32 to index
        %get3A_1021 = arith.constant 96 : index
        %get3A_1022 = tpu.vector_load %arg10[%get3A_1020, %get3A_1021] {strides = array<i32>} : memref<80x128xf32, #tpu.memory_space<vmem>>, vector<1x16xf32>,
        %get3A_1023 = vector.shape_cast %get3A_1022 : vector<1x16xf32> to vector<16xf32>
        %add3A_1024 = arith.constant 7 : i32
        %add3A_1025 = arith.addi %mul3A_248, %add3A_1024 : i32
        %get3A_1026 = arith.index_cast %add3A_1025 : i32 to index
        %get3A_1027 = arith.constant 96 : index
        %get3A_1028 = tpu.vector_load %arg10[%get3A_1026, %get3A_1027] {strides = array<i32>} : memref<80x128xf32, #tpu.memory_space<vmem>>, vector<1x16xf32>,
        %get3A_1029 = vector.shape_cast %get3A_1028 : vector<1x16xf32> to vector<16xf32>
        %max3A_1030 = arith.maximumf %get3A_1023, %get3A_1029 : vector<16xf32>
        %max3A_1031 = arith.maximumf %max3A_1017, %max3A_1030 : vector<16xf32>
        %max3A_1032 = arith.maximumf %max3A_1004, %max3A_1031 : vector<16xf32>
        %add3A_1033 = arith.constant 8 : i32
        %add3A_1034 = arith.addi %mul3A_248, %add3A_1033 : i32
        %get3A_1035 = arith.index_cast %add3A_1034 : i32 to index
        %get3A_1036 = arith.constant 96 : index
        %get3A_1037 = tpu.vector_load %arg10[%get3A_1035, %get3A_1036] {strides = array<i32>} : memref<80x128xf32, #tpu.memory_space<vmem>>, vector<1x16xf32>,
        %get3A_1038 = vector.shape_cast %get3A_1037 : vector<1x16xf32> to vector<16xf32>
        %add3A_1039 = arith.constant 9 : i32
        %add3A_1040 = arith.addi %mul3A_248, %add3A_1039 : i32
        %get3A_1041 = arith.index_cast %add3A_1040 : i32 to index
        %get3A_1042 = arith.constant 96 : index
        %get3A_1043 = tpu.vector_load %arg10[%get3A_1041, %get3A_1042] {strides = array<i32>} : memref<80x128xf32, #tpu.memory_space<vmem>>, vector<1x16xf32>,
        %get3A_1044 = vector.shape_cast %get3A_1043 : vector<1x16xf32> to vector<16xf32>
        %max3A_1045 = arith.maximumf %get3A_1038, %get3A_1044 : vector<16xf32>
        %add3A_1046 = arith.constant 10 : i32
        %add3A_1047 = arith.addi %mul3A_248, %add3A_1046 : i32
        %get3A_1048 = arith.index_cast %add3A_1047 : i32 to index
        %get3A_1049 = arith.constant 96 : index
        %get3A_1050 = tpu.vector_load %arg10[%get3A_1048, %get3A_1049] {strides = array<i32>} : memref<80x128xf32, #tpu.memory_space<vmem>>, vector<1x16xf32>,
        %get3A_1051 = vector.shape_cast %get3A_1050 : vector<1x16xf32> to vector<16xf32>
        %add3A_1052 = arith.constant 11 : i32
        %add3A_1053 = arith.addi %mul3A_248, %add3A_1052 : i32
        %get3A_1054 = arith.index_cast %add3A_1053 : i32 to index
        %get3A_1055 = arith.constant 96 : index
        %get3A_1056 = tpu.vector_load %arg10[%get3A_1054, %get3A_1055] {strides = array<i32>} : memref<80x128xf32, #tpu.memory_space<vmem>>, vector<1x16xf32>,
        %get3A_1057 = vector.shape_cast %get3A_1056 : vector<1x16xf32> to vector<16xf32>
        %max3A_1058 = arith.maximumf %get3A_1051, %get3A_1057 : vector<16xf32>
        %max3A_1059 = arith.maximumf %max3A_1045, %max3A_1058 : vector<16xf32>
        %max3A_1060 = arith.maximumf %max3A_1032, %max3A_1059 : vector<16xf32>
        %add3A_1061 = arith.constant 12 : i32
        %add3A_1062 = arith.addi %mul3A_248, %add3A_1061 : i32
        %get3A_1063 = arith.index_cast %add3A_1062 : i32 to index
        %get3A_1064 = arith.constant 96 : index
        %get3A_1065 = tpu.vector_load %arg10[%get3A_1063, %get3A_1064] {strides = array<i32>} : memref<80x128xf32, #tpu.memory_space<vmem>>, vector<1x16xf32>,
        %get3A_1066 = vector.shape_cast %get3A_1065 : vector<1x16xf32> to vector<16xf32>
        %add3A_1067 = arith.constant 13 : i32
        %add3A_1068 = arith.addi %mul3A_248, %add3A_1067 : i32
        %get3A_1069 = arith.index_cast %add3A_1068 : i32 to index
        %get3A_1070 = arith.constant 96 : index
        %get3A_1071 = tpu.vector_load %arg10[%get3A_1069, %get3A_1070] {strides = array<i32>} : memref<80x128xf32, #tpu.memory_space<vmem>>, vector<1x16xf32>,
        %get3A_1072 = vector.shape_cast %get3A_1071 : vector<1x16xf32> to vector<16xf32>
        %max3A_1073 = arith.maximumf %get3A_1066, %get3A_1072 : vector<16xf32>
        %add3A_1074 = arith.constant 14 : i32
        %add3A_1075 = arith.addi %mul3A_248, %add3A_1074 : i32
        %get3A_1076 = arith.index_cast %add3A_1075 : i32 to index
        %get3A_1077 = arith.constant 96 : index
        %get3A_1078 = tpu.vector_load %arg10[%get3A_1076, %get3A_1077] {strides = array<i32>} : memref<80x128xf32, #tpu.memory_space<vmem>>, vector<1x16xf32>,
        %get3A_1079 = vector.shape_cast %get3A_1078 : vector<1x16xf32> to vector<16xf32>
        %add3A_1080 = arith.constant 15 : i32
        %add3A_1081 = arith.addi %mul3A_248, %add3A_1080 : i32
        %get3A_1082 = arith.index_cast %add3A_1081 : i32 to index
        %get3A_1083 = arith.constant 96 : index
        %get3A_1084 = tpu.vector_load %arg10[%get3A_1082, %get3A_1083] {strides = array<i32>} : memref<80x128xf32, #tpu.memory_space<vmem>>, vector<1x16xf32>,
        %get3A_1085 = vector.shape_cast %get3A_1084 : vector<1x16xf32> to vector<16xf32>
        %max3A_1086 = arith.maximumf %get3A_1079, %get3A_1085 : vector<16xf32>
        %max3A_1087 = arith.maximumf %max3A_1073, %max3A_1086 : vector<16xf32>
        %max3A_1088 = arith.maximumf %max3A_1060, %max3A_1087 : vector<16xf32>
        %max3A_1089 = arith.constant 0.000000e+00 : f32
        %max3A_1090 = vector.broadcast %max3A_1089 : f32 to vector<16xf32>
        %max3A_1091 = arith.maximumf %max3A_1088, %max3A_1090 : vector<16xf32>
        %mul3A_1092 = arith.constant 128 : i32
        %mul3A_1093 = arith.muli %scan3A_246, %mul3A_1092 : i32
        %add3A_1094 = arith.constant 96 : i32
        %add3A_1095 = arith.addi %mul3A_1093, %add3A_1094 : i32
        %swap3A_1096 = arith.index_cast %add3A_1095 : i32 to index
        %swap3A_1097 = tpu.vector_load %arg14[%swap3A_1096] {strides = array<i32>} : memref<640xf32, #tpu.memory_space<vmem>>, vector<16xf32>,
        %swap3A_1098 = vector.shape_cast %swap3A_1097 : vector<16xf32> to vector<16xf32>
        %swap3A_1099 = vector.shape_cast %max3A_1091 : vector<16xf32> to vector<16xf32>
        tpu.vector_store %arg14[%swap3A_1096], %swap3A_1099 {strides = array<i32>} : memref<640xf32, #tpu.memory_space<vmem>>, vector<16xf32>,
        %add3A_1100 = arith.constant 0 : i32
        %add3A_1101 = arith.addi %mul3A_248, %add3A_1100 : i32
        %get3A_1102 = arith.index_cast %add3A_1101 : i32 to index
        %get3A_1103 = arith.constant 112 : index
        %get3A_1104 = tpu.vector_load %arg10[%get3A_1102, %get3A_1103] {strides = array<i32>} : memref<80x128xf32, #tpu.memory_space<vmem>>, vector<1x16xf32>,
        %get3A_1105 = vector.shape_cast %get3A_1104 : vector<1x16xf32> to vector<16xf32>
        %add3A_1106 = arith.constant 1 : i32
        %add3A_1107 = arith.addi %mul3A_248, %add3A_1106 : i32
        %get3A_1108 = arith.index_cast %add3A_1107 : i32 to index
        %get3A_1109 = arith.constant 112 : index
        %get3A_1110 = tpu.vector_load %arg10[%get3A_1108, %get3A_1109] {strides = array<i32>} : memref<80x128xf32, #tpu.memory_space<vmem>>, vector<1x16xf32>,
        %get3A_1111 = vector.shape_cast %get3A_1110 : vector<1x16xf32> to vector<16xf32>
        %max3A_1112 = arith.maximumf %get3A_1105, %get3A_1111 : vector<16xf32>
        %add3A_1113 = arith.constant 2 : i32
        %add3A_1114 = arith.addi %mul3A_248, %add3A_1113 : i32
        %get3A_1115 = arith.index_cast %add3A_1114 : i32 to index
        %get3A_1116 = arith.constant 112 : index
        %get3A_1117 = tpu.vector_load %arg10[%get3A_1115, %get3A_1116] {strides = array<i32>} : memref<80x128xf32, #tpu.memory_space<vmem>>, vector<1x16xf32>,
        %get3A_1118 = vector.shape_cast %get3A_1117 : vector<1x16xf32> to vector<16xf32>
        %add3A_1119 = arith.constant 3 : i32
        %add3A_1120 = arith.addi %mul3A_248, %add3A_1119 : i32
        %get3A_1121 = arith.index_cast %add3A_1120 : i32 to index
        %get3A_1122 = arith.constant 112 : index
        %get3A_1123 = tpu.vector_load %arg10[%get3A_1121, %get3A_1122] {strides = array<i32>} : memref<80x128xf32, #tpu.memory_space<vmem>>, vector<1x16xf32>,
        %get3A_1124 = vector.shape_cast %get3A_1123 : vector<1x16xf32> to vector<16xf32>
        %max3A_1125 = arith.maximumf %get3A_1118, %get3A_1124 : vector<16xf32>
        %max3A_1126 = arith.maximumf %max3A_1112, %max3A_1125 : vector<16xf32>
        %add3A_1127 = arith.constant 4 : i32
        %add3A_1128 = arith.addi %mul3A_248, %add3A_1127 : i32
        %get3A_1129 = arith.index_cast %add3A_1128 : i32 to index
        %get3A_1130 = arith.constant 112 : index
        %get3A_1131 = tpu.vector_load %arg10[%get3A_1129, %get3A_1130] {strides = array<i32>} : memref<80x128xf32, #tpu.memory_space<vmem>>, vector<1x16xf32>,
        %get3A_1132 = vector.shape_cast %get3A_1131 : vector<1x16xf32> to vector<16xf32>
        %add3A_1133 = arith.constant 5 : i32
        %add3A_1134 = arith.addi %mul3A_248, %add3A_1133 : i32
        %get3A_1135 = arith.index_cast %add3A_1134 : i32 to index
        %get3A_1136 = arith.constant 112 : index
        %get3A_1137 = tpu.vector_load %arg10[%get3A_1135, %get3A_1136] {strides = array<i32>} : memref<80x128xf32, #tpu.memory_space<vmem>>, vector<1x16xf32>,
        %get3A_1138 = vector.shape_cast %get3A_1137 : vector<1x16xf32> to vector<16xf32>
        %max3A_1139 = arith.maximumf %get3A_1132, %get3A_1138 : vector<16xf32>
        %add3A_1140 = arith.constant 6 : i32
        %add3A_1141 = arith.addi %mul3A_248, %add3A_1140 : i32
        %get3A_1142 = arith.index_cast %add3A_1141 : i32 to index
        %get3A_1143 = arith.constant 112 : index
        %get3A_1144 = tpu.vector_load %arg10[%get3A_1142, %get3A_1143] {strides = array<i32>} : memref<80x128xf32, #tpu.memory_space<vmem>>, vector<1x16xf32>,
        %get3A_1145 = vector.shape_cast %get3A_1144 : vector<1x16xf32> to vector<16xf32>
        %add3A_1146 = arith.constant 7 : i32
        %add3A_1147 = arith.addi %mul3A_248, %add3A_1146 : i32
        %get3A_1148 = arith.index_cast %add3A_1147 : i32 to index
        %get3A_1149 = arith.constant 112 : index
        %get3A_1150 = tpu.vector_load %arg10[%get3A_1148, %get3A_1149] {strides = array<i32>} : memref<80x128xf32, #tpu.memory_space<vmem>>, vector<1x16xf32>,
        %get3A_1151 = vector.shape_cast %get3A_1150 : vector<1x16xf32> to vector<16xf32>
        %max3A_1152 = arith.maximumf %get3A_1145, %get3A_1151 : vector<16xf32>
        %max3A_1153 = arith.maximumf %max3A_1139, %max3A_1152 : vector<16xf32>
        %max3A_1154 = arith.maximumf %max3A_1126, %max3A_1153 : vector<16xf32>
        %add3A_1155 = arith.constant 8 : i32
        %add3A_1156 = arith.addi %mul3A_248, %add3A_1155 : i32
        %get3A_1157 = arith.index_cast %add3A_1156 : i32 to index
        %get3A_1158 = arith.constant 112 : index
        %get3A_1159 = tpu.vector_load %arg10[%get3A_1157, %get3A_1158] {strides = array<i32>} : memref<80x128xf32, #tpu.memory_space<vmem>>, vector<1x16xf32>,
        %get3A_1160 = vector.shape_cast %get3A_1159 : vector<1x16xf32> to vector<16xf32>
        %add3A_1161 = arith.constant 9 : i32
        %add3A_1162 = arith.addi %mul3A_248, %add3A_1161 : i32
        %get3A_1163 = arith.index_cast %add3A_1162 : i32 to index
        %get3A_1164 = arith.constant 112 : index
        %get3A_1165 = tpu.vector_load %arg10[%get3A_1163, %get3A_1164] {strides = array<i32>} : memref<80x128xf32, #tpu.memory_space<vmem>>, vector<1x16xf32>,
        %get3A_1166 = vector.shape_cast %get3A_1165 : vector<1x16xf32> to vector<16xf32>
        %max3A_1167 = arith.maximumf %get3A_1160, %get3A_1166 : vector<16xf32>
        %add3A_1168 = arith.constant 10 : i32
        %add3A_1169 = arith.addi %mul3A_248, %add3A_1168 : i32
        %get3A_1170 = arith.index_cast %add3A_1169 : i32 to index
        %get3A_1171 = arith.constant 112 : index
        %get3A_1172 = tpu.vector_load %arg10[%get3A_1170, %get3A_1171] {strides = array<i32>} : memref<80x128xf32, #tpu.memory_space<vmem>>, vector<1x16xf32>,
        %get3A_1173 = vector.shape_cast %get3A_1172 : vector<1x16xf32> to vector<16xf32>
        %add3A_1174 = arith.constant 11 : i32
        %add3A_1175 = arith.addi %mul3A_248, %add3A_1174 : i32
        %get3A_1176 = arith.index_cast %add3A_1175 : i32 to index
        %get3A_1177 = arith.constant 112 : index
        %get3A_1178 = tpu.vector_load %arg10[%get3A_1176, %get3A_1177] {strides = array<i32>} : memref<80x128xf32, #tpu.memory_space<vmem>>, vector<1x16xf32>,
        %get3A_1179 = vector.shape_cast %get3A_1178 : vector<1x16xf32> to vector<16xf32>
        %max3A_1180 = arith.maximumf %get3A_1173, %get3A_1179 : vector<16xf32>
        %max3A_1181 = arith.maximumf %max3A_1167, %max3A_1180 : vector<16xf32>
        %max3A_1182 = arith.maximumf %max3A_1154, %max3A_1181 : vector<16xf32>
        %add3A_1183 = arith.constant 12 : i32
        %add3A_1184 = arith.addi %mul3A_248, %add3A_1183 : i32
        %get3A_1185 = arith.index_cast %add3A_1184 : i32 to index
        %get3A_1186 = arith.constant 112 : index
        %get3A_1187 = tpu.vector_load %arg10[%get3A_1185, %get3A_1186] {strides = array<i32>} : memref<80x128xf32, #tpu.memory_space<vmem>>, vector<1x16xf32>,
        %get3A_1188 = vector.shape_cast %get3A_1187 : vector<1x16xf32> to vector<16xf32>
        %add3A_1189 = arith.constant 13 : i32
        %add3A_1190 = arith.addi %mul3A_248, %add3A_1189 : i32
        %get3A_1191 = arith.index_cast %add3A_1190 : i32 to index
        %get3A_1192 = arith.constant 112 : index
        %get3A_1193 = tpu.vector_load %arg10[%get3A_1191, %get3A_1192] {strides = array<i32>} : memref<80x128xf32, #tpu.memory_space<vmem>>, vector<1x16xf32>,
        %get3A_1194 = vector.shape_cast %get3A_1193 : vector<1x16xf32> to vector<16xf32>
        %max3A_1195 = arith.maximumf %get3A_1188, %get3A_1194 : vector<16xf32>
        %add3A_1196 = arith.constant 14 : i32
        %add3A_1197 = arith.addi %mul3A_248, %add3A_1196 : i32
        %get3A_1198 = arith.index_cast %add3A_1197 : i32 to index
        %get3A_1199 = arith.constant 112 : index
        %get3A_1200 = tpu.vector_load %arg10[%get3A_1198, %get3A_1199] {strides = array<i32>} : memref<80x128xf32, #tpu.memory_space<vmem>>, vector<1x16xf32>,
        %get3A_1201 = vector.shape_cast %get3A_1200 : vector<1x16xf32> to vector<16xf32>
        %add3A_1202 = arith.constant 15 : i32
        %add3A_1203 = arith.addi %mul3A_248, %add3A_1202 : i32
        %get3A_1204 = arith.index_cast %add3A_1203 : i32 to index
        %get3A_1205 = arith.constant 112 : index
        %get3A_1206 = tpu.vector_load %arg10[%get3A_1204, %get3A_1205] {strides = array<i32>} : memref<80x128xf32, #tpu.memory_space<vmem>>, vector<1x16xf32>,
        %get3A_1207 = vector.shape_cast %get3A_1206 : vector<1x16xf32> to vector<16xf32>
        %max3A_1208 = arith.maximumf %get3A_1201, %get3A_1207 : vector<16xf32>
        %max3A_1209 = arith.maximumf %max3A_1195, %max3A_1208 : vector<16xf32>
        %max3A_1210 = arith.maximumf %max3A_1182, %max3A_1209 : vector<16xf32>
        %max3A_1211 = arith.constant 0.000000e+00 : f32
        %max3A_1212 = vector.broadcast %max3A_1211 : f32 to vector<16xf32>
        %max3A_1213 = arith.maximumf %max3A_1210, %max3A_1212 : vector<16xf32>
        %mul3A_1214 = arith.constant 128 : i32
        %mul3A_1215 = arith.muli %scan3A_246, %mul3A_1214 : i32
        %add3A_1216 = arith.constant 112 : i32
        %add3A_1217 = arith.addi %mul3A_1215, %add3A_1216 : i32
        %swap3A_1218 = arith.index_cast %add3A_1217 : i32 to index
        %swap3A_1219 = tpu.vector_load %arg14[%swap3A_1218] {strides = array<i32>} : memref<640xf32, #tpu.memory_space<vmem>>, vector<16xf32>,
        %swap3A_1220 = vector.shape_cast %swap3A_1219 : vector<16xf32> to vector<16xf32>
        %swap3A_1221 = vector.shape_cast %max3A_1213 : vector<16xf32> to vector<16xf32>
        tpu.vector_store %arg14[%swap3A_1218], %swap3A_1221 {strides = array<i32>} : memref<640xf32, #tpu.memory_space<vmem>>, vector<16xf32>,
      }
      %scan3A_149 = arith.constant 5 : i32
      %mul3A_150 = arith.constant 5 : i32
      %mul3A_151 = arith.muli %add3A_126, %mul3A_150 : i32
      %add3A_152 = arith.addi %mul3A_2, %mul3A_151 : i32
      %mul3A_153 = arith.constant 128 : i32
      %mul3A_154 = arith.muli %add3A_152, %mul3A_153 : i32
      %dma_start3A_155 = tpu.memref_slice %arg6[%mul3A_154] : memref<2560000xf32, #tpu.memory_space<hbm>> -> memref<640xf32, #tpu.memory_space<hbm>>
      %dma_start3A_156 = tpu.memref_slice %arg6[%mul3A_154] : memref<2560000xf32, #tpu.memory_space<hbm>> -> memref<640xf32, #tpu.memory_space<hbm>>
      tpu.enqueue_dma source(%arg14 : memref<640xf32, #tpu.memory_space<vmem>>) target(%dma_start3A_156 : memref<640xf32, #tpu.memory_space<hbm>>) target_semaphore(%arg26 : memref<!tpu.dma_semaphore, #tpu.memory_space<semaphore_mem>>)
      %add3A_157 = arith.constant 4 : i32
      %add3A_158 = arith.addi %add3A_126, %add3A_157 : i32
      %lt3A_159 = arith.constant 125 : i32
      %lt3A_160 = arith.cmpi slt, %add3A_158, %lt3A_159 : i32
      %convert_element_type3A_161 = arith.extui %lt3A_160 : i1 to i32
      %cond3A_162 = arith.constant 0 : i32
      %cond3A_163 = arith.cmpi ne, %convert_element_type3A_161, %cond3A_162 : i32
      scf.if %cond3A_163 {
        %add3A_246 = arith.constant 4 : i32
        %add3A_247 = arith.addi %add3A_126, %add3A_246 : i32
        %mul3A_248 = arith.constant 80 : i32
        %mul3A_249 = arith.muli %add3A_247, %mul3A_248 : i32
        %dma_start3A_250 = tpu.memref_slice %arg7[%mul3A_249] : memref<10000xi32, #tpu.memory_space<vmem>> -> memref<80xi32, #tpu.memory_space<vmem>>
        %dma_start3A_251 = arith.constant 0 : i32
        %dma_start3A_252 = arith.constant 0 : i32
        %dma_start3A_253 = tpu.memref_slice %arg2[%dma_start3A_251, %dma_start3A_252] : memref<20000x128xf32, #tpu.memory_space<hbm>> -> memref<20000x128xf32, #tpu.memory_space<hbm>>
        tpu.enqueue_indirect_dma source(%dma_start3A_253 : memref<20000x128xf32, #tpu.memory_space<hbm>>) target(%arg10 : memref<80x128xf32, #tpu.memory_space<vmem>>) offsets(%dma_start3A_250 : memref<80xi32, #tpu.memory_space<vmem>>) semaphore(%arg18 : memref<!tpu.dma_semaphore, #tpu.memory_space<semaphore_mem>>)
      } else {
      }
      %mul3A_164 = arith.constant 4 : i32
      %mul3A_165 = arith.muli %mul3A_164, %scan3A_85 : i32
      %add3A_166 = arith.constant 2 : i32
      %add3A_167 = arith.addi %mul3A_165, %add3A_166 : i32
      %add3A_168 = arith.constant 2 : i32
      %add3A_169 = arith.addi %add3A_167, %add3A_168 : i32
      %lt3A_170 = arith.constant 125 : i32
      %lt3A_171 = arith.cmpi slt, %add3A_169, %lt3A_170 : i32
      %convert_element_type3A_172 = arith.extui %lt3A_171 : i1 to i32
      %cond3A_173 = arith.constant 0 : i32
      %cond3A_174 = arith.cmpi ne, %convert_element_type3A_172, %cond3A_173 : i32
      scf.if %cond3A_174 {
        %dma_wait3A_246 = arith.constant 0 : i32
        %dma_wait3A_247 = tpu.memref_slice %arg7[%dma_wait3A_246] : memref<10000xi32, #tpu.memory_space<vmem>> -> memref<80xi32, #tpu.memory_space<vmem>>
        %dma_wait3A_248 = arith.constant 0 : i32
        %dma_wait3A_249 = arith.constant 0 : i32
        %dma_wait3A_250 = tpu.memref_slice %arg2[%dma_wait3A_248, %dma_wait3A_249] : memref<20000x128xf32, #tpu.memory_space<hbm>> -> memref<20000x128xf32, #tpu.memory_space<hbm>>
        tpu.wait_indirect_dma semaphore(%arg17 : memref<!tpu.dma_semaphore, #tpu.memory_space<semaphore_mem>>) src(%dma_wait3A_250 : memref<20000x128xf32, #tpu.memory_space<hbm>>) dst(%arg9 : memref<80x128xf32, #tpu.memory_space<vmem>>)
        %add3A_251 = arith.constant 2 : i32
        %add3A_252 = arith.addi %add3A_167, %add3A_251 : i32
        %mul3A_253 = arith.constant 80 : i32
        %mul3A_254 = arith.muli %add3A_252, %mul3A_253 : i32
        %dma_start3A_255 = tpu.memref_slice %arg8[%mul3A_254] : memref<10000xi32, #tpu.memory_space<vmem>> -> memref<80xi32, #tpu.memory_space<vmem>>
        %dma_start3A_256 = arith.constant 0 : i32
        %dma_start3A_257 = arith.constant 0 : i32
        %dma_start3A_258 = tpu.memref_slice %arg3[%dma_start3A_256, %dma_start3A_257] : memref<20000x128xf32, #tpu.memory_space<hbm>> -> memref<20000x128xf32, #tpu.memory_space<hbm>>
        tpu.enqueue_indirect_dma source(%dma_start3A_258 : memref<20000x128xf32, #tpu.memory_space<hbm>>) target(%arg9 : memref<80x128xf32, #tpu.memory_space<vmem>>) offsets(%dma_start3A_255 : memref<80xi32, #tpu.memory_space<vmem>>) semaphore(%arg21 : memref<!tpu.dma_semaphore, #tpu.memory_space<semaphore_mem>>) {add = true}
      } else {
      }
      %dma_wait3A_175 = arith.constant 0 : i32
      %dma_wait3A_176 = tpu.memref_slice %arg8[%dma_wait3A_175] : memref<10000xi32, #tpu.memory_space<vmem>> -> memref<80xi32, #tpu.memory_space<vmem>>
      %dma_wait3A_177 = arith.constant 0 : i32
      %dma_wait3A_178 = arith.constant 0 : i32
      %dma_wait3A_179 = tpu.memref_slice %arg3[%dma_wait3A_177, %dma_wait3A_178] : memref<20000x128xf32, #tpu.memory_space<hbm>> -> memref<20000x128xf32, #tpu.memory_space<hbm>>
      tpu.wait_indirect_dma semaphore(%arg23 : memref<!tpu.dma_semaphore, #tpu.memory_space<semaphore_mem>>) src(%dma_wait3A_179 : memref<20000x128xf32, #tpu.memory_space<hbm>>) dst(%arg11 : memref<80x128xf32, #tpu.memory_space<vmem>>)
      %gt3A_180 = arith.constant 0 : i32
      %gt3A_181 = arith.cmpi sgt, %scan3A_85, %gt3A_180 : i32
      %convert_element_type3A_182 = arith.extui %gt3A_181 : i1 to i32
      %cond3A_183 = arith.constant 0 : i32
      %cond3A_184 = arith.cmpi ne, %convert_element_type3A_182, %cond3A_183 : i32
      scf.if %cond3A_184 {
        %dma_wait3A_246 = arith.constant 0 : i32
        %dma_wait3A_247 = tpu.memref_slice %arg6[%dma_wait3A_246] : memref<2560000xf32, #tpu.memory_space<hbm>> -> memref<640xf32, #tpu.memory_space<hbm>>
        %dma_wait3A_248 = arith.constant 0 : i32
        %dma_wait3A_249 = tpu.memref_slice %arg6[%dma_wait3A_248] : memref<2560000xf32, #tpu.memory_space<hbm>> -> memref<640xf32, #tpu.memory_space<hbm>>
        tpu.wait_dma2 semaphore(%arg27 : memref<!tpu.dma_semaphore, #tpu.memory_space<semaphore_mem>>) src(%arg15 : memref<640xf32, #tpu.memory_space<vmem>>) dst(%dma_wait3A_249 : memref<640xf32, #tpu.memory_space<hbm>>)
      } else {
      }
      %scan3A_185 = arith.constant 0 : i32
      %scan3A_186 = arith.constant 0 : i32
      %scan3A_187 = arith.constant 5 : i32
      %scan3A_188 = arith.addi %scan3A_186, %scan3A_187 : i32
      %scan3A_189 = arith.constant 1 : i32
      scf.for %scan3A_246 = %scan3A_186 to %scan3A_188 step %scan3A_189  : i32 {
        %mul3A_247 = arith.constant 16 : i32
        %mul3A_248 = arith.muli %scan3A_246, %mul3A_247 : i32
        %add3A_249 = arith.constant 0 : i32
        %add3A_250 = arith.addi %mul3A_248, %add3A_249 : i32
        %get3A = arith.index_cast %add3A_250 : i32 to index
        %get3A_251 = arith.constant 0 : index
        %get3A_252 = tpu.vector_load %arg11[%get3A, %get3A_251] {strides = array<i32>} : memref<80x128xf32, #tpu.memory_space<vmem>>, vector<1x16xf32>,
        %get3A_253 = vector.shape_cast %get3A_252 : vector<1x16xf32> to vector<16xf32>
        %add3A_254 = arith.constant 1 : i32
        %add3A_255 = arith.addi %mul3A_248, %add3A_254 : i32
        %get3A_256 = arith.index_cast %add3A_255 : i32 to index
        %get3A_257 = arith.constant 0 : index
        %get3A_258 = tpu.vector_load %arg11[%get3A_256, %get3A_257] {strides = array<i32>} : memref<80x128xf32, #tpu.memory_space<vmem>>, vector<1x16xf32>,
        %get3A_259 = vector.shape_cast %get3A_258 : vector<1x16xf32> to vector<16xf32>
        %max3A = arith.maximumf %get3A_253, %get3A_259 : vector<16xf32>
        %add3A_260 = arith.constant 2 : i32
        %add3A_261 = arith.addi %mul3A_248, %add3A_260 : i32
        %get3A_262 = arith.index_cast %add3A_261 : i32 to index
        %get3A_263 = arith.constant 0 : index
        %get3A_264 = tpu.vector_load %arg11[%get3A_262, %get3A_263] {strides = array<i32>} : memref<80x128xf32, #tpu.memory_space<vmem>>, vector<1x16xf32>,
        %get3A_265 = vector.shape_cast %get3A_264 : vector<1x16xf32> to vector<16xf32>
        %add3A_266 = arith.constant 3 : i32
        %add3A_267 = arith.addi %mul3A_248, %add3A_266 : i32
        %get3A_268 = arith.index_cast %add3A_267 : i32 to index
        %get3A_269 = arith.constant 0 : index
        %get3A_270 = tpu.vector_load %arg11[%get3A_268, %get3A_269] {strides = array<i32>} : memref<80x128xf32, #tpu.memory_space<vmem>>, vector<1x16xf32>,
        %get3A_271 = vector.shape_cast %get3A_270 : vector<1x16xf32> to vector<16xf32>
        %max3A_272 = arith.maximumf %get3A_265, %get3A_271 : vector<16xf32>
        %max3A_273 = arith.maximumf %max3A, %max3A_272 : vector<16xf32>
        %add3A_274 = arith.constant 4 : i32
        %add3A_275 = arith.addi %mul3A_248, %add3A_274 : i32
        %get3A_276 = arith.index_cast %add3A_275 : i32 to index
        %get3A_277 = arith.constant 0 : index
        %get3A_278 = tpu.vector_load %arg11[%get3A_276, %get3A_277] {strides = array<i32>} : memref<80x128xf32, #tpu.memory_space<vmem>>, vector<1x16xf32>,
        %get3A_279 = vector.shape_cast %get3A_278 : vector<1x16xf32> to vector<16xf32>
        %add3A_280 = arith.constant 5 : i32
        %add3A_281 = arith.addi %mul3A_248, %add3A_280 : i32
        %get3A_282 = arith.index_cast %add3A_281 : i32 to index
        %get3A_283 = arith.constant 0 : index
        %get3A_284 = tpu.vector_load %arg11[%get3A_282, %get3A_283] {strides = array<i32>} : memref<80x128xf32, #tpu.memory_space<vmem>>, vector<1x16xf32>,
        %get3A_285 = vector.shape_cast %get3A_284 : vector<1x16xf32> to vector<16xf32>
        %max3A_286 = arith.maximumf %get3A_279, %get3A_285 : vector<16xf32>
        %add3A_287 = arith.constant 6 : i32
        %add3A_288 = arith.addi %mul3A_248, %add3A_287 : i32
        %get3A_289 = arith.index_cast %add3A_288 : i32 to index
        %get3A_290 = arith.constant 0 : index
        %get3A_291 = tpu.vector_load %arg11[%get3A_289, %get3A_290] {strides = array<i32>} : memref<80x128xf32, #tpu.memory_space<vmem>>, vector<1x16xf32>,
        %get3A_292 = vector.shape_cast %get3A_291 : vector<1x16xf32> to vector<16xf32>
        %add3A_293 = arith.constant 7 : i32
        %add3A_294 = arith.addi %mul3A_248, %add3A_293 : i32
        %get3A_295 = arith.index_cast %add3A_294 : i32 to index
        %get3A_296 = arith.constant 0 : index
        %get3A_297 = tpu.vector_load %arg11[%get3A_295, %get3A_296] {strides = array<i32>} : memref<80x128xf32, #tpu.memory_space<vmem>>, vector<1x16xf32>,
        %get3A_298 = vector.shape_cast %get3A_297 : vector<1x16xf32> to vector<16xf32>
        %max3A_299 = arith.maximumf %get3A_292, %get3A_298 : vector<16xf32>
        %max3A_300 = arith.maximumf %max3A_286, %max3A_299 : vector<16xf32>
        %max3A_301 = arith.maximumf %max3A_273, %max3A_300 : vector<16xf32>
        %add3A_302 = arith.constant 8 : i32
        %add3A_303 = arith.addi %mul3A_248, %add3A_302 : i32
        %get3A_304 = arith.index_cast %add3A_303 : i32 to index
        %get3A_305 = arith.constant 0 : index
        %get3A_306 = tpu.vector_load %arg11[%get3A_304, %get3A_305] {strides = array<i32>} : memref<80x128xf32, #tpu.memory_space<vmem>>, vector<1x16xf32>,
        %get3A_307 = vector.shape_cast %get3A_306 : vector<1x16xf32> to vector<16xf32>
        %add3A_308 = arith.constant 9 : i32
        %add3A_309 = arith.addi %mul3A_248, %add3A_308 : i32
        %get3A_310 = arith.index_cast %add3A_309 : i32 to index
        %get3A_311 = arith.constant 0 : index
        %get3A_312 = tpu.vector_load %arg11[%get3A_310, %get3A_311] {strides = array<i32>} : memref<80x128xf32, #tpu.memory_space<vmem>>, vector<1x16xf32>,
        %get3A_313 = vector.shape_cast %get3A_312 : vector<1x16xf32> to vector<16xf32>
        %max3A_314 = arith.maximumf %get3A_307, %get3A_313 : vector<16xf32>
        %add3A_315 = arith.constant 10 : i32
        %add3A_316 = arith.addi %mul3A_248, %add3A_315 : i32
        %get3A_317 = arith.index_cast %add3A_316 : i32 to index
        %get3A_318 = arith.constant 0 : index
        %get3A_319 = tpu.vector_load %arg11[%get3A_317, %get3A_318] {strides = array<i32>} : memref<80x128xf32, #tpu.memory_space<vmem>>, vector<1x16xf32>,
        %get3A_320 = vector.shape_cast %get3A_319 : vector<1x16xf32> to vector<16xf32>
        %add3A_321 = arith.constant 11 : i32
        %add3A_322 = arith.addi %mul3A_248, %add3A_321 : i32
        %get3A_323 = arith.index_cast %add3A_322 : i32 to index
        %get3A_324 = arith.constant 0 : index
        %get3A_325 = tpu.vector_load %arg11[%get3A_323, %get3A_324] {strides = array<i32>} : memref<80x128xf32, #tpu.memory_space<vmem>>, vector<1x16xf32>,
        %get3A_326 = vector.shape_cast %get3A_325 : vector<1x16xf32> to vector<16xf32>
        %max3A_327 = arith.maximumf %get3A_320, %get3A_326 : vector<16xf32>
        %max3A_328 = arith.maximumf %max3A_314, %max3A_327 : vector<16xf32>
        %max3A_329 = arith.maximumf %max3A_301, %max3A_328 : vector<16xf32>
        %add3A_330 = arith.constant 12 : i32
        %add3A_331 = arith.addi %mul3A_248, %add3A_330 : i32
        %get3A_332 = arith.index_cast %add3A_331 : i32 to index
        %get3A_333 = arith.constant 0 : index
        %get3A_334 = tpu.vector_load %arg11[%get3A_332, %get3A_333] {strides = array<i32>} : memref<80x128xf32, #tpu.memory_space<vmem>>, vector<1x16xf32>,
        %get3A_335 = vector.shape_cast %get3A_334 : vector<1x16xf32> to vector<16xf32>
        %add3A_336 = arith.constant 13 : i32
        %add3A_337 = arith.addi %mul3A_248, %add3A_336 : i32
        %get3A_338 = arith.index_cast %add3A_337 : i32 to index
        %get3A_339 = arith.constant 0 : index
        %get3A_340 = tpu.vector_load %arg11[%get3A_338, %get3A_339] {strides = array<i32>} : memref<80x128xf32, #tpu.memory_space<vmem>>, vector<1x16xf32>,
        %get3A_341 = vector.shape_cast %get3A_340 : vector<1x16xf32> to vector<16xf32>
        %max3A_342 = arith.maximumf %get3A_335, %get3A_341 : vector<16xf32>
        %add3A_343 = arith.constant 14 : i32
        %add3A_344 = arith.addi %mul3A_248, %add3A_343 : i32
        %get3A_345 = arith.index_cast %add3A_344 : i32 to index
        %get3A_346 = arith.constant 0 : index
        %get3A_347 = tpu.vector_load %arg11[%get3A_345, %get3A_346] {strides = array<i32>} : memref<80x128xf32, #tpu.memory_space<vmem>>, vector<1x16xf32>,
        %get3A_348 = vector.shape_cast %get3A_347 : vector<1x16xf32> to vector<16xf32>
        %add3A_349 = arith.constant 15 : i32
        %add3A_350 = arith.addi %mul3A_248, %add3A_349 : i32
        %get3A_351 = arith.index_cast %add3A_350 : i32 to index
        %get3A_352 = arith.constant 0 : index
        %get3A_353 = tpu.vector_load %arg11[%get3A_351, %get3A_352] {strides = array<i32>} : memref<80x128xf32, #tpu.memory_space<vmem>>, vector<1x16xf32>,
        %get3A_354 = vector.shape_cast %get3A_353 : vector<1x16xf32> to vector<16xf32>
        %max3A_355 = arith.maximumf %get3A_348, %get3A_354 : vector<16xf32>
        %max3A_356 = arith.maximumf %max3A_342, %max3A_355 : vector<16xf32>
        %max3A_357 = arith.maximumf %max3A_329, %max3A_356 : vector<16xf32>
        %max3A_358 = arith.constant 0.000000e+00 : f32
        %max3A_359 = vector.broadcast %max3A_358 : f32 to vector<16xf32>
        %max3A_360 = arith.maximumf %max3A_357, %max3A_359 : vector<16xf32>
        %mul3A_361 = arith.constant 128 : i32
        %mul3A_362 = arith.muli %scan3A_246, %mul3A_361 : i32
        %add3A_363 = arith.constant 0 : i32
        %add3A_364 = arith.addi %mul3A_362, %add3A_363 : i32
        %swap3A = arith.index_cast %add3A_364 : i32 to index
        %swap3A_365 = tpu.vector_load %arg15[%swap3A] {strides = array<i32>} : memref<640xf32, #tpu.memory_space<vmem>>, vector<16xf32>,
        %swap3A_366 = vector.shape_cast %swap3A_365 : vector<16xf32> to vector<16xf32>
        %swap3A_367 = vector.shape_cast %max3A_360 : vector<16xf32> to vector<16xf32>
        tpu.vector_store %arg15[%swap3A], %swap3A_367 {strides = array<i32>} : memref<640xf32, #tpu.memory_space<vmem>>, vector<16xf32>,
        %add3A_368 = arith.constant 0 : i32
        %add3A_369 = arith.addi %mul3A_248, %add3A_368 : i32
        %get3A_370 = arith.index_cast %add3A_369 : i32 to index
        %get3A_371 = arith.constant 16 : index
        %get3A_372 = tpu.vector_load %arg11[%get3A_370, %get3A_371] {strides = array<i32>} : memref<80x128xf32, #tpu.memory_space<vmem>>, vector<1x16xf32>,
        %get3A_373 = vector.shape_cast %get3A_372 : vector<1x16xf32> to vector<16xf32>
        %add3A_374 = arith.constant 1 : i32
        %add3A_375 = arith.addi %mul3A_248, %add3A_374 : i32
        %get3A_376 = arith.index_cast %add3A_375 : i32 to index
        %get3A_377 = arith.constant 16 : index
        %get3A_378 = tpu.vector_load %arg11[%get3A_376, %get3A_377] {strides = array<i32>} : memref<80x128xf32, #tpu.memory_space<vmem>>, vector<1x16xf32>,
        %get3A_379 = vector.shape_cast %get3A_378 : vector<1x16xf32> to vector<16xf32>
        %max3A_380 = arith.maximumf %get3A_373, %get3A_379 : vector<16xf32>
        %add3A_381 = arith.constant 2 : i32
        %add3A_382 = arith.addi %mul3A_248, %add3A_381 : i32
        %get3A_383 = arith.index_cast %add3A_382 : i32 to index
        %get3A_384 = arith.constant 16 : index
        %get3A_385 = tpu.vector_load %arg11[%get3A_383, %get3A_384] {strides = array<i32>} : memref<80x128xf32, #tpu.memory_space<vmem>>, vector<1x16xf32>,
        %get3A_386 = vector.shape_cast %get3A_385 : vector<1x16xf32> to vector<16xf32>
        %add3A_387 = arith.constant 3 : i32
        %add3A_388 = arith.addi %mul3A_248, %add3A_387 : i32
        %get3A_389 = arith.index_cast %add3A_388 : i32 to index
        %get3A_390 = arith.constant 16 : index
        %get3A_391 = tpu.vector_load %arg11[%get3A_389, %get3A_390] {strides = array<i32>} : memref<80x128xf32, #tpu.memory_space<vmem>>, vector<1x16xf32>,
        %get3A_392 = vector.shape_cast %get3A_391 : vector<1x16xf32> to vector<16xf32>
        %max3A_393 = arith.maximumf %get3A_386, %get3A_392 : vector<16xf32>
        %max3A_394 = arith.maximumf %max3A_380, %max3A_393 : vector<16xf32>
        %add3A_395 = arith.constant 4 : i32
        %add3A_396 = arith.addi %mul3A_248, %add3A_395 : i32
        %get3A_397 = arith.index_cast %add3A_396 : i32 to index
        %get3A_398 = arith.constant 16 : index
        %get3A_399 = tpu.vector_load %arg11[%get3A_397, %get3A_398] {strides = array<i32>} : memref<80x128xf32, #tpu.memory_space<vmem>>, vector<1x16xf32>,
        %get3A_400 = vector.shape_cast %get3A_399 : vector<1x16xf32> to vector<16xf32>
        %add3A_401 = arith.constant 5 : i32
        %add3A_402 = arith.addi %mul3A_248, %add3A_401 : i32
        %get3A_403 = arith.index_cast %add3A_402 : i32 to index
        %get3A_404 = arith.constant 16 : index
        %get3A_405 = tpu.vector_load %arg11[%get3A_403, %get3A_404] {strides = array<i32>} : memref<80x128xf32, #tpu.memory_space<vmem>>, vector<1x16xf32>,
        %get3A_406 = vector.shape_cast %get3A_405 : vector<1x16xf32> to vector<16xf32>
        %max3A_407 = arith.maximumf %get3A_400, %get3A_406 : vector<16xf32>
        %add3A_408 = arith.constant 6 : i32
        %add3A_409 = arith.addi %mul3A_248, %add3A_408 : i32
        %get3A_410 = arith.index_cast %add3A_409 : i32 to index
        %get3A_411 = arith.constant 16 : index
        %get3A_412 = tpu.vector_load %arg11[%get3A_410, %get3A_411] {strides = array<i32>} : memref<80x128xf32, #tpu.memory_space<vmem>>, vector<1x16xf32>,
        %get3A_413 = vector.shape_cast %get3A_412 : vector<1x16xf32> to vector<16xf32>
        %add3A_414 = arith.constant 7 : i32
        %add3A_415 = arith.addi %mul3A_248, %add3A_414 : i32
        %get3A_416 = arith.index_cast %add3A_415 : i32 to index
        %get3A_417 = arith.constant 16 : index
        %get3A_418 = tpu.vector_load %arg11[%get3A_416, %get3A_417] {strides = array<i32>} : memref<80x128xf32, #tpu.memory_space<vmem>>, vector<1x16xf32>,
        %get3A_419 = vector.shape_cast %get3A_418 : vector<1x16xf32> to vector<16xf32>
        %max3A_420 = arith.maximumf %get3A_413, %get3A_419 : vector<16xf32>
        %max3A_421 = arith.maximumf %max3A_407, %max3A_420 : vector<16xf32>
        %max3A_422 = arith.maximumf %max3A_394, %max3A_421 : vector<16xf32>
        %add3A_423 = arith.constant 8 : i32
        %add3A_424 = arith.addi %mul3A_248, %add3A_423 : i32
        %get3A_425 = arith.index_cast %add3A_424 : i32 to index
        %get3A_426 = arith.constant 16 : index
        %get3A_427 = tpu.vector_load %arg11[%get3A_425, %get3A_426] {strides = array<i32>} : memref<80x128xf32, #tpu.memory_space<vmem>>, vector<1x16xf32>,
        %get3A_428 = vector.shape_cast %get3A_427 : vector<1x16xf32> to vector<16xf32>
        %add3A_429 = arith.constant 9 : i32
        %add3A_430 = arith.addi %mul3A_248, %add3A_429 : i32
        %get3A_431 = arith.index_cast %add3A_430 : i32 to index
        %get3A_432 = arith.constant 16 : index
        %get3A_433 = tpu.vector_load %arg11[%get3A_431, %get3A_432] {strides = array<i32>} : memref<80x128xf32, #tpu.memory_space<vmem>>, vector<1x16xf32>,
        %get3A_434 = vector.shape_cast %get3A_433 : vector<1x16xf32> to vector<16xf32>
        %max3A_435 = arith.maximumf %get3A_428, %get3A_434 : vector<16xf32>
        %add3A_436 = arith.constant 10 : i32
        %add3A_437 = arith.addi %mul3A_248, %add3A_436 : i32
        %get3A_438 = arith.index_cast %add3A_437 : i32 to index
        %get3A_439 = arith.constant 16 : index
        %get3A_440 = tpu.vector_load %arg11[%get3A_438, %get3A_439] {strides = array<i32>} : memref<80x128xf32, #tpu.memory_space<vmem>>, vector<1x16xf32>,
        %get3A_441 = vector.shape_cast %get3A_440 : vector<1x16xf32> to vector<16xf32>
        %add3A_442 = arith.constant 11 : i32
        %add3A_443 = arith.addi %mul3A_248, %add3A_442 : i32
        %get3A_444 = arith.index_cast %add3A_443 : i32 to index
        %get3A_445 = arith.constant 16 : index
        %get3A_446 = tpu.vector_load %arg11[%get3A_444, %get3A_445] {strides = array<i32>} : memref<80x128xf32, #tpu.memory_space<vmem>>, vector<1x16xf32>,
        %get3A_447 = vector.shape_cast %get3A_446 : vector<1x16xf32> to vector<16xf32>
        %max3A_448 = arith.maximumf %get3A_441, %get3A_447 : vector<16xf32>
        %max3A_449 = arith.maximumf %max3A_435, %max3A_448 : vector<16xf32>
        %max3A_450 = arith.maximumf %max3A_422, %max3A_449 : vector<16xf32>
        %add3A_451 = arith.constant 12 : i32
        %add3A_452 = arith.addi %mul3A_248, %add3A_451 : i32
        %get3A_453 = arith.index_cast %add3A_452 : i32 to index
        %get3A_454 = arith.constant 16 : index
        %get3A_455 = tpu.vector_load %arg11[%get3A_453, %get3A_454] {strides = array<i32>} : memref<80x128xf32, #tpu.memory_space<vmem>>, vector<1x16xf32>,
        %get3A_456 = vector.shape_cast %get3A_455 : vector<1x16xf32> to vector<16xf32>
        %add3A_457 = arith.constant 13 : i32
        %add3A_458 = arith.addi %mul3A_248, %add3A_457 : i32
        %get3A_459 = arith.index_cast %add3A_458 : i32 to index
        %get3A_460 = arith.constant 16 : index
        %get3A_461 = tpu.vector_load %arg11[%get3A_459, %get3A_460] {strides = array<i32>} : memref<80x128xf32, #tpu.memory_space<vmem>>, vector<1x16xf32>,
        %get3A_462 = vector.shape_cast %get3A_461 : vector<1x16xf32> to vector<16xf32>
        %max3A_463 = arith.maximumf %get3A_456, %get3A_462 : vector<16xf32>
        %add3A_464 = arith.constant 14 : i32
        %add3A_465 = arith.addi %mul3A_248, %add3A_464 : i32
        %get3A_466 = arith.index_cast %add3A_465 : i32 to index
        %get3A_467 = arith.constant 16 : index
        %get3A_468 = tpu.vector_load %arg11[%get3A_466, %get3A_467] {strides = array<i32>} : memref<80x128xf32, #tpu.memory_space<vmem>>, vector<1x16xf32>,
        %get3A_469 = vector.shape_cast %get3A_468 : vector<1x16xf32> to vector<16xf32>
        %add3A_470 = arith.constant 15 : i32
        %add3A_471 = arith.addi %mul3A_248, %add3A_470 : i32
        %get3A_472 = arith.index_cast %add3A_471 : i32 to index
        %get3A_473 = arith.constant 16 : index
        %get3A_474 = tpu.vector_load %arg11[%get3A_472, %get3A_473] {strides = array<i32>} : memref<80x128xf32, #tpu.memory_space<vmem>>, vector<1x16xf32>,
        %get3A_475 = vector.shape_cast %get3A_474 : vector<1x16xf32> to vector<16xf32>
        %max3A_476 = arith.maximumf %get3A_469, %get3A_475 : vector<16xf32>
        %max3A_477 = arith.maximumf %max3A_463, %max3A_476 : vector<16xf32>
        %max3A_478 = arith.maximumf %max3A_450, %max3A_477 : vector<16xf32>
        %max3A_479 = arith.constant 0.000000e+00 : f32
        %max3A_480 = vector.broadcast %max3A_479 : f32 to vector<16xf32>
        %max3A_481 = arith.maximumf %max3A_478, %max3A_480 : vector<16xf32>
        %mul3A_482 = arith.constant 128 : i32
        %mul3A_483 = arith.muli %scan3A_246, %mul3A_482 : i32
        %add3A_484 = arith.constant 16 : i32
        %add3A_485 = arith.addi %mul3A_483, %add3A_484 : i32
        %swap3A_486 = arith.index_cast %add3A_485 : i32 to index
        %swap3A_487 = tpu.vector_load %arg15[%swap3A_486] {strides = array<i32>} : memref<640xf32, #tpu.memory_space<vmem>>, vector<16xf32>,
        %swap3A_488 = vector.shape_cast %swap3A_487 : vector<16xf32> to vector<16xf32>
        %swap3A_489 = vector.shape_cast %max3A_481 : vector<16xf32> to vector<16xf32>
        tpu.vector_store %arg15[%swap3A_486], %swap3A_489 {strides = array<i32>} : memref<640xf32, #tpu.memory_space<vmem>>, vector<16xf32>,
        %add3A_490 = arith.constant 0 : i32
        %add3A_491 = arith.addi %mul3A_248, %add3A_490 : i32
        %get3A_492 = arith.index_cast %add3A_491 : i32 to index
        %get3A_493 = arith.constant 32 : index
        %get3A_494 = tpu.vector_load %arg11[%get3A_492, %get3A_493] {strides = array<i32>} : memref<80x128xf32, #tpu.memory_space<vmem>>, vector<1x16xf32>,
        %get3A_495 = vector.shape_cast %get3A_494 : vector<1x16xf32> to vector<16xf32>
        %add3A_496 = arith.constant 1 : i32
        %add3A_497 = arith.addi %mul3A_248, %add3A_496 : i32
        %get3A_498 = arith.index_cast %add3A_497 : i32 to index
        %get3A_499 = arith.constant 32 : index
        %get3A_500 = tpu.vector_load %arg11[%get3A_498, %get3A_499] {strides = array<i32>} : memref<80x128xf32, #tpu.memory_space<vmem>>, vector<1x16xf32>,
        %get3A_501 = vector.shape_cast %get3A_500 : vector<1x16xf32> to vector<16xf32>
        %max3A_502 = arith.maximumf %get3A_495, %get3A_501 : vector<16xf32>
        %add3A_503 = arith.constant 2 : i32
        %add3A_504 = arith.addi %mul3A_248, %add3A_503 : i32
        %get3A_505 = arith.index_cast %add3A_504 : i32 to index
        %get3A_506 = arith.constant 32 : index
        %get3A_507 = tpu.vector_load %arg11[%get3A_505, %get3A_506] {strides = array<i32>} : memref<80x128xf32, #tpu.memory_space<vmem>>, vector<1x16xf32>,
        %get3A_508 = vector.shape_cast %get3A_507 : vector<1x16xf32> to vector<16xf32>
        %add3A_509 = arith.constant 3 : i32
        %add3A_510 = arith.addi %mul3A_248, %add3A_509 : i32
        %get3A_511 = arith.index_cast %add3A_510 : i32 to index
        %get3A_512 = arith.constant 32 : index
        %get3A_513 = tpu.vector_load %arg11[%get3A_511, %get3A_512] {strides = array<i32>} : memref<80x128xf32, #tpu.memory_space<vmem>>, vector<1x16xf32>,
        %get3A_514 = vector.shape_cast %get3A_513 : vector<1x16xf32> to vector<16xf32>
        %max3A_515 = arith.maximumf %get3A_508, %get3A_514 : vector<16xf32>
        %max3A_516 = arith.maximumf %max3A_502, %max3A_515 : vector<16xf32>
        %add3A_517 = arith.constant 4 : i32
        %add3A_518 = arith.addi %mul3A_248, %add3A_517 : i32
        %get3A_519 = arith.index_cast %add3A_518 : i32 to index
        %get3A_520 = arith.constant 32 : index
        %get3A_521 = tpu.vector_load %arg11[%get3A_519, %get3A_520] {strides = array<i32>} : memref<80x128xf32, #tpu.memory_space<vmem>>, vector<1x16xf32>,
        %get3A_522 = vector.shape_cast %get3A_521 : vector<1x16xf32> to vector<16xf32>
        %add3A_523 = arith.constant 5 : i32
        %add3A_524 = arith.addi %mul3A_248, %add3A_523 : i32
        %get3A_525 = arith.index_cast %add3A_524 : i32 to index
        %get3A_526 = arith.constant 32 : index
        %get3A_527 = tpu.vector_load %arg11[%get3A_525, %get3A_526] {strides = array<i32>} : memref<80x128xf32, #tpu.memory_space<vmem>>, vector<1x16xf32>,
        %get3A_528 = vector.shape_cast %get3A_527 : vector<1x16xf32> to vector<16xf32>
        %max3A_529 = arith.maximumf %get3A_522, %get3A_528 : vector<16xf32>
        %add3A_530 = arith.constant 6 : i32
        %add3A_531 = arith.addi %mul3A_248, %add3A_530 : i32
        %get3A_532 = arith.index_cast %add3A_531 : i32 to index
        %get3A_533 = arith.constant 32 : index
        %get3A_534 = tpu.vector_load %arg11[%get3A_532, %get3A_533] {strides = array<i32>} : memref<80x128xf32, #tpu.memory_space<vmem>>, vector<1x16xf32>,
        %get3A_535 = vector.shape_cast %get3A_534 : vector<1x16xf32> to vector<16xf32>
        %add3A_536 = arith.constant 7 : i32
        %add3A_537 = arith.addi %mul3A_248, %add3A_536 : i32
        %get3A_538 = arith.index_cast %add3A_537 : i32 to index
        %get3A_539 = arith.constant 32 : index
        %get3A_540 = tpu.vector_load %arg11[%get3A_538, %get3A_539] {strides = array<i32>} : memref<80x128xf32, #tpu.memory_space<vmem>>, vector<1x16xf32>,
        %get3A_541 = vector.shape_cast %get3A_540 : vector<1x16xf32> to vector<16xf32>
        %max3A_542 = arith.maximumf %get3A_535, %get3A_541 : vector<16xf32>
        %max3A_543 = arith.maximumf %max3A_529, %max3A_542 : vector<16xf32>
        %max3A_544 = arith.maximumf %max3A_516, %max3A_543 : vector<16xf32>
        %add3A_545 = arith.constant 8 : i32
        %add3A_546 = arith.addi %mul3A_248, %add3A_545 : i32
        %get3A_547 = arith.index_cast %add3A_546 : i32 to index
        %get3A_548 = arith.constant 32 : index
        %get3A_549 = tpu.vector_load %arg11[%get3A_547, %get3A_548] {strides = array<i32>} : memref<80x128xf32, #tpu.memory_space<vmem>>, vector<1x16xf32>,
        %get3A_550 = vector.shape_cast %get3A_549 : vector<1x16xf32> to vector<16xf32>
        %add3A_551 = arith.constant 9 : i32
        %add3A_552 = arith.addi %mul3A_248, %add3A_551 : i32
        %get3A_553 = arith.index_cast %add3A_552 : i32 to index
        %get3A_554 = arith.constant 32 : index
        %get3A_555 = tpu.vector_load %arg11[%get3A_553, %get3A_554] {strides = array<i32>} : memref<80x128xf32, #tpu.memory_space<vmem>>, vector<1x16xf32>,
        %get3A_556 = vector.shape_cast %get3A_555 : vector<1x16xf32> to vector<16xf32>
        %max3A_557 = arith.maximumf %get3A_550, %get3A_556 : vector<16xf32>
        %add3A_558 = arith.constant 10 : i32
        %add3A_559 = arith.addi %mul3A_248, %add3A_558 : i32
        %get3A_560 = arith.index_cast %add3A_559 : i32 to index
        %get3A_561 = arith.constant 32 : index
        %get3A_562 = tpu.vector_load %arg11[%get3A_560, %get3A_561] {strides = array<i32>} : memref<80x128xf32, #tpu.memory_space<vmem>>, vector<1x16xf32>,
        %get3A_563 = vector.shape_cast %get3A_562 : vector<1x16xf32> to vector<16xf32>
        %add3A_564 = arith.constant 11 : i32
        %add3A_565 = arith.addi %mul3A_248, %add3A_564 : i32
        %get3A_566 = arith.index_cast %add3A_565 : i32 to index
        %get3A_567 = arith.constant 32 : index
        %get3A_568 = tpu.vector_load %arg11[%get3A_566, %get3A_567] {strides = array<i32>} : memref<80x128xf32, #tpu.memory_space<vmem>>, vector<1x16xf32>,
        %get3A_569 = vector.shape_cast %get3A_568 : vector<1x16xf32> to vector<16xf32>
        %max3A_570 = arith.maximumf %get3A_563, %get3A_569 : vector<16xf32>
        %max3A_571 = arith.maximumf %max3A_557, %max3A_570 : vector<16xf32>
        %max3A_572 = arith.maximumf %max3A_544, %max3A_571 : vector<16xf32>
        %add3A_573 = arith.constant 12 : i32
        %add3A_574 = arith.addi %mul3A_248, %add3A_573 : i32
        %get3A_575 = arith.index_cast %add3A_574 : i32 to index
        %get3A_576 = arith.constant 32 : index
        %get3A_577 = tpu.vector_load %arg11[%get3A_575, %get3A_576] {strides = array<i32>} : memref<80x128xf32, #tpu.memory_space<vmem>>, vector<1x16xf32>,
        %get3A_578 = vector.shape_cast %get3A_577 : vector<1x16xf32> to vector<16xf32>
        %add3A_579 = arith.constant 13 : i32
        %add3A_580 = arith.addi %mul3A_248, %add3A_579 : i32
        %get3A_581 = arith.index_cast %add3A_580 : i32 to index
        %get3A_582 = arith.constant 32 : index
        %get3A_583 = tpu.vector_load %arg11[%get3A_581, %get3A_582] {strides = array<i32>} : memref<80x128xf32, #tpu.memory_space<vmem>>, vector<1x16xf32>,
        %get3A_584 = vector.shape_cast %get3A_583 : vector<1x16xf32> to vector<16xf32>
        %max3A_585 = arith.maximumf %get3A_578, %get3A_584 : vector<16xf32>
        %add3A_586 = arith.constant 14 : i32
        %add3A_587 = arith.addi %mul3A_248, %add3A_586 : i32
        %get3A_588 = arith.index_cast %add3A_587 : i32 to index
        %get3A_589 = arith.constant 32 : index
        %get3A_590 = tpu.vector_load %arg11[%get3A_588, %get3A_589] {strides = array<i32>} : memref<80x128xf32, #tpu.memory_space<vmem>>, vector<1x16xf32>,
        %get3A_591 = vector.shape_cast %get3A_590 : vector<1x16xf32> to vector<16xf32>
        %add3A_592 = arith.constant 15 : i32
        %add3A_593 = arith.addi %mul3A_248, %add3A_592 : i32
        %get3A_594 = arith.index_cast %add3A_593 : i32 to index
        %get3A_595 = arith.constant 32 : index
        %get3A_596 = tpu.vector_load %arg11[%get3A_594, %get3A_595] {strides = array<i32>} : memref<80x128xf32, #tpu.memory_space<vmem>>, vector<1x16xf32>,
        %get3A_597 = vector.shape_cast %get3A_596 : vector<1x16xf32> to vector<16xf32>
        %max3A_598 = arith.maximumf %get3A_591, %get3A_597 : vector<16xf32>
        %max3A_599 = arith.maximumf %max3A_585, %max3A_598 : vector<16xf32>
        %max3A_600 = arith.maximumf %max3A_572, %max3A_599 : vector<16xf32>
        %max3A_601 = arith.constant 0.000000e+00 : f32
        %max3A_602 = vector.broadcast %max3A_601 : f32 to vector<16xf32>
        %max3A_603 = arith.maximumf %max3A_600, %max3A_602 : vector<16xf32>
        %mul3A_604 = arith.constant 128 : i32
        %mul3A_605 = arith.muli %scan3A_246, %mul3A_604 : i32
        %add3A_606 = arith.constant 32 : i32
        %add3A_607 = arith.addi %mul3A_605, %add3A_606 : i32
        %swap3A_608 = arith.index_cast %add3A_607 : i32 to index
        %swap3A_609 = tpu.vector_load %arg15[%swap3A_608] {strides = array<i32>} : memref<640xf32, #tpu.memory_space<vmem>>, vector<16xf32>,
        %swap3A_610 = vector.shape_cast %swap3A_609 : vector<16xf32> to vector<16xf32>
        %swap3A_611 = vector.shape_cast %max3A_603 : vector<16xf32> to vector<16xf32>
        tpu.vector_store %arg15[%swap3A_608], %swap3A_611 {strides = array<i32>} : memref<640xf32, #tpu.memory_space<vmem>>, vector<16xf32>,
        %add3A_612 = arith.constant 0 : i32
        %add3A_613 = arith.addi %mul3A_248, %add3A_612 : i32
        %get3A_614 = arith.index_cast %add3A_613 : i32 to index
        %get3A_615 = arith.constant 48 : index
        %get3A_616 = tpu.vector_load %arg11[%get3A_614, %get3A_615] {strides = array<i32>} : memref<80x128xf32, #tpu.memory_space<vmem>>, vector<1x16xf32>,
        %get3A_617 = vector.shape_cast %get3A_616 : vector<1x16xf32> to vector<16xf32>
        %add3A_618 = arith.constant 1 : i32
        %add3A_619 = arith.addi %mul3A_248, %add3A_618 : i32
        %get3A_620 = arith.index_cast %add3A_619 : i32 to index
        %get3A_621 = arith.constant 48 : index
        %get3A_622 = tpu.vector_load %arg11[%get3A_620, %get3A_621] {strides = array<i32>} : memref<80x128xf32, #tpu.memory_space<vmem>>, vector<1x16xf32>,
        %get3A_623 = vector.shape_cast %get3A_622 : vector<1x16xf32> to vector<16xf32>
        %max3A_624 = arith.maximumf %get3A_617, %get3A_623 : vector<16xf32>
        %add3A_625 = arith.constant 2 : i32
        %add3A_626 = arith.addi %mul3A_248, %add3A_625 : i32
        %get3A_627 = arith.index_cast %add3A_626 : i32 to index
        %get3A_628 = arith.constant 48 : index
        %get3A_629 = tpu.vector_load %arg11[%get3A_627, %get3A_628] {strides = array<i32>} : memref<80x128xf32, #tpu.memory_space<vmem>>, vector<1x16xf32>,
        %get3A_630 = vector.shape_cast %get3A_629 : vector<1x16xf32> to vector<16xf32>
        %add3A_631 = arith.constant 3 : i32
        %add3A_632 = arith.addi %mul3A_248, %add3A_631 : i32
        %get3A_633 = arith.index_cast %add3A_632 : i32 to index
        %get3A_634 = arith.constant 48 : index
        %get3A_635 = tpu.vector_load %arg11[%get3A_633, %get3A_634] {strides = array<i32>} : memref<80x128xf32, #tpu.memory_space<vmem>>, vector<1x16xf32>,
        %get3A_636 = vector.shape_cast %get3A_635 : vector<1x16xf32> to vector<16xf32>
        %max3A_637 = arith.maximumf %get3A_630, %get3A_636 : vector<16xf32>
        %max3A_638 = arith.maximumf %max3A_624, %max3A_637 : vector<16xf32>
        %add3A_639 = arith.constant 4 : i32
        %add3A_640 = arith.addi %mul3A_248, %add3A_639 : i32
        %get3A_641 = arith.index_cast %add3A_640 : i32 to index
        %get3A_642 = arith.constant 48 : index
        %get3A_643 = tpu.vector_load %arg11[%get3A_641, %get3A_642] {strides = array<i32>} : memref<80x128xf32, #tpu.memory_space<vmem>>, vector<1x16xf32>,
        %get3A_644 = vector.shape_cast %get3A_643 : vector<1x16xf32> to vector<16xf32>
        %add3A_645 = arith.constant 5 : i32
        %add3A_646 = arith.addi %mul3A_248, %add3A_645 : i32
        %get3A_647 = arith.index_cast %add3A_646 : i32 to index
        %get3A_648 = arith.constant 48 : index
        %get3A_649 = tpu.vector_load %arg11[%get3A_647, %get3A_648] {strides = array<i32>} : memref<80x128xf32, #tpu.memory_space<vmem>>, vector<1x16xf32>,
        %get3A_650 = vector.shape_cast %get3A_649 : vector<1x16xf32> to vector<16xf32>
        %max3A_651 = arith.maximumf %get3A_644, %get3A_650 : vector<16xf32>
        %add3A_652 = arith.constant 6 : i32
        %add3A_653 = arith.addi %mul3A_248, %add3A_652 : i32
        %get3A_654 = arith.index_cast %add3A_653 : i32 to index
        %get3A_655 = arith.constant 48 : index
        %get3A_656 = tpu.vector_load %arg11[%get3A_654, %get3A_655] {strides = array<i32>} : memref<80x128xf32, #tpu.memory_space<vmem>>, vector<1x16xf32>,
        %get3A_657 = vector.shape_cast %get3A_656 : vector<1x16xf32> to vector<16xf32>
        %add3A_658 = arith.constant 7 : i32
        %add3A_659 = arith.addi %mul3A_248, %add3A_658 : i32
        %get3A_660 = arith.index_cast %add3A_659 : i32 to index
        %get3A_661 = arith.constant 48 : index
        %get3A_662 = tpu.vector_load %arg11[%get3A_660, %get3A_661] {strides = array<i32>} : memref<80x128xf32, #tpu.memory_space<vmem>>, vector<1x16xf32>,
        %get3A_663 = vector.shape_cast %get3A_662 : vector<1x16xf32> to vector<16xf32>
        %max3A_664 = arith.maximumf %get3A_657, %get3A_663 : vector<16xf32>
        %max3A_665 = arith.maximumf %max3A_651, %max3A_664 : vector<16xf32>
        %max3A_666 = arith.maximumf %max3A_638, %max3A_665 : vector<16xf32>
        %add3A_667 = arith.constant 8 : i32
        %add3A_668 = arith.addi %mul3A_248, %add3A_667 : i32
        %get3A_669 = arith.index_cast %add3A_668 : i32 to index
        %get3A_670 = arith.constant 48 : index
        %get3A_671 = tpu.vector_load %arg11[%get3A_669, %get3A_670] {strides = array<i32>} : memref<80x128xf32, #tpu.memory_space<vmem>>, vector<1x16xf32>,
        %get3A_672 = vector.shape_cast %get3A_671 : vector<1x16xf32> to vector<16xf32>
        %add3A_673 = arith.constant 9 : i32
        %add3A_674 = arith.addi %mul3A_248, %add3A_673 : i32
        %get3A_675 = arith.index_cast %add3A_674 : i32 to index
        %get3A_676 = arith.constant 48 : index
        %get3A_677 = tpu.vector_load %arg11[%get3A_675, %get3A_676] {strides = array<i32>} : memref<80x128xf32, #tpu.memory_space<vmem>>, vector<1x16xf32>,
        %get3A_678 = vector.shape_cast %get3A_677 : vector<1x16xf32> to vector<16xf32>
        %max3A_679 = arith.maximumf %get3A_672, %get3A_678 : vector<16xf32>
        %add3A_680 = arith.constant 10 : i32
        %add3A_681 = arith.addi %mul3A_248, %add3A_680 : i32
        %get3A_682 = arith.index_cast %add3A_681 : i32 to index
        %get3A_683 = arith.constant 48 : index
        %get3A_684 = tpu.vector_load %arg11[%get3A_682, %get3A_683] {strides = array<i32>} : memref<80x128xf32, #tpu.memory_space<vmem>>, vector<1x16xf32>,
        %get3A_685 = vector.shape_cast %get3A_684 : vector<1x16xf32> to vector<16xf32>
        %add3A_686 = arith.constant 11 : i32
        %add3A_687 = arith.addi %mul3A_248, %add3A_686 : i32
        %get3A_688 = arith.index_cast %add3A_687 : i32 to index
        %get3A_689 = arith.constant 48 : index
        %get3A_690 = tpu.vector_load %arg11[%get3A_688, %get3A_689] {strides = array<i32>} : memref<80x128xf32, #tpu.memory_space<vmem>>, vector<1x16xf32>,
        %get3A_691 = vector.shape_cast %get3A_690 : vector<1x16xf32> to vector<16xf32>
        %max3A_692 = arith.maximumf %get3A_685, %get3A_691 : vector<16xf32>
        %max3A_693 = arith.maximumf %max3A_679, %max3A_692 : vector<16xf32>
        %max3A_694 = arith.maximumf %max3A_666, %max3A_693 : vector<16xf32>
        %add3A_695 = arith.constant 12 : i32
        %add3A_696 = arith.addi %mul3A_248, %add3A_695 : i32
        %get3A_697 = arith.index_cast %add3A_696 : i32 to index
        %get3A_698 = arith.constant 48 : index
        %get3A_699 = tpu.vector_load %arg11[%get3A_697, %get3A_698] {strides = array<i32>} : memref<80x128xf32, #tpu.memory_space<vmem>>, vector<1x16xf32>,
        %get3A_700 = vector.shape_cast %get3A_699 : vector<1x16xf32> to vector<16xf32>
        %add3A_701 = arith.constant 13 : i32
        %add3A_702 = arith.addi %mul3A_248, %add3A_701 : i32
        %get3A_703 = arith.index_cast %add3A_702 : i32 to index
        %get3A_704 = arith.constant 48 : index
        %get3A_705 = tpu.vector_load %arg11[%get3A_703, %get3A_704] {strides = array<i32>} : memref<80x128xf32, #tpu.memory_space<vmem>>, vector<1x16xf32>,
        %get3A_706 = vector.shape_cast %get3A_705 : vector<1x16xf32> to vector<16xf32>
        %max3A_707 = arith.maximumf %get3A_700, %get3A_706 : vector<16xf32>
        %add3A_708 = arith.constant 14 : i32
        %add3A_709 = arith.addi %mul3A_248, %add3A_708 : i32
        %get3A_710 = arith.index_cast %add3A_709 : i32 to index
        %get3A_711 = arith.constant 48 : index
        %get3A_712 = tpu.vector_load %arg11[%get3A_710, %get3A_711] {strides = array<i32>} : memref<80x128xf32, #tpu.memory_space<vmem>>, vector<1x16xf32>,
        %get3A_713 = vector.shape_cast %get3A_712 : vector<1x16xf32> to vector<16xf32>
        %add3A_714 = arith.constant 15 : i32
        %add3A_715 = arith.addi %mul3A_248, %add3A_714 : i32
        %get3A_716 = arith.index_cast %add3A_715 : i32 to index
        %get3A_717 = arith.constant 48 : index
        %get3A_718 = tpu.vector_load %arg11[%get3A_716, %get3A_717] {strides = array<i32>} : memref<80x128xf32, #tpu.memory_space<vmem>>, vector<1x16xf32>,
        %get3A_719 = vector.shape_cast %get3A_718 : vector<1x16xf32> to vector<16xf32>
        %max3A_720 = arith.maximumf %get3A_713, %get3A_719 : vector<16xf32>
        %max3A_721 = arith.maximumf %max3A_707, %max3A_720 : vector<16xf32>
        %max3A_722 = arith.maximumf %max3A_694, %max3A_721 : vector<16xf32>
        %max3A_723 = arith.constant 0.000000e+00 : f32
        %max3A_724 = vector.broadcast %max3A_723 : f32 to vector<16xf32>
        %max3A_725 = arith.maximumf %max3A_722, %max3A_724 : vector<16xf32>
        %mul3A_726 = arith.constant 128 : i32
        %mul3A_727 = arith.muli %scan3A_246, %mul3A_726 : i32
        %add3A_728 = arith.constant 48 : i32
        %add3A_729 = arith.addi %mul3A_727, %add3A_728 : i32
        %swap3A_730 = arith.index_cast %add3A_729 : i32 to index
        %swap3A_731 = tpu.vector_load %arg15[%swap3A_730] {strides = array<i32>} : memref<640xf32, #tpu.memory_space<vmem>>, vector<16xf32>,
        %swap3A_732 = vector.shape_cast %swap3A_731 : vector<16xf32> to vector<16xf32>
        %swap3A_733 = vector.shape_cast %max3A_725 : vector<16xf32> to vector<16xf32>
        tpu.vector_store %arg15[%swap3A_730], %swap3A_733 {strides = array<i32>} : memref<640xf32, #tpu.memory_space<vmem>>, vector<16xf32>,
        %add3A_734 = arith.constant 0 : i32
        %add3A_735 = arith.addi %mul3A_248, %add3A_734 : i32
        %get3A_736 = arith.index_cast %add3A_735 : i32 to index
        %get3A_737 = arith.constant 64 : index
        %get3A_738 = tpu.vector_load %arg11[%get3A_736, %get3A_737] {strides = array<i32>} : memref<80x128xf32, #tpu.memory_space<vmem>>, vector<1x16xf32>,
        %get3A_739 = vector.shape_cast %get3A_738 : vector<1x16xf32> to vector<16xf32>
        %add3A_740 = arith.constant 1 : i32
        %add3A_741 = arith.addi %mul3A_248, %add3A_740 : i32
        %get3A_742 = arith.index_cast %add3A_741 : i32 to index
        %get3A_743 = arith.constant 64 : index
        %get3A_744 = tpu.vector_load %arg11[%get3A_742, %get3A_743] {strides = array<i32>} : memref<80x128xf32, #tpu.memory_space<vmem>>, vector<1x16xf32>,
        %get3A_745 = vector.shape_cast %get3A_744 : vector<1x16xf32> to vector<16xf32>
        %max3A_746 = arith.maximumf %get3A_739, %get3A_745 : vector<16xf32>
        %add3A_747 = arith.constant 2 : i32
        %add3A_748 = arith.addi %mul3A_248, %add3A_747 : i32
        %get3A_749 = arith.index_cast %add3A_748 : i32 to index
        %get3A_750 = arith.constant 64 : index
        %get3A_751 = tpu.vector_load %arg11[%get3A_749, %get3A_750] {strides = array<i32>} : memref<80x128xf32, #tpu.memory_space<vmem>>, vector<1x16xf32>,
        %get3A_752 = vector.shape_cast %get3A_751 : vector<1x16xf32> to vector<16xf32>
        %add3A_753 = arith.constant 3 : i32
        %add3A_754 = arith.addi %mul3A_248, %add3A_753 : i32
        %get3A_755 = arith.index_cast %add3A_754 : i32 to index
        %get3A_756 = arith.constant 64 : index
        %get3A_757 = tpu.vector_load %arg11[%get3A_755, %get3A_756] {strides = array<i32>} : memref<80x128xf32, #tpu.memory_space<vmem>>, vector<1x16xf32>,
        %get3A_758 = vector.shape_cast %get3A_757 : vector<1x16xf32> to vector<16xf32>
        %max3A_759 = arith.maximumf %get3A_752, %get3A_758 : vector<16xf32>
        %max3A_760 = arith.maximumf %max3A_746, %max3A_759 : vector<16xf32>
        %add3A_761 = arith.constant 4 : i32
        %add3A_762 = arith.addi %mul3A_248, %add3A_761 : i32
        %get3A_763 = arith.index_cast %add3A_762 : i32 to index
        %get3A_764 = arith.constant 64 : index
        %get3A_765 = tpu.vector_load %arg11[%get3A_763, %get3A_764] {strides = array<i32>} : memref<80x128xf32, #tpu.memory_space<vmem>>, vector<1x16xf32>,
        %get3A_766 = vector.shape_cast %get3A_765 : vector<1x16xf32> to vector<16xf32>
        %add3A_767 = arith.constant 5 : i32
        %add3A_768 = arith.addi %mul3A_248, %add3A_767 : i32
        %get3A_769 = arith.index_cast %add3A_768 : i32 to index
        %get3A_770 = arith.constant 64 : index
        %get3A_771 = tpu.vector_load %arg11[%get3A_769, %get3A_770] {strides = array<i32>} : memref<80x128xf32, #tpu.memory_space<vmem>>, vector<1x16xf32>,
        %get3A_772 = vector.shape_cast %get3A_771 : vector<1x16xf32> to vector<16xf32>
        %max3A_773 = arith.maximumf %get3A_766, %get3A_772 : vector<16xf32>
        %add3A_774 = arith.constant 6 : i32
        %add3A_775 = arith.addi %mul3A_248, %add3A_774 : i32
        %get3A_776 = arith.index_cast %add3A_775 : i32 to index
        %get3A_777 = arith.constant 64 : index
        %get3A_778 = tpu.vector_load %arg11[%get3A_776, %get3A_777] {strides = array<i32>} : memref<80x128xf32, #tpu.memory_space<vmem>>, vector<1x16xf32>,
        %get3A_779 = vector.shape_cast %get3A_778 : vector<1x16xf32> to vector<16xf32>
        %add3A_780 = arith.constant 7 : i32
        %add3A_781 = arith.addi %mul3A_248, %add3A_780 : i32
        %get3A_782 = arith.index_cast %add3A_781 : i32 to index
        %get3A_783 = arith.constant 64 : index
        %get3A_784 = tpu.vector_load %arg11[%get3A_782, %get3A_783] {strides = array<i32>} : memref<80x128xf32, #tpu.memory_space<vmem>>, vector<1x16xf32>,
        %get3A_785 = vector.shape_cast %get3A_784 : vector<1x16xf32> to vector<16xf32>
        %max3A_786 = arith.maximumf %get3A_779, %get3A_785 : vector<16xf32>
        %max3A_787 = arith.maximumf %max3A_773, %max3A_786 : vector<16xf32>
        %max3A_788 = arith.maximumf %max3A_760, %max3A_787 : vector<16xf32>
        %add3A_789 = arith.constant 8 : i32
        %add3A_790 = arith.addi %mul3A_248, %add3A_789 : i32
        %get3A_791 = arith.index_cast %add3A_790 : i32 to index
        %get3A_792 = arith.constant 64 : index
        %get3A_793 = tpu.vector_load %arg11[%get3A_791, %get3A_792] {strides = array<i32>} : memref<80x128xf32, #tpu.memory_space<vmem>>, vector<1x16xf32>,
        %get3A_794 = vector.shape_cast %get3A_793 : vector<1x16xf32> to vector<16xf32>
        %add3A_795 = arith.constant 9 : i32
        %add3A_796 = arith.addi %mul3A_248, %add3A_795 : i32
        %get3A_797 = arith.index_cast %add3A_796 : i32 to index
        %get3A_798 = arith.constant 64 : index
        %get3A_799 = tpu.vector_load %arg11[%get3A_797, %get3A_798] {strides = array<i32>} : memref<80x128xf32, #tpu.memory_space<vmem>>, vector<1x16xf32>,
        %get3A_800 = vector.shape_cast %get3A_799 : vector<1x16xf32> to vector<16xf32>
        %max3A_801 = arith.maximumf %get3A_794, %get3A_800 : vector<16xf32>
        %add3A_802 = arith.constant 10 : i32
        %add3A_803 = arith.addi %mul3A_248, %add3A_802 : i32
        %get3A_804 = arith.index_cast %add3A_803 : i32 to index
        %get3A_805 = arith.constant 64 : index
        %get3A_806 = tpu.vector_load %arg11[%get3A_804, %get3A_805] {strides = array<i32>} : memref<80x128xf32, #tpu.memory_space<vmem>>, vector<1x16xf32>,
        %get3A_807 = vector.shape_cast %get3A_806 : vector<1x16xf32> to vector<16xf32>
        %add3A_808 = arith.constant 11 : i32
        %add3A_809 = arith.addi %mul3A_248, %add3A_808 : i32
        %get3A_810 = arith.index_cast %add3A_809 : i32 to index
        %get3A_811 = arith.constant 64 : index
        %get3A_812 = tpu.vector_load %arg11[%get3A_810, %get3A_811] {strides = array<i32>} : memref<80x128xf32, #tpu.memory_space<vmem>>, vector<1x16xf32>,
        %get3A_813 = vector.shape_cast %get3A_812 : vector<1x16xf32> to vector<16xf32>
        %max3A_814 = arith.maximumf %get3A_807, %get3A_813 : vector<16xf32>
        %max3A_815 = arith.maximumf %max3A_801, %max3A_814 : vector<16xf32>
        %max3A_816 = arith.maximumf %max3A_788, %max3A_815 : vector<16xf32>
        %add3A_817 = arith.constant 12 : i32
        %add3A_818 = arith.addi %mul3A_248, %add3A_817 : i32
        %get3A_819 = arith.index_cast %add3A_818 : i32 to index
        %get3A_820 = arith.constant 64 : index
        %get3A_821 = tpu.vector_load %arg11[%get3A_819, %get3A_820] {strides = array<i32>} : memref<80x128xf32, #tpu.memory_space<vmem>>, vector<1x16xf32>,
        %get3A_822 = vector.shape_cast %get3A_821 : vector<1x16xf32> to vector<16xf32>
        %add3A_823 = arith.constant 13 : i32
        %add3A_824 = arith.addi %mul3A_248, %add3A_823 : i32
        %get3A_825 = arith.index_cast %add3A_824 : i32 to index
        %get3A_826 = arith.constant 64 : index
        %get3A_827 = tpu.vector_load %arg11[%get3A_825, %get3A_826] {strides = array<i32>} : memref<80x128xf32, #tpu.memory_space<vmem>>, vector<1x16xf32>,
        %get3A_828 = vector.shape_cast %get3A_827 : vector<1x16xf32> to vector<16xf32>
        %max3A_829 = arith.maximumf %get3A_822, %get3A_828 : vector<16xf32>
        %add3A_830 = arith.constant 14 : i32
        %add3A_831 = arith.addi %mul3A_248, %add3A_830 : i32
        %get3A_832 = arith.index_cast %add3A_831 : i32 to index
        %get3A_833 = arith.constant 64 : index
        %get3A_834 = tpu.vector_load %arg11[%get3A_832, %get3A_833] {strides = array<i32>} : memref<80x128xf32, #tpu.memory_space<vmem>>, vector<1x16xf32>,
        %get3A_835 = vector.shape_cast %get3A_834 : vector<1x16xf32> to vector<16xf32>
        %add3A_836 = arith.constant 15 : i32
        %add3A_837 = arith.addi %mul3A_248, %add3A_836 : i32
        %get3A_838 = arith.index_cast %add3A_837 : i32 to index
        %get3A_839 = arith.constant 64 : index
        %get3A_840 = tpu.vector_load %arg11[%get3A_838, %get3A_839] {strides = array<i32>} : memref<80x128xf32, #tpu.memory_space<vmem>>, vector<1x16xf32>,
        %get3A_841 = vector.shape_cast %get3A_840 : vector<1x16xf32> to vector<16xf32>
        %max3A_842 = arith.maximumf %get3A_835, %get3A_841 : vector<16xf32>
        %max3A_843 = arith.maximumf %max3A_829, %max3A_842 : vector<16xf32>
        %max3A_844 = arith.maximumf %max3A_816, %max3A_843 : vector<16xf32>
        %max3A_845 = arith.constant 0.000000e+00 : f32
        %max3A_846 = vector.broadcast %max3A_845 : f32 to vector<16xf32>
        %max3A_847 = arith.maximumf %max3A_844, %max3A_846 : vector<16xf32>
        %mul3A_848 = arith.constant 128 : i32
        %mul3A_849 = arith.muli %scan3A_246, %mul3A_848 : i32
        %add3A_850 = arith.constant 64 : i32
        %add3A_851 = arith.addi %mul3A_849, %add3A_850 : i32
        %swap3A_852 = arith.index_cast %add3A_851 : i32 to index
        %swap3A_853 = tpu.vector_load %arg15[%swap3A_852] {strides = array<i32>} : memref<640xf32, #tpu.memory_space<vmem>>, vector<16xf32>,
        %swap3A_854 = vector.shape_cast %swap3A_853 : vector<16xf32> to vector<16xf32>
        %swap3A_855 = vector.shape_cast %max3A_847 : vector<16xf32> to vector<16xf32>
        tpu.vector_store %arg15[%swap3A_852], %swap3A_855 {strides = array<i32>} : memref<640xf32, #tpu.memory_space<vmem>>, vector<16xf32>,
        %add3A_856 = arith.constant 0 : i32
        %add3A_857 = arith.addi %mul3A_248, %add3A_856 : i32
        %get3A_858 = arith.index_cast %add3A_857 : i32 to index
        %get3A_859 = arith.constant 80 : index
        %get3A_860 = tpu.vector_load %arg11[%get3A_858, %get3A_859] {strides = array<i32>} : memref<80x128xf32, #tpu.memory_space<vmem>>, vector<1x16xf32>,
        %get3A_861 = vector.shape_cast %get3A_860 : vector<1x16xf32> to vector<16xf32>
        %add3A_862 = arith.constant 1 : i32
        %add3A_863 = arith.addi %mul3A_248, %add3A_862 : i32
        %get3A_864 = arith.index_cast %add3A_863 : i32 to index
        %get3A_865 = arith.constant 80 : index
        %get3A_866 = tpu.vector_load %arg11[%get3A_864, %get3A_865] {strides = array<i32>} : memref<80x128xf32, #tpu.memory_space<vmem>>, vector<1x16xf32>,
        %get3A_867 = vector.shape_cast %get3A_866 : vector<1x16xf32> to vector<16xf32>
        %max3A_868 = arith.maximumf %get3A_861, %get3A_867 : vector<16xf32>
        %add3A_869 = arith.constant 2 : i32
        %add3A_870 = arith.addi %mul3A_248, %add3A_869 : i32
        %get3A_871 = arith.index_cast %add3A_870 : i32 to index
        %get3A_872 = arith.constant 80 : index
        %get3A_873 = tpu.vector_load %arg11[%get3A_871, %get3A_872] {strides = array<i32>} : memref<80x128xf32, #tpu.memory_space<vmem>>, vector<1x16xf32>,
        %get3A_874 = vector.shape_cast %get3A_873 : vector<1x16xf32> to vector<16xf32>
        %add3A_875 = arith.constant 3 : i32
        %add3A_876 = arith.addi %mul3A_248, %add3A_875 : i32
        %get3A_877 = arith.index_cast %add3A_876 : i32 to index
        %get3A_878 = arith.constant 80 : index
        %get3A_879 = tpu.vector_load %arg11[%get3A_877, %get3A_878] {strides = array<i32>} : memref<80x128xf32, #tpu.memory_space<vmem>>, vector<1x16xf32>,
        %get3A_880 = vector.shape_cast %get3A_879 : vector<1x16xf32> to vector<16xf32>
        %max3A_881 = arith.maximumf %get3A_874, %get3A_880 : vector<16xf32>
        %max3A_882 = arith.maximumf %max3A_868, %max3A_881 : vector<16xf32>
        %add3A_883 = arith.constant 4 : i32
        %add3A_884 = arith.addi %mul3A_248, %add3A_883 : i32
        %get3A_885 = arith.index_cast %add3A_884 : i32 to index
        %get3A_886 = arith.constant 80 : index
        %get3A_887 = tpu.vector_load %arg11[%get3A_885, %get3A_886] {strides = array<i32>} : memref<80x128xf32, #tpu.memory_space<vmem>>, vector<1x16xf32>,
        %get3A_888 = vector.shape_cast %get3A_887 : vector<1x16xf32> to vector<16xf32>
        %add3A_889 = arith.constant 5 : i32
        %add3A_890 = arith.addi %mul3A_248, %add3A_889 : i32
        %get3A_891 = arith.index_cast %add3A_890 : i32 to index
        %get3A_892 = arith.constant 80 : index
        %get3A_893 = tpu.vector_load %arg11[%get3A_891, %get3A_892] {strides = array<i32>} : memref<80x128xf32, #tpu.memory_space<vmem>>, vector<1x16xf32>,
        %get3A_894 = vector.shape_cast %get3A_893 : vector<1x16xf32> to vector<16xf32>
        %max3A_895 = arith.maximumf %get3A_888, %get3A_894 : vector<16xf32>
        %add3A_896 = arith.constant 6 : i32
        %add3A_897 = arith.addi %mul3A_248, %add3A_896 : i32
        %get3A_898 = arith.index_cast %add3A_897 : i32 to index
        %get3A_899 = arith.constant 80 : index
        %get3A_900 = tpu.vector_load %arg11[%get3A_898, %get3A_899] {strides = array<i32>} : memref<80x128xf32, #tpu.memory_space<vmem>>, vector<1x16xf32>,
        %get3A_901 = vector.shape_cast %get3A_900 : vector<1x16xf32> to vector<16xf32>
        %add3A_902 = arith.constant 7 : i32
        %add3A_903 = arith.addi %mul3A_248, %add3A_902 : i32
        %get3A_904 = arith.index_cast %add3A_903 : i32 to index
        %get3A_905 = arith.constant 80 : index
        %get3A_906 = tpu.vector_load %arg11[%get3A_904, %get3A_905] {strides = array<i32>} : memref<80x128xf32, #tpu.memory_space<vmem>>, vector<1x16xf32>,
        %get3A_907 = vector.shape_cast %get3A_906 : vector<1x16xf32> to vector<16xf32>
        %max3A_908 = arith.maximumf %get3A_901, %get3A_907 : vector<16xf32>
        %max3A_909 = arith.maximumf %max3A_895, %max3A_908 : vector<16xf32>
        %max3A_910 = arith.maximumf %max3A_882, %max3A_909 : vector<16xf32>
        %add3A_911 = arith.constant 8 : i32
        %add3A_912 = arith.addi %mul3A_248, %add3A_911 : i32
        %get3A_913 = arith.index_cast %add3A_912 : i32 to index
        %get3A_914 = arith.constant 80 : index
        %get3A_915 = tpu.vector_load %arg11[%get3A_913, %get3A_914] {strides = array<i32>} : memref<80x128xf32, #tpu.memory_space<vmem>>, vector<1x16xf32>,
        %get3A_916 = vector.shape_cast %get3A_915 : vector<1x16xf32> to vector<16xf32>
        %add3A_917 = arith.constant 9 : i32
        %add3A_918 = arith.addi %mul3A_248, %add3A_917 : i32
        %get3A_919 = arith.index_cast %add3A_918 : i32 to index
        %get3A_920 = arith.constant 80 : index
        %get3A_921 = tpu.vector_load %arg11[%get3A_919, %get3A_920] {strides = array<i32>} : memref<80x128xf32, #tpu.memory_space<vmem>>, vector<1x16xf32>,
        %get3A_922 = vector.shape_cast %get3A_921 : vector<1x16xf32> to vector<16xf32>
        %max3A_923 = arith.maximumf %get3A_916, %get3A_922 : vector<16xf32>
        %add3A_924 = arith.constant 10 : i32
        %add3A_925 = arith.addi %mul3A_248, %add3A_924 : i32
        %get3A_926 = arith.index_cast %add3A_925 : i32 to index
        %get3A_927 = arith.constant 80 : index
        %get3A_928 = tpu.vector_load %arg11[%get3A_926, %get3A_927] {strides = array<i32>} : memref<80x128xf32, #tpu.memory_space<vmem>>, vector<1x16xf32>,
        %get3A_929 = vector.shape_cast %get3A_928 : vector<1x16xf32> to vector<16xf32>
        %add3A_930 = arith.constant 11 : i32
        %add3A_931 = arith.addi %mul3A_248, %add3A_930 : i32
        %get3A_932 = arith.index_cast %add3A_931 : i32 to index
        %get3A_933 = arith.constant 80 : index
        %get3A_934 = tpu.vector_load %arg11[%get3A_932, %get3A_933] {strides = array<i32>} : memref<80x128xf32, #tpu.memory_space<vmem>>, vector<1x16xf32>,
        %get3A_935 = vector.shape_cast %get3A_934 : vector<1x16xf32> to vector<16xf32>
        %max3A_936 = arith.maximumf %get3A_929, %get3A_935 : vector<16xf32>
        %max3A_937 = arith.maximumf %max3A_923, %max3A_936 : vector<16xf32>
        %max3A_938 = arith.maximumf %max3A_910, %max3A_937 : vector<16xf32>
        %add3A_939 = arith.constant 12 : i32
        %add3A_940 = arith.addi %mul3A_248, %add3A_939 : i32
        %get3A_941 = arith.index_cast %add3A_940 : i32 to index
        %get3A_942 = arith.constant 80 : index
        %get3A_943 = tpu.vector_load %arg11[%get3A_941, %get3A_942] {strides = array<i32>} : memref<80x128xf32, #tpu.memory_space<vmem>>, vector<1x16xf32>,
        %get3A_944 = vector.shape_cast %get3A_943 : vector<1x16xf32> to vector<16xf32>
        %add3A_945 = arith.constant 13 : i32
        %add3A_946 = arith.addi %mul3A_248, %add3A_945 : i32
        %get3A_947 = arith.index_cast %add3A_946 : i32 to index
        %get3A_948 = arith.constant 80 : index
        %get3A_949 = tpu.vector_load %arg11[%get3A_947, %get3A_948] {strides = array<i32>} : memref<80x128xf32, #tpu.memory_space<vmem>>, vector<1x16xf32>,
        %get3A_950 = vector.shape_cast %get3A_949 : vector<1x16xf32> to vector<16xf32>
        %max3A_951 = arith.maximumf %get3A_944, %get3A_950 : vector<16xf32>
        %add3A_952 = arith.constant 14 : i32
        %add3A_953 = arith.addi %mul3A_248, %add3A_952 : i32
        %get3A_954 = arith.index_cast %add3A_953 : i32 to index
        %get3A_955 = arith.constant 80 : index
        %get3A_956 = tpu.vector_load %arg11[%get3A_954, %get3A_955] {strides = array<i32>} : memref<80x128xf32, #tpu.memory_space<vmem>>, vector<1x16xf32>,
        %get3A_957 = vector.shape_cast %get3A_956 : vector<1x16xf32> to vector<16xf32>
        %add3A_958 = arith.constant 15 : i32
        %add3A_959 = arith.addi %mul3A_248, %add3A_958 : i32
        %get3A_960 = arith.index_cast %add3A_959 : i32 to index
        %get3A_961 = arith.constant 80 : index
        %get3A_962 = tpu.vector_load %arg11[%get3A_960, %get3A_961] {strides = array<i32>} : memref<80x128xf32, #tpu.memory_space<vmem>>, vector<1x16xf32>,
        %get3A_963 = vector.shape_cast %get3A_962 : vector<1x16xf32> to vector<16xf32>
        %max3A_964 = arith.maximumf %get3A_957, %get3A_963 : vector<16xf32>
        %max3A_965 = arith.maximumf %max3A_951, %max3A_964 : vector<16xf32>
        %max3A_966 = arith.maximumf %max3A_938, %max3A_965 : vector<16xf32>
        %max3A_967 = arith.constant 0.000000e+00 : f32
        %max3A_968 = vector.broadcast %max3A_967 : f32 to vector<16xf32>
        %max3A_969 = arith.maximumf %max3A_966, %max3A_968 : vector<16xf32>
        %mul3A_970 = arith.constant 128 : i32
        %mul3A_971 = arith.muli %scan3A_246, %mul3A_970 : i32
        %add3A_972 = arith.constant 80 : i32
        %add3A_973 = arith.addi %mul3A_971, %add3A_972 : i32
        %swap3A_974 = arith.index_cast %add3A_973 : i32 to index
        %swap3A_975 = tpu.vector_load %arg15[%swap3A_974] {strides = array<i32>} : memref<640xf32, #tpu.memory_space<vmem>>, vector<16xf32>,
        %swap3A_976 = vector.shape_cast %swap3A_975 : vector<16xf32> to vector<16xf32>
        %swap3A_977 = vector.shape_cast %max3A_969 : vector<16xf32> to vector<16xf32>
        tpu.vector_store %arg15[%swap3A_974], %swap3A_977 {strides = array<i32>} : memref<640xf32, #tpu.memory_space<vmem>>, vector<16xf32>,
        %add3A_978 = arith.constant 0 : i32
        %add3A_979 = arith.addi %mul3A_248, %add3A_978 : i32
        %get3A_980 = arith.index_cast %add3A_979 : i32 to index
        %get3A_981 = arith.constant 96 : index
        %get3A_982 = tpu.vector_load %arg11[%get3A_980, %get3A_981] {strides = array<i32>} : memref<80x128xf32, #tpu.memory_space<vmem>>, vector<1x16xf32>,
        %get3A_983 = vector.shape_cast %get3A_982 : vector<1x16xf32> to vector<16xf32>
        %add3A_984 = arith.constant 1 : i32
        %add3A_985 = arith.addi %mul3A_248, %add3A_984 : i32
        %get3A_986 = arith.index_cast %add3A_985 : i32 to index
        %get3A_987 = arith.constant 96 : index
        %get3A_988 = tpu.vector_load %arg11[%get3A_986, %get3A_987] {strides = array<i32>} : memref<80x128xf32, #tpu.memory_space<vmem>>, vector<1x16xf32>,
        %get3A_989 = vector.shape_cast %get3A_988 : vector<1x16xf32> to vector<16xf32>
        %max3A_990 = arith.maximumf %get3A_983, %get3A_989 : vector<16xf32>
        %add3A_991 = arith.constant 2 : i32
        %add3A_992 = arith.addi %mul3A_248, %add3A_991 : i32
        %get3A_993 = arith.index_cast %add3A_992 : i32 to index
        %get3A_994 = arith.constant 96 : index
        %get3A_995 = tpu.vector_load %arg11[%get3A_993, %get3A_994] {strides = array<i32>} : memref<80x128xf32, #tpu.memory_space<vmem>>, vector<1x16xf32>,
        %get3A_996 = vector.shape_cast %get3A_995 : vector<1x16xf32> to vector<16xf32>
        %add3A_997 = arith.constant 3 : i32
        %add3A_998 = arith.addi %mul3A_248, %add3A_997 : i32
        %get3A_999 = arith.index_cast %add3A_998 : i32 to index
        %get3A_1000 = arith.constant 96 : index
        %get3A_1001 = tpu.vector_load %arg11[%get3A_999, %get3A_1000] {strides = array<i32>} : memref<80x128xf32, #tpu.memory_space<vmem>>, vector<1x16xf32>,
        %get3A_1002 = vector.shape_cast %get3A_1001 : vector<1x16xf32> to vector<16xf32>
        %max3A_1003 = arith.maximumf %get3A_996, %get3A_1002 : vector<16xf32>
        %max3A_1004 = arith.maximumf %max3A_990, %max3A_1003 : vector<16xf32>
        %add3A_1005 = arith.constant 4 : i32
        %add3A_1006 = arith.addi %mul3A_248, %add3A_1005 : i32
        %get3A_1007 = arith.index_cast %add3A_1006 : i32 to index
        %get3A_1008 = arith.constant 96 : index
        %get3A_1009 = tpu.vector_load %arg11[%get3A_1007, %get3A_1008] {strides = array<i32>} : memref<80x128xf32, #tpu.memory_space<vmem>>, vector<1x16xf32>,
        %get3A_1010 = vector.shape_cast %get3A_1009 : vector<1x16xf32> to vector<16xf32>
        %add3A_1011 = arith.constant 5 : i32
        %add3A_1012 = arith.addi %mul3A_248, %add3A_1011 : i32
        %get3A_1013 = arith.index_cast %add3A_1012 : i32 to index
        %get3A_1014 = arith.constant 96 : index
        %get3A_1015 = tpu.vector_load %arg11[%get3A_1013, %get3A_1014] {strides = array<i32>} : memref<80x128xf32, #tpu.memory_space<vmem>>, vector<1x16xf32>,
        %get3A_1016 = vector.shape_cast %get3A_1015 : vector<1x16xf32> to vector<16xf32>
        %max3A_1017 = arith.maximumf %get3A_1010, %get3A_1016 : vector<16xf32>
        %add3A_1018 = arith.constant 6 : i32
        %add3A_1019 = arith.addi %mul3A_248, %add3A_1018 : i32
        %get3A_1020 = arith.index_cast %add3A_1019 : i32 to index
        %get3A_1021 = arith.constant 96 : index
        %get3A_1022 = tpu.vector_load %arg11[%get3A_1020, %get3A_1021] {strides = array<i32>} : memref<80x128xf32, #tpu.memory_space<vmem>>, vector<1x16xf32>,
        %get3A_1023 = vector.shape_cast %get3A_1022 : vector<1x16xf32> to vector<16xf32>
        %add3A_1024 = arith.constant 7 : i32
        %add3A_1025 = arith.addi %mul3A_248, %add3A_1024 : i32
        %get3A_1026 = arith.index_cast %add3A_1025 : i32 to index
        %get3A_1027 = arith.constant 96 : index
        %get3A_1028 = tpu.vector_load %arg11[%get3A_1026, %get3A_1027] {strides = array<i32>} : memref<80x128xf32, #tpu.memory_space<vmem>>, vector<1x16xf32>,
        %get3A_1029 = vector.shape_cast %get3A_1028 : vector<1x16xf32> to vector<16xf32>
        %max3A_1030 = arith.maximumf %get3A_1023, %get3A_1029 : vector<16xf32>
        %max3A_1031 = arith.maximumf %max3A_1017, %max3A_1030 : vector<16xf32>
        %max3A_1032 = arith.maximumf %max3A_1004, %max3A_1031 : vector<16xf32>
        %add3A_1033 = arith.constant 8 : i32
        %add3A_1034 = arith.addi %mul3A_248, %add3A_1033 : i32
        %get3A_1035 = arith.index_cast %add3A_1034 : i32 to index
        %get3A_1036 = arith.constant 96 : index
        %get3A_1037 = tpu.vector_load %arg11[%get3A_1035, %get3A_1036] {strides = array<i32>} : memref<80x128xf32, #tpu.memory_space<vmem>>, vector<1x16xf32>,
        %get3A_1038 = vector.shape_cast %get3A_1037 : vector<1x16xf32> to vector<16xf32>
        %add3A_1039 = arith.constant 9 : i32
        %add3A_1040 = arith.addi %mul3A_248, %add3A_1039 : i32
        %get3A_1041 = arith.index_cast %add3A_1040 : i32 to index
        %get3A_1042 = arith.constant 96 : index
        %get3A_1043 = tpu.vector_load %arg11[%get3A_1041, %get3A_1042] {strides = array<i32>} : memref<80x128xf32, #tpu.memory_space<vmem>>, vector<1x16xf32>,
        %get3A_1044 = vector.shape_cast %get3A_1043 : vector<1x16xf32> to vector<16xf32>
        %max3A_1045 = arith.maximumf %get3A_1038, %get3A_1044 : vector<16xf32>
        %add3A_1046 = arith.constant 10 : i32
        %add3A_1047 = arith.addi %mul3A_248, %add3A_1046 : i32
        %get3A_1048 = arith.index_cast %add3A_1047 : i32 to index
        %get3A_1049 = arith.constant 96 : index
        %get3A_1050 = tpu.vector_load %arg11[%get3A_1048, %get3A_1049] {strides = array<i32>} : memref<80x128xf32, #tpu.memory_space<vmem>>, vector<1x16xf32>,
        %get3A_1051 = vector.shape_cast %get3A_1050 : vector<1x16xf32> to vector<16xf32>
        %add3A_1052 = arith.constant 11 : i32
        %add3A_1053 = arith.addi %mul3A_248, %add3A_1052 : i32
        %get3A_1054 = arith.index_cast %add3A_1053 : i32 to index
        %get3A_1055 = arith.constant 96 : index
        %get3A_1056 = tpu.vector_load %arg11[%get3A_1054, %get3A_1055] {strides = array<i32>} : memref<80x128xf32, #tpu.memory_space<vmem>>, vector<1x16xf32>,
        %get3A_1057 = vector.shape_cast %get3A_1056 : vector<1x16xf32> to vector<16xf32>
        %max3A_1058 = arith.maximumf %get3A_1051, %get3A_1057 : vector<16xf32>
        %max3A_1059 = arith.maximumf %max3A_1045, %max3A_1058 : vector<16xf32>
        %max3A_1060 = arith.maximumf %max3A_1032, %max3A_1059 : vector<16xf32>
        %add3A_1061 = arith.constant 12 : i32
        %add3A_1062 = arith.addi %mul3A_248, %add3A_1061 : i32
        %get3A_1063 = arith.index_cast %add3A_1062 : i32 to index
        %get3A_1064 = arith.constant 96 : index
        %get3A_1065 = tpu.vector_load %arg11[%get3A_1063, %get3A_1064] {strides = array<i32>} : memref<80x128xf32, #tpu.memory_space<vmem>>, vector<1x16xf32>,
        %get3A_1066 = vector.shape_cast %get3A_1065 : vector<1x16xf32> to vector<16xf32>
        %add3A_1067 = arith.constant 13 : i32
        %add3A_1068 = arith.addi %mul3A_248, %add3A_1067 : i32
        %get3A_1069 = arith.index_cast %add3A_1068 : i32 to index
        %get3A_1070 = arith.constant 96 : index
        %get3A_1071 = tpu.vector_load %arg11[%get3A_1069, %get3A_1070] {strides = array<i32>} : memref<80x128xf32, #tpu.memory_space<vmem>>, vector<1x16xf32>,
        %get3A_1072 = vector.shape_cast %get3A_1071 : vector<1x16xf32> to vector<16xf32>
        %max3A_1073 = arith.maximumf %get3A_1066, %get3A_1072 : vector<16xf32>
        %add3A_1074 = arith.constant 14 : i32
        %add3A_1075 = arith.addi %mul3A_248, %add3A_1074 : i32
        %get3A_1076 = arith.index_cast %add3A_1075 : i32 to index
        %get3A_1077 = arith.constant 96 : index
        %get3A_1078 = tpu.vector_load %arg11[%get3A_1076, %get3A_1077] {strides = array<i32>} : memref<80x128xf32, #tpu.memory_space<vmem>>, vector<1x16xf32>,
        %get3A_1079 = vector.shape_cast %get3A_1078 : vector<1x16xf32> to vector<16xf32>
        %add3A_1080 = arith.constant 15 : i32
        %add3A_1081 = arith.addi %mul3A_248, %add3A_1080 : i32
        %get3A_1082 = arith.index_cast %add3A_1081 : i32 to index
        %get3A_1083 = arith.constant 96 : index
        %get3A_1084 = tpu.vector_load %arg11[%get3A_1082, %get3A_1083] {strides = array<i32>} : memref<80x128xf32, #tpu.memory_space<vmem>>, vector<1x16xf32>,
        %get3A_1085 = vector.shape_cast %get3A_1084 : vector<1x16xf32> to vector<16xf32>
        %max3A_1086 = arith.maximumf %get3A_1079, %get3A_1085 : vector<16xf32>
        %max3A_1087 = arith.maximumf %max3A_1073, %max3A_1086 : vector<16xf32>
        %max3A_1088 = arith.maximumf %max3A_1060, %max3A_1087 : vector<16xf32>
        %max3A_1089 = arith.constant 0.000000e+00 : f32
        %max3A_1090 = vector.broadcast %max3A_1089 : f32 to vector<16xf32>
        %max3A_1091 = arith.maximumf %max3A_1088, %max3A_1090 : vector<16xf32>
        %mul3A_1092 = arith.constant 128 : i32
        %mul3A_1093 = arith.muli %scan3A_246, %mul3A_1092 : i32
        %add3A_1094 = arith.constant 96 : i32
        %add3A_1095 = arith.addi %mul3A_1093, %add3A_1094 : i32
        %swap3A_1096 = arith.index_cast %add3A_1095 : i32 to index
        %swap3A_1097 = tpu.vector_load %arg15[%swap3A_1096] {strides = array<i32>} : memref<640xf32, #tpu.memory_space<vmem>>, vector<16xf32>,
        %swap3A_1098 = vector.shape_cast %swap3A_1097 : vector<16xf32> to vector<16xf32>
        %swap3A_1099 = vector.shape_cast %max3A_1091 : vector<16xf32> to vector<16xf32>
        tpu.vector_store %arg15[%swap3A_1096], %swap3A_1099 {strides = array<i32>} : memref<640xf32, #tpu.memory_space<vmem>>, vector<16xf32>,
        %add3A_1100 = arith.constant 0 : i32
        %add3A_1101 = arith.addi %mul3A_248, %add3A_1100 : i32
        %get3A_1102 = arith.index_cast %add3A_1101 : i32 to index
        %get3A_1103 = arith.constant 112 : index
        %get3A_1104 = tpu.vector_load %arg11[%get3A_1102, %get3A_1103] {strides = array<i32>} : memref<80x128xf32, #tpu.memory_space<vmem>>, vector<1x16xf32>,
        %get3A_1105 = vector.shape_cast %get3A_1104 : vector<1x16xf32> to vector<16xf32>
        %add3A_1106 = arith.constant 1 : i32
        %add3A_1107 = arith.addi %mul3A_248, %add3A_1106 : i32
        %get3A_1108 = arith.index_cast %add3A_1107 : i32 to index
        %get3A_1109 = arith.constant 112 : index
        %get3A_1110 = tpu.vector_load %arg11[%get3A_1108, %get3A_1109] {strides = array<i32>} : memref<80x128xf32, #tpu.memory_space<vmem>>, vector<1x16xf32>,
        %get3A_1111 = vector.shape_cast %get3A_1110 : vector<1x16xf32> to vector<16xf32>
        %max3A_1112 = arith.maximumf %get3A_1105, %get3A_1111 : vector<16xf32>
        %add3A_1113 = arith.constant 2 : i32
        %add3A_1114 = arith.addi %mul3A_248, %add3A_1113 : i32
        %get3A_1115 = arith.index_cast %add3A_1114 : i32 to index
        %get3A_1116 = arith.constant 112 : index
        %get3A_1117 = tpu.vector_load %arg11[%get3A_1115, %get3A_1116] {strides = array<i32>} : memref<80x128xf32, #tpu.memory_space<vmem>>, vector<1x16xf32>,
        %get3A_1118 = vector.shape_cast %get3A_1117 : vector<1x16xf32> to vector<16xf32>
        %add3A_1119 = arith.constant 3 : i32
        %add3A_1120 = arith.addi %mul3A_248, %add3A_1119 : i32
        %get3A_1121 = arith.index_cast %add3A_1120 : i32 to index
        %get3A_1122 = arith.constant 112 : index
        %get3A_1123 = tpu.vector_load %arg11[%get3A_1121, %get3A_1122] {strides = array<i32>} : memref<80x128xf32, #tpu.memory_space<vmem>>, vector<1x16xf32>,
        %get3A_1124 = vector.shape_cast %get3A_1123 : vector<1x16xf32> to vector<16xf32>
        %max3A_1125 = arith.maximumf %get3A_1118, %get3A_1124 : vector<16xf32>
        %max3A_1126 = arith.maximumf %max3A_1112, %max3A_1125 : vector<16xf32>
        %add3A_1127 = arith.constant 4 : i32
        %add3A_1128 = arith.addi %mul3A_248, %add3A_1127 : i32
        %get3A_1129 = arith.index_cast %add3A_1128 : i32 to index
        %get3A_1130 = arith.constant 112 : index
        %get3A_1131 = tpu.vector_load %arg11[%get3A_1129, %get3A_1130] {strides = array<i32>} : memref<80x128xf32, #tpu.memory_space<vmem>>, vector<1x16xf32>,
        %get3A_1132 = vector.shape_cast %get3A_1131 : vector<1x16xf32> to vector<16xf32>
        %add3A_1133 = arith.constant 5 : i32
        %add3A_1134 = arith.addi %mul3A_248, %add3A_1133 : i32
        %get3A_1135 = arith.index_cast %add3A_1134 : i32 to index
        %get3A_1136 = arith.constant 112 : index
        %get3A_1137 = tpu.vector_load %arg11[%get3A_1135, %get3A_1136] {strides = array<i32>} : memref<80x128xf32, #tpu.memory_space<vmem>>, vector<1x16xf32>,
        %get3A_1138 = vector.shape_cast %get3A_1137 : vector<1x16xf32> to vector<16xf32>
        %max3A_1139 = arith.maximumf %get3A_1132, %get3A_1138 : vector<16xf32>
        %add3A_1140 = arith.constant 6 : i32
        %add3A_1141 = arith.addi %mul3A_248, %add3A_1140 : i32
        %get3A_1142 = arith.index_cast %add3A_1141 : i32 to index
        %get3A_1143 = arith.constant 112 : index
        %get3A_1144 = tpu.vector_load %arg11[%get3A_1142, %get3A_1143] {strides = array<i32>} : memref<80x128xf32, #tpu.memory_space<vmem>>, vector<1x16xf32>,
        %get3A_1145 = vector.shape_cast %get3A_1144 : vector<1x16xf32> to vector<16xf32>
        %add3A_1146 = arith.constant 7 : i32
        %add3A_1147 = arith.addi %mul3A_248, %add3A_1146 : i32
        %get3A_1148 = arith.index_cast %add3A_1147 : i32 to index
        %get3A_1149 = arith.constant 112 : index
        %get3A_1150 = tpu.vector_load %arg11[%get3A_1148, %get3A_1149] {strides = array<i32>} : memref<80x128xf32, #tpu.memory_space<vmem>>, vector<1x16xf32>,
        %get3A_1151 = vector.shape_cast %get3A_1150 : vector<1x16xf32> to vector<16xf32>
        %max3A_1152 = arith.maximumf %get3A_1145, %get3A_1151 : vector<16xf32>
        %max3A_1153 = arith.maximumf %max3A_1139, %max3A_1152 : vector<16xf32>
        %max3A_1154 = arith.maximumf %max3A_1126, %max3A_1153 : vector<16xf32>
        %add3A_1155 = arith.constant 8 : i32
        %add3A_1156 = arith.addi %mul3A_248, %add3A_1155 : i32
        %get3A_1157 = arith.index_cast %add3A_1156 : i32 to index
        %get3A_1158 = arith.constant 112 : index
        %get3A_1159 = tpu.vector_load %arg11[%get3A_1157, %get3A_1158] {strides = array<i32>} : memref<80x128xf32, #tpu.memory_space<vmem>>, vector<1x16xf32>,
        %get3A_1160 = vector.shape_cast %get3A_1159 : vector<1x16xf32> to vector<16xf32>
        %add3A_1161 = arith.constant 9 : i32
        %add3A_1162 = arith.addi %mul3A_248, %add3A_1161 : i32
        %get3A_1163 = arith.index_cast %add3A_1162 : i32 to index
        %get3A_1164 = arith.constant 112 : index
        %get3A_1165 = tpu.vector_load %arg11[%get3A_1163, %get3A_1164] {strides = array<i32>} : memref<80x128xf32, #tpu.memory_space<vmem>>, vector<1x16xf32>,
        %get3A_1166 = vector.shape_cast %get3A_1165 : vector<1x16xf32> to vector<16xf32>
        %max3A_1167 = arith.maximumf %get3A_1160, %get3A_1166 : vector<16xf32>
        %add3A_1168 = arith.constant 10 : i32
        %add3A_1169 = arith.addi %mul3A_248, %add3A_1168 : i32
        %get3A_1170 = arith.index_cast %add3A_1169 : i32 to index
        %get3A_1171 = arith.constant 112 : index
        %get3A_1172 = tpu.vector_load %arg11[%get3A_1170, %get3A_1171] {strides = array<i32>} : memref<80x128xf32, #tpu.memory_space<vmem>>, vector<1x16xf32>,
        %get3A_1173 = vector.shape_cast %get3A_1172 : vector<1x16xf32> to vector<16xf32>
        %add3A_1174 = arith.constant 11 : i32
        %add3A_1175 = arith.addi %mul3A_248, %add3A_1174 : i32
        %get3A_1176 = arith.index_cast %add3A_1175 : i32 to index
        %get3A_1177 = arith.constant 112 : index
        %get3A_1178 = tpu.vector_load %arg11[%get3A_1176, %get3A_1177] {strides = array<i32>} : memref<80x128xf32, #tpu.memory_space<vmem>>, vector<1x16xf32>,
        %get3A_1179 = vector.shape_cast %get3A_1178 : vector<1x16xf32> to vector<16xf32>
        %max3A_1180 = arith.maximumf %get3A_1173, %get3A_1179 : vector<16xf32>
        %max3A_1181 = arith.maximumf %max3A_1167, %max3A_1180 : vector<16xf32>
        %max3A_1182 = arith.maximumf %max3A_1154, %max3A_1181 : vector<16xf32>
        %add3A_1183 = arith.constant 12 : i32
        %add3A_1184 = arith.addi %mul3A_248, %add3A_1183 : i32
        %get3A_1185 = arith.index_cast %add3A_1184 : i32 to index
        %get3A_1186 = arith.constant 112 : index
        %get3A_1187 = tpu.vector_load %arg11[%get3A_1185, %get3A_1186] {strides = array<i32>} : memref<80x128xf32, #tpu.memory_space<vmem>>, vector<1x16xf32>,
        %get3A_1188 = vector.shape_cast %get3A_1187 : vector<1x16xf32> to vector<16xf32>
        %add3A_1189 = arith.constant 13 : i32
        %add3A_1190 = arith.addi %mul3A_248, %add3A_1189 : i32
        %get3A_1191 = arith.index_cast %add3A_1190 : i32 to index
        %get3A_1192 = arith.constant 112 : index
        %get3A_1193 = tpu.vector_load %arg11[%get3A_1191, %get3A_1192] {strides = array<i32>} : memref<80x128xf32, #tpu.memory_space<vmem>>, vector<1x16xf32>,
        %get3A_1194 = vector.shape_cast %get3A_1193 : vector<1x16xf32> to vector<16xf32>
        %max3A_1195 = arith.maximumf %get3A_1188, %get3A_1194 : vector<16xf32>
        %add3A_1196 = arith.constant 14 : i32
        %add3A_1197 = arith.addi %mul3A_248, %add3A_1196 : i32
        %get3A_1198 = arith.index_cast %add3A_1197 : i32 to index
        %get3A_1199 = arith.constant 112 : index
        %get3A_1200 = tpu.vector_load %arg11[%get3A_1198, %get3A_1199] {strides = array<i32>} : memref<80x128xf32, #tpu.memory_space<vmem>>, vector<1x16xf32>,
        %get3A_1201 = vector.shape_cast %get3A_1200 : vector<1x16xf32> to vector<16xf32>
        %add3A_1202 = arith.constant 15 : i32
        %add3A_1203 = arith.addi %mul3A_248, %add3A_1202 : i32
        %get3A_1204 = arith.index_cast %add3A_1203 : i32 to index
        %get3A_1205 = arith.constant 112 : index
        %get3A_1206 = tpu.vector_load %arg11[%get3A_1204, %get3A_1205] {strides = array<i32>} : memref<80x128xf32, #tpu.memory_space<vmem>>, vector<1x16xf32>,
        %get3A_1207 = vector.shape_cast %get3A_1206 : vector<1x16xf32> to vector<16xf32>
        %max3A_1208 = arith.maximumf %get3A_1201, %get3A_1207 : vector<16xf32>
        %max3A_1209 = arith.maximumf %max3A_1195, %max3A_1208 : vector<16xf32>
        %max3A_1210 = arith.maximumf %max3A_1182, %max3A_1209 : vector<16xf32>
        %max3A_1211 = arith.constant 0.000000e+00 : f32
        %max3A_1212 = vector.broadcast %max3A_1211 : f32 to vector<16xf32>
        %max3A_1213 = arith.maximumf %max3A_1210, %max3A_1212 : vector<16xf32>
        %mul3A_1214 = arith.constant 128 : i32
        %mul3A_1215 = arith.muli %scan3A_246, %mul3A_1214 : i32
        %add3A_1216 = arith.constant 112 : i32
        %add3A_1217 = arith.addi %mul3A_1215, %add3A_1216 : i32
        %swap3A_1218 = arith.index_cast %add3A_1217 : i32 to index
        %swap3A_1219 = tpu.vector_load %arg15[%swap3A_1218] {strides = array<i32>} : memref<640xf32, #tpu.memory_space<vmem>>, vector<16xf32>,
        %swap3A_1220 = vector.shape_cast %swap3A_1219 : vector<16xf32> to vector<16xf32>
        %swap3A_1221 = vector.shape_cast %max3A_1213 : vector<16xf32> to vector<16xf32>
        tpu.vector_store %arg15[%swap3A_1218], %swap3A_1221 {strides = array<i32>} : memref<640xf32, #tpu.memory_space<vmem>>, vector<16xf32>,
      }
      %scan3A_190 = arith.constant 5 : i32
      %mul3A_191 = arith.constant 5 : i32
      %mul3A_192 = arith.muli %add3A_167, %mul3A_191 : i32
      %add3A_193 = arith.addi %mul3A_2, %mul3A_192 : i32
      %mul3A_194 = arith.constant 128 : i32
      %mul3A_195 = arith.muli %add3A_193, %mul3A_194 : i32
      %dma_start3A_196 = tpu.memref_slice %arg6[%mul3A_195] : memref<2560000xf32, #tpu.memory_space<hbm>> -> memref<640xf32, #tpu.memory_space<hbm>>
      %dma_start3A_197 = tpu.memref_slice %arg6[%mul3A_195] : memref<2560000xf32, #tpu.memory_space<hbm>> -> memref<640xf32, #tpu.memory_space<hbm>>
      tpu.enqueue_dma source(%arg15 : memref<640xf32, #tpu.memory_space<vmem>>) target(%dma_start3A_197 : memref<640xf32, #tpu.memory_space<hbm>>) target_semaphore(%arg27 : memref<!tpu.dma_semaphore, #tpu.memory_space<semaphore_mem>>)
      %add3A_198 = arith.constant 4 : i32
      %add3A_199 = arith.addi %add3A_167, %add3A_198 : i32
      %lt3A_200 = arith.constant 125 : i32
      %lt3A_201 = arith.cmpi slt, %add3A_199, %lt3A_200 : i32
      %convert_element_type3A_202 = arith.extui %lt3A_201 : i1 to i32
      %cond3A_203 = arith.constant 0 : i32
      %cond3A_204 = arith.cmpi ne, %convert_element_type3A_202, %cond3A_203 : i32
      scf.if %cond3A_204 {
        %add3A_246 = arith.constant 4 : i32
        %add3A_247 = arith.addi %add3A_167, %add3A_246 : i32
        %mul3A_248 = arith.constant 80 : i32
        %mul3A_249 = arith.muli %add3A_247, %mul3A_248 : i32
        %dma_start3A_250 = tpu.memref_slice %arg7[%mul3A_249] : memref<10000xi32, #tpu.memory_space<vmem>> -> memref<80xi32, #tpu.memory_space<vmem>>
        %dma_start3A_251 = arith.constant 0 : i32
        %dma_start3A_252 = arith.constant 0 : i32
        %dma_start3A_253 = tpu.memref_slice %arg2[%dma_start3A_251, %dma_start3A_252] : memref<20000x128xf32, #tpu.memory_space<hbm>> -> memref<20000x128xf32, #tpu.memory_space<hbm>>
        tpu.enqueue_indirect_dma source(%dma_start3A_253 : memref<20000x128xf32, #tpu.memory_space<hbm>>) target(%arg11 : memref<80x128xf32, #tpu.memory_space<vmem>>) offsets(%dma_start3A_250 : memref<80xi32, #tpu.memory_space<vmem>>) semaphore(%arg19 : memref<!tpu.dma_semaphore, #tpu.memory_space<semaphore_mem>>)
      } else {
      }
      %mul3A_205 = arith.constant 4 : i32
      %mul3A_206 = arith.muli %mul3A_205, %scan3A_85 : i32
      %add3A_207 = arith.constant 3 : i32
      %add3A_208 = arith.addi %mul3A_206, %add3A_207 : i32
      %add3A_209 = arith.constant 2 : i32
      %add3A_210 = arith.addi %add3A_208, %add3A_209 : i32
      %lt3A_211 = arith.constant 125 : i32
      %lt3A_212 = arith.cmpi slt, %add3A_210, %lt3A_211 : i32
      %convert_element_type3A_213 = arith.extui %lt3A_212 : i1 to i32
      %cond3A_214 = arith.constant 0 : i32
      %cond3A_215 = arith.cmpi ne, %convert_element_type3A_213, %cond3A_214 : i32
      scf.if %cond3A_215 {
        %dma_wait3A_246 = arith.constant 0 : i32
        %dma_wait3A_247 = tpu.memref_slice %arg7[%dma_wait3A_246] : memref<10000xi32, #tpu.memory_space<vmem>> -> memref<80xi32, #tpu.memory_space<vmem>>
        %dma_wait3A_248 = arith.constant 0 : i32
        %dma_wait3A_249 = arith.constant 0 : i32
        %dma_wait3A_250 = tpu.memref_slice %arg2[%dma_wait3A_248, %dma_wait3A_249] : memref<20000x128xf32, #tpu.memory_space<hbm>> -> memref<20000x128xf32, #tpu.memory_space<hbm>>
        tpu.wait_indirect_dma semaphore(%arg18 : memref<!tpu.dma_semaphore, #tpu.memory_space<semaphore_mem>>) src(%dma_wait3A_250 : memref<20000x128xf32, #tpu.memory_space<hbm>>) dst(%arg10 : memref<80x128xf32, #tpu.memory_space<vmem>>)
        %add3A_251 = arith.constant 2 : i32
        %add3A_252 = arith.addi %add3A_208, %add3A_251 : i32
        %mul3A_253 = arith.constant 80 : i32
        %mul3A_254 = arith.muli %add3A_252, %mul3A_253 : i32
        %dma_start3A_255 = tpu.memref_slice %arg8[%mul3A_254] : memref<10000xi32, #tpu.memory_space<vmem>> -> memref<80xi32, #tpu.memory_space<vmem>>
        %dma_start3A_256 = arith.constant 0 : i32
        %dma_start3A_257 = arith.constant 0 : i32
        %dma_start3A_258 = tpu.memref_slice %arg3[%dma_start3A_256, %dma_start3A_257] : memref<20000x128xf32, #tpu.memory_space<hbm>> -> memref<20000x128xf32, #tpu.memory_space<hbm>>
        tpu.enqueue_indirect_dma source(%dma_start3A_258 : memref<20000x128xf32, #tpu.memory_space<hbm>>) target(%arg10 : memref<80x128xf32, #tpu.memory_space<vmem>>) offsets(%dma_start3A_255 : memref<80xi32, #tpu.memory_space<vmem>>) semaphore(%arg22 : memref<!tpu.dma_semaphore, #tpu.memory_space<semaphore_mem>>) {add = true}
      } else {
      }
      %dma_wait3A_216 = arith.constant 0 : i32
      %dma_wait3A_217 = tpu.memref_slice %arg8[%dma_wait3A_216] : memref<10000xi32, #tpu.memory_space<vmem>> -> memref<80xi32, #tpu.memory_space<vmem>>
      %dma_wait3A_218 = arith.constant 0 : i32
      %dma_wait3A_219 = arith.constant 0 : i32
      %dma_wait3A_220 = tpu.memref_slice %arg3[%dma_wait3A_218, %dma_wait3A_219] : memref<20000x128xf32, #tpu.memory_space<hbm>> -> memref<20000x128xf32, #tpu.memory_space<hbm>>
      tpu.wait_indirect_dma semaphore(%arg24 : memref<!tpu.dma_semaphore, #tpu.memory_space<semaphore_mem>>) src(%dma_wait3A_220 : memref<20000x128xf32, #tpu.memory_space<hbm>>) dst(%arg12 : memref<80x128xf32, #tpu.memory_space<vmem>>)
      %gt3A_221 = arith.constant 0 : i32
      %gt3A_222 = arith.cmpi sgt, %scan3A_85, %gt3A_221 : i32
      %convert_element_type3A_223 = arith.extui %gt3A_222 : i1 to i32
      %cond3A_224 = arith.constant 0 : i32
      %cond3A_225 = arith.cmpi ne, %convert_element_type3A_223, %cond3A_224 : i32
      scf.if %cond3A_225 {
        %dma_wait3A_246 = arith.constant 0 : i32
        %dma_wait3A_247 = tpu.memref_slice %arg6[%dma_wait3A_246] : memref<2560000xf32, #tpu.memory_space<hbm>> -> memref<640xf32, #tpu.memory_space<hbm>>
        %dma_wait3A_248 = arith.constant 0 : i32
        %dma_wait3A_249 = tpu.memref_slice %arg6[%dma_wait3A_248] : memref<2560000xf32, #tpu.memory_space<hbm>> -> memref<640xf32, #tpu.memory_space<hbm>>
        tpu.wait_dma2 semaphore(%arg28 : memref<!tpu.dma_semaphore, #tpu.memory_space<semaphore_mem>>) src(%arg16 : memref<640xf32, #tpu.memory_space<vmem>>) dst(%dma_wait3A_249 : memref<640xf32, #tpu.memory_space<hbm>>)
      } else {
      }
      %scan3A_226 = arith.constant 0 : i32
      %scan3A_227 = arith.constant 0 : i32
      %scan3A_228 = arith.constant 5 : i32
      %scan3A_229 = arith.addi %scan3A_227, %scan3A_228 : i32
      %scan3A_230 = arith.constant 1 : i32
      scf.for %scan3A_246 = %scan3A_227 to %scan3A_229 step %scan3A_230  : i32 {
        %mul3A_247 = arith.constant 16 : i32
        %mul3A_248 = arith.muli %scan3A_246, %mul3A_247 : i32
        %add3A_249 = arith.constant 0 : i32
        %add3A_250 = arith.addi %mul3A_248, %add3A_249 : i32
        %get3A = arith.index_cast %add3A_250 : i32 to index
        %get3A_251 = arith.constant 0 : index
        %get3A_252 = tpu.vector_load %arg12[%get3A, %get3A_251] {strides = array<i32>} : memref<80x128xf32, #tpu.memory_space<vmem>>, vector<1x16xf32>,
        %get3A_253 = vector.shape_cast %get3A_252 : vector<1x16xf32> to vector<16xf32>
        %add3A_254 = arith.constant 1 : i32
        %add3A_255 = arith.addi %mul3A_248, %add3A_254 : i32
        %get3A_256 = arith.index_cast %add3A_255 : i32 to index
        %get3A_257 = arith.constant 0 : index
        %get3A_258 = tpu.vector_load %arg12[%get3A_256, %get3A_257] {strides = array<i32>} : memref<80x128xf32, #tpu.memory_space<vmem>>, vector<1x16xf32>,
        %get3A_259 = vector.shape_cast %get3A_258 : vector<1x16xf32> to vector<16xf32>
        %max3A = arith.maximumf %get3A_253, %get3A_259 : vector<16xf32>
        %add3A_260 = arith.constant 2 : i32
        %add3A_261 = arith.addi %mul3A_248, %add3A_260 : i32
        %get3A_262 = arith.index_cast %add3A_261 : i32 to index
        %get3A_263 = arith.constant 0 : index
        %get3A_264 = tpu.vector_load %arg12[%get3A_262, %get3A_263] {strides = array<i32>} : memref<80x128xf32, #tpu.memory_space<vmem>>, vector<1x16xf32>,
        %get3A_265 = vector.shape_cast %get3A_264 : vector<1x16xf32> to vector<16xf32>
        %add3A_266 = arith.constant 3 : i32
        %add3A_267 = arith.addi %mul3A_248, %add3A_266 : i32
        %get3A_268 = arith.index_cast %add3A_267 : i32 to index
        %get3A_269 = arith.constant 0 : index
        %get3A_270 = tpu.vector_load %arg12[%get3A_268, %get3A_269] {strides = array<i32>} : memref<80x128xf32, #tpu.memory_space<vmem>>, vector<1x16xf32>,
        %get3A_271 = vector.shape_cast %get3A_270 : vector<1x16xf32> to vector<16xf32>
        %max3A_272 = arith.maximumf %get3A_265, %get3A_271 : vector<16xf32>
        %max3A_273 = arith.maximumf %max3A, %max3A_272 : vector<16xf32>
        %add3A_274 = arith.constant 4 : i32
        %add3A_275 = arith.addi %mul3A_248, %add3A_274 : i32
        %get3A_276 = arith.index_cast %add3A_275 : i32 to index
        %get3A_277 = arith.constant 0 : index
        %get3A_278 = tpu.vector_load %arg12[%get3A_276, %get3A_277] {strides = array<i32>} : memref<80x128xf32, #tpu.memory_space<vmem>>, vector<1x16xf32>,
        %get3A_279 = vector.shape_cast %get3A_278 : vector<1x16xf32> to vector<16xf32>
        %add3A_280 = arith.constant 5 : i32
        %add3A_281 = arith.addi %mul3A_248, %add3A_280 : i32
        %get3A_282 = arith.index_cast %add3A_281 : i32 to index
        %get3A_283 = arith.constant 0 : index
        %get3A_284 = tpu.vector_load %arg12[%get3A_282, %get3A_283] {strides = array<i32>} : memref<80x128xf32, #tpu.memory_space<vmem>>, vector<1x16xf32>,
        %get3A_285 = vector.shape_cast %get3A_284 : vector<1x16xf32> to vector<16xf32>
        %max3A_286 = arith.maximumf %get3A_279, %get3A_285 : vector<16xf32>
        %add3A_287 = arith.constant 6 : i32
        %add3A_288 = arith.addi %mul3A_248, %add3A_287 : i32
        %get3A_289 = arith.index_cast %add3A_288 : i32 to index
        %get3A_290 = arith.constant 0 : index
        %get3A_291 = tpu.vector_load %arg12[%get3A_289, %get3A_290] {strides = array<i32>} : memref<80x128xf32, #tpu.memory_space<vmem>>, vector<1x16xf32>,
        %get3A_292 = vector.shape_cast %get3A_291 : vector<1x16xf32> to vector<16xf32>
        %add3A_293 = arith.constant 7 : i32
        %add3A_294 = arith.addi %mul3A_248, %add3A_293 : i32
        %get3A_295 = arith.index_cast %add3A_294 : i32 to index
        %get3A_296 = arith.constant 0 : index
        %get3A_297 = tpu.vector_load %arg12[%get3A_295, %get3A_296] {strides = array<i32>} : memref<80x128xf32, #tpu.memory_space<vmem>>, vector<1x16xf32>,
        %get3A_298 = vector.shape_cast %get3A_297 : vector<1x16xf32> to vector<16xf32>
        %max3A_299 = arith.maximumf %get3A_292, %get3A_298 : vector<16xf32>
        %max3A_300 = arith.maximumf %max3A_286, %max3A_299 : vector<16xf32>
        %max3A_301 = arith.maximumf %max3A_273, %max3A_300 : vector<16xf32>
        %add3A_302 = arith.constant 8 : i32
        %add3A_303 = arith.addi %mul3A_248, %add3A_302 : i32
        %get3A_304 = arith.index_cast %add3A_303 : i32 to index
        %get3A_305 = arith.constant 0 : index
        %get3A_306 = tpu.vector_load %arg12[%get3A_304, %get3A_305] {strides = array<i32>} : memref<80x128xf32, #tpu.memory_space<vmem>>, vector<1x16xf32>,
        %get3A_307 = vector.shape_cast %get3A_306 : vector<1x16xf32> to vector<16xf32>
        %add3A_308 = arith.constant 9 : i32
        %add3A_309 = arith.addi %mul3A_248, %add3A_308 : i32
        %get3A_310 = arith.index_cast %add3A_309 : i32 to index
        %get3A_311 = arith.constant 0 : index
        %get3A_312 = tpu.vector_load %arg12[%get3A_310, %get3A_311] {strides = array<i32>} : memref<80x128xf32, #tpu.memory_space<vmem>>, vector<1x16xf32>,
        %get3A_313 = vector.shape_cast %get3A_312 : vector<1x16xf32> to vector<16xf32>
        %max3A_314 = arith.maximumf %get3A_307, %get3A_313 : vector<16xf32>
        %add3A_315 = arith.constant 10 : i32
        %add3A_316 = arith.addi %mul3A_248, %add3A_315 : i32
        %get3A_317 = arith.index_cast %add3A_316 : i32 to index
        %get3A_318 = arith.constant 0 : index
        %get3A_319 = tpu.vector_load %arg12[%get3A_317, %get3A_318] {strides = array<i32>} : memref<80x128xf32, #tpu.memory_space<vmem>>, vector<1x16xf32>,
        %get3A_320 = vector.shape_cast %get3A_319 : vector<1x16xf32> to vector<16xf32>
        %add3A_321 = arith.constant 11 : i32
        %add3A_322 = arith.addi %mul3A_248, %add3A_321 : i32
        %get3A_323 = arith.index_cast %add3A_322 : i32 to index
        %get3A_324 = arith.constant 0 : index
        %get3A_325 = tpu.vector_load %arg12[%get3A_323, %get3A_324] {strides = array<i32>} : memref<80x128xf32, #tpu.memory_space<vmem>>, vector<1x16xf32>,
        %get3A_326 = vector.shape_cast %get3A_325 : vector<1x16xf32> to vector<16xf32>
        %max3A_327 = arith.maximumf %get3A_320, %get3A_326 : vector<16xf32>
        %max3A_328 = arith.maximumf %max3A_314, %max3A_327 : vector<16xf32>
        %max3A_329 = arith.maximumf %max3A_301, %max3A_328 : vector<16xf32>
        %add3A_330 = arith.constant 12 : i32
        %add3A_331 = arith.addi %mul3A_248, %add3A_330 : i32
        %get3A_332 = arith.index_cast %add3A_331 : i32 to index
        %get3A_333 = arith.constant 0 : index
        %get3A_334 = tpu.vector_load %arg12[%get3A_332, %get3A_333] {strides = array<i32>} : memref<80x128xf32, #tpu.memory_space<vmem>>, vector<1x16xf32>,
        %get3A_335 = vector.shape_cast %get3A_334 : vector<1x16xf32> to vector<16xf32>
        %add3A_336 = arith.constant 13 : i32
        %add3A_337 = arith.addi %mul3A_248, %add3A_336 : i32
        %get3A_338 = arith.index_cast %add3A_337 : i32 to index
        %get3A_339 = arith.constant 0 : index
        %get3A_340 = tpu.vector_load %arg12[%get3A_338, %get3A_339] {strides = array<i32>} : memref<80x128xf32, #tpu.memory_space<vmem>>, vector<1x16xf32>,
        %get3A_341 = vector.shape_cast %get3A_340 : vector<1x16xf32> to vector<16xf32>
        %max3A_342 = arith.maximumf %get3A_335, %get3A_341 : vector<16xf32>
        %add3A_343 = arith.constant 14 : i32
        %add3A_344 = arith.addi %mul3A_248, %add3A_343 : i32
        %get3A_345 = arith.index_cast %add3A_344 : i32 to index
        %get3A_346 = arith.constant 0 : index
        %get3A_347 = tpu.vector_load %arg12[%get3A_345, %get3A_346] {strides = array<i32>} : memref<80x128xf32, #tpu.memory_space<vmem>>, vector<1x16xf32>,
        %get3A_348 = vector.shape_cast %get3A_347 : vector<1x16xf32> to vector<16xf32>
        %add3A_349 = arith.constant 15 : i32
        %add3A_350 = arith.addi %mul3A_248, %add3A_349 : i32
        %get3A_351 = arith.index_cast %add3A_350 : i32 to index
        %get3A_352 = arith.constant 0 : index
        %get3A_353 = tpu.vector_load %arg12[%get3A_351, %get3A_352] {strides = array<i32>} : memref<80x128xf32, #tpu.memory_space<vmem>>, vector<1x16xf32>,
        %get3A_354 = vector.shape_cast %get3A_353 : vector<1x16xf32> to vector<16xf32>
        %max3A_355 = arith.maximumf %get3A_348, %get3A_354 : vector<16xf32>
        %max3A_356 = arith.maximumf %max3A_342, %max3A_355 : vector<16xf32>
        %max3A_357 = arith.maximumf %max3A_329, %max3A_356 : vector<16xf32>
        %max3A_358 = arith.constant 0.000000e+00 : f32
        %max3A_359 = vector.broadcast %max3A_358 : f32 to vector<16xf32>
        %max3A_360 = arith.maximumf %max3A_357, %max3A_359 : vector<16xf32>
        %mul3A_361 = arith.constant 128 : i32
        %mul3A_362 = arith.muli %scan3A_246, %mul3A_361 : i32
        %add3A_363 = arith.constant 0 : i32
        %add3A_364 = arith.addi %mul3A_362, %add3A_363 : i32
        %swap3A = arith.index_cast %add3A_364 : i32 to index
        %swap3A_365 = tpu.vector_load %arg16[%swap3A] {strides = array<i32>} : memref<640xf32, #tpu.memory_space<vmem>>, vector<16xf32>,
        %swap3A_366 = vector.shape_cast %swap3A_365 : vector<16xf32> to vector<16xf32>
        %swap3A_367 = vector.shape_cast %max3A_360 : vector<16xf32> to vector<16xf32>
        tpu.vector_store %arg16[%swap3A], %swap3A_367 {strides = array<i32>} : memref<640xf32, #tpu.memory_space<vmem>>, vector<16xf32>,
        %add3A_368 = arith.constant 0 : i32
        %add3A_369 = arith.addi %mul3A_248, %add3A_368 : i32
        %get3A_370 = arith.index_cast %add3A_369 : i32 to index
        %get3A_371 = arith.constant 16 : index
        %get3A_372 = tpu.vector_load %arg12[%get3A_370, %get3A_371] {strides = array<i32>} : memref<80x128xf32, #tpu.memory_space<vmem>>, vector<1x16xf32>,
        %get3A_373 = vector.shape_cast %get3A_372 : vector<1x16xf32> to vector<16xf32>
        %add3A_374 = arith.constant 1 : i32
        %add3A_375 = arith.addi %mul3A_248, %add3A_374 : i32
        %get3A_376 = arith.index_cast %add3A_375 : i32 to index
        %get3A_377 = arith.constant 16 : index
        %get3A_378 = tpu.vector_load %arg12[%get3A_376, %get3A_377] {strides = array<i32>} : memref<80x128xf32, #tpu.memory_space<vmem>>, vector<1x16xf32>,
        %get3A_379 = vector.shape_cast %get3A_378 : vector<1x16xf32> to vector<16xf32>
        %max3A_380 = arith.maximumf %get3A_373, %get3A_379 : vector<16xf32>
        %add3A_381 = arith.constant 2 : i32
        %add3A_382 = arith.addi %mul3A_248, %add3A_381 : i32
        %get3A_383 = arith.index_cast %add3A_382 : i32 to index
        %get3A_384 = arith.constant 16 : index
        %get3A_385 = tpu.vector_load %arg12[%get3A_383, %get3A_384] {strides = array<i32>} : memref<80x128xf32, #tpu.memory_space<vmem>>, vector<1x16xf32>,
        %get3A_386 = vector.shape_cast %get3A_385 : vector<1x16xf32> to vector<16xf32>
        %add3A_387 = arith.constant 3 : i32
        %add3A_388 = arith.addi %mul3A_248, %add3A_387 : i32
        %get3A_389 = arith.index_cast %add3A_388 : i32 to index
        %get3A_390 = arith.constant 16 : index
        %get3A_391 = tpu.vector_load %arg12[%get3A_389, %get3A_390] {strides = array<i32>} : memref<80x128xf32, #tpu.memory_space<vmem>>, vector<1x16xf32>,
        %get3A_392 = vector.shape_cast %get3A_391 : vector<1x16xf32> to vector<16xf32>
        %max3A_393 = arith.maximumf %get3A_386, %get3A_392 : vector<16xf32>
        %max3A_394 = arith.maximumf %max3A_380, %max3A_393 : vector<16xf32>
        %add3A_395 = arith.constant 4 : i32
        %add3A_396 = arith.addi %mul3A_248, %add3A_395 : i32
        %get3A_397 = arith.index_cast %add3A_396 : i32 to index
        %get3A_398 = arith.constant 16 : index
        %get3A_399 = tpu.vector_load %arg12[%get3A_397, %get3A_398] {strides = array<i32>} : memref<80x128xf32, #tpu.memory_space<vmem>>, vector<1x16xf32>,
        %get3A_400 = vector.shape_cast %get3A_399 : vector<1x16xf32> to vector<16xf32>
        %add3A_401 = arith.constant 5 : i32
        %add3A_402 = arith.addi %mul3A_248, %add3A_401 : i32
        %get3A_403 = arith.index_cast %add3A_402 : i32 to index
        %get3A_404 = arith.constant 16 : index
        %get3A_405 = tpu.vector_load %arg12[%get3A_403, %get3A_404] {strides = array<i32>} : memref<80x128xf32, #tpu.memory_space<vmem>>, vector<1x16xf32>,
        %get3A_406 = vector.shape_cast %get3A_405 : vector<1x16xf32> to vector<16xf32>
        %max3A_407 = arith.maximumf %get3A_400, %get3A_406 : vector<16xf32>
        %add3A_408 = arith.constant 6 : i32
        %add3A_409 = arith.addi %mul3A_248, %add3A_408 : i32
        %get3A_410 = arith.index_cast %add3A_409 : i32 to index
        %get3A_411 = arith.constant 16 : index
        %get3A_412 = tpu.vector_load %arg12[%get3A_410, %get3A_411] {strides = array<i32>} : memref<80x128xf32, #tpu.memory_space<vmem>>, vector<1x16xf32>,
        %get3A_413 = vector.shape_cast %get3A_412 : vector<1x16xf32> to vector<16xf32>
        %add3A_414 = arith.constant 7 : i32
        %add3A_415 = arith.addi %mul3A_248, %add3A_414 : i32
        %get3A_416 = arith.index_cast %add3A_415 : i32 to index
        %get3A_417 = arith.constant 16 : index
        %get3A_418 = tpu.vector_load %arg12[%get3A_416, %get3A_417] {strides = array<i32>} : memref<80x128xf32, #tpu.memory_space<vmem>>, vector<1x16xf32>,
        %get3A_419 = vector.shape_cast %get3A_418 : vector<1x16xf32> to vector<16xf32>
        %max3A_420 = arith.maximumf %get3A_413, %get3A_419 : vector<16xf32>
        %max3A_421 = arith.maximumf %max3A_407, %max3A_420 : vector<16xf32>
        %max3A_422 = arith.maximumf %max3A_394, %max3A_421 : vector<16xf32>
        %add3A_423 = arith.constant 8 : i32
        %add3A_424 = arith.addi %mul3A_248, %add3A_423 : i32
        %get3A_425 = arith.index_cast %add3A_424 : i32 to index
        %get3A_426 = arith.constant 16 : index
        %get3A_427 = tpu.vector_load %arg12[%get3A_425, %get3A_426] {strides = array<i32>} : memref<80x128xf32, #tpu.memory_space<vmem>>, vector<1x16xf32>,
        %get3A_428 = vector.shape_cast %get3A_427 : vector<1x16xf32> to vector<16xf32>
        %add3A_429 = arith.constant 9 : i32
        %add3A_430 = arith.addi %mul3A_248, %add3A_429 : i32
        %get3A_431 = arith.index_cast %add3A_430 : i32 to index
        %get3A_432 = arith.constant 16 : index
        %get3A_433 = tpu.vector_load %arg12[%get3A_431, %get3A_432] {strides = array<i32>} : memref<80x128xf32, #tpu.memory_space<vmem>>, vector<1x16xf32>,
        %get3A_434 = vector.shape_cast %get3A_433 : vector<1x16xf32> to vector<16xf32>
        %max3A_435 = arith.maximumf %get3A_428, %get3A_434 : vector<16xf32>
        %add3A_436 = arith.constant 10 : i32
        %add3A_437 = arith.addi %mul3A_248, %add3A_436 : i32
        %get3A_438 = arith.index_cast %add3A_437 : i32 to index
        %get3A_439 = arith.constant 16 : index
        %get3A_440 = tpu.vector_load %arg12[%get3A_438, %get3A_439] {strides = array<i32>} : memref<80x128xf32, #tpu.memory_space<vmem>>, vector<1x16xf32>,
        %get3A_441 = vector.shape_cast %get3A_440 : vector<1x16xf32> to vector<16xf32>
        %add3A_442 = arith.constant 11 : i32
        %add3A_443 = arith.addi %mul3A_248, %add3A_442 : i32
        %get3A_444 = arith.index_cast %add3A_443 : i32 to index
        %get3A_445 = arith.constant 16 : index
        %get3A_446 = tpu.vector_load %arg12[%get3A_444, %get3A_445] {strides = array<i32>} : memref<80x128xf32, #tpu.memory_space<vmem>>, vector<1x16xf32>,
        %get3A_447 = vector.shape_cast %get3A_446 : vector<1x16xf32> to vector<16xf32>
        %max3A_448 = arith.maximumf %get3A_441, %get3A_447 : vector<16xf32>
        %max3A_449 = arith.maximumf %max3A_435, %max3A_448 : vector<16xf32>
        %max3A_450 = arith.maximumf %max3A_422, %max3A_449 : vector<16xf32>
        %add3A_451 = arith.constant 12 : i32
        %add3A_452 = arith.addi %mul3A_248, %add3A_451 : i32
        %get3A_453 = arith.index_cast %add3A_452 : i32 to index
        %get3A_454 = arith.constant 16 : index
        %get3A_455 = tpu.vector_load %arg12[%get3A_453, %get3A_454] {strides = array<i32>} : memref<80x128xf32, #tpu.memory_space<vmem>>, vector<1x16xf32>,
        %get3A_456 = vector.shape_cast %get3A_455 : vector<1x16xf32> to vector<16xf32>
        %add3A_457 = arith.constant 13 : i32
        %add3A_458 = arith.addi %mul3A_248, %add3A_457 : i32
        %get3A_459 = arith.index_cast %add3A_458 : i32 to index
        %get3A_460 = arith.constant 16 : index
        %get3A_461 = tpu.vector_load %arg12[%get3A_459, %get3A_460] {strides = array<i32>} : memref<80x128xf32, #tpu.memory_space<vmem>>, vector<1x16xf32>,
        %get3A_462 = vector.shape_cast %get3A_461 : vector<1x16xf32> to vector<16xf32>
        %max3A_463 = arith.maximumf %get3A_456, %get3A_462 : vector<16xf32>
        %add3A_464 = arith.constant 14 : i32
        %add3A_465 = arith.addi %mul3A_248, %add3A_464 : i32
        %get3A_466 = arith.index_cast %add3A_465 : i32 to index
        %get3A_467 = arith.constant 16 : index
        %get3A_468 = tpu.vector_load %arg12[%get3A_466, %get3A_467] {strides = array<i32>} : memref<80x128xf32, #tpu.memory_space<vmem>>, vector<1x16xf32>,
        %get3A_469 = vector.shape_cast %get3A_468 : vector<1x16xf32> to vector<16xf32>
        %add3A_470 = arith.constant 15 : i32
        %add3A_471 = arith.addi %mul3A_248, %add3A_470 : i32
        %get3A_472 = arith.index_cast %add3A_471 : i32 to index
        %get3A_473 = arith.constant 16 : index
        %get3A_474 = tpu.vector_load %arg12[%get3A_472, %get3A_473] {strides = array<i32>} : memref<80x128xf32, #tpu.memory_space<vmem>>, vector<1x16xf32>,
        %get3A_475 = vector.shape_cast %get3A_474 : vector<1x16xf32> to vector<16xf32>
        %max3A_476 = arith.maximumf %get3A_469, %get3A_475 : vector<16xf32>
        %max3A_477 = arith.maximumf %max3A_463, %max3A_476 : vector<16xf32>
        %max3A_478 = arith.maximumf %max3A_450, %max3A_477 : vector<16xf32>
        %max3A_479 = arith.constant 0.000000e+00 : f32
        %max3A_480 = vector.broadcast %max3A_479 : f32 to vector<16xf32>
        %max3A_481 = arith.maximumf %max3A_478, %max3A_480 : vector<16xf32>
        %mul3A_482 = arith.constant 128 : i32
        %mul3A_483 = arith.muli %scan3A_246, %mul3A_482 : i32
        %add3A_484 = arith.constant 16 : i32
        %add3A_485 = arith.addi %mul3A_483, %add3A_484 : i32
        %swap3A_486 = arith.index_cast %add3A_485 : i32 to index
        %swap3A_487 = tpu.vector_load %arg16[%swap3A_486] {strides = array<i32>} : memref<640xf32, #tpu.memory_space<vmem>>, vector<16xf32>,
        %swap3A_488 = vector.shape_cast %swap3A_487 : vector<16xf32> to vector<16xf32>
        %swap3A_489 = vector.shape_cast %max3A_481 : vector<16xf32> to vector<16xf32>
        tpu.vector_store %arg16[%swap3A_486], %swap3A_489 {strides = array<i32>} : memref<640xf32, #tpu.memory_space<vmem>>, vector<16xf32>,
        %add3A_490 = arith.constant 0 : i32
        %add3A_491 = arith.addi %mul3A_248, %add3A_490 : i32
        %get3A_492 = arith.index_cast %add3A_491 : i32 to index
        %get3A_493 = arith.constant 32 : index
        %get3A_494 = tpu.vector_load %arg12[%get3A_492, %get3A_493] {strides = array<i32>} : memref<80x128xf32, #tpu.memory_space<vmem>>, vector<1x16xf32>,
        %get3A_495 = vector.shape_cast %get3A_494 : vector<1x16xf32> to vector<16xf32>
        %add3A_496 = arith.constant 1 : i32
        %add3A_497 = arith.addi %mul3A_248, %add3A_496 : i32
        %get3A_498 = arith.index_cast %add3A_497 : i32 to index
        %get3A_499 = arith.constant 32 : index
        %get3A_500 = tpu.vector_load %arg12[%get3A_498, %get3A_499] {strides = array<i32>} : memref<80x128xf32, #tpu.memory_space<vmem>>, vector<1x16xf32>,
        %get3A_501 = vector.shape_cast %get3A_500 : vector<1x16xf32> to vector<16xf32>
        %max3A_502 = arith.maximumf %get3A_495, %get3A_501 : vector<16xf32>
        %add3A_503 = arith.constant 2 : i32
        %add3A_504 = arith.addi %mul3A_248, %add3A_503 : i32
        %get3A_505 = arith.index_cast %add3A_504 : i32 to index
        %get3A_506 = arith.constant 32 : index
        %get3A_507 = tpu.vector_load %arg12[%get3A_505, %get3A_506] {strides = array<i32>} : memref<80x128xf32, #tpu.memory_space<vmem>>, vector<1x16xf32>,
        %get3A_508 = vector.shape_cast %get3A_507 : vector<1x16xf32> to vector<16xf32>
        %add3A_509 = arith.constant 3 : i32
        %add3A_510 = arith.addi %mul3A_248, %add3A_509 : i32
        %get3A_511 = arith.index_cast %add3A_510 : i32 to index
        %get3A_512 = arith.constant 32 : index
        %get3A_513 = tpu.vector_load %arg12[%get3A_511, %get3A_512] {strides = array<i32>} : memref<80x128xf32, #tpu.memory_space<vmem>>, vector<1x16xf32>,
        %get3A_514 = vector.shape_cast %get3A_513 : vector<1x16xf32> to vector<16xf32>
        %max3A_515 = arith.maximumf %get3A_508, %get3A_514 : vector<16xf32>
        %max3A_516 = arith.maximumf %max3A_502, %max3A_515 : vector<16xf32>
        %add3A_517 = arith.constant 4 : i32
        %add3A_518 = arith.addi %mul3A_248, %add3A_517 : i32
        %get3A_519 = arith.index_cast %add3A_518 : i32 to index
        %get3A_520 = arith.constant 32 : index
        %get3A_521 = tpu.vector_load %arg12[%get3A_519, %get3A_520] {strides = array<i32>} : memref<80x128xf32, #tpu.memory_space<vmem>>, vector<1x16xf32>,
        %get3A_522 = vector.shape_cast %get3A_521 : vector<1x16xf32> to vector<16xf32>
        %add3A_523 = arith.constant 5 : i32
        %add3A_524 = arith.addi %mul3A_248, %add3A_523 : i32
        %get3A_525 = arith.index_cast %add3A_524 : i32 to index
        %get3A_526 = arith.constant 32 : index
        %get3A_527 = tpu.vector_load %arg12[%get3A_525, %get3A_526] {strides = array<i32>} : memref<80x128xf32, #tpu.memory_space<vmem>>, vector<1x16xf32>,
        %get3A_528 = vector.shape_cast %get3A_527 : vector<1x16xf32> to vector<16xf32>
        %max3A_529 = arith.maximumf %get3A_522, %get3A_528 : vector<16xf32>
        %add3A_530 = arith.constant 6 : i32
        %add3A_531 = arith.addi %mul3A_248, %add3A_530 : i32
        %get3A_532 = arith.index_cast %add3A_531 : i32 to index
        %get3A_533 = arith.constant 32 : index
        %get3A_534 = tpu.vector_load %arg12[%get3A_532, %get3A_533] {strides = array<i32>} : memref<80x128xf32, #tpu.memory_space<vmem>>, vector<1x16xf32>,
        %get3A_535 = vector.shape_cast %get3A_534 : vector<1x16xf32> to vector<16xf32>
        %add3A_536 = arith.constant 7 : i32
        %add3A_537 = arith.addi %mul3A_248, %add3A_536 : i32
        %get3A_538 = arith.index_cast %add3A_537 : i32 to index
        %get3A_539 = arith.constant 32 : index
        %get3A_540 = tpu.vector_load %arg12[%get3A_538, %get3A_539] {strides = array<i32>} : memref<80x128xf32, #tpu.memory_space<vmem>>, vector<1x16xf32>,
        %get3A_541 = vector.shape_cast %get3A_540 : vector<1x16xf32> to vector<16xf32>
        %max3A_542 = arith.maximumf %get3A_535, %get3A_541 : vector<16xf32>
        %max3A_543 = arith.maximumf %max3A_529, %max3A_542 : vector<16xf32>
        %max3A_544 = arith.maximumf %max3A_516, %max3A_543 : vector<16xf32>
        %add3A_545 = arith.constant 8 : i32
        %add3A_546 = arith.addi %mul3A_248, %add3A_545 : i32
        %get3A_547 = arith.index_cast %add3A_546 : i32 to index
        %get3A_548 = arith.constant 32 : index
        %get3A_549 = tpu.vector_load %arg12[%get3A_547, %get3A_548] {strides = array<i32>} : memref<80x128xf32, #tpu.memory_space<vmem>>, vector<1x16xf32>,
        %get3A_550 = vector.shape_cast %get3A_549 : vector<1x16xf32> to vector<16xf32>
        %add3A_551 = arith.constant 9 : i32
        %add3A_552 = arith.addi %mul3A_248, %add3A_551 : i32
        %get3A_553 = arith.index_cast %add3A_552 : i32 to index
        %get3A_554 = arith.constant 32 : index
        %get3A_555 = tpu.vector_load %arg12[%get3A_553, %get3A_554] {strides = array<i32>} : memref<80x128xf32, #tpu.memory_space<vmem>>, vector<1x16xf32>,
        %get3A_556 = vector.shape_cast %get3A_555 : vector<1x16xf32> to vector<16xf32>
        %max3A_557 = arith.maximumf %get3A_550, %get3A_556 : vector<16xf32>
        %add3A_558 = arith.constant 10 : i32
        %add3A_559 = arith.addi %mul3A_248, %add3A_558 : i32
        %get3A_560 = arith.index_cast %add3A_559 : i32 to index
        %get3A_561 = arith.constant 32 : index
        %get3A_562 = tpu.vector_load %arg12[%get3A_560, %get3A_561] {strides = array<i32>} : memref<80x128xf32, #tpu.memory_space<vmem>>, vector<1x16xf32>,
        %get3A_563 = vector.shape_cast %get3A_562 : vector<1x16xf32> to vector<16xf32>
        %add3A_564 = arith.constant 11 : i32
        %add3A_565 = arith.addi %mul3A_248, %add3A_564 : i32
        %get3A_566 = arith.index_cast %add3A_565 : i32 to index
        %get3A_567 = arith.constant 32 : index
        %get3A_568 = tpu.vector_load %arg12[%get3A_566, %get3A_567] {strides = array<i32>} : memref<80x128xf32, #tpu.memory_space<vmem>>, vector<1x16xf32>,
        %get3A_569 = vector.shape_cast %get3A_568 : vector<1x16xf32> to vector<16xf32>
        %max3A_570 = arith.maximumf %get3A_563, %get3A_569 : vector<16xf32>
        %max3A_571 = arith.maximumf %max3A_557, %max3A_570 : vector<16xf32>
        %max3A_572 = arith.maximumf %max3A_544, %max3A_571 : vector<16xf32>
        %add3A_573 = arith.constant 12 : i32
        %add3A_574 = arith.addi %mul3A_248, %add3A_573 : i32
        %get3A_575 = arith.index_cast %add3A_574 : i32 to index
        %get3A_576 = arith.constant 32 : index
        %get3A_577 = tpu.vector_load %arg12[%get3A_575, %get3A_576] {strides = array<i32>} : memref<80x128xf32, #tpu.memory_space<vmem>>, vector<1x16xf32>,
        %get3A_578 = vector.shape_cast %get3A_577 : vector<1x16xf32> to vector<16xf32>
        %add3A_579 = arith.constant 13 : i32
        %add3A_580 = arith.addi %mul3A_248, %add3A_579 : i32
        %get3A_581 = arith.index_cast %add3A_580 : i32 to index
        %get3A_582 = arith.constant 32 : index
        %get3A_583 = tpu.vector_load %arg12[%get3A_581, %get3A_582] {strides = array<i32>} : memref<80x128xf32, #tpu.memory_space<vmem>>, vector<1x16xf32>,
        %get3A_584 = vector.shape_cast %get3A_583 : vector<1x16xf32> to vector<16xf32>
        %max3A_585 = arith.maximumf %get3A_578, %get3A_584 : vector<16xf32>
        %add3A_586 = arith.constant 14 : i32
        %add3A_587 = arith.addi %mul3A_248, %add3A_586 : i32
        %get3A_588 = arith.index_cast %add3A_587 : i32 to index
        %get3A_589 = arith.constant 32 : index
        %get3A_590 = tpu.vector_load %arg12[%get3A_588, %get3A_589] {strides = array<i32>} : memref<80x128xf32, #tpu.memory_space<vmem>>, vector<1x16xf32>,
        %get3A_591 = vector.shape_cast %get3A_590 : vector<1x16xf32> to vector<16xf32>
        %add3A_592 = arith.constant 15 : i32
        %add3A_593 = arith.addi %mul3A_248, %add3A_592 : i32
        %get3A_594 = arith.index_cast %add3A_593 : i32 to index
        %get3A_595 = arith.constant 32 : index
        %get3A_596 = tpu.vector_load %arg12[%get3A_594, %get3A_595] {strides = array<i32>} : memref<80x128xf32, #tpu.memory_space<vmem>>, vector<1x16xf32>,
        %get3A_597 = vector.shape_cast %get3A_596 : vector<1x16xf32> to vector<16xf32>
        %max3A_598 = arith.maximumf %get3A_591, %get3A_597 : vector<16xf32>
        %max3A_599 = arith.maximumf %max3A_585, %max3A_598 : vector<16xf32>
        %max3A_600 = arith.maximumf %max3A_572, %max3A_599 : vector<16xf32>
        %max3A_601 = arith.constant 0.000000e+00 : f32
        %max3A_602 = vector.broadcast %max3A_601 : f32 to vector<16xf32>
        %max3A_603 = arith.maximumf %max3A_600, %max3A_602 : vector<16xf32>
        %mul3A_604 = arith.constant 128 : i32
        %mul3A_605 = arith.muli %scan3A_246, %mul3A_604 : i32
        %add3A_606 = arith.constant 32 : i32
        %add3A_607 = arith.addi %mul3A_605, %add3A_606 : i32
        %swap3A_608 = arith.index_cast %add3A_607 : i32 to index
        %swap3A_609 = tpu.vector_load %arg16[%swap3A_608] {strides = array<i32>} : memref<640xf32, #tpu.memory_space<vmem>>, vector<16xf32>,
        %swap3A_610 = vector.shape_cast %swap3A_609 : vector<16xf32> to vector<16xf32>
        %swap3A_611 = vector.shape_cast %max3A_603 : vector<16xf32> to vector<16xf32>
        tpu.vector_store %arg16[%swap3A_608], %swap3A_611 {strides = array<i32>} : memref<640xf32, #tpu.memory_space<vmem>>, vector<16xf32>,
        %add3A_612 = arith.constant 0 : i32
        %add3A_613 = arith.addi %mul3A_248, %add3A_612 : i32
        %get3A_614 = arith.index_cast %add3A_613 : i32 to index
        %get3A_615 = arith.constant 48 : index
        %get3A_616 = tpu.vector_load %arg12[%get3A_614, %get3A_615] {strides = array<i32>} : memref<80x128xf32, #tpu.memory_space<vmem>>, vector<1x16xf32>,
        %get3A_617 = vector.shape_cast %get3A_616 : vector<1x16xf32> to vector<16xf32>
        %add3A_618 = arith.constant 1 : i32
        %add3A_619 = arith.addi %mul3A_248, %add3A_618 : i32
        %get3A_620 = arith.index_cast %add3A_619 : i32 to index
        %get3A_621 = arith.constant 48 : index
        %get3A_622 = tpu.vector_load %arg12[%get3A_620, %get3A_621] {strides = array<i32>} : memref<80x128xf32, #tpu.memory_space<vmem>>, vector<1x16xf32>,
        %get3A_623 = vector.shape_cast %get3A_622 : vector<1x16xf32> to vector<16xf32>
        %max3A_624 = arith.maximumf %get3A_617, %get3A_623 : vector<16xf32>
        %add3A_625 = arith.constant 2 : i32
        %add3A_626 = arith.addi %mul3A_248, %add3A_625 : i32
        %get3A_627 = arith.index_cast %add3A_626 : i32 to index
        %get3A_628 = arith.constant 48 : index
        %get3A_629 = tpu.vector_load %arg12[%get3A_627, %get3A_628] {strides = array<i32>} : memref<80x128xf32, #tpu.memory_space<vmem>>, vector<1x16xf32>,
        %get3A_630 = vector.shape_cast %get3A_629 : vector<1x16xf32> to vector<16xf32>
        %add3A_631 = arith.constant 3 : i32
        %add3A_632 = arith.addi %mul3A_248, %add3A_631 : i32
        %get3A_633 = arith.index_cast %add3A_632 : i32 to index
        %get3A_634 = arith.constant 48 : index
        %get3A_635 = tpu.vector_load %arg12[%get3A_633, %get3A_634] {strides = array<i32>} : memref<80x128xf32, #tpu.memory_space<vmem>>, vector<1x16xf32>,
        %get3A_636 = vector.shape_cast %get3A_635 : vector<1x16xf32> to vector<16xf32>
        %max3A_637 = arith.maximumf %get3A_630, %get3A_636 : vector<16xf32>
        %max3A_638 = arith.maximumf %max3A_624, %max3A_637 : vector<16xf32>
        %add3A_639 = arith.constant 4 : i32
        %add3A_640 = arith.addi %mul3A_248, %add3A_639 : i32
        %get3A_641 = arith.index_cast %add3A_640 : i32 to index
        %get3A_642 = arith.constant 48 : index
        %get3A_643 = tpu.vector_load %arg12[%get3A_641, %get3A_642] {strides = array<i32>} : memref<80x128xf32, #tpu.memory_space<vmem>>, vector<1x16xf32>,
        %get3A_644 = vector.shape_cast %get3A_643 : vector<1x16xf32> to vector<16xf32>
        %add3A_645 = arith.constant 5 : i32
        %add3A_646 = arith.addi %mul3A_248, %add3A_645 : i32
        %get3A_647 = arith.index_cast %add3A_646 : i32 to index
        %get3A_648 = arith.constant 48 : index
        %get3A_649 = tpu.vector_load %arg12[%get3A_647, %get3A_648] {strides = array<i32>} : memref<80x128xf32, #tpu.memory_space<vmem>>, vector<1x16xf32>,
        %get3A_650 = vector.shape_cast %get3A_649 : vector<1x16xf32> to vector<16xf32>
        %max3A_651 = arith.maximumf %get3A_644, %get3A_650 : vector<16xf32>
        %add3A_652 = arith.constant 6 : i32
        %add3A_653 = arith.addi %mul3A_248, %add3A_652 : i32
        %get3A_654 = arith.index_cast %add3A_653 : i32 to index
        %get3A_655 = arith.constant 48 : index
        %get3A_656 = tpu.vector_load %arg12[%get3A_654, %get3A_655] {strides = array<i32>} : memref<80x128xf32, #tpu.memory_space<vmem>>, vector<1x16xf32>,
        %get3A_657 = vector.shape_cast %get3A_656 : vector<1x16xf32> to vector<16xf32>
        %add3A_658 = arith.constant 7 : i32
        %add3A_659 = arith.addi %mul3A_248, %add3A_658 : i32
        %get3A_660 = arith.index_cast %add3A_659 : i32 to index
        %get3A_661 = arith.constant 48 : index
        %get3A_662 = tpu.vector_load %arg12[%get3A_660, %get3A_661] {strides = array<i32>} : memref<80x128xf32, #tpu.memory_space<vmem>>, vector<1x16xf32>,
        %get3A_663 = vector.shape_cast %get3A_662 : vector<1x16xf32> to vector<16xf32>
        %max3A_664 = arith.maximumf %get3A_657, %get3A_663 : vector<16xf32>
        %max3A_665 = arith.maximumf %max3A_651, %max3A_664 : vector<16xf32>
        %max3A_666 = arith.maximumf %max3A_638, %max3A_665 : vector<16xf32>
        %add3A_667 = arith.constant 8 : i32
        %add3A_668 = arith.addi %mul3A_248, %add3A_667 : i32
        %get3A_669 = arith.index_cast %add3A_668 : i32 to index
        %get3A_670 = arith.constant 48 : index
        %get3A_671 = tpu.vector_load %arg12[%get3A_669, %get3A_670] {strides = array<i32>} : memref<80x128xf32, #tpu.memory_space<vmem>>, vector<1x16xf32>,
        %get3A_672 = vector.shape_cast %get3A_671 : vector<1x16xf32> to vector<16xf32>
        %add3A_673 = arith.constant 9 : i32
        %add3A_674 = arith.addi %mul3A_248, %add3A_673 : i32
        %get3A_675 = arith.index_cast %add3A_674 : i32 to index
        %get3A_676 = arith.constant 48 : index
        %get3A_677 = tpu.vector_load %arg12[%get3A_675, %get3A_676] {strides = array<i32>} : memref<80x128xf32, #tpu.memory_space<vmem>>, vector<1x16xf32>,
        %get3A_678 = vector.shape_cast %get3A_677 : vector<1x16xf32> to vector<16xf32>
        %max3A_679 = arith.maximumf %get3A_672, %get3A_678 : vector<16xf32>
        %add3A_680 = arith.constant 10 : i32
        %add3A_681 = arith.addi %mul3A_248, %add3A_680 : i32
        %get3A_682 = arith.index_cast %add3A_681 : i32 to index
        %get3A_683 = arith.constant 48 : index
        %get3A_684 = tpu.vector_load %arg12[%get3A_682, %get3A_683] {strides = array<i32>} : memref<80x128xf32, #tpu.memory_space<vmem>>, vector<1x16xf32>,
        %get3A_685 = vector.shape_cast %get3A_684 : vector<1x16xf32> to vector<16xf32>
        %add3A_686 = arith.constant 11 : i32
        %add3A_687 = arith.addi %mul3A_248, %add3A_686 : i32
        %get3A_688 = arith.index_cast %add3A_687 : i32 to index
        %get3A_689 = arith.constant 48 : index
        %get3A_690 = tpu.vector_load %arg12[%get3A_688, %get3A_689] {strides = array<i32>} : memref<80x128xf32, #tpu.memory_space<vmem>>, vector<1x16xf32>,
        %get3A_691 = vector.shape_cast %get3A_690 : vector<1x16xf32> to vector<16xf32>
        %max3A_692 = arith.maximumf %get3A_685, %get3A_691 : vector<16xf32>
        %max3A_693 = arith.maximumf %max3A_679, %max3A_692 : vector<16xf32>
        %max3A_694 = arith.maximumf %max3A_666, %max3A_693 : vector<16xf32>
        %add3A_695 = arith.constant 12 : i32
        %add3A_696 = arith.addi %mul3A_248, %add3A_695 : i32
        %get3A_697 = arith.index_cast %add3A_696 : i32 to index
        %get3A_698 = arith.constant 48 : index
        %get3A_699 = tpu.vector_load %arg12[%get3A_697, %get3A_698] {strides = array<i32>} : memref<80x128xf32, #tpu.memory_space<vmem>>, vector<1x16xf32>,
        %get3A_700 = vector.shape_cast %get3A_699 : vector<1x16xf32> to vector<16xf32>
        %add3A_701 = arith.constant 13 : i32
        %add3A_702 = arith.addi %mul3A_248, %add3A_701 : i32
        %get3A_703 = arith.index_cast %add3A_702 : i32 to index
        %get3A_704 = arith.constant 48 : index
        %get3A_705 = tpu.vector_load %arg12[%get3A_703, %get3A_704] {strides = array<i32>} : memref<80x128xf32, #tpu.memory_space<vmem>>, vector<1x16xf32>,
        %get3A_706 = vector.shape_cast %get3A_705 : vector<1x16xf32> to vector<16xf32>
        %max3A_707 = arith.maximumf %get3A_700, %get3A_706 : vector<16xf32>
        %add3A_708 = arith.constant 14 : i32
        %add3A_709 = arith.addi %mul3A_248, %add3A_708 : i32
        %get3A_710 = arith.index_cast %add3A_709 : i32 to index
        %get3A_711 = arith.constant 48 : index
        %get3A_712 = tpu.vector_load %arg12[%get3A_710, %get3A_711] {strides = array<i32>} : memref<80x128xf32, #tpu.memory_space<vmem>>, vector<1x16xf32>,
        %get3A_713 = vector.shape_cast %get3A_712 : vector<1x16xf32> to vector<16xf32>
        %add3A_714 = arith.constant 15 : i32
        %add3A_715 = arith.addi %mul3A_248, %add3A_714 : i32
        %get3A_716 = arith.index_cast %add3A_715 : i32 to index
        %get3A_717 = arith.constant 48 : index
        %get3A_718 = tpu.vector_load %arg12[%get3A_716, %get3A_717] {strides = array<i32>} : memref<80x128xf32, #tpu.memory_space<vmem>>, vector<1x16xf32>,
        %get3A_719 = vector.shape_cast %get3A_718 : vector<1x16xf32> to vector<16xf32>
        %max3A_720 = arith.maximumf %get3A_713, %get3A_719 : vector<16xf32>
        %max3A_721 = arith.maximumf %max3A_707, %max3A_720 : vector<16xf32>
        %max3A_722 = arith.maximumf %max3A_694, %max3A_721 : vector<16xf32>
        %max3A_723 = arith.constant 0.000000e+00 : f32
        %max3A_724 = vector.broadcast %max3A_723 : f32 to vector<16xf32>
        %max3A_725 = arith.maximumf %max3A_722, %max3A_724 : vector<16xf32>
        %mul3A_726 = arith.constant 128 : i32
        %mul3A_727 = arith.muli %scan3A_246, %mul3A_726 : i32
        %add3A_728 = arith.constant 48 : i32
        %add3A_729 = arith.addi %mul3A_727, %add3A_728 : i32
        %swap3A_730 = arith.index_cast %add3A_729 : i32 to index
        %swap3A_731 = tpu.vector_load %arg16[%swap3A_730] {strides = array<i32>} : memref<640xf32, #tpu.memory_space<vmem>>, vector<16xf32>,
        %swap3A_732 = vector.shape_cast %swap3A_731 : vector<16xf32> to vector<16xf32>
        %swap3A_733 = vector.shape_cast %max3A_725 : vector<16xf32> to vector<16xf32>
        tpu.vector_store %arg16[%swap3A_730], %swap3A_733 {strides = array<i32>} : memref<640xf32, #tpu.memory_space<vmem>>, vector<16xf32>,
        %add3A_734 = arith.constant 0 : i32
        %add3A_735 = arith.addi %mul3A_248, %add3A_734 : i32
        %get3A_736 = arith.index_cast %add3A_735 : i32 to index
        %get3A_737 = arith.constant 64 : index
        %get3A_738 = tpu.vector_load %arg12[%get3A_736, %get3A_737] {strides = array<i32>} : memref<80x128xf32, #tpu.memory_space<vmem>>, vector<1x16xf32>,
        %get3A_739 = vector.shape_cast %get3A_738 : vector<1x16xf32> to vector<16xf32>
        %add3A_740 = arith.constant 1 : i32
        %add3A_741 = arith.addi %mul3A_248, %add3A_740 : i32
        %get3A_742 = arith.index_cast %add3A_741 : i32 to index
        %get3A_743 = arith.constant 64 : index
        %get3A_744 = tpu.vector_load %arg12[%get3A_742, %get3A_743] {strides = array<i32>} : memref<80x128xf32, #tpu.memory_space<vmem>>, vector<1x16xf32>,
        %get3A_745 = vector.shape_cast %get3A_744 : vector<1x16xf32> to vector<16xf32>
        %max3A_746 = arith.maximumf %get3A_739, %get3A_745 : vector<16xf32>
        %add3A_747 = arith.constant 2 : i32
        %add3A_748 = arith.addi %mul3A_248, %add3A_747 : i32
        %get3A_749 = arith.index_cast %add3A_748 : i32 to index
        %get3A_750 = arith.constant 64 : index
        %get3A_751 = tpu.vector_load %arg12[%get3A_749, %get3A_750] {strides = array<i32>} : memref<80x128xf32, #tpu.memory_space<vmem>>, vector<1x16xf32>,
        %get3A_752 = vector.shape_cast %get3A_751 : vector<1x16xf32> to vector<16xf32>
        %add3A_753 = arith.constant 3 : i32
        %add3A_754 = arith.addi %mul3A_248, %add3A_753 : i32
        %get3A_755 = arith.index_cast %add3A_754 : i32 to index
        %get3A_756 = arith.constant 64 : index
        %get3A_757 = tpu.vector_load %arg12[%get3A_755, %get3A_756] {strides = array<i32>} : memref<80x128xf32, #tpu.memory_space<vmem>>, vector<1x16xf32>,
        %get3A_758 = vector.shape_cast %get3A_757 : vector<1x16xf32> to vector<16xf32>
        %max3A_759 = arith.maximumf %get3A_752, %get3A_758 : vector<16xf32>
        %max3A_760 = arith.maximumf %max3A_746, %max3A_759 : vector<16xf32>
        %add3A_761 = arith.constant 4 : i32
        %add3A_762 = arith.addi %mul3A_248, %add3A_761 : i32
        %get3A_763 = arith.index_cast %add3A_762 : i32 to index
        %get3A_764 = arith.constant 64 : index
        %get3A_765 = tpu.vector_load %arg12[%get3A_763, %get3A_764] {strides = array<i32>} : memref<80x128xf32, #tpu.memory_space<vmem>>, vector<1x16xf32>,
        %get3A_766 = vector.shape_cast %get3A_765 : vector<1x16xf32> to vector<16xf32>
        %add3A_767 = arith.constant 5 : i32
        %add3A_768 = arith.addi %mul3A_248, %add3A_767 : i32
        %get3A_769 = arith.index_cast %add3A_768 : i32 to index
        %get3A_770 = arith.constant 64 : index
        %get3A_771 = tpu.vector_load %arg12[%get3A_769, %get3A_770] {strides = array<i32>} : memref<80x128xf32, #tpu.memory_space<vmem>>, vector<1x16xf32>,
        %get3A_772 = vector.shape_cast %get3A_771 : vector<1x16xf32> to vector<16xf32>
        %max3A_773 = arith.maximumf %get3A_766, %get3A_772 : vector<16xf32>
        %add3A_774 = arith.constant 6 : i32
        %add3A_775 = arith.addi %mul3A_248, %add3A_774 : i32
        %get3A_776 = arith.index_cast %add3A_775 : i32 to index
        %get3A_777 = arith.constant 64 : index
        %get3A_778 = tpu.vector_load %arg12[%get3A_776, %get3A_777] {strides = array<i32>} : memref<80x128xf32, #tpu.memory_space<vmem>>, vector<1x16xf32>,
        %get3A_779 = vector.shape_cast %get3A_778 : vector<1x16xf32> to vector<16xf32>
        %add3A_780 = arith.constant 7 : i32
        %add3A_781 = arith.addi %mul3A_248, %add3A_780 : i32
        %get3A_782 = arith.index_cast %add3A_781 : i32 to index
        %get3A_783 = arith.constant 64 : index
        %get3A_784 = tpu.vector_load %arg12[%get3A_782, %get3A_783] {strides = array<i32>} : memref<80x128xf32, #tpu.memory_space<vmem>>, vector<1x16xf32>,
        %get3A_785 = vector.shape_cast %get3A_784 : vector<1x16xf32> to vector<16xf32>
        %max3A_786 = arith.maximumf %get3A_779, %get3A_785 : vector<16xf32>
        %max3A_787 = arith.maximumf %max3A_773, %max3A_786 : vector<16xf32>
        %max3A_788 = arith.maximumf %max3A_760, %max3A_787 : vector<16xf32>
        %add3A_789 = arith.constant 8 : i32
        %add3A_790 = arith.addi %mul3A_248, %add3A_789 : i32
        %get3A_791 = arith.index_cast %add3A_790 : i32 to index
        %get3A_792 = arith.constant 64 : index
        %get3A_793 = tpu.vector_load %arg12[%get3A_791, %get3A_792] {strides = array<i32>} : memref<80x128xf32, #tpu.memory_space<vmem>>, vector<1x16xf32>,
        %get3A_794 = vector.shape_cast %get3A_793 : vector<1x16xf32> to vector<16xf32>
        %add3A_795 = arith.constant 9 : i32
        %add3A_796 = arith.addi %mul3A_248, %add3A_795 : i32
        %get3A_797 = arith.index_cast %add3A_796 : i32 to index
        %get3A_798 = arith.constant 64 : index
        %get3A_799 = tpu.vector_load %arg12[%get3A_797, %get3A_798] {strides = array<i32>} : memref<80x128xf32, #tpu.memory_space<vmem>>, vector<1x16xf32>,
        %get3A_800 = vector.shape_cast %get3A_799 : vector<1x16xf32> to vector<16xf32>
        %max3A_801 = arith.maximumf %get3A_794, %get3A_800 : vector<16xf32>
        %add3A_802 = arith.constant 10 : i32
        %add3A_803 = arith.addi %mul3A_248, %add3A_802 : i32
        %get3A_804 = arith.index_cast %add3A_803 : i32 to index
        %get3A_805 = arith.constant 64 : index
        %get3A_806 = tpu.vector_load %arg12[%get3A_804, %get3A_805] {strides = array<i32>} : memref<80x128xf32, #tpu.memory_space<vmem>>, vector<1x16xf32>,
        %get3A_807 = vector.shape_cast %get3A_806 : vector<1x16xf32> to vector<16xf32>
        %add3A_808 = arith.constant 11 : i32
        %add3A_809 = arith.addi %mul3A_248, %add3A_808 : i32
        %get3A_810 = arith.index_cast %add3A_809 : i32 to index
        %get3A_811 = arith.constant 64 : index
        %get3A_812 = tpu.vector_load %arg12[%get3A_810, %get3A_811] {strides = array<i32>} : memref<80x128xf32, #tpu.memory_space<vmem>>, vector<1x16xf32>,
        %get3A_813 = vector.shape_cast %get3A_812 : vector<1x16xf32> to vector<16xf32>
        %max3A_814 = arith.maximumf %get3A_807, %get3A_813 : vector<16xf32>
        %max3A_815 = arith.maximumf %max3A_801, %max3A_814 : vector<16xf32>
        %max3A_816 = arith.maximumf %max3A_788, %max3A_815 : vector<16xf32>
        %add3A_817 = arith.constant 12 : i32
        %add3A_818 = arith.addi %mul3A_248, %add3A_817 : i32
        %get3A_819 = arith.index_cast %add3A_818 : i32 to index
        %get3A_820 = arith.constant 64 : index
        %get3A_821 = tpu.vector_load %arg12[%get3A_819, %get3A_820] {strides = array<i32>} : memref<80x128xf32, #tpu.memory_space<vmem>>, vector<1x16xf32>,
        %get3A_822 = vector.shape_cast %get3A_821 : vector<1x16xf32> to vector<16xf32>
        %add3A_823 = arith.constant 13 : i32
        %add3A_824 = arith.addi %mul3A_248, %add3A_823 : i32
        %get3A_825 = arith.index_cast %add3A_824 : i32 to index
        %get3A_826 = arith.constant 64 : index
        %get3A_827 = tpu.vector_load %arg12[%get3A_825, %get3A_826] {strides = array<i32>} : memref<80x128xf32, #tpu.memory_space<vmem>>, vector<1x16xf32>,
        %get3A_828 = vector.shape_cast %get3A_827 : vector<1x16xf32> to vector<16xf32>
        %max3A_829 = arith.maximumf %get3A_822, %get3A_828 : vector<16xf32>
        %add3A_830 = arith.constant 14 : i32
        %add3A_831 = arith.addi %mul3A_248, %add3A_830 : i32
        %get3A_832 = arith.index_cast %add3A_831 : i32 to index
        %get3A_833 = arith.constant 64 : index
        %get3A_834 = tpu.vector_load %arg12[%get3A_832, %get3A_833] {strides = array<i32>} : memref<80x128xf32, #tpu.memory_space<vmem>>, vector<1x16xf32>,
        %get3A_835 = vector.shape_cast %get3A_834 : vector<1x16xf32> to vector<16xf32>
        %add3A_836 = arith.constant 15 : i32
        %add3A_837 = arith.addi %mul3A_248, %add3A_836 : i32
        %get3A_838 = arith.index_cast %add3A_837 : i32 to index
        %get3A_839 = arith.constant 64 : index
        %get3A_840 = tpu.vector_load %arg12[%get3A_838, %get3A_839] {strides = array<i32>} : memref<80x128xf32, #tpu.memory_space<vmem>>, vector<1x16xf32>,
        %get3A_841 = vector.shape_cast %get3A_840 : vector<1x16xf32> to vector<16xf32>
        %max3A_842 = arith.maximumf %get3A_835, %get3A_841 : vector<16xf32>
        %max3A_843 = arith.maximumf %max3A_829, %max3A_842 : vector<16xf32>
        %max3A_844 = arith.maximumf %max3A_816, %max3A_843 : vector<16xf32>
        %max3A_845 = arith.constant 0.000000e+00 : f32
        %max3A_846 = vector.broadcast %max3A_845 : f32 to vector<16xf32>
        %max3A_847 = arith.maximumf %max3A_844, %max3A_846 : vector<16xf32>
        %mul3A_848 = arith.constant 128 : i32
        %mul3A_849 = arith.muli %scan3A_246, %mul3A_848 : i32
        %add3A_850 = arith.constant 64 : i32
        %add3A_851 = arith.addi %mul3A_849, %add3A_850 : i32
        %swap3A_852 = arith.index_cast %add3A_851 : i32 to index
        %swap3A_853 = tpu.vector_load %arg16[%swap3A_852] {strides = array<i32>} : memref<640xf32, #tpu.memory_space<vmem>>, vector<16xf32>,
        %swap3A_854 = vector.shape_cast %swap3A_853 : vector<16xf32> to vector<16xf32>
        %swap3A_855 = vector.shape_cast %max3A_847 : vector<16xf32> to vector<16xf32>
        tpu.vector_store %arg16[%swap3A_852], %swap3A_855 {strides = array<i32>} : memref<640xf32, #tpu.memory_space<vmem>>, vector<16xf32>,
        %add3A_856 = arith.constant 0 : i32
        %add3A_857 = arith.addi %mul3A_248, %add3A_856 : i32
        %get3A_858 = arith.index_cast %add3A_857 : i32 to index
        %get3A_859 = arith.constant 80 : index
        %get3A_860 = tpu.vector_load %arg12[%get3A_858, %get3A_859] {strides = array<i32>} : memref<80x128xf32, #tpu.memory_space<vmem>>, vector<1x16xf32>,
        %get3A_861 = vector.shape_cast %get3A_860 : vector<1x16xf32> to vector<16xf32>
        %add3A_862 = arith.constant 1 : i32
        %add3A_863 = arith.addi %mul3A_248, %add3A_862 : i32
        %get3A_864 = arith.index_cast %add3A_863 : i32 to index
        %get3A_865 = arith.constant 80 : index
        %get3A_866 = tpu.vector_load %arg12[%get3A_864, %get3A_865] {strides = array<i32>} : memref<80x128xf32, #tpu.memory_space<vmem>>, vector<1x16xf32>,
        %get3A_867 = vector.shape_cast %get3A_866 : vector<1x16xf32> to vector<16xf32>
        %max3A_868 = arith.maximumf %get3A_861, %get3A_867 : vector<16xf32>
        %add3A_869 = arith.constant 2 : i32
        %add3A_870 = arith.addi %mul3A_248, %add3A_869 : i32
        %get3A_871 = arith.index_cast %add3A_870 : i32 to index
        %get3A_872 = arith.constant 80 : index
        %get3A_873 = tpu.vector_load %arg12[%get3A_871, %get3A_872] {strides = array<i32>} : memref<80x128xf32, #tpu.memory_space<vmem>>, vector<1x16xf32>,
        %get3A_874 = vector.shape_cast %get3A_873 : vector<1x16xf32> to vector<16xf32>
        %add3A_875 = arith.constant 3 : i32
        %add3A_876 = arith.addi %mul3A_248, %add3A_875 : i32
        %get3A_877 = arith.index_cast %add3A_876 : i32 to index
        %get3A_878 = arith.constant 80 : index
        %get3A_879 = tpu.vector_load %arg12[%get3A_877, %get3A_878] {strides = array<i32>} : memref<80x128xf32, #tpu.memory_space<vmem>>, vector<1x16xf32>,
        %get3A_880 = vector.shape_cast %get3A_879 : vector<1x16xf32> to vector<16xf32>
        %max3A_881 = arith.maximumf %get3A_874, %get3A_880 : vector<16xf32>
        %max3A_882 = arith.maximumf %max3A_868, %max3A_881 : vector<16xf32>
        %add3A_883 = arith.constant 4 : i32
        %add3A_884 = arith.addi %mul3A_248, %add3A_883 : i32
        %get3A_885 = arith.index_cast %add3A_884 : i32 to index
        %get3A_886 = arith.constant 80 : index
        %get3A_887 = tpu.vector_load %arg12[%get3A_885, %get3A_886] {strides = array<i32>} : memref<80x128xf32, #tpu.memory_space<vmem>>, vector<1x16xf32>,
        %get3A_888 = vector.shape_cast %get3A_887 : vector<1x16xf32> to vector<16xf32>
        %add3A_889 = arith.constant 5 : i32
        %add3A_890 = arith.addi %mul3A_248, %add3A_889 : i32
        %get3A_891 = arith.index_cast %add3A_890 : i32 to index
        %get3A_892 = arith.constant 80 : index
        %get3A_893 = tpu.vector_load %arg12[%get3A_891, %get3A_892] {strides = array<i32>} : memref<80x128xf32, #tpu.memory_space<vmem>>, vector<1x16xf32>,
        %get3A_894 = vector.shape_cast %get3A_893 : vector<1x16xf32> to vector<16xf32>
        %max3A_895 = arith.maximumf %get3A_888, %get3A_894 : vector<16xf32>
        %add3A_896 = arith.constant 6 : i32
        %add3A_897 = arith.addi %mul3A_248, %add3A_896 : i32
        %get3A_898 = arith.index_cast %add3A_897 : i32 to index
        %get3A_899 = arith.constant 80 : index
        %get3A_900 = tpu.vector_load %arg12[%get3A_898, %get3A_899] {strides = array<i32>} : memref<80x128xf32, #tpu.memory_space<vmem>>, vector<1x16xf32>,
        %get3A_901 = vector.shape_cast %get3A_900 : vector<1x16xf32> to vector<16xf32>
        %add3A_902 = arith.constant 7 : i32
        %add3A_903 = arith.addi %mul3A_248, %add3A_902 : i32
        %get3A_904 = arith.index_cast %add3A_903 : i32 to index
        %get3A_905 = arith.constant 80 : index
        %get3A_906 = tpu.vector_load %arg12[%get3A_904, %get3A_905] {strides = array<i32>} : memref<80x128xf32, #tpu.memory_space<vmem>>, vector<1x16xf32>,
        %get3A_907 = vector.shape_cast %get3A_906 : vector<1x16xf32> to vector<16xf32>
        %max3A_908 = arith.maximumf %get3A_901, %get3A_907 : vector<16xf32>
        %max3A_909 = arith.maximumf %max3A_895, %max3A_908 : vector<16xf32>
        %max3A_910 = arith.maximumf %max3A_882, %max3A_909 : vector<16xf32>
        %add3A_911 = arith.constant 8 : i32
        %add3A_912 = arith.addi %mul3A_248, %add3A_911 : i32
        %get3A_913 = arith.index_cast %add3A_912 : i32 to index
        %get3A_914 = arith.constant 80 : index
        %get3A_915 = tpu.vector_load %arg12[%get3A_913, %get3A_914] {strides = array<i32>} : memref<80x128xf32, #tpu.memory_space<vmem>>, vector<1x16xf32>,
        %get3A_916 = vector.shape_cast %get3A_915 : vector<1x16xf32> to vector<16xf32>
        %add3A_917 = arith.constant 9 : i32
        %add3A_918 = arith.addi %mul3A_248, %add3A_917 : i32
        %get3A_919 = arith.index_cast %add3A_918 : i32 to index
        %get3A_920 = arith.constant 80 : index
        %get3A_921 = tpu.vector_load %arg12[%get3A_919, %get3A_920] {strides = array<i32>} : memref<80x128xf32, #tpu.memory_space<vmem>>, vector<1x16xf32>,
        %get3A_922 = vector.shape_cast %get3A_921 : vector<1x16xf32> to vector<16xf32>
        %max3A_923 = arith.maximumf %get3A_916, %get3A_922 : vector<16xf32>
        %add3A_924 = arith.constant 10 : i32
        %add3A_925 = arith.addi %mul3A_248, %add3A_924 : i32
        %get3A_926 = arith.index_cast %add3A_925 : i32 to index
        %get3A_927 = arith.constant 80 : index
        %get3A_928 = tpu.vector_load %arg12[%get3A_926, %get3A_927] {strides = array<i32>} : memref<80x128xf32, #tpu.memory_space<vmem>>, vector<1x16xf32>,
        %get3A_929 = vector.shape_cast %get3A_928 : vector<1x16xf32> to vector<16xf32>
        %add3A_930 = arith.constant 11 : i32
        %add3A_931 = arith.addi %mul3A_248, %add3A_930 : i32
        %get3A_932 = arith.index_cast %add3A_931 : i32 to index
        %get3A_933 = arith.constant 80 : index
        %get3A_934 = tpu.vector_load %arg12[%get3A_932, %get3A_933] {strides = array<i32>} : memref<80x128xf32, #tpu.memory_space<vmem>>, vector<1x16xf32>,
        %get3A_935 = vector.shape_cast %get3A_934 : vector<1x16xf32> to vector<16xf32>
        %max3A_936 = arith.maximumf %get3A_929, %get3A_935 : vector<16xf32>
        %max3A_937 = arith.maximumf %max3A_923, %max3A_936 : vector<16xf32>
        %max3A_938 = arith.maximumf %max3A_910, %max3A_937 : vector<16xf32>
        %add3A_939 = arith.constant 12 : i32
        %add3A_940 = arith.addi %mul3A_248, %add3A_939 : i32
        %get3A_941 = arith.index_cast %add3A_940 : i32 to index
        %get3A_942 = arith.constant 80 : index
        %get3A_943 = tpu.vector_load %arg12[%get3A_941, %get3A_942] {strides = array<i32>} : memref<80x128xf32, #tpu.memory_space<vmem>>, vector<1x16xf32>,
        %get3A_944 = vector.shape_cast %get3A_943 : vector<1x16xf32> to vector<16xf32>
        %add3A_945 = arith.constant 13 : i32
        %add3A_946 = arith.addi %mul3A_248, %add3A_945 : i32
        %get3A_947 = arith.index_cast %add3A_946 : i32 to index
        %get3A_948 = arith.constant 80 : index
        %get3A_949 = tpu.vector_load %arg12[%get3A_947, %get3A_948] {strides = array<i32>} : memref<80x128xf32, #tpu.memory_space<vmem>>, vector<1x16xf32>,
        %get3A_950 = vector.shape_cast %get3A_949 : vector<1x16xf32> to vector<16xf32>
        %max3A_951 = arith.maximumf %get3A_944, %get3A_950 : vector<16xf32>
        %add3A_952 = arith.constant 14 : i32
        %add3A_953 = arith.addi %mul3A_248, %add3A_952 : i32
        %get3A_954 = arith.index_cast %add3A_953 : i32 to index
        %get3A_955 = arith.constant 80 : index
        %get3A_956 = tpu.vector_load %arg12[%get3A_954, %get3A_955] {strides = array<i32>} : memref<80x128xf32, #tpu.memory_space<vmem>>, vector<1x16xf32>,
        %get3A_957 = vector.shape_cast %get3A_956 : vector<1x16xf32> to vector<16xf32>
        %add3A_958 = arith.constant 15 : i32
        %add3A_959 = arith.addi %mul3A_248, %add3A_958 : i32
        %get3A_960 = arith.index_cast %add3A_959 : i32 to index
        %get3A_961 = arith.constant 80 : index
        %get3A_962 = tpu.vector_load %arg12[%get3A_960, %get3A_961] {strides = array<i32>} : memref<80x128xf32, #tpu.memory_space<vmem>>, vector<1x16xf32>,
        %get3A_963 = vector.shape_cast %get3A_962 : vector<1x16xf32> to vector<16xf32>
        %max3A_964 = arith.maximumf %get3A_957, %get3A_963 : vector<16xf32>
        %max3A_965 = arith.maximumf %max3A_951, %max3A_964 : vector<16xf32>
        %max3A_966 = arith.maximumf %max3A_938, %max3A_965 : vector<16xf32>
        %max3A_967 = arith.constant 0.000000e+00 : f32
        %max3A_968 = vector.broadcast %max3A_967 : f32 to vector<16xf32>
        %max3A_969 = arith.maximumf %max3A_966, %max3A_968 : vector<16xf32>
        %mul3A_970 = arith.constant 128 : i32
        %mul3A_971 = arith.muli %scan3A_246, %mul3A_970 : i32
        %add3A_972 = arith.constant 80 : i32
        %add3A_973 = arith.addi %mul3A_971, %add3A_972 : i32
        %swap3A_974 = arith.index_cast %add3A_973 : i32 to index
        %swap3A_975 = tpu.vector_load %arg16[%swap3A_974] {strides = array<i32>} : memref<640xf32, #tpu.memory_space<vmem>>, vector<16xf32>,
        %swap3A_976 = vector.shape_cast %swap3A_975 : vector<16xf32> to vector<16xf32>
        %swap3A_977 = vector.shape_cast %max3A_969 : vector<16xf32> to vector<16xf32>
        tpu.vector_store %arg16[%swap3A_974], %swap3A_977 {strides = array<i32>} : memref<640xf32, #tpu.memory_space<vmem>>, vector<16xf32>,
        %add3A_978 = arith.constant 0 : i32
        %add3A_979 = arith.addi %mul3A_248, %add3A_978 : i32
        %get3A_980 = arith.index_cast %add3A_979 : i32 to index
        %get3A_981 = arith.constant 96 : index
        %get3A_982 = tpu.vector_load %arg12[%get3A_980, %get3A_981] {strides = array<i32>} : memref<80x128xf32, #tpu.memory_space<vmem>>, vector<1x16xf32>,
        %get3A_983 = vector.shape_cast %get3A_982 : vector<1x16xf32> to vector<16xf32>
        %add3A_984 = arith.constant 1 : i32
        %add3A_985 = arith.addi %mul3A_248, %add3A_984 : i32
        %get3A_986 = arith.index_cast %add3A_985 : i32 to index
        %get3A_987 = arith.constant 96 : index
        %get3A_988 = tpu.vector_load %arg12[%get3A_986, %get3A_987] {strides = array<i32>} : memref<80x128xf32, #tpu.memory_space<vmem>>, vector<1x16xf32>,
        %get3A_989 = vector.shape_cast %get3A_988 : vector<1x16xf32> to vector<16xf32>
        %max3A_990 = arith.maximumf %get3A_983, %get3A_989 : vector<16xf32>
        %add3A_991 = arith.constant 2 : i32
        %add3A_992 = arith.addi %mul3A_248, %add3A_991 : i32
        %get3A_993 = arith.index_cast %add3A_992 : i32 to index
        %get3A_994 = arith.constant 96 : index
        %get3A_995 = tpu.vector_load %arg12[%get3A_993, %get3A_994] {strides = array<i32>} : memref<80x128xf32, #tpu.memory_space<vmem>>, vector<1x16xf32>,
        %get3A_996 = vector.shape_cast %get3A_995 : vector<1x16xf32> to vector<16xf32>
        %add3A_997 = arith.constant 3 : i32
        %add3A_998 = arith.addi %mul3A_248, %add3A_997 : i32
        %get3A_999 = arith.index_cast %add3A_998 : i32 to index
        %get3A_1000 = arith.constant 96 : index
        %get3A_1001 = tpu.vector_load %arg12[%get3A_999, %get3A_1000] {strides = array<i32>} : memref<80x128xf32, #tpu.memory_space<vmem>>, vector<1x16xf32>,
        %get3A_1002 = vector.shape_cast %get3A_1001 : vector<1x16xf32> to vector<16xf32>
        %max3A_1003 = arith.maximumf %get3A_996, %get3A_1002 : vector<16xf32>
        %max3A_1004 = arith.maximumf %max3A_990, %max3A_1003 : vector<16xf32>
        %add3A_1005 = arith.constant 4 : i32
        %add3A_1006 = arith.addi %mul3A_248, %add3A_1005 : i32
        %get3A_1007 = arith.index_cast %add3A_1006 : i32 to index
        %get3A_1008 = arith.constant 96 : index
        %get3A_1009 = tpu.vector_load %arg12[%get3A_1007, %get3A_1008] {strides = array<i32>} : memref<80x128xf32, #tpu.memory_space<vmem>>, vector<1x16xf32>,
        %get3A_1010 = vector.shape_cast %get3A_1009 : vector<1x16xf32> to vector<16xf32>
        %add3A_1011 = arith.constant 5 : i32
        %add3A_1012 = arith.addi %mul3A_248, %add3A_1011 : i32
        %get3A_1013 = arith.index_cast %add3A_1012 : i32 to index
        %get3A_1014 = arith.constant 96 : index
        %get3A_1015 = tpu.vector_load %arg12[%get3A_1013, %get3A_1014] {strides = array<i32>} : memref<80x128xf32, #tpu.memory_space<vmem>>, vector<1x16xf32>,
        %get3A_1016 = vector.shape_cast %get3A_1015 : vector<1x16xf32> to vector<16xf32>
        %max3A_1017 = arith.maximumf %get3A_1010, %get3A_1016 : vector<16xf32>
        %add3A_1018 = arith.constant 6 : i32
        %add3A_1019 = arith.addi %mul3A_248, %add3A_1018 : i32
        %get3A_1020 = arith.index_cast %add3A_1019 : i32 to index
        %get3A_1021 = arith.constant 96 : index
        %get3A_1022 = tpu.vector_load %arg12[%get3A_1020, %get3A_1021] {strides = array<i32>} : memref<80x128xf32, #tpu.memory_space<vmem>>, vector<1x16xf32>,
        %get3A_1023 = vector.shape_cast %get3A_1022 : vector<1x16xf32> to vector<16xf32>
        %add3A_1024 = arith.constant 7 : i32
        %add3A_1025 = arith.addi %mul3A_248, %add3A_1024 : i32
        %get3A_1026 = arith.index_cast %add3A_1025 : i32 to index
        %get3A_1027 = arith.constant 96 : index
        %get3A_1028 = tpu.vector_load %arg12[%get3A_1026, %get3A_1027] {strides = array<i32>} : memref<80x128xf32, #tpu.memory_space<vmem>>, vector<1x16xf32>,
        %get3A_1029 = vector.shape_cast %get3A_1028 : vector<1x16xf32> to vector<16xf32>
        %max3A_1030 = arith.maximumf %get3A_1023, %get3A_1029 : vector<16xf32>
        %max3A_1031 = arith.maximumf %max3A_1017, %max3A_1030 : vector<16xf32>
        %max3A_1032 = arith.maximumf %max3A_1004, %max3A_1031 : vector<16xf32>
        %add3A_1033 = arith.constant 8 : i32
        %add3A_1034 = arith.addi %mul3A_248, %add3A_1033 : i32
        %get3A_1035 = arith.index_cast %add3A_1034 : i32 to index
        %get3A_1036 = arith.constant 96 : index
        %get3A_1037 = tpu.vector_load %arg12[%get3A_1035, %get3A_1036] {strides = array<i32>} : memref<80x128xf32, #tpu.memory_space<vmem>>, vector<1x16xf32>,
        %get3A_1038 = vector.shape_cast %get3A_1037 : vector<1x16xf32> to vector<16xf32>
        %add3A_1039 = arith.constant 9 : i32
        %add3A_1040 = arith.addi %mul3A_248, %add3A_1039 : i32
        %get3A_1041 = arith.index_cast %add3A_1040 : i32 to index
        %get3A_1042 = arith.constant 96 : index
        %get3A_1043 = tpu.vector_load %arg12[%get3A_1041, %get3A_1042] {strides = array<i32>} : memref<80x128xf32, #tpu.memory_space<vmem>>, vector<1x16xf32>,
        %get3A_1044 = vector.shape_cast %get3A_1043 : vector<1x16xf32> to vector<16xf32>
        %max3A_1045 = arith.maximumf %get3A_1038, %get3A_1044 : vector<16xf32>
        %add3A_1046 = arith.constant 10 : i32
        %add3A_1047 = arith.addi %mul3A_248, %add3A_1046 : i32
        %get3A_1048 = arith.index_cast %add3A_1047 : i32 to index
        %get3A_1049 = arith.constant 96 : index
        %get3A_1050 = tpu.vector_load %arg12[%get3A_1048, %get3A_1049] {strides = array<i32>} : memref<80x128xf32, #tpu.memory_space<vmem>>, vector<1x16xf32>,
        %get3A_1051 = vector.shape_cast %get3A_1050 : vector<1x16xf32> to vector<16xf32>
        %add3A_1052 = arith.constant 11 : i32
        %add3A_1053 = arith.addi %mul3A_248, %add3A_1052 : i32
        %get3A_1054 = arith.index_cast %add3A_1053 : i32 to index
        %get3A_1055 = arith.constant 96 : index
        %get3A_1056 = tpu.vector_load %arg12[%get3A_1054, %get3A_1055] {strides = array<i32>} : memref<80x128xf32, #tpu.memory_space<vmem>>, vector<1x16xf32>,
        %get3A_1057 = vector.shape_cast %get3A_1056 : vector<1x16xf32> to vector<16xf32>
        %max3A_1058 = arith.maximumf %get3A_1051, %get3A_1057 : vector<16xf32>
        %max3A_1059 = arith.maximumf %max3A_1045, %max3A_1058 : vector<16xf32>
        %max3A_1060 = arith.maximumf %max3A_1032, %max3A_1059 : vector<16xf32>
        %add3A_1061 = arith.constant 12 : i32
        %add3A_1062 = arith.addi %mul3A_248, %add3A_1061 : i32
        %get3A_1063 = arith.index_cast %add3A_1062 : i32 to index
        %get3A_1064 = arith.constant 96 : index
        %get3A_1065 = tpu.vector_load %arg12[%get3A_1063, %get3A_1064] {strides = array<i32>} : memref<80x128xf32, #tpu.memory_space<vmem>>, vector<1x16xf32>,
        %get3A_1066 = vector.shape_cast %get3A_1065 : vector<1x16xf32> to vector<16xf32>
        %add3A_1067 = arith.constant 13 : i32
        %add3A_1068 = arith.addi %mul3A_248, %add3A_1067 : i32
        %get3A_1069 = arith.index_cast %add3A_1068 : i32 to index
        %get3A_1070 = arith.constant 96 : index
        %get3A_1071 = tpu.vector_load %arg12[%get3A_1069, %get3A_1070] {strides = array<i32>} : memref<80x128xf32, #tpu.memory_space<vmem>>, vector<1x16xf32>,
        %get3A_1072 = vector.shape_cast %get3A_1071 : vector<1x16xf32> to vector<16xf32>
        %max3A_1073 = arith.maximumf %get3A_1066, %get3A_1072 : vector<16xf32>
        %add3A_1074 = arith.constant 14 : i32
        %add3A_1075 = arith.addi %mul3A_248, %add3A_1074 : i32
        %get3A_1076 = arith.index_cast %add3A_1075 : i32 to index
        %get3A_1077 = arith.constant 96 : index
        %get3A_1078 = tpu.vector_load %arg12[%get3A_1076, %get3A_1077] {strides = array<i32>} : memref<80x128xf32, #tpu.memory_space<vmem>>, vector<1x16xf32>,
        %get3A_1079 = vector.shape_cast %get3A_1078 : vector<1x16xf32> to vector<16xf32>
        %add3A_1080 = arith.constant 15 : i32
        %add3A_1081 = arith.addi %mul3A_248, %add3A_1080 : i32
        %get3A_1082 = arith.index_cast %add3A_1081 : i32 to index
        %get3A_1083 = arith.constant 96 : index
        %get3A_1084 = tpu.vector_load %arg12[%get3A_1082, %get3A_1083] {strides = array<i32>} : memref<80x128xf32, #tpu.memory_space<vmem>>, vector<1x16xf32>,
        %get3A_1085 = vector.shape_cast %get3A_1084 : vector<1x16xf32> to vector<16xf32>
        %max3A_1086 = arith.maximumf %get3A_1079, %get3A_1085 : vector<16xf32>
        %max3A_1087 = arith.maximumf %max3A_1073, %max3A_1086 : vector<16xf32>
        %max3A_1088 = arith.maximumf %max3A_1060, %max3A_1087 : vector<16xf32>
        %max3A_1089 = arith.constant 0.000000e+00 : f32
        %max3A_1090 = vector.broadcast %max3A_1089 : f32 to vector<16xf32>
        %max3A_1091 = arith.maximumf %max3A_1088, %max3A_1090 : vector<16xf32>
        %mul3A_1092 = arith.constant 128 : i32
        %mul3A_1093 = arith.muli %scan3A_246, %mul3A_1092 : i32
        %add3A_1094 = arith.constant 96 : i32
        %add3A_1095 = arith.addi %mul3A_1093, %add3A_1094 : i32
        %swap3A_1096 = arith.index_cast %add3A_1095 : i32 to index
        %swap3A_1097 = tpu.vector_load %arg16[%swap3A_1096] {strides = array<i32>} : memref<640xf32, #tpu.memory_space<vmem>>, vector<16xf32>,
        %swap3A_1098 = vector.shape_cast %swap3A_1097 : vector<16xf32> to vector<16xf32>
        %swap3A_1099 = vector.shape_cast %max3A_1091 : vector<16xf32> to vector<16xf32>
        tpu.vector_store %arg16[%swap3A_1096], %swap3A_1099 {strides = array<i32>} : memref<640xf32, #tpu.memory_space<vmem>>, vector<16xf32>,
        %add3A_1100 = arith.constant 0 : i32
        %add3A_1101 = arith.addi %mul3A_248, %add3A_1100 : i32
        %get3A_1102 = arith.index_cast %add3A_1101 : i32 to index
        %get3A_1103 = arith.constant 112 : index
        %get3A_1104 = tpu.vector_load %arg12[%get3A_1102, %get3A_1103] {strides = array<i32>} : memref<80x128xf32, #tpu.memory_space<vmem>>, vector<1x16xf32>,
        %get3A_1105 = vector.shape_cast %get3A_1104 : vector<1x16xf32> to vector<16xf32>
        %add3A_1106 = arith.constant 1 : i32
        %add3A_1107 = arith.addi %mul3A_248, %add3A_1106 : i32
        %get3A_1108 = arith.index_cast %add3A_1107 : i32 to index
        %get3A_1109 = arith.constant 112 : index
        %get3A_1110 = tpu.vector_load %arg12[%get3A_1108, %get3A_1109] {strides = array<i32>} : memref<80x128xf32, #tpu.memory_space<vmem>>, vector<1x16xf32>,
        %get3A_1111 = vector.shape_cast %get3A_1110 : vector<1x16xf32> to vector<16xf32>
        %max3A_1112 = arith.maximumf %get3A_1105, %get3A_1111 : vector<16xf32>
        %add3A_1113 = arith.constant 2 : i32
        %add3A_1114 = arith.addi %mul3A_248, %add3A_1113 : i32
        %get3A_1115 = arith.index_cast %add3A_1114 : i32 to index
        %get3A_1116 = arith.constant 112 : index
        %get3A_1117 = tpu.vector_load %arg12[%get3A_1115, %get3A_1116] {strides = array<i32>} : memref<80x128xf32, #tpu.memory_space<vmem>>, vector<1x16xf32>,
        %get3A_1118 = vector.shape_cast %get3A_1117 : vector<1x16xf32> to vector<16xf32>
        %add3A_1119 = arith.constant 3 : i32
        %add3A_1120 = arith.addi %mul3A_248, %add3A_1119 : i32
        %get3A_1121 = arith.index_cast %add3A_1120 : i32 to index
        %get3A_1122 = arith.constant 112 : index
        %get3A_1123 = tpu.vector_load %arg12[%get3A_1121, %get3A_1122] {strides = array<i32>} : memref<80x128xf32, #tpu.memory_space<vmem>>, vector<1x16xf32>,
        %get3A_1124 = vector.shape_cast %get3A_1123 : vector<1x16xf32> to vector<16xf32>
        %max3A_1125 = arith.maximumf %get3A_1118, %get3A_1124 : vector<16xf32>
        %max3A_1126 = arith.maximumf %max3A_1112, %max3A_1125 : vector<16xf32>
        %add3A_1127 = arith.constant 4 : i32
        %add3A_1128 = arith.addi %mul3A_248, %add3A_1127 : i32
        %get3A_1129 = arith.index_cast %add3A_1128 : i32 to index
        %get3A_1130 = arith.constant 112 : index
        %get3A_1131 = tpu.vector_load %arg12[%get3A_1129, %get3A_1130] {strides = array<i32>} : memref<80x128xf32, #tpu.memory_space<vmem>>, vector<1x16xf32>,
        %get3A_1132 = vector.shape_cast %get3A_1131 : vector<1x16xf32> to vector<16xf32>
        %add3A_1133 = arith.constant 5 : i32
        %add3A_1134 = arith.addi %mul3A_248, %add3A_1133 : i32
        %get3A_1135 = arith.index_cast %add3A_1134 : i32 to index
        %get3A_1136 = arith.constant 112 : index
        %get3A_1137 = tpu.vector_load %arg12[%get3A_1135, %get3A_1136] {strides = array<i32>} : memref<80x128xf32, #tpu.memory_space<vmem>>, vector<1x16xf32>,
        %get3A_1138 = vector.shape_cast %get3A_1137 : vector<1x16xf32> to vector<16xf32>
        %max3A_1139 = arith.maximumf %get3A_1132, %get3A_1138 : vector<16xf32>
        %add3A_1140 = arith.constant 6 : i32
        %add3A_1141 = arith.addi %mul3A_248, %add3A_1140 : i32
        %get3A_1142 = arith.index_cast %add3A_1141 : i32 to index
        %get3A_1143 = arith.constant 112 : index
        %get3A_1144 = tpu.vector_load %arg12[%get3A_1142, %get3A_1143] {strides = array<i32>} : memref<80x128xf32, #tpu.memory_space<vmem>>, vector<1x16xf32>,
        %get3A_1145 = vector.shape_cast %get3A_1144 : vector<1x16xf32> to vector<16xf32>
        %add3A_1146 = arith.constant 7 : i32
        %add3A_1147 = arith.addi %mul3A_248, %add3A_1146 : i32
        %get3A_1148 = arith.index_cast %add3A_1147 : i32 to index
        %get3A_1149 = arith.constant 112 : index
        %get3A_1150 = tpu.vector_load %arg12[%get3A_1148, %get3A_1149] {strides = array<i32>} : memref<80x128xf32, #tpu.memory_space<vmem>>, vector<1x16xf32>,
        %get3A_1151 = vector.shape_cast %get3A_1150 : vector<1x16xf32> to vector<16xf32>
        %max3A_1152 = arith.maximumf %get3A_1145, %get3A_1151 : vector<16xf32>
        %max3A_1153 = arith.maximumf %max3A_1139, %max3A_1152 : vector<16xf32>
        %max3A_1154 = arith.maximumf %max3A_1126, %max3A_1153 : vector<16xf32>
        %add3A_1155 = arith.constant 8 : i32
        %add3A_1156 = arith.addi %mul3A_248, %add3A_1155 : i32
        %get3A_1157 = arith.index_cast %add3A_1156 : i32 to index
        %get3A_1158 = arith.constant 112 : index
        %get3A_1159 = tpu.vector_load %arg12[%get3A_1157, %get3A_1158] {strides = array<i32>} : memref<80x128xf32, #tpu.memory_space<vmem>>, vector<1x16xf32>,
        %get3A_1160 = vector.shape_cast %get3A_1159 : vector<1x16xf32> to vector<16xf32>
        %add3A_1161 = arith.constant 9 : i32
        %add3A_1162 = arith.addi %mul3A_248, %add3A_1161 : i32
        %get3A_1163 = arith.index_cast %add3A_1162 : i32 to index
        %get3A_1164 = arith.constant 112 : index
        %get3A_1165 = tpu.vector_load %arg12[%get3A_1163, %get3A_1164] {strides = array<i32>} : memref<80x128xf32, #tpu.memory_space<vmem>>, vector<1x16xf32>,
        %get3A_1166 = vector.shape_cast %get3A_1165 : vector<1x16xf32> to vector<16xf32>
        %max3A_1167 = arith.maximumf %get3A_1160, %get3A_1166 : vector<16xf32>
        %add3A_1168 = arith.constant 10 : i32
        %add3A_1169 = arith.addi %mul3A_248, %add3A_1168 : i32
        %get3A_1170 = arith.index_cast %add3A_1169 : i32 to index
        %get3A_1171 = arith.constant 112 : index
        %get3A_1172 = tpu.vector_load %arg12[%get3A_1170, %get3A_1171] {strides = array<i32>} : memref<80x128xf32, #tpu.memory_space<vmem>>, vector<1x16xf32>,
        %get3A_1173 = vector.shape_cast %get3A_1172 : vector<1x16xf32> to vector<16xf32>
        %add3A_1174 = arith.constant 11 : i32
        %add3A_1175 = arith.addi %mul3A_248, %add3A_1174 : i32
        %get3A_1176 = arith.index_cast %add3A_1175 : i32 to index
        %get3A_1177 = arith.constant 112 : index
        %get3A_1178 = tpu.vector_load %arg12[%get3A_1176, %get3A_1177] {strides = array<i32>} : memref<80x128xf32, #tpu.memory_space<vmem>>, vector<1x16xf32>,
        %get3A_1179 = vector.shape_cast %get3A_1178 : vector<1x16xf32> to vector<16xf32>
        %max3A_1180 = arith.maximumf %get3A_1173, %get3A_1179 : vector<16xf32>
        %max3A_1181 = arith.maximumf %max3A_1167, %max3A_1180 : vector<16xf32>
        %max3A_1182 = arith.maximumf %max3A_1154, %max3A_1181 : vector<16xf32>
        %add3A_1183 = arith.constant 12 : i32
        %add3A_1184 = arith.addi %mul3A_248, %add3A_1183 : i32
        %get3A_1185 = arith.index_cast %add3A_1184 : i32 to index
        %get3A_1186 = arith.constant 112 : index
        %get3A_1187 = tpu.vector_load %arg12[%get3A_1185, %get3A_1186] {strides = array<i32>} : memref<80x128xf32, #tpu.memory_space<vmem>>, vector<1x16xf32>,
        %get3A_1188 = vector.shape_cast %get3A_1187 : vector<1x16xf32> to vector<16xf32>
        %add3A_1189 = arith.constant 13 : i32
        %add3A_1190 = arith.addi %mul3A_248, %add3A_1189 : i32
        %get3A_1191 = arith.index_cast %add3A_1190 : i32 to index
        %get3A_1192 = arith.constant 112 : index
        %get3A_1193 = tpu.vector_load %arg12[%get3A_1191, %get3A_1192] {strides = array<i32>} : memref<80x128xf32, #tpu.memory_space<vmem>>, vector<1x16xf32>,
        %get3A_1194 = vector.shape_cast %get3A_1193 : vector<1x16xf32> to vector<16xf32>
        %max3A_1195 = arith.maximumf %get3A_1188, %get3A_1194 : vector<16xf32>
        %add3A_1196 = arith.constant 14 : i32
        %add3A_1197 = arith.addi %mul3A_248, %add3A_1196 : i32
        %get3A_1198 = arith.index_cast %add3A_1197 : i32 to index
        %get3A_1199 = arith.constant 112 : index
        %get3A_1200 = tpu.vector_load %arg12[%get3A_1198, %get3A_1199] {strides = array<i32>} : memref<80x128xf32, #tpu.memory_space<vmem>>, vector<1x16xf32>,
        %get3A_1201 = vector.shape_cast %get3A_1200 : vector<1x16xf32> to vector<16xf32>
        %add3A_1202 = arith.constant 15 : i32
        %add3A_1203 = arith.addi %mul3A_248, %add3A_1202 : i32
        %get3A_1204 = arith.index_cast %add3A_1203 : i32 to index
        %get3A_1205 = arith.constant 112 : index
        %get3A_1206 = tpu.vector_load %arg12[%get3A_1204, %get3A_1205] {strides = array<i32>} : memref<80x128xf32, #tpu.memory_space<vmem>>, vector<1x16xf32>,
        %get3A_1207 = vector.shape_cast %get3A_1206 : vector<1x16xf32> to vector<16xf32>
        %max3A_1208 = arith.maximumf %get3A_1201, %get3A_1207 : vector<16xf32>
        %max3A_1209 = arith.maximumf %max3A_1195, %max3A_1208 : vector<16xf32>
        %max3A_1210 = arith.maximumf %max3A_1182, %max3A_1209 : vector<16xf32>
        %max3A_1211 = arith.constant 0.000000e+00 : f32
        %max3A_1212 = vector.broadcast %max3A_1211 : f32 to vector<16xf32>
        %max3A_1213 = arith.maximumf %max3A_1210, %max3A_1212 : vector<16xf32>
        %mul3A_1214 = arith.constant 128 : i32
        %mul3A_1215 = arith.muli %scan3A_246, %mul3A_1214 : i32
        %add3A_1216 = arith.constant 112 : i32
        %add3A_1217 = arith.addi %mul3A_1215, %add3A_1216 : i32
        %swap3A_1218 = arith.index_cast %add3A_1217 : i32 to index
        %swap3A_1219 = tpu.vector_load %arg16[%swap3A_1218] {strides = array<i32>} : memref<640xf32, #tpu.memory_space<vmem>>, vector<16xf32>,
        %swap3A_1220 = vector.shape_cast %swap3A_1219 : vector<16xf32> to vector<16xf32>
        %swap3A_1221 = vector.shape_cast %max3A_1213 : vector<16xf32> to vector<16xf32>
        tpu.vector_store %arg16[%swap3A_1218], %swap3A_1221 {strides = array<i32>} : memref<640xf32, #tpu.memory_space<vmem>>, vector<16xf32>,
      }
      %scan3A_231 = arith.constant 5 : i32
      %mul3A_232 = arith.constant 5 : i32
      %mul3A_233 = arith.muli %add3A_208, %mul3A_232 : i32
      %add3A_234 = arith.addi %mul3A_2, %mul3A_233 : i32
      %mul3A_235 = arith.constant 128 : i32
      %mul3A_236 = arith.muli %add3A_234, %mul3A_235 : i32
      %dma_start3A_237 = tpu.memref_slice %arg6[%mul3A_236] : memref<2560000xf32, #tpu.memory_space<hbm>> -> memref<640xf32, #tpu.memory_space<hbm>>
      %dma_start3A_238 = tpu.memref_slice %arg6[%mul3A_236] : memref<2560000xf32, #tpu.memory_space<hbm>> -> memref<640xf32, #tpu.memory_space<hbm>>
      tpu.enqueue_dma source(%arg16 : memref<640xf32, #tpu.memory_space<vmem>>) target(%dma_start3A_238 : memref<640xf32, #tpu.memory_space<hbm>>) target_semaphore(%arg28 : memref<!tpu.dma_semaphore, #tpu.memory_space<semaphore_mem>>)
      %add3A_239 = arith.constant 4 : i32
      %add3A_240 = arith.addi %add3A_208, %add3A_239 : i32
      %lt3A_241 = arith.constant 125 : i32
      %lt3A_242 = arith.cmpi slt, %add3A_240, %lt3A_241 : i32
      %convert_element_type3A_243 = arith.extui %lt3A_242 : i1 to i32
      %cond3A_244 = arith.constant 0 : i32
      %cond3A_245 = arith.cmpi ne, %convert_element_type3A_243, %cond3A_244 : i32
      scf.if %cond3A_245 {
        %add3A_246 = arith.constant 4 : i32
        %add3A_247 = arith.addi %add3A_208, %add3A_246 : i32
        %mul3A_248 = arith.constant 80 : i32
        %mul3A_249 = arith.muli %add3A_247, %mul3A_248 : i32
        %dma_start3A_250 = tpu.memref_slice %arg7[%mul3A_249] : memref<10000xi32, #tpu.memory_space<vmem>> -> memref<80xi32, #tpu.memory_space<vmem>>
        %dma_start3A_251 = arith.constant 0 : i32
        %dma_start3A_252 = arith.constant 0 : i32
        %dma_start3A_253 = tpu.memref_slice %arg2[%dma_start3A_251, %dma_start3A_252] : memref<20000x128xf32, #tpu.memory_space<hbm>> -> memref<20000x128xf32, #tpu.memory_space<hbm>>
        tpu.enqueue_indirect_dma source(%dma_start3A_253 : memref<20000x128xf32, #tpu.memory_space<hbm>>) target(%arg12 : memref<80x128xf32, #tpu.memory_space<vmem>>) offsets(%dma_start3A_250 : memref<80xi32, #tpu.memory_space<vmem>>) semaphore(%arg20 : memref<!tpu.dma_semaphore, #tpu.memory_space<semaphore_mem>>)
      } else {
      }
    }
    %scan3A_47 = arith.constant 31 : i32
    %dma_wait3A_48 = arith.constant 0 : i32
    %dma_wait3A_49 = tpu.memref_slice %arg8[%dma_wait3A_48] : memref<10000xi32, #tpu.memory_space<vmem>> -> memref<80xi32, #tpu.memory_space<vmem>>
    %dma_wait3A_50 = arith.constant 0 : i32
    %dma_wait3A_51 = arith.constant 0 : i32
    %dma_wait3A_52 = tpu.memref_slice %arg3[%dma_wait3A_50, %dma_wait3A_51] : memref<20000x128xf32, #tpu.memory_space<hbm>> -> memref<20000x128xf32, #tpu.memory_space<hbm>>
    tpu.wait_indirect_dma semaphore(%arg21 : memref<!tpu.dma_semaphore, #tpu.memory_space<semaphore_mem>>) src(%dma_wait3A_52 : memref<20000x128xf32, #tpu.memory_space<hbm>>) dst(%arg9 : memref<80x128xf32, #tpu.memory_space<vmem>>)
    %dma_wait3A_53 = arith.constant 0 : i32
    %dma_wait3A_54 = tpu.memref_slice %arg6[%dma_wait3A_53] : memref<2560000xf32, #tpu.memory_space<hbm>> -> memref<640xf32, #tpu.memory_space<hbm>>
    %dma_wait3A_55 = arith.constant 0 : i32
    %dma_wait3A_56 = tpu.memref_slice %arg6[%dma_wait3A_55] : memref<2560000xf32, #tpu.memory_space<hbm>> -> memref<640xf32, #tpu.memory_space<hbm>>
    tpu.wait_dma2 semaphore(%arg25 : memref<!tpu.dma_semaphore, #tpu.memory_space<semaphore_mem>>) src(%arg13 : memref<640xf32, #tpu.memory_space<vmem>>) dst(%dma_wait3A_56 : memref<640xf32, #tpu.memory_space<hbm>>)
    %scan3A_57 = arith.constant 0 : i32
    %scan3A_58 = arith.constant 0 : i32
    %scan3A_59 = arith.constant 5 : i32
    %scan3A_60 = arith.addi %scan3A_58, %scan3A_59 : i32
    %scan3A_61 = arith.constant 1 : i32
    scf.for %scan3A_85 = %scan3A_58 to %scan3A_60 step %scan3A_61  : i32 {
      %mul3A_86 = arith.constant 16 : i32
      %mul3A_87 = arith.muli %scan3A_85, %mul3A_86 : i32
      %add3A_88 = arith.constant 0 : i32
      %add3A_89 = arith.addi %mul3A_87, %add3A_88 : i32
      %get3A = arith.index_cast %add3A_89 : i32 to index
      %get3A_90 = arith.constant 0 : index
      %get3A_91 = tpu.vector_load %arg9[%get3A, %get3A_90] {strides = array<i32>} : memref<80x128xf32, #tpu.memory_space<vmem>>, vector<1x16xf32>,
      %get3A_92 = vector.shape_cast %get3A_91 : vector<1x16xf32> to vector<16xf32>
      %add3A_93 = arith.constant 1 : i32
      %add3A_94 = arith.addi %mul3A_87, %add3A_93 : i32
      %get3A_95 = arith.index_cast %add3A_94 : i32 to index
      %get3A_96 = arith.constant 0 : index
      %get3A_97 = tpu.vector_load %arg9[%get3A_95, %get3A_96] {strides = array<i32>} : memref<80x128xf32, #tpu.memory_space<vmem>>, vector<1x16xf32>,
      %get3A_98 = vector.shape_cast %get3A_97 : vector<1x16xf32> to vector<16xf32>
      %max3A = arith.maximumf %get3A_92, %get3A_98 : vector<16xf32>
      %add3A_99 = arith.constant 2 : i32
      %add3A_100 = arith.addi %mul3A_87, %add3A_99 : i32
      %get3A_101 = arith.index_cast %add3A_100 : i32 to index
      %get3A_102 = arith.constant 0 : index
      %get3A_103 = tpu.vector_load %arg9[%get3A_101, %get3A_102] {strides = array<i32>} : memref<80x128xf32, #tpu.memory_space<vmem>>, vector<1x16xf32>,
      %get3A_104 = vector.shape_cast %get3A_103 : vector<1x16xf32> to vector<16xf32>
      %add3A_105 = arith.constant 3 : i32
      %add3A_106 = arith.addi %mul3A_87, %add3A_105 : i32
      %get3A_107 = arith.index_cast %add3A_106 : i32 to index
      %get3A_108 = arith.constant 0 : index
      %get3A_109 = tpu.vector_load %arg9[%get3A_107, %get3A_108] {strides = array<i32>} : memref<80x128xf32, #tpu.memory_space<vmem>>, vector<1x16xf32>,
      %get3A_110 = vector.shape_cast %get3A_109 : vector<1x16xf32> to vector<16xf32>
      %max3A_111 = arith.maximumf %get3A_104, %get3A_110 : vector<16xf32>
      %max3A_112 = arith.maximumf %max3A, %max3A_111 : vector<16xf32>
      %add3A_113 = arith.constant 4 : i32
      %add3A_114 = arith.addi %mul3A_87, %add3A_113 : i32
      %get3A_115 = arith.index_cast %add3A_114 : i32 to index
      %get3A_116 = arith.constant 0 : index
      %get3A_117 = tpu.vector_load %arg9[%get3A_115, %get3A_116] {strides = array<i32>} : memref<80x128xf32, #tpu.memory_space<vmem>>, vector<1x16xf32>,
      %get3A_118 = vector.shape_cast %get3A_117 : vector<1x16xf32> to vector<16xf32>
      %add3A_119 = arith.constant 5 : i32
      %add3A_120 = arith.addi %mul3A_87, %add3A_119 : i32
      %get3A_121 = arith.index_cast %add3A_120 : i32 to index
      %get3A_122 = arith.constant 0 : index
      %get3A_123 = tpu.vector_load %arg9[%get3A_121, %get3A_122] {strides = array<i32>} : memref<80x128xf32, #tpu.memory_space<vmem>>, vector<1x16xf32>,
      %get3A_124 = vector.shape_cast %get3A_123 : vector<1x16xf32> to vector<16xf32>
      %max3A_125 = arith.maximumf %get3A_118, %get3A_124 : vector<16xf32>
      %add3A_126 = arith.constant 6 : i32
      %add3A_127 = arith.addi %mul3A_87, %add3A_126 : i32
      %get3A_128 = arith.index_cast %add3A_127 : i32 to index
      %get3A_129 = arith.constant 0 : index
      %get3A_130 = tpu.vector_load %arg9[%get3A_128, %get3A_129] {strides = array<i32>} : memref<80x128xf32, #tpu.memory_space<vmem>>, vector<1x16xf32>,
      %get3A_131 = vector.shape_cast %get3A_130 : vector<1x16xf32> to vector<16xf32>
      %add3A_132 = arith.constant 7 : i32
      %add3A_133 = arith.addi %mul3A_87, %add3A_132 : i32
      %get3A_134 = arith.index_cast %add3A_133 : i32 to index
      %get3A_135 = arith.constant 0 : index
      %get3A_136 = tpu.vector_load %arg9[%get3A_134, %get3A_135] {strides = array<i32>} : memref<80x128xf32, #tpu.memory_space<vmem>>, vector<1x16xf32>,
      %get3A_137 = vector.shape_cast %get3A_136 : vector<1x16xf32> to vector<16xf32>
      %max3A_138 = arith.maximumf %get3A_131, %get3A_137 : vector<16xf32>
      %max3A_139 = arith.maximumf %max3A_125, %max3A_138 : vector<16xf32>
      %max3A_140 = arith.maximumf %max3A_112, %max3A_139 : vector<16xf32>
      %add3A_141 = arith.constant 8 : i32
      %add3A_142 = arith.addi %mul3A_87, %add3A_141 : i32
      %get3A_143 = arith.index_cast %add3A_142 : i32 to index
      %get3A_144 = arith.constant 0 : index
      %get3A_145 = tpu.vector_load %arg9[%get3A_143, %get3A_144] {strides = array<i32>} : memref<80x128xf32, #tpu.memory_space<vmem>>, vector<1x16xf32>,
      %get3A_146 = vector.shape_cast %get3A_145 : vector<1x16xf32> to vector<16xf32>
      %add3A_147 = arith.constant 9 : i32
      %add3A_148 = arith.addi %mul3A_87, %add3A_147 : i32
      %get3A_149 = arith.index_cast %add3A_148 : i32 to index
      %get3A_150 = arith.constant 0 : index
      %get3A_151 = tpu.vector_load %arg9[%get3A_149, %get3A_150] {strides = array<i32>} : memref<80x128xf32, #tpu.memory_space<vmem>>, vector<1x16xf32>,
      %get3A_152 = vector.shape_cast %get3A_151 : vector<1x16xf32> to vector<16xf32>
      %max3A_153 = arith.maximumf %get3A_146, %get3A_152 : vector<16xf32>
      %add3A_154 = arith.constant 10 : i32
      %add3A_155 = arith.addi %mul3A_87, %add3A_154 : i32
      %get3A_156 = arith.index_cast %add3A_155 : i32 to index
      %get3A_157 = arith.constant 0 : index
      %get3A_158 = tpu.vector_load %arg9[%get3A_156, %get3A_157] {strides = array<i32>} : memref<80x128xf32, #tpu.memory_space<vmem>>, vector<1x16xf32>,
      %get3A_159 = vector.shape_cast %get3A_158 : vector<1x16xf32> to vector<16xf32>
      %add3A_160 = arith.constant 11 : i32
      %add3A_161 = arith.addi %mul3A_87, %add3A_160 : i32
      %get3A_162 = arith.index_cast %add3A_161 : i32 to index
      %get3A_163 = arith.constant 0 : index
      %get3A_164 = tpu.vector_load %arg9[%get3A_162, %get3A_163] {strides = array<i32>} : memref<80x128xf32, #tpu.memory_space<vmem>>, vector<1x16xf32>,
      %get3A_165 = vector.shape_cast %get3A_164 : vector<1x16xf32> to vector<16xf32>
      %max3A_166 = arith.maximumf %get3A_159, %get3A_165 : vector<16xf32>
      %max3A_167 = arith.maximumf %max3A_153, %max3A_166 : vector<16xf32>
      %max3A_168 = arith.maximumf %max3A_140, %max3A_167 : vector<16xf32>
      %add3A_169 = arith.constant 12 : i32
      %add3A_170 = arith.addi %mul3A_87, %add3A_169 : i32
      %get3A_171 = arith.index_cast %add3A_170 : i32 to index
      %get3A_172 = arith.constant 0 : index
      %get3A_173 = tpu.vector_load %arg9[%get3A_171, %get3A_172] {strides = array<i32>} : memref<80x128xf32, #tpu.memory_space<vmem>>, vector<1x16xf32>,
      %get3A_174 = vector.shape_cast %get3A_173 : vector<1x16xf32> to vector<16xf32>
      %add3A_175 = arith.constant 13 : i32
      %add3A_176 = arith.addi %mul3A_87, %add3A_175 : i32
      %get3A_177 = arith.index_cast %add3A_176 : i32 to index
      %get3A_178 = arith.constant 0 : index
      %get3A_179 = tpu.vector_load %arg9[%get3A_177, %get3A_178] {strides = array<i32>} : memref<80x128xf32, #tpu.memory_space<vmem>>, vector<1x16xf32>,
      %get3A_180 = vector.shape_cast %get3A_179 : vector<1x16xf32> to vector<16xf32>
      %max3A_181 = arith.maximumf %get3A_174, %get3A_180 : vector<16xf32>
      %add3A_182 = arith.constant 14 : i32
      %add3A_183 = arith.addi %mul3A_87, %add3A_182 : i32
      %get3A_184 = arith.index_cast %add3A_183 : i32 to index
      %get3A_185 = arith.constant 0 : index
      %get3A_186 = tpu.vector_load %arg9[%get3A_184, %get3A_185] {strides = array<i32>} : memref<80x128xf32, #tpu.memory_space<vmem>>, vector<1x16xf32>,
      %get3A_187 = vector.shape_cast %get3A_186 : vector<1x16xf32> to vector<16xf32>
      %add3A_188 = arith.constant 15 : i32
      %add3A_189 = arith.addi %mul3A_87, %add3A_188 : i32
      %get3A_190 = arith.index_cast %add3A_189 : i32 to index
      %get3A_191 = arith.constant 0 : index
      %get3A_192 = tpu.vector_load %arg9[%get3A_190, %get3A_191] {strides = array<i32>} : memref<80x128xf32, #tpu.memory_space<vmem>>, vector<1x16xf32>,
      %get3A_193 = vector.shape_cast %get3A_192 : vector<1x16xf32> to vector<16xf32>
      %max3A_194 = arith.maximumf %get3A_187, %get3A_193 : vector<16xf32>
      %max3A_195 = arith.maximumf %max3A_181, %max3A_194 : vector<16xf32>
      %max3A_196 = arith.maximumf %max3A_168, %max3A_195 : vector<16xf32>
      %max3A_197 = arith.constant 0.000000e+00 : f32
      %max3A_198 = vector.broadcast %max3A_197 : f32 to vector<16xf32>
      %max3A_199 = arith.maximumf %max3A_196, %max3A_198 : vector<16xf32>
      %mul3A_200 = arith.constant 128 : i32
      %mul3A_201 = arith.muli %scan3A_85, %mul3A_200 : i32
      %add3A_202 = arith.constant 0 : i32
      %add3A_203 = arith.addi %mul3A_201, %add3A_202 : i32
      %swap3A = arith.index_cast %add3A_203 : i32 to index
      %swap3A_204 = tpu.vector_load %arg13[%swap3A] {strides = array<i32>} : memref<640xf32, #tpu.memory_space<vmem>>, vector<16xf32>,
      %swap3A_205 = vector.shape_cast %swap3A_204 : vector<16xf32> to vector<16xf32>
      %swap3A_206 = vector.shape_cast %max3A_199 : vector<16xf32> to vector<16xf32>
      tpu.vector_store %arg13[%swap3A], %swap3A_206 {strides = array<i32>} : memref<640xf32, #tpu.memory_space<vmem>>, vector<16xf32>,
      %add3A_207 = arith.constant 0 : i32
      %add3A_208 = arith.addi %mul3A_87, %add3A_207 : i32
      %get3A_209 = arith.index_cast %add3A_208 : i32 to index
      %get3A_210 = arith.constant 16 : index
      %get3A_211 = tpu.vector_load %arg9[%get3A_209, %get3A_210] {strides = array<i32>} : memref<80x128xf32, #tpu.memory_space<vmem>>, vector<1x16xf32>,
      %get3A_212 = vector.shape_cast %get3A_211 : vector<1x16xf32> to vector<16xf32>
      %add3A_213 = arith.constant 1 : i32
      %add3A_214 = arith.addi %mul3A_87, %add3A_213 : i32
      %get3A_215 = arith.index_cast %add3A_214 : i32 to index
      %get3A_216 = arith.constant 16 : index
      %get3A_217 = tpu.vector_load %arg9[%get3A_215, %get3A_216] {strides = array<i32>} : memref<80x128xf32, #tpu.memory_space<vmem>>, vector<1x16xf32>,
      %get3A_218 = vector.shape_cast %get3A_217 : vector<1x16xf32> to vector<16xf32>
      %max3A_219 = arith.maximumf %get3A_212, %get3A_218 : vector<16xf32>
      %add3A_220 = arith.constant 2 : i32
      %add3A_221 = arith.addi %mul3A_87, %add3A_220 : i32
      %get3A_222 = arith.index_cast %add3A_221 : i32 to index
      %get3A_223 = arith.constant 16 : index
      %get3A_224 = tpu.vector_load %arg9[%get3A_222, %get3A_223] {strides = array<i32>} : memref<80x128xf32, #tpu.memory_space<vmem>>, vector<1x16xf32>,
      %get3A_225 = vector.shape_cast %get3A_224 : vector<1x16xf32> to vector<16xf32>
      %add3A_226 = arith.constant 3 : i32
      %add3A_227 = arith.addi %mul3A_87, %add3A_226 : i32
      %get3A_228 = arith.index_cast %add3A_227 : i32 to index
      %get3A_229 = arith.constant 16 : index
      %get3A_230 = tpu.vector_load %arg9[%get3A_228, %get3A_229] {strides = array<i32>} : memref<80x128xf32, #tpu.memory_space<vmem>>, vector<1x16xf32>,
      %get3A_231 = vector.shape_cast %get3A_230 : vector<1x16xf32> to vector<16xf32>
      %max3A_232 = arith.maximumf %get3A_225, %get3A_231 : vector<16xf32>
      %max3A_233 = arith.maximumf %max3A_219, %max3A_232 : vector<16xf32>
      %add3A_234 = arith.constant 4 : i32
      %add3A_235 = arith.addi %mul3A_87, %add3A_234 : i32
      %get3A_236 = arith.index_cast %add3A_235 : i32 to index
      %get3A_237 = arith.constant 16 : index
      %get3A_238 = tpu.vector_load %arg9[%get3A_236, %get3A_237] {strides = array<i32>} : memref<80x128xf32, #tpu.memory_space<vmem>>, vector<1x16xf32>,
      %get3A_239 = vector.shape_cast %get3A_238 : vector<1x16xf32> to vector<16xf32>
      %add3A_240 = arith.constant 5 : i32
      %add3A_241 = arith.addi %mul3A_87, %add3A_240 : i32
      %get3A_242 = arith.index_cast %add3A_241 : i32 to index
      %get3A_243 = arith.constant 16 : index
      %get3A_244 = tpu.vector_load %arg9[%get3A_242, %get3A_243] {strides = array<i32>} : memref<80x128xf32, #tpu.memory_space<vmem>>, vector<1x16xf32>,
      %get3A_245 = vector.shape_cast %get3A_244 : vector<1x16xf32> to vector<16xf32>
      %max3A_246 = arith.maximumf %get3A_239, %get3A_245 : vector<16xf32>
      %add3A_247 = arith.constant 6 : i32
      %add3A_248 = arith.addi %mul3A_87, %add3A_247 : i32
      %get3A_249 = arith.index_cast %add3A_248 : i32 to index
      %get3A_250 = arith.constant 16 : index
      %get3A_251 = tpu.vector_load %arg9[%get3A_249, %get3A_250] {strides = array<i32>} : memref<80x128xf32, #tpu.memory_space<vmem>>, vector<1x16xf32>,
      %get3A_252 = vector.shape_cast %get3A_251 : vector<1x16xf32> to vector<16xf32>
      %add3A_253 = arith.constant 7 : i32
      %add3A_254 = arith.addi %mul3A_87, %add3A_253 : i32
      %get3A_255 = arith.index_cast %add3A_254 : i32 to index
      %get3A_256 = arith.constant 16 : index
      %get3A_257 = tpu.vector_load %arg9[%get3A_255, %get3A_256] {strides = array<i32>} : memref<80x128xf32, #tpu.memory_space<vmem>>, vector<1x16xf32>,
      %get3A_258 = vector.shape_cast %get3A_257 : vector<1x16xf32> to vector<16xf32>
      %max3A_259 = arith.maximumf %get3A_252, %get3A_258 : vector<16xf32>
      %max3A_260 = arith.maximumf %max3A_246, %max3A_259 : vector<16xf32>
      %max3A_261 = arith.maximumf %max3A_233, %max3A_260 : vector<16xf32>
      %add3A_262 = arith.constant 8 : i32
      %add3A_263 = arith.addi %mul3A_87, %add3A_262 : i32
      %get3A_264 = arith.index_cast %add3A_263 : i32 to index
      %get3A_265 = arith.constant 16 : index
      %get3A_266 = tpu.vector_load %arg9[%get3A_264, %get3A_265] {strides = array<i32>} : memref<80x128xf32, #tpu.memory_space<vmem>>, vector<1x16xf32>,
      %get3A_267 = vector.shape_cast %get3A_266 : vector<1x16xf32> to vector<16xf32>
      %add3A_268 = arith.constant 9 : i32
      %add3A_269 = arith.addi %mul3A_87, %add3A_268 : i32
      %get3A_270 = arith.index_cast %add3A_269 : i32 to index
      %get3A_271 = arith.constant 16 : index
      %get3A_272 = tpu.vector_load %arg9[%get3A_270, %get3A_271] {strides = array<i32>} : memref<80x128xf32, #tpu.memory_space<vmem>>, vector<1x16xf32>,
      %get3A_273 = vector.shape_cast %get3A_272 : vector<1x16xf32> to vector<16xf32>
      %max3A_274 = arith.maximumf %get3A_267, %get3A_273 : vector<16xf32>
      %add3A_275 = arith.constant 10 : i32
      %add3A_276 = arith.addi %mul3A_87, %add3A_275 : i32
      %get3A_277 = arith.index_cast %add3A_276 : i32 to index
      %get3A_278 = arith.constant 16 : index
      %get3A_279 = tpu.vector_load %arg9[%get3A_277, %get3A_278] {strides = array<i32>} : memref<80x128xf32, #tpu.memory_space<vmem>>, vector<1x16xf32>,
      %get3A_280 = vector.shape_cast %get3A_279 : vector<1x16xf32> to vector<16xf32>
      %add3A_281 = arith.constant 11 : i32
      %add3A_282 = arith.addi %mul3A_87, %add3A_281 : i32
      %get3A_283 = arith.index_cast %add3A_282 : i32 to index
      %get3A_284 = arith.constant 16 : index
      %get3A_285 = tpu.vector_load %arg9[%get3A_283, %get3A_284] {strides = array<i32>} : memref<80x128xf32, #tpu.memory_space<vmem>>, vector<1x16xf32>,
      %get3A_286 = vector.shape_cast %get3A_285 : vector<1x16xf32> to vector<16xf32>
      %max3A_287 = arith.maximumf %get3A_280, %get3A_286 : vector<16xf32>
      %max3A_288 = arith.maximumf %max3A_274, %max3A_287 : vector<16xf32>
      %max3A_289 = arith.maximumf %max3A_261, %max3A_288 : vector<16xf32>
      %add3A_290 = arith.constant 12 : i32
      %add3A_291 = arith.addi %mul3A_87, %add3A_290 : i32
      %get3A_292 = arith.index_cast %add3A_291 : i32 to index
      %get3A_293 = arith.constant 16 : index
      %get3A_294 = tpu.vector_load %arg9[%get3A_292, %get3A_293] {strides = array<i32>} : memref<80x128xf32, #tpu.memory_space<vmem>>, vector<1x16xf32>,
      %get3A_295 = vector.shape_cast %get3A_294 : vector<1x16xf32> to vector<16xf32>
      %add3A_296 = arith.constant 13 : i32
      %add3A_297 = arith.addi %mul3A_87, %add3A_296 : i32
      %get3A_298 = arith.index_cast %add3A_297 : i32 to index
      %get3A_299 = arith.constant 16 : index
      %get3A_300 = tpu.vector_load %arg9[%get3A_298, %get3A_299] {strides = array<i32>} : memref<80x128xf32, #tpu.memory_space<vmem>>, vector<1x16xf32>,
      %get3A_301 = vector.shape_cast %get3A_300 : vector<1x16xf32> to vector<16xf32>
      %max3A_302 = arith.maximumf %get3A_295, %get3A_301 : vector<16xf32>
      %add3A_303 = arith.constant 14 : i32
      %add3A_304 = arith.addi %mul3A_87, %add3A_303 : i32
      %get3A_305 = arith.index_cast %add3A_304 : i32 to index
      %get3A_306 = arith.constant 16 : index
      %get3A_307 = tpu.vector_load %arg9[%get3A_305, %get3A_306] {strides = array<i32>} : memref<80x128xf32, #tpu.memory_space<vmem>>, vector<1x16xf32>,
      %get3A_308 = vector.shape_cast %get3A_307 : vector<1x16xf32> to vector<16xf32>
      %add3A_309 = arith.constant 15 : i32
      %add3A_310 = arith.addi %mul3A_87, %add3A_309 : i32
      %get3A_311 = arith.index_cast %add3A_310 : i32 to index
      %get3A_312 = arith.constant 16 : index
      %get3A_313 = tpu.vector_load %arg9[%get3A_311, %get3A_312] {strides = array<i32>} : memref<80x128xf32, #tpu.memory_space<vmem>>, vector<1x16xf32>,
      %get3A_314 = vector.shape_cast %get3A_313 : vector<1x16xf32> to vector<16xf32>
      %max3A_315 = arith.maximumf %get3A_308, %get3A_314 : vector<16xf32>
      %max3A_316 = arith.maximumf %max3A_302, %max3A_315 : vector<16xf32>
      %max3A_317 = arith.maximumf %max3A_289, %max3A_316 : vector<16xf32>
      %max3A_318 = arith.constant 0.000000e+00 : f32
      %max3A_319 = vector.broadcast %max3A_318 : f32 to vector<16xf32>
      %max3A_320 = arith.maximumf %max3A_317, %max3A_319 : vector<16xf32>
      %mul3A_321 = arith.constant 128 : i32
      %mul3A_322 = arith.muli %scan3A_85, %mul3A_321 : i32
      %add3A_323 = arith.constant 16 : i32
      %add3A_324 = arith.addi %mul3A_322, %add3A_323 : i32
      %swap3A_325 = arith.index_cast %add3A_324 : i32 to index
      %swap3A_326 = tpu.vector_load %arg13[%swap3A_325] {strides = array<i32>} : memref<640xf32, #tpu.memory_space<vmem>>, vector<16xf32>,
      %swap3A_327 = vector.shape_cast %swap3A_326 : vector<16xf32> to vector<16xf32>
      %swap3A_328 = vector.shape_cast %max3A_320 : vector<16xf32> to vector<16xf32>
      tpu.vector_store %arg13[%swap3A_325], %swap3A_328 {strides = array<i32>} : memref<640xf32, #tpu.memory_space<vmem>>, vector<16xf32>,
      %add3A_329 = arith.constant 0 : i32
      %add3A_330 = arith.addi %mul3A_87, %add3A_329 : i32
      %get3A_331 = arith.index_cast %add3A_330 : i32 to index
      %get3A_332 = arith.constant 32 : index
      %get3A_333 = tpu.vector_load %arg9[%get3A_331, %get3A_332] {strides = array<i32>} : memref<80x128xf32, #tpu.memory_space<vmem>>, vector<1x16xf32>,
      %get3A_334 = vector.shape_cast %get3A_333 : vector<1x16xf32> to vector<16xf32>
      %add3A_335 = arith.constant 1 : i32
      %add3A_336 = arith.addi %mul3A_87, %add3A_335 : i32
      %get3A_337 = arith.index_cast %add3A_336 : i32 to index
      %get3A_338 = arith.constant 32 : index
      %get3A_339 = tpu.vector_load %arg9[%get3A_337, %get3A_338] {strides = array<i32>} : memref<80x128xf32, #tpu.memory_space<vmem>>, vector<1x16xf32>,
      %get3A_340 = vector.shape_cast %get3A_339 : vector<1x16xf32> to vector<16xf32>
      %max3A_341 = arith.maximumf %get3A_334, %get3A_340 : vector<16xf32>
      %add3A_342 = arith.constant 2 : i32
      %add3A_343 = arith.addi %mul3A_87, %add3A_342 : i32
      %get3A_344 = arith.index_cast %add3A_343 : i32 to index
      %get3A_345 = arith.constant 32 : index
      %get3A_346 = tpu.vector_load %arg9[%get3A_344, %get3A_345] {strides = array<i32>} : memref<80x128xf32, #tpu.memory_space<vmem>>, vector<1x16xf32>,
      %get3A_347 = vector.shape_cast %get3A_346 : vector<1x16xf32> to vector<16xf32>
      %add3A_348 = arith.constant 3 : i32
      %add3A_349 = arith.addi %mul3A_87, %add3A_348 : i32
      %get3A_350 = arith.index_cast %add3A_349 : i32 to index
      %get3A_351 = arith.constant 32 : index
      %get3A_352 = tpu.vector_load %arg9[%get3A_350, %get3A_351] {strides = array<i32>} : memref<80x128xf32, #tpu.memory_space<vmem>>, vector<1x16xf32>,
      %get3A_353 = vector.shape_cast %get3A_352 : vector<1x16xf32> to vector<16xf32>
      %max3A_354 = arith.maximumf %get3A_347, %get3A_353 : vector<16xf32>
      %max3A_355 = arith.maximumf %max3A_341, %max3A_354 : vector<16xf32>
      %add3A_356 = arith.constant 4 : i32
      %add3A_357 = arith.addi %mul3A_87, %add3A_356 : i32
      %get3A_358 = arith.index_cast %add3A_357 : i32 to index
      %get3A_359 = arith.constant 32 : index
      %get3A_360 = tpu.vector_load %arg9[%get3A_358, %get3A_359] {strides = array<i32>} : memref<80x128xf32, #tpu.memory_space<vmem>>, vector<1x16xf32>,
      %get3A_361 = vector.shape_cast %get3A_360 : vector<1x16xf32> to vector<16xf32>
      %add3A_362 = arith.constant 5 : i32
      %add3A_363 = arith.addi %mul3A_87, %add3A_362 : i32
      %get3A_364 = arith.index_cast %add3A_363 : i32 to index
      %get3A_365 = arith.constant 32 : index
      %get3A_366 = tpu.vector_load %arg9[%get3A_364, %get3A_365] {strides = array<i32>} : memref<80x128xf32, #tpu.memory_space<vmem>>, vector<1x16xf32>,
      %get3A_367 = vector.shape_cast %get3A_366 : vector<1x16xf32> to vector<16xf32>
      %max3A_368 = arith.maximumf %get3A_361, %get3A_367 : vector<16xf32>
      %add3A_369 = arith.constant 6 : i32
      %add3A_370 = arith.addi %mul3A_87, %add3A_369 : i32
      %get3A_371 = arith.index_cast %add3A_370 : i32 to index
      %get3A_372 = arith.constant 32 : index
      %get3A_373 = tpu.vector_load %arg9[%get3A_371, %get3A_372] {strides = array<i32>} : memref<80x128xf32, #tpu.memory_space<vmem>>, vector<1x16xf32>,
      %get3A_374 = vector.shape_cast %get3A_373 : vector<1x16xf32> to vector<16xf32>
      %add3A_375 = arith.constant 7 : i32
      %add3A_376 = arith.addi %mul3A_87, %add3A_375 : i32
      %get3A_377 = arith.index_cast %add3A_376 : i32 to index
      %get3A_378 = arith.constant 32 : index
      %get3A_379 = tpu.vector_load %arg9[%get3A_377, %get3A_378] {strides = array<i32>} : memref<80x128xf32, #tpu.memory_space<vmem>>, vector<1x16xf32>,
      %get3A_380 = vector.shape_cast %get3A_379 : vector<1x16xf32> to vector<16xf32>
      %max3A_381 = arith.maximumf %get3A_374, %get3A_380 : vector<16xf32>
      %max3A_382 = arith.maximumf %max3A_368, %max3A_381 : vector<16xf32>
      %max3A_383 = arith.maximumf %max3A_355, %max3A_382 : vector<16xf32>
      %add3A_384 = arith.constant 8 : i32
      %add3A_385 = arith.addi %mul3A_87, %add3A_384 : i32
      %get3A_386 = arith.index_cast %add3A_385 : i32 to index
      %get3A_387 = arith.constant 32 : index
      %get3A_388 = tpu.vector_load %arg9[%get3A_386, %get3A_387] {strides = array<i32>} : memref<80x128xf32, #tpu.memory_space<vmem>>, vector<1x16xf32>,
      %get3A_389 = vector.shape_cast %get3A_388 : vector<1x16xf32> to vector<16xf32>
      %add3A_390 = arith.constant 9 : i32
      %add3A_391 = arith.addi %mul3A_87, %add3A_390 : i32
      %get3A_392 = arith.index_cast %add3A_391 : i32 to index
      %get3A_393 = arith.constant 32 : index
      %get3A_394 = tpu.vector_load %arg9[%get3A_392, %get3A_393] {strides = array<i32>} : memref<80x128xf32, #tpu.memory_space<vmem>>, vector<1x16xf32>,
      %get3A_395 = vector.shape_cast %get3A_394 : vector<1x16xf32> to vector<16xf32>
      %max3A_396 = arith.maximumf %get3A_389, %get3A_395 : vector<16xf32>
      %add3A_397 = arith.constant 10 : i32
      %add3A_398 = arith.addi %mul3A_87, %add3A_397 : i32
      %get3A_399 = arith.index_cast %add3A_398 : i32 to index
      %get3A_400 = arith.constant 32 : index
      %get3A_401 = tpu.vector_load %arg9[%get3A_399, %get3A_400] {strides = array<i32>} : memref<80x128xf32, #tpu.memory_space<vmem>>, vector<1x16xf32>,
      %get3A_402 = vector.shape_cast %get3A_401 : vector<1x16xf32> to vector<16xf32>
      %add3A_403 = arith.constant 11 : i32
      %add3A_404 = arith.addi %mul3A_87, %add3A_403 : i32
      %get3A_405 = arith.index_cast %add3A_404 : i32 to index
      %get3A_406 = arith.constant 32 : index
      %get3A_407 = tpu.vector_load %arg9[%get3A_405, %get3A_406] {strides = array<i32>} : memref<80x128xf32, #tpu.memory_space<vmem>>, vector<1x16xf32>,
      %get3A_408 = vector.shape_cast %get3A_407 : vector<1x16xf32> to vector<16xf32>
      %max3A_409 = arith.maximumf %get3A_402, %get3A_408 : vector<16xf32>
      %max3A_410 = arith.maximumf %max3A_396, %max3A_409 : vector<16xf32>
      %max3A_411 = arith.maximumf %max3A_383, %max3A_410 : vector<16xf32>
      %add3A_412 = arith.constant 12 : i32
      %add3A_413 = arith.addi %mul3A_87, %add3A_412 : i32
      %get3A_414 = arith.index_cast %add3A_413 : i32 to index
      %get3A_415 = arith.constant 32 : index
      %get3A_416 = tpu.vector_load %arg9[%get3A_414, %get3A_415] {strides = array<i32>} : memref<80x128xf32, #tpu.memory_space<vmem>>, vector<1x16xf32>,
      %get3A_417 = vector.shape_cast %get3A_416 : vector<1x16xf32> to vector<16xf32>
      %add3A_418 = arith.constant 13 : i32
      %add3A_419 = arith.addi %mul3A_87, %add3A_418 : i32
      %get3A_420 = arith.index_cast %add3A_419 : i32 to index
      %get3A_421 = arith.constant 32 : index
      %get3A_422 = tpu.vector_load %arg9[%get3A_420, %get3A_421] {strides = array<i32>} : memref<80x128xf32, #tpu.memory_space<vmem>>, vector<1x16xf32>,
      %get3A_423 = vector.shape_cast %get3A_422 : vector<1x16xf32> to vector<16xf32>
      %max3A_424 = arith.maximumf %get3A_417, %get3A_423 : vector<16xf32>
      %add3A_425 = arith.constant 14 : i32
      %add3A_426 = arith.addi %mul3A_87, %add3A_425 : i32
      %get3A_427 = arith.index_cast %add3A_426 : i32 to index
      %get3A_428 = arith.constant 32 : index
      %get3A_429 = tpu.vector_load %arg9[%get3A_427, %get3A_428] {strides = array<i32>} : memref<80x128xf32, #tpu.memory_space<vmem>>, vector<1x16xf32>,
      %get3A_430 = vector.shape_cast %get3A_429 : vector<1x16xf32> to vector<16xf32>
      %add3A_431 = arith.constant 15 : i32
      %add3A_432 = arith.addi %mul3A_87, %add3A_431 : i32
      %get3A_433 = arith.index_cast %add3A_432 : i32 to index
      %get3A_434 = arith.constant 32 : index
      %get3A_435 = tpu.vector_load %arg9[%get3A_433, %get3A_434] {strides = array<i32>} : memref<80x128xf32, #tpu.memory_space<vmem>>, vector<1x16xf32>,
      %get3A_436 = vector.shape_cast %get3A_435 : vector<1x16xf32> to vector<16xf32>
      %max3A_437 = arith.maximumf %get3A_430, %get3A_436 : vector<16xf32>
      %max3A_438 = arith.maximumf %max3A_424, %max3A_437 : vector<16xf32>
      %max3A_439 = arith.maximumf %max3A_411, %max3A_438 : vector<16xf32>
      %max3A_440 = arith.constant 0.000000e+00 : f32
      %max3A_441 = vector.broadcast %max3A_440 : f32 to vector<16xf32>
      %max3A_442 = arith.maximumf %max3A_439, %max3A_441 : vector<16xf32>
      %mul3A_443 = arith.constant 128 : i32
      %mul3A_444 = arith.muli %scan3A_85, %mul3A_443 : i32
      %add3A_445 = arith.constant 32 : i32
      %add3A_446 = arith.addi %mul3A_444, %add3A_445 : i32
      %swap3A_447 = arith.index_cast %add3A_446 : i32 to index
      %swap3A_448 = tpu.vector_load %arg13[%swap3A_447] {strides = array<i32>} : memref<640xf32, #tpu.memory_space<vmem>>, vector<16xf32>,
      %swap3A_449 = vector.shape_cast %swap3A_448 : vector<16xf32> to vector<16xf32>
      %swap3A_450 = vector.shape_cast %max3A_442 : vector<16xf32> to vector<16xf32>
      tpu.vector_store %arg13[%swap3A_447], %swap3A_450 {strides = array<i32>} : memref<640xf32, #tpu.memory_space<vmem>>, vector<16xf32>,
      %add3A_451 = arith.constant 0 : i32
      %add3A_452 = arith.addi %mul3A_87, %add3A_451 : i32
      %get3A_453 = arith.index_cast %add3A_452 : i32 to index
      %get3A_454 = arith.constant 48 : index
      %get3A_455 = tpu.vector_load %arg9[%get3A_453, %get3A_454] {strides = array<i32>} : memref<80x128xf32, #tpu.memory_space<vmem>>, vector<1x16xf32>,
      %get3A_456 = vector.shape_cast %get3A_455 : vector<1x16xf32> to vector<16xf32>
      %add3A_457 = arith.constant 1 : i32
      %add3A_458 = arith.addi %mul3A_87, %add3A_457 : i32
      %get3A_459 = arith.index_cast %add3A_458 : i32 to index
      %get3A_460 = arith.constant 48 : index
      %get3A_461 = tpu.vector_load %arg9[%get3A_459, %get3A_460] {strides = array<i32>} : memref<80x128xf32, #tpu.memory_space<vmem>>, vector<1x16xf32>,
      %get3A_462 = vector.shape_cast %get3A_461 : vector<1x16xf32> to vector<16xf32>
      %max3A_463 = arith.maximumf %get3A_456, %get3A_462 : vector<16xf32>
      %add3A_464 = arith.constant 2 : i32
      %add3A_465 = arith.addi %mul3A_87, %add3A_464 : i32
      %get3A_466 = arith.index_cast %add3A_465 : i32 to index
      %get3A_467 = arith.constant 48 : index
      %get3A_468 = tpu.vector_load %arg9[%get3A_466, %get3A_467] {strides = array<i32>} : memref<80x128xf32, #tpu.memory_space<vmem>>, vector<1x16xf32>,
      %get3A_469 = vector.shape_cast %get3A_468 : vector<1x16xf32> to vector<16xf32>
      %add3A_470 = arith.constant 3 : i32
      %add3A_471 = arith.addi %mul3A_87, %add3A_470 : i32
      %get3A_472 = arith.index_cast %add3A_471 : i32 to index
      %get3A_473 = arith.constant 48 : index
      %get3A_474 = tpu.vector_load %arg9[%get3A_472, %get3A_473] {strides = array<i32>} : memref<80x128xf32, #tpu.memory_space<vmem>>, vector<1x16xf32>,
      %get3A_475 = vector.shape_cast %get3A_474 : vector<1x16xf32> to vector<16xf32>
      %max3A_476 = arith.maximumf %get3A_469, %get3A_475 : vector<16xf32>
      %max3A_477 = arith.maximumf %max3A_463, %max3A_476 : vector<16xf32>
      %add3A_478 = arith.constant 4 : i32
      %add3A_479 = arith.addi %mul3A_87, %add3A_478 : i32
      %get3A_480 = arith.index_cast %add3A_479 : i32 to index
      %get3A_481 = arith.constant 48 : index
      %get3A_482 = tpu.vector_load %arg9[%get3A_480, %get3A_481] {strides = array<i32>} : memref<80x128xf32, #tpu.memory_space<vmem>>, vector<1x16xf32>,
      %get3A_483 = vector.shape_cast %get3A_482 : vector<1x16xf32> to vector<16xf32>
      %add3A_484 = arith.constant 5 : i32
      %add3A_485 = arith.addi %mul3A_87, %add3A_484 : i32
      %get3A_486 = arith.index_cast %add3A_485 : i32 to index
      %get3A_487 = arith.constant 48 : index
      %get3A_488 = tpu.vector_load %arg9[%get3A_486, %get3A_487] {strides = array<i32>} : memref<80x128xf32, #tpu.memory_space<vmem>>, vector<1x16xf32>,
      %get3A_489 = vector.shape_cast %get3A_488 : vector<1x16xf32> to vector<16xf32>
      %max3A_490 = arith.maximumf %get3A_483, %get3A_489 : vector<16xf32>
      %add3A_491 = arith.constant 6 : i32
      %add3A_492 = arith.addi %mul3A_87, %add3A_491 : i32
      %get3A_493 = arith.index_cast %add3A_492 : i32 to index
      %get3A_494 = arith.constant 48 : index
      %get3A_495 = tpu.vector_load %arg9[%get3A_493, %get3A_494] {strides = array<i32>} : memref<80x128xf32, #tpu.memory_space<vmem>>, vector<1x16xf32>,
      %get3A_496 = vector.shape_cast %get3A_495 : vector<1x16xf32> to vector<16xf32>
      %add3A_497 = arith.constant 7 : i32
      %add3A_498 = arith.addi %mul3A_87, %add3A_497 : i32
      %get3A_499 = arith.index_cast %add3A_498 : i32 to index
      %get3A_500 = arith.constant 48 : index
      %get3A_501 = tpu.vector_load %arg9[%get3A_499, %get3A_500] {strides = array<i32>} : memref<80x128xf32, #tpu.memory_space<vmem>>, vector<1x16xf32>,
      %get3A_502 = vector.shape_cast %get3A_501 : vector<1x16xf32> to vector<16xf32>
      %max3A_503 = arith.maximumf %get3A_496, %get3A_502 : vector<16xf32>
      %max3A_504 = arith.maximumf %max3A_490, %max3A_503 : vector<16xf32>
      %max3A_505 = arith.maximumf %max3A_477, %max3A_504 : vector<16xf32>
      %add3A_506 = arith.constant 8 : i32
      %add3A_507 = arith.addi %mul3A_87, %add3A_506 : i32
      %get3A_508 = arith.index_cast %add3A_507 : i32 to index
      %get3A_509 = arith.constant 48 : index
      %get3A_510 = tpu.vector_load %arg9[%get3A_508, %get3A_509] {strides = array<i32>} : memref<80x128xf32, #tpu.memory_space<vmem>>, vector<1x16xf32>,
      %get3A_511 = vector.shape_cast %get3A_510 : vector<1x16xf32> to vector<16xf32>
      %add3A_512 = arith.constant 9 : i32
      %add3A_513 = arith.addi %mul3A_87, %add3A_512 : i32
      %get3A_514 = arith.index_cast %add3A_513 : i32 to index
      %get3A_515 = arith.constant 48 : index
      %get3A_516 = tpu.vector_load %arg9[%get3A_514, %get3A_515] {strides = array<i32>} : memref<80x128xf32, #tpu.memory_space<vmem>>, vector<1x16xf32>,
      %get3A_517 = vector.shape_cast %get3A_516 : vector<1x16xf32> to vector<16xf32>
      %max3A_518 = arith.maximumf %get3A_511, %get3A_517 : vector<16xf32>
      %add3A_519 = arith.constant 10 : i32
      %add3A_520 = arith.addi %mul3A_87, %add3A_519 : i32
      %get3A_521 = arith.index_cast %add3A_520 : i32 to index
      %get3A_522 = arith.constant 48 : index
      %get3A_523 = tpu.vector_load %arg9[%get3A_521, %get3A_522] {strides = array<i32>} : memref<80x128xf32, #tpu.memory_space<vmem>>, vector<1x16xf32>,
      %get3A_524 = vector.shape_cast %get3A_523 : vector<1x16xf32> to vector<16xf32>
      %add3A_525 = arith.constant 11 : i32
      %add3A_526 = arith.addi %mul3A_87, %add3A_525 : i32
      %get3A_527 = arith.index_cast %add3A_526 : i32 to index
      %get3A_528 = arith.constant 48 : index
      %get3A_529 = tpu.vector_load %arg9[%get3A_527, %get3A_528] {strides = array<i32>} : memref<80x128xf32, #tpu.memory_space<vmem>>, vector<1x16xf32>,
      %get3A_530 = vector.shape_cast %get3A_529 : vector<1x16xf32> to vector<16xf32>
      %max3A_531 = arith.maximumf %get3A_524, %get3A_530 : vector<16xf32>
      %max3A_532 = arith.maximumf %max3A_518, %max3A_531 : vector<16xf32>
      %max3A_533 = arith.maximumf %max3A_505, %max3A_532 : vector<16xf32>
      %add3A_534 = arith.constant 12 : i32
      %add3A_535 = arith.addi %mul3A_87, %add3A_534 : i32
      %get3A_536 = arith.index_cast %add3A_535 : i32 to index
      %get3A_537 = arith.constant 48 : index
      %get3A_538 = tpu.vector_load %arg9[%get3A_536, %get3A_537] {strides = array<i32>} : memref<80x128xf32, #tpu.memory_space<vmem>>, vector<1x16xf32>,
      %get3A_539 = vector.shape_cast %get3A_538 : vector<1x16xf32> to vector<16xf32>
      %add3A_540 = arith.constant 13 : i32
      %add3A_541 = arith.addi %mul3A_87, %add3A_540 : i32
      %get3A_542 = arith.index_cast %add3A_541 : i32 to index
      %get3A_543 = arith.constant 48 : index
      %get3A_544 = tpu.vector_load %arg9[%get3A_542, %get3A_543] {strides = array<i32>} : memref<80x128xf32, #tpu.memory_space<vmem>>, vector<1x16xf32>,
      %get3A_545 = vector.shape_cast %get3A_544 : vector<1x16xf32> to vector<16xf32>
      %max3A_546 = arith.maximumf %get3A_539, %get3A_545 : vector<16xf32>
      %add3A_547 = arith.constant 14 : i32
      %add3A_548 = arith.addi %mul3A_87, %add3A_547 : i32
      %get3A_549 = arith.index_cast %add3A_548 : i32 to index
      %get3A_550 = arith.constant 48 : index
      %get3A_551 = tpu.vector_load %arg9[%get3A_549, %get3A_550] {strides = array<i32>} : memref<80x128xf32, #tpu.memory_space<vmem>>, vector<1x16xf32>,
      %get3A_552 = vector.shape_cast %get3A_551 : vector<1x16xf32> to vector<16xf32>
      %add3A_553 = arith.constant 15 : i32
      %add3A_554 = arith.addi %mul3A_87, %add3A_553 : i32
      %get3A_555 = arith.index_cast %add3A_554 : i32 to index
      %get3A_556 = arith.constant 48 : index
      %get3A_557 = tpu.vector_load %arg9[%get3A_555, %get3A_556] {strides = array<i32>} : memref<80x128xf32, #tpu.memory_space<vmem>>, vector<1x16xf32>,
      %get3A_558 = vector.shape_cast %get3A_557 : vector<1x16xf32> to vector<16xf32>
      %max3A_559 = arith.maximumf %get3A_552, %get3A_558 : vector<16xf32>
      %max3A_560 = arith.maximumf %max3A_546, %max3A_559 : vector<16xf32>
      %max3A_561 = arith.maximumf %max3A_533, %max3A_560 : vector<16xf32>
      %max3A_562 = arith.constant 0.000000e+00 : f32
      %max3A_563 = vector.broadcast %max3A_562 : f32 to vector<16xf32>
      %max3A_564 = arith.maximumf %max3A_561, %max3A_563 : vector<16xf32>
      %mul3A_565 = arith.constant 128 : i32
      %mul3A_566 = arith.muli %scan3A_85, %mul3A_565 : i32
      %add3A_567 = arith.constant 48 : i32
      %add3A_568 = arith.addi %mul3A_566, %add3A_567 : i32
      %swap3A_569 = arith.index_cast %add3A_568 : i32 to index
      %swap3A_570 = tpu.vector_load %arg13[%swap3A_569] {strides = array<i32>} : memref<640xf32, #tpu.memory_space<vmem>>, vector<16xf32>,
      %swap3A_571 = vector.shape_cast %swap3A_570 : vector<16xf32> to vector<16xf32>
      %swap3A_572 = vector.shape_cast %max3A_564 : vector<16xf32> to vector<16xf32>
      tpu.vector_store %arg13[%swap3A_569], %swap3A_572 {strides = array<i32>} : memref<640xf32, #tpu.memory_space<vmem>>, vector<16xf32>,
      %add3A_573 = arith.constant 0 : i32
      %add3A_574 = arith.addi %mul3A_87, %add3A_573 : i32
      %get3A_575 = arith.index_cast %add3A_574 : i32 to index
      %get3A_576 = arith.constant 64 : index
      %get3A_577 = tpu.vector_load %arg9[%get3A_575, %get3A_576] {strides = array<i32>} : memref<80x128xf32, #tpu.memory_space<vmem>>, vector<1x16xf32>,
      %get3A_578 = vector.shape_cast %get3A_577 : vector<1x16xf32> to vector<16xf32>
      %add3A_579 = arith.constant 1 : i32
      %add3A_580 = arith.addi %mul3A_87, %add3A_579 : i32
      %get3A_581 = arith.index_cast %add3A_580 : i32 to index
      %get3A_582 = arith.constant 64 : index
      %get3A_583 = tpu.vector_load %arg9[%get3A_581, %get3A_582] {strides = array<i32>} : memref<80x128xf32, #tpu.memory_space<vmem>>, vector<1x16xf32>,
      %get3A_584 = vector.shape_cast %get3A_583 : vector<1x16xf32> to vector<16xf32>
      %max3A_585 = arith.maximumf %get3A_578, %get3A_584 : vector<16xf32>
      %add3A_586 = arith.constant 2 : i32
      %add3A_587 = arith.addi %mul3A_87, %add3A_586 : i32
      %get3A_588 = arith.index_cast %add3A_587 : i32 to index
      %get3A_589 = arith.constant 64 : index
      %get3A_590 = tpu.vector_load %arg9[%get3A_588, %get3A_589] {strides = array<i32>} : memref<80x128xf32, #tpu.memory_space<vmem>>, vector<1x16xf32>,
      %get3A_591 = vector.shape_cast %get3A_590 : vector<1x16xf32> to vector<16xf32>
      %add3A_592 = arith.constant 3 : i32
      %add3A_593 = arith.addi %mul3A_87, %add3A_592 : i32
      %get3A_594 = arith.index_cast %add3A_593 : i32 to index
      %get3A_595 = arith.constant 64 : index
      %get3A_596 = tpu.vector_load %arg9[%get3A_594, %get3A_595] {strides = array<i32>} : memref<80x128xf32, #tpu.memory_space<vmem>>, vector<1x16xf32>,
      %get3A_597 = vector.shape_cast %get3A_596 : vector<1x16xf32> to vector<16xf32>
      %max3A_598 = arith.maximumf %get3A_591, %get3A_597 : vector<16xf32>
      %max3A_599 = arith.maximumf %max3A_585, %max3A_598 : vector<16xf32>
      %add3A_600 = arith.constant 4 : i32
      %add3A_601 = arith.addi %mul3A_87, %add3A_600 : i32
      %get3A_602 = arith.index_cast %add3A_601 : i32 to index
      %get3A_603 = arith.constant 64 : index
      %get3A_604 = tpu.vector_load %arg9[%get3A_602, %get3A_603] {strides = array<i32>} : memref<80x128xf32, #tpu.memory_space<vmem>>, vector<1x16xf32>,
      %get3A_605 = vector.shape_cast %get3A_604 : vector<1x16xf32> to vector<16xf32>
      %add3A_606 = arith.constant 5 : i32
      %add3A_607 = arith.addi %mul3A_87, %add3A_606 : i32
      %get3A_608 = arith.index_cast %add3A_607 : i32 to index
      %get3A_609 = arith.constant 64 : index
      %get3A_610 = tpu.vector_load %arg9[%get3A_608, %get3A_609] {strides = array<i32>} : memref<80x128xf32, #tpu.memory_space<vmem>>, vector<1x16xf32>,
      %get3A_611 = vector.shape_cast %get3A_610 : vector<1x16xf32> to vector<16xf32>
      %max3A_612 = arith.maximumf %get3A_605, %get3A_611 : vector<16xf32>
      %add3A_613 = arith.constant 6 : i32
      %add3A_614 = arith.addi %mul3A_87, %add3A_613 : i32
      %get3A_615 = arith.index_cast %add3A_614 : i32 to index
      %get3A_616 = arith.constant 64 : index
      %get3A_617 = tpu.vector_load %arg9[%get3A_615, %get3A_616] {strides = array<i32>} : memref<80x128xf32, #tpu.memory_space<vmem>>, vector<1x16xf32>,
      %get3A_618 = vector.shape_cast %get3A_617 : vector<1x16xf32> to vector<16xf32>
      %add3A_619 = arith.constant 7 : i32
      %add3A_620 = arith.addi %mul3A_87, %add3A_619 : i32
      %get3A_621 = arith.index_cast %add3A_620 : i32 to index
      %get3A_622 = arith.constant 64 : index
      %get3A_623 = tpu.vector_load %arg9[%get3A_621, %get3A_622] {strides = array<i32>} : memref<80x128xf32, #tpu.memory_space<vmem>>, vector<1x16xf32>,
      %get3A_624 = vector.shape_cast %get3A_623 : vector<1x16xf32> to vector<16xf32>
      %max3A_625 = arith.maximumf %get3A_618, %get3A_624 : vector<16xf32>
      %max3A_626 = arith.maximumf %max3A_612, %max3A_625 : vector<16xf32>
      %max3A_627 = arith.maximumf %max3A_599, %max3A_626 : vector<16xf32>
      %add3A_628 = arith.constant 8 : i32
      %add3A_629 = arith.addi %mul3A_87, %add3A_628 : i32
      %get3A_630 = arith.index_cast %add3A_629 : i32 to index
      %get3A_631 = arith.constant 64 : index
      %get3A_632 = tpu.vector_load %arg9[%get3A_630, %get3A_631] {strides = array<i32>} : memref<80x128xf32, #tpu.memory_space<vmem>>, vector<1x16xf32>,
      %get3A_633 = vector.shape_cast %get3A_632 : vector<1x16xf32> to vector<16xf32>
      %add3A_634 = arith.constant 9 : i32
      %add3A_635 = arith.addi %mul3A_87, %add3A_634 : i32
      %get3A_636 = arith.index_cast %add3A_635 : i32 to index
      %get3A_637 = arith.constant 64 : index
      %get3A_638 = tpu.vector_load %arg9[%get3A_636, %get3A_637] {strides = array<i32>} : memref<80x128xf32, #tpu.memory_space<vmem>>, vector<1x16xf32>,
      %get3A_639 = vector.shape_cast %get3A_638 : vector<1x16xf32> to vector<16xf32>
      %max3A_640 = arith.maximumf %get3A_633, %get3A_639 : vector<16xf32>
      %add3A_641 = arith.constant 10 : i32
      %add3A_642 = arith.addi %mul3A_87, %add3A_641 : i32
      %get3A_643 = arith.index_cast %add3A_642 : i32 to index
      %get3A_644 = arith.constant 64 : index
      %get3A_645 = tpu.vector_load %arg9[%get3A_643, %get3A_644] {strides = array<i32>} : memref<80x128xf32, #tpu.memory_space<vmem>>, vector<1x16xf32>,
      %get3A_646 = vector.shape_cast %get3A_645 : vector<1x16xf32> to vector<16xf32>
      %add3A_647 = arith.constant 11 : i32
      %add3A_648 = arith.addi %mul3A_87, %add3A_647 : i32
      %get3A_649 = arith.index_cast %add3A_648 : i32 to index
      %get3A_650 = arith.constant 64 : index
      %get3A_651 = tpu.vector_load %arg9[%get3A_649, %get3A_650] {strides = array<i32>} : memref<80x128xf32, #tpu.memory_space<vmem>>, vector<1x16xf32>,
      %get3A_652 = vector.shape_cast %get3A_651 : vector<1x16xf32> to vector<16xf32>
      %max3A_653 = arith.maximumf %get3A_646, %get3A_652 : vector<16xf32>
      %max3A_654 = arith.maximumf %max3A_640, %max3A_653 : vector<16xf32>
      %max3A_655 = arith.maximumf %max3A_627, %max3A_654 : vector<16xf32>
      %add3A_656 = arith.constant 12 : i32
      %add3A_657 = arith.addi %mul3A_87, %add3A_656 : i32
      %get3A_658 = arith.index_cast %add3A_657 : i32 to index
      %get3A_659 = arith.constant 64 : index
      %get3A_660 = tpu.vector_load %arg9[%get3A_658, %get3A_659] {strides = array<i32>} : memref<80x128xf32, #tpu.memory_space<vmem>>, vector<1x16xf32>,
      %get3A_661 = vector.shape_cast %get3A_660 : vector<1x16xf32> to vector<16xf32>
      %add3A_662 = arith.constant 13 : i32
      %add3A_663 = arith.addi %mul3A_87, %add3A_662 : i32
      %get3A_664 = arith.index_cast %add3A_663 : i32 to index
      %get3A_665 = arith.constant 64 : index
      %get3A_666 = tpu.vector_load %arg9[%get3A_664, %get3A_665] {strides = array<i32>} : memref<80x128xf32, #tpu.memory_space<vmem>>, vector<1x16xf32>,
      %get3A_667 = vector.shape_cast %get3A_666 : vector<1x16xf32> to vector<16xf32>
      %max3A_668 = arith.maximumf %get3A_661, %get3A_667 : vector<16xf32>
      %add3A_669 = arith.constant 14 : i32
      %add3A_670 = arith.addi %mul3A_87, %add3A_669 : i32
      %get3A_671 = arith.index_cast %add3A_670 : i32 to index
      %get3A_672 = arith.constant 64 : index
      %get3A_673 = tpu.vector_load %arg9[%get3A_671, %get3A_672] {strides = array<i32>} : memref<80x128xf32, #tpu.memory_space<vmem>>, vector<1x16xf32>,
      %get3A_674 = vector.shape_cast %get3A_673 : vector<1x16xf32> to vector<16xf32>
      %add3A_675 = arith.constant 15 : i32
      %add3A_676 = arith.addi %mul3A_87, %add3A_675 : i32
      %get3A_677 = arith.index_cast %add3A_676 : i32 to index
      %get3A_678 = arith.constant 64 : index
      %get3A_679 = tpu.vector_load %arg9[%get3A_677, %get3A_678] {strides = array<i32>} : memref<80x128xf32, #tpu.memory_space<vmem>>, vector<1x16xf32>,
      %get3A_680 = vector.shape_cast %get3A_679 : vector<1x16xf32> to vector<16xf32>
      %max3A_681 = arith.maximumf %get3A_674, %get3A_680 : vector<16xf32>
      %max3A_682 = arith.maximumf %max3A_668, %max3A_681 : vector<16xf32>
      %max3A_683 = arith.maximumf %max3A_655, %max3A_682 : vector<16xf32>
      %max3A_684 = arith.constant 0.000000e+00 : f32
      %max3A_685 = vector.broadcast %max3A_684 : f32 to vector<16xf32>
      %max3A_686 = arith.maximumf %max3A_683, %max3A_685 : vector<16xf32>
      %mul3A_687 = arith.constant 128 : i32
      %mul3A_688 = arith.muli %scan3A_85, %mul3A_687 : i32
      %add3A_689 = arith.constant 64 : i32
      %add3A_690 = arith.addi %mul3A_688, %add3A_689 : i32
      %swap3A_691 = arith.index_cast %add3A_690 : i32 to index
      %swap3A_692 = tpu.vector_load %arg13[%swap3A_691] {strides = array<i32>} : memref<640xf32, #tpu.memory_space<vmem>>, vector<16xf32>,
      %swap3A_693 = vector.shape_cast %swap3A_692 : vector<16xf32> to vector<16xf32>
      %swap3A_694 = vector.shape_cast %max3A_686 : vector<16xf32> to vector<16xf32>
      tpu.vector_store %arg13[%swap3A_691], %swap3A_694 {strides = array<i32>} : memref<640xf32, #tpu.memory_space<vmem>>, vector<16xf32>,
      %add3A_695 = arith.constant 0 : i32
      %add3A_696 = arith.addi %mul3A_87, %add3A_695 : i32
      %get3A_697 = arith.index_cast %add3A_696 : i32 to index
      %get3A_698 = arith.constant 80 : index
      %get3A_699 = tpu.vector_load %arg9[%get3A_697, %get3A_698] {strides = array<i32>} : memref<80x128xf32, #tpu.memory_space<vmem>>, vector<1x16xf32>,
      %get3A_700 = vector.shape_cast %get3A_699 : vector<1x16xf32> to vector<16xf32>
      %add3A_701 = arith.constant 1 : i32
      %add3A_702 = arith.addi %mul3A_87, %add3A_701 : i32
      %get3A_703 = arith.index_cast %add3A_702 : i32 to index
      %get3A_704 = arith.constant 80 : index
      %get3A_705 = tpu.vector_load %arg9[%get3A_703, %get3A_704] {strides = array<i32>} : memref<80x128xf32, #tpu.memory_space<vmem>>, vector<1x16xf32>,
      %get3A_706 = vector.shape_cast %get3A_705 : vector<1x16xf32> to vector<16xf32>
      %max3A_707 = arith.maximumf %get3A_700, %get3A_706 : vector<16xf32>
      %add3A_708 = arith.constant 2 : i32
      %add3A_709 = arith.addi %mul3A_87, %add3A_708 : i32
      %get3A_710 = arith.index_cast %add3A_709 : i32 to index
      %get3A_711 = arith.constant 80 : index
      %get3A_712 = tpu.vector_load %arg9[%get3A_710, %get3A_711] {strides = array<i32>} : memref<80x128xf32, #tpu.memory_space<vmem>>, vector<1x16xf32>,
      %get3A_713 = vector.shape_cast %get3A_712 : vector<1x16xf32> to vector<16xf32>
      %add3A_714 = arith.constant 3 : i32
      %add3A_715 = arith.addi %mul3A_87, %add3A_714 : i32
      %get3A_716 = arith.index_cast %add3A_715 : i32 to index
      %get3A_717 = arith.constant 80 : index
      %get3A_718 = tpu.vector_load %arg9[%get3A_716, %get3A_717] {strides = array<i32>} : memref<80x128xf32, #tpu.memory_space<vmem>>, vector<1x16xf32>,
      %get3A_719 = vector.shape_cast %get3A_718 : vector<1x16xf32> to vector<16xf32>
      %max3A_720 = arith.maximumf %get3A_713, %get3A_719 : vector<16xf32>
      %max3A_721 = arith.maximumf %max3A_707, %max3A_720 : vector<16xf32>
      %add3A_722 = arith.constant 4 : i32
      %add3A_723 = arith.addi %mul3A_87, %add3A_722 : i32
      %get3A_724 = arith.index_cast %add3A_723 : i32 to index
      %get3A_725 = arith.constant 80 : index
      %get3A_726 = tpu.vector_load %arg9[%get3A_724, %get3A_725] {strides = array<i32>} : memref<80x128xf32, #tpu.memory_space<vmem>>, vector<1x16xf32>,
      %get3A_727 = vector.shape_cast %get3A_726 : vector<1x16xf32> to vector<16xf32>
      %add3A_728 = arith.constant 5 : i32
      %add3A_729 = arith.addi %mul3A_87, %add3A_728 : i32
      %get3A_730 = arith.index_cast %add3A_729 : i32 to index
      %get3A_731 = arith.constant 80 : index
      %get3A_732 = tpu.vector_load %arg9[%get3A_730, %get3A_731] {strides = array<i32>} : memref<80x128xf32, #tpu.memory_space<vmem>>, vector<1x16xf32>,
      %get3A_733 = vector.shape_cast %get3A_732 : vector<1x16xf32> to vector<16xf32>
      %max3A_734 = arith.maximumf %get3A_727, %get3A_733 : vector<16xf32>
      %add3A_735 = arith.constant 6 : i32
      %add3A_736 = arith.addi %mul3A_87, %add3A_735 : i32
      %get3A_737 = arith.index_cast %add3A_736 : i32 to index
      %get3A_738 = arith.constant 80 : index
      %get3A_739 = tpu.vector_load %arg9[%get3A_737, %get3A_738] {strides = array<i32>} : memref<80x128xf32, #tpu.memory_space<vmem>>, vector<1x16xf32>,
      %get3A_740 = vector.shape_cast %get3A_739 : vector<1x16xf32> to vector<16xf32>
      %add3A_741 = arith.constant 7 : i32
      %add3A_742 = arith.addi %mul3A_87, %add3A_741 : i32
      %get3A_743 = arith.index_cast %add3A_742 : i32 to index
      %get3A_744 = arith.constant 80 : index
      %get3A_745 = tpu.vector_load %arg9[%get3A_743, %get3A_744] {strides = array<i32>} : memref<80x128xf32, #tpu.memory_space<vmem>>, vector<1x16xf32>,
      %get3A_746 = vector.shape_cast %get3A_745 : vector<1x16xf32> to vector<16xf32>
      %max3A_747 = arith.maximumf %get3A_740, %get3A_746 : vector<16xf32>
      %max3A_748 = arith.maximumf %max3A_734, %max3A_747 : vector<16xf32>
      %max3A_749 = arith.maximumf %max3A_721, %max3A_748 : vector<16xf32>
      %add3A_750 = arith.constant 8 : i32
      %add3A_751 = arith.addi %mul3A_87, %add3A_750 : i32
      %get3A_752 = arith.index_cast %add3A_751 : i32 to index
      %get3A_753 = arith.constant 80 : index
      %get3A_754 = tpu.vector_load %arg9[%get3A_752, %get3A_753] {strides = array<i32>} : memref<80x128xf32, #tpu.memory_space<vmem>>, vector<1x16xf32>,
      %get3A_755 = vector.shape_cast %get3A_754 : vector<1x16xf32> to vector<16xf32>
      %add3A_756 = arith.constant 9 : i32
      %add3A_757 = arith.addi %mul3A_87, %add3A_756 : i32
      %get3A_758 = arith.index_cast %add3A_757 : i32 to index
      %get3A_759 = arith.constant 80 : index
      %get3A_760 = tpu.vector_load %arg9[%get3A_758, %get3A_759] {strides = array<i32>} : memref<80x128xf32, #tpu.memory_space<vmem>>, vector<1x16xf32>,
      %get3A_761 = vector.shape_cast %get3A_760 : vector<1x16xf32> to vector<16xf32>
      %max3A_762 = arith.maximumf %get3A_755, %get3A_761 : vector<16xf32>
      %add3A_763 = arith.constant 10 : i32
      %add3A_764 = arith.addi %mul3A_87, %add3A_763 : i32
      %get3A_765 = arith.index_cast %add3A_764 : i32 to index
      %get3A_766 = arith.constant 80 : index
      %get3A_767 = tpu.vector_load %arg9[%get3A_765, %get3A_766] {strides = array<i32>} : memref<80x128xf32, #tpu.memory_space<vmem>>, vector<1x16xf32>,
      %get3A_768 = vector.shape_cast %get3A_767 : vector<1x16xf32> to vector<16xf32>
      %add3A_769 = arith.constant 11 : i32
      %add3A_770 = arith.addi %mul3A_87, %add3A_769 : i32
      %get3A_771 = arith.index_cast %add3A_770 : i32 to index
      %get3A_772 = arith.constant 80 : index
      %get3A_773 = tpu.vector_load %arg9[%get3A_771, %get3A_772] {strides = array<i32>} : memref<80x128xf32, #tpu.memory_space<vmem>>, vector<1x16xf32>,
      %get3A_774 = vector.shape_cast %get3A_773 : vector<1x16xf32> to vector<16xf32>
      %max3A_775 = arith.maximumf %get3A_768, %get3A_774 : vector<16xf32>
      %max3A_776 = arith.maximumf %max3A_762, %max3A_775 : vector<16xf32>
      %max3A_777 = arith.maximumf %max3A_749, %max3A_776 : vector<16xf32>
      %add3A_778 = arith.constant 12 : i32
      %add3A_779 = arith.addi %mul3A_87, %add3A_778 : i32
      %get3A_780 = arith.index_cast %add3A_779 : i32 to index
      %get3A_781 = arith.constant 80 : index
      %get3A_782 = tpu.vector_load %arg9[%get3A_780, %get3A_781] {strides = array<i32>} : memref<80x128xf32, #tpu.memory_space<vmem>>, vector<1x16xf32>,
      %get3A_783 = vector.shape_cast %get3A_782 : vector<1x16xf32> to vector<16xf32>
      %add3A_784 = arith.constant 13 : i32
      %add3A_785 = arith.addi %mul3A_87, %add3A_784 : i32
      %get3A_786 = arith.index_cast %add3A_785 : i32 to index
      %get3A_787 = arith.constant 80 : index
      %get3A_788 = tpu.vector_load %arg9[%get3A_786, %get3A_787] {strides = array<i32>} : memref<80x128xf32, #tpu.memory_space<vmem>>, vector<1x16xf32>,
      %get3A_789 = vector.shape_cast %get3A_788 : vector<1x16xf32> to vector<16xf32>
      %max3A_790 = arith.maximumf %get3A_783, %get3A_789 : vector<16xf32>
      %add3A_791 = arith.constant 14 : i32
      %add3A_792 = arith.addi %mul3A_87, %add3A_791 : i32
      %get3A_793 = arith.index_cast %add3A_792 : i32 to index
      %get3A_794 = arith.constant 80 : index
      %get3A_795 = tpu.vector_load %arg9[%get3A_793, %get3A_794] {strides = array<i32>} : memref<80x128xf32, #tpu.memory_space<vmem>>, vector<1x16xf32>,
      %get3A_796 = vector.shape_cast %get3A_795 : vector<1x16xf32> to vector<16xf32>
      %add3A_797 = arith.constant 15 : i32
      %add3A_798 = arith.addi %mul3A_87, %add3A_797 : i32
      %get3A_799 = arith.index_cast %add3A_798 : i32 to index
      %get3A_800 = arith.constant 80 : index
      %get3A_801 = tpu.vector_load %arg9[%get3A_799, %get3A_800] {strides = array<i32>} : memref<80x128xf32, #tpu.memory_space<vmem>>, vector<1x16xf32>,
      %get3A_802 = vector.shape_cast %get3A_801 : vector<1x16xf32> to vector<16xf32>
      %max3A_803 = arith.maximumf %get3A_796, %get3A_802 : vector<16xf32>
      %max3A_804 = arith.maximumf %max3A_790, %max3A_803 : vector<16xf32>
      %max3A_805 = arith.maximumf %max3A_777, %max3A_804 : vector<16xf32>
      %max3A_806 = arith.constant 0.000000e+00 : f32
      %max3A_807 = vector.broadcast %max3A_806 : f32 to vector<16xf32>
      %max3A_808 = arith.maximumf %max3A_805, %max3A_807 : vector<16xf32>
      %mul3A_809 = arith.constant 128 : i32
      %mul3A_810 = arith.muli %scan3A_85, %mul3A_809 : i32
      %add3A_811 = arith.constant 80 : i32
      %add3A_812 = arith.addi %mul3A_810, %add3A_811 : i32
      %swap3A_813 = arith.index_cast %add3A_812 : i32 to index
      %swap3A_814 = tpu.vector_load %arg13[%swap3A_813] {strides = array<i32>} : memref<640xf32, #tpu.memory_space<vmem>>, vector<16xf32>,
      %swap3A_815 = vector.shape_cast %swap3A_814 : vector<16xf32> to vector<16xf32>
      %swap3A_816 = vector.shape_cast %max3A_808 : vector<16xf32> to vector<16xf32>
      tpu.vector_store %arg13[%swap3A_813], %swap3A_816 {strides = array<i32>} : memref<640xf32, #tpu.memory_space<vmem>>, vector<16xf32>,
      %add3A_817 = arith.constant 0 : i32
      %add3A_818 = arith.addi %mul3A_87, %add3A_817 : i32
      %get3A_819 = arith.index_cast %add3A_818 : i32 to index
      %get3A_820 = arith.constant 96 : index
      %get3A_821 = tpu.vector_load %arg9[%get3A_819, %get3A_820] {strides = array<i32>} : memref<80x128xf32, #tpu.memory_space<vmem>>, vector<1x16xf32>,
      %get3A_822 = vector.shape_cast %get3A_821 : vector<1x16xf32> to vector<16xf32>
      %add3A_823 = arith.constant 1 : i32
      %add3A_824 = arith.addi %mul3A_87, %add3A_823 : i32
      %get3A_825 = arith.index_cast %add3A_824 : i32 to index
      %get3A_826 = arith.constant 96 : index
      %get3A_827 = tpu.vector_load %arg9[%get3A_825, %get3A_826] {strides = array<i32>} : memref<80x128xf32, #tpu.memory_space<vmem>>, vector<1x16xf32>,
      %get3A_828 = vector.shape_cast %get3A_827 : vector<1x16xf32> to vector<16xf32>
      %max3A_829 = arith.maximumf %get3A_822, %get3A_828 : vector<16xf32>
      %add3A_830 = arith.constant 2 : i32
      %add3A_831 = arith.addi %mul3A_87, %add3A_830 : i32
      %get3A_832 = arith.index_cast %add3A_831 : i32 to index
      %get3A_833 = arith.constant 96 : index
      %get3A_834 = tpu.vector_load %arg9[%get3A_832, %get3A_833] {strides = array<i32>} : memref<80x128xf32, #tpu.memory_space<vmem>>, vector<1x16xf32>,
      %get3A_835 = vector.shape_cast %get3A_834 : vector<1x16xf32> to vector<16xf32>
      %add3A_836 = arith.constant 3 : i32
      %add3A_837 = arith.addi %mul3A_87, %add3A_836 : i32
      %get3A_838 = arith.index_cast %add3A_837 : i32 to index
      %get3A_839 = arith.constant 96 : index
      %get3A_840 = tpu.vector_load %arg9[%get3A_838, %get3A_839] {strides = array<i32>} : memref<80x128xf32, #tpu.memory_space<vmem>>, vector<1x16xf32>,
      %get3A_841 = vector.shape_cast %get3A_840 : vector<1x16xf32> to vector<16xf32>
      %max3A_842 = arith.maximumf %get3A_835, %get3A_841 : vector<16xf32>
      %max3A_843 = arith.maximumf %max3A_829, %max3A_842 : vector<16xf32>
      %add3A_844 = arith.constant 4 : i32
      %add3A_845 = arith.addi %mul3A_87, %add3A_844 : i32
      %get3A_846 = arith.index_cast %add3A_845 : i32 to index
      %get3A_847 = arith.constant 96 : index
      %get3A_848 = tpu.vector_load %arg9[%get3A_846, %get3A_847] {strides = array<i32>} : memref<80x128xf32, #tpu.memory_space<vmem>>, vector<1x16xf32>,
      %get3A_849 = vector.shape_cast %get3A_848 : vector<1x16xf32> to vector<16xf32>
      %add3A_850 = arith.constant 5 : i32
      %add3A_851 = arith.addi %mul3A_87, %add3A_850 : i32
      %get3A_852 = arith.index_cast %add3A_851 : i32 to index
      %get3A_853 = arith.constant 96 : index
      %get3A_854 = tpu.vector_load %arg9[%get3A_852, %get3A_853] {strides = array<i32>} : memref<80x128xf32, #tpu.memory_space<vmem>>, vector<1x16xf32>,
      %get3A_855 = vector.shape_cast %get3A_854 : vector<1x16xf32> to vector<16xf32>
      %max3A_856 = arith.maximumf %get3A_849, %get3A_855 : vector<16xf32>
      %add3A_857 = arith.constant 6 : i32
      %add3A_858 = arith.addi %mul3A_87, %add3A_857 : i32
      %get3A_859 = arith.index_cast %add3A_858 : i32 to index
      %get3A_860 = arith.constant 96 : index
      %get3A_861 = tpu.vector_load %arg9[%get3A_859, %get3A_860] {strides = array<i32>} : memref<80x128xf32, #tpu.memory_space<vmem>>, vector<1x16xf32>,
      %get3A_862 = vector.shape_cast %get3A_861 : vector<1x16xf32> to vector<16xf32>
      %add3A_863 = arith.constant 7 : i32
      %add3A_864 = arith.addi %mul3A_87, %add3A_863 : i32
      %get3A_865 = arith.index_cast %add3A_864 : i32 to index
      %get3A_866 = arith.constant 96 : index
      %get3A_867 = tpu.vector_load %arg9[%get3A_865, %get3A_866] {strides = array<i32>} : memref<80x128xf32, #tpu.memory_space<vmem>>, vector<1x16xf32>,
      %get3A_868 = vector.shape_cast %get3A_867 : vector<1x16xf32> to vector<16xf32>
      %max3A_869 = arith.maximumf %get3A_862, %get3A_868 : vector<16xf32>
      %max3A_870 = arith.maximumf %max3A_856, %max3A_869 : vector<16xf32>
      %max3A_871 = arith.maximumf %max3A_843, %max3A_870 : vector<16xf32>
      %add3A_872 = arith.constant 8 : i32
      %add3A_873 = arith.addi %mul3A_87, %add3A_872 : i32
      %get3A_874 = arith.index_cast %add3A_873 : i32 to index
      %get3A_875 = arith.constant 96 : index
      %get3A_876 = tpu.vector_load %arg9[%get3A_874, %get3A_875] {strides = array<i32>} : memref<80x128xf32, #tpu.memory_space<vmem>>, vector<1x16xf32>,
      %get3A_877 = vector.shape_cast %get3A_876 : vector<1x16xf32> to vector<16xf32>
      %add3A_878 = arith.constant 9 : i32
      %add3A_879 = arith.addi %mul3A_87, %add3A_878 : i32
      %get3A_880 = arith.index_cast %add3A_879 : i32 to index
      %get3A_881 = arith.constant 96 : index
      %get3A_882 = tpu.vector_load %arg9[%get3A_880, %get3A_881] {strides = array<i32>} : memref<80x128xf32, #tpu.memory_space<vmem>>, vector<1x16xf32>,
      %get3A_883 = vector.shape_cast %get3A_882 : vector<1x16xf32> to vector<16xf32>
      %max3A_884 = arith.maximumf %get3A_877, %get3A_883 : vector<16xf32>
      %add3A_885 = arith.constant 10 : i32
      %add3A_886 = arith.addi %mul3A_87, %add3A_885 : i32
      %get3A_887 = arith.index_cast %add3A_886 : i32 to index
      %get3A_888 = arith.constant 96 : index
      %get3A_889 = tpu.vector_load %arg9[%get3A_887, %get3A_888] {strides = array<i32>} : memref<80x128xf32, #tpu.memory_space<vmem>>, vector<1x16xf32>,
      %get3A_890 = vector.shape_cast %get3A_889 : vector<1x16xf32> to vector<16xf32>
      %add3A_891 = arith.constant 11 : i32
      %add3A_892 = arith.addi %mul3A_87, %add3A_891 : i32
      %get3A_893 = arith.index_cast %add3A_892 : i32 to index
      %get3A_894 = arith.constant 96 : index
      %get3A_895 = tpu.vector_load %arg9[%get3A_893, %get3A_894] {strides = array<i32>} : memref<80x128xf32, #tpu.memory_space<vmem>>, vector<1x16xf32>,
      %get3A_896 = vector.shape_cast %get3A_895 : vector<1x16xf32> to vector<16xf32>
      %max3A_897 = arith.maximumf %get3A_890, %get3A_896 : vector<16xf32>
      %max3A_898 = arith.maximumf %max3A_884, %max3A_897 : vector<16xf32>
      %max3A_899 = arith.maximumf %max3A_871, %max3A_898 : vector<16xf32>
      %add3A_900 = arith.constant 12 : i32
      %add3A_901 = arith.addi %mul3A_87, %add3A_900 : i32
      %get3A_902 = arith.index_cast %add3A_901 : i32 to index
      %get3A_903 = arith.constant 96 : index
      %get3A_904 = tpu.vector_load %arg9[%get3A_902, %get3A_903] {strides = array<i32>} : memref<80x128xf32, #tpu.memory_space<vmem>>, vector<1x16xf32>,
      %get3A_905 = vector.shape_cast %get3A_904 : vector<1x16xf32> to vector<16xf32>
      %add3A_906 = arith.constant 13 : i32
      %add3A_907 = arith.addi %mul3A_87, %add3A_906 : i32
      %get3A_908 = arith.index_cast %add3A_907 : i32 to index
      %get3A_909 = arith.constant 96 : index
      %get3A_910 = tpu.vector_load %arg9[%get3A_908, %get3A_909] {strides = array<i32>} : memref<80x128xf32, #tpu.memory_space<vmem>>, vector<1x16xf32>,
      %get3A_911 = vector.shape_cast %get3A_910 : vector<1x16xf32> to vector<16xf32>
      %max3A_912 = arith.maximumf %get3A_905, %get3A_911 : vector<16xf32>
      %add3A_913 = arith.constant 14 : i32
      %add3A_914 = arith.addi %mul3A_87, %add3A_913 : i32
      %get3A_915 = arith.index_cast %add3A_914 : i32 to index
      %get3A_916 = arith.constant 96 : index
      %get3A_917 = tpu.vector_load %arg9[%get3A_915, %get3A_916] {strides = array<i32>} : memref<80x128xf32, #tpu.memory_space<vmem>>, vector<1x16xf32>,
      %get3A_918 = vector.shape_cast %get3A_917 : vector<1x16xf32> to vector<16xf32>
      %add3A_919 = arith.constant 15 : i32
      %add3A_920 = arith.addi %mul3A_87, %add3A_919 : i32
      %get3A_921 = arith.index_cast %add3A_920 : i32 to index
      %get3A_922 = arith.constant 96 : index
      %get3A_923 = tpu.vector_load %arg9[%get3A_921, %get3A_922] {strides = array<i32>} : memref<80x128xf32, #tpu.memory_space<vmem>>, vector<1x16xf32>,
      %get3A_924 = vector.shape_cast %get3A_923 : vector<1x16xf32> to vector<16xf32>
      %max3A_925 = arith.maximumf %get3A_918, %get3A_924 : vector<16xf32>
      %max3A_926 = arith.maximumf %max3A_912, %max3A_925 : vector<16xf32>
      %max3A_927 = arith.maximumf %max3A_899, %max3A_926 : vector<16xf32>
      %max3A_928 = arith.constant 0.000000e+00 : f32
      %max3A_929 = vector.broadcast %max3A_928 : f32 to vector<16xf32>
      %max3A_930 = arith.maximumf %max3A_927, %max3A_929 : vector<16xf32>
      %mul3A_931 = arith.constant 128 : i32
      %mul3A_932 = arith.muli %scan3A_85, %mul3A_931 : i32
      %add3A_933 = arith.constant 96 : i32
      %add3A_934 = arith.addi %mul3A_932, %add3A_933 : i32
      %swap3A_935 = arith.index_cast %add3A_934 : i32 to index
      %swap3A_936 = tpu.vector_load %arg13[%swap3A_935] {strides = array<i32>} : memref<640xf32, #tpu.memory_space<vmem>>, vector<16xf32>,
      %swap3A_937 = vector.shape_cast %swap3A_936 : vector<16xf32> to vector<16xf32>
      %swap3A_938 = vector.shape_cast %max3A_930 : vector<16xf32> to vector<16xf32>
      tpu.vector_store %arg13[%swap3A_935], %swap3A_938 {strides = array<i32>} : memref<640xf32, #tpu.memory_space<vmem>>, vector<16xf32>,
      %add3A_939 = arith.constant 0 : i32
      %add3A_940 = arith.addi %mul3A_87, %add3A_939 : i32
      %get3A_941 = arith.index_cast %add3A_940 : i32 to index
      %get3A_942 = arith.constant 112 : index
      %get3A_943 = tpu.vector_load %arg9[%get3A_941, %get3A_942] {strides = array<i32>} : memref<80x128xf32, #tpu.memory_space<vmem>>, vector<1x16xf32>,
      %get3A_944 = vector.shape_cast %get3A_943 : vector<1x16xf32> to vector<16xf32>
      %add3A_945 = arith.constant 1 : i32
      %add3A_946 = arith.addi %mul3A_87, %add3A_945 : i32
      %get3A_947 = arith.index_cast %add3A_946 : i32 to index
      %get3A_948 = arith.constant 112 : index
      %get3A_949 = tpu.vector_load %arg9[%get3A_947, %get3A_948] {strides = array<i32>} : memref<80x128xf32, #tpu.memory_space<vmem>>, vector<1x16xf32>,
      %get3A_950 = vector.shape_cast %get3A_949 : vector<1x16xf32> to vector<16xf32>
      %max3A_951 = arith.maximumf %get3A_944, %get3A_950 : vector<16xf32>
      %add3A_952 = arith.constant 2 : i32
      %add3A_953 = arith.addi %mul3A_87, %add3A_952 : i32
      %get3A_954 = arith.index_cast %add3A_953 : i32 to index
      %get3A_955 = arith.constant 112 : index
      %get3A_956 = tpu.vector_load %arg9[%get3A_954, %get3A_955] {strides = array<i32>} : memref<80x128xf32, #tpu.memory_space<vmem>>, vector<1x16xf32>,
      %get3A_957 = vector.shape_cast %get3A_956 : vector<1x16xf32> to vector<16xf32>
      %add3A_958 = arith.constant 3 : i32
      %add3A_959 = arith.addi %mul3A_87, %add3A_958 : i32
      %get3A_960 = arith.index_cast %add3A_959 : i32 to index
      %get3A_961 = arith.constant 112 : index
      %get3A_962 = tpu.vector_load %arg9[%get3A_960, %get3A_961] {strides = array<i32>} : memref<80x128xf32, #tpu.memory_space<vmem>>, vector<1x16xf32>,
      %get3A_963 = vector.shape_cast %get3A_962 : vector<1x16xf32> to vector<16xf32>
      %max3A_964 = arith.maximumf %get3A_957, %get3A_963 : vector<16xf32>
      %max3A_965 = arith.maximumf %max3A_951, %max3A_964 : vector<16xf32>
      %add3A_966 = arith.constant 4 : i32
      %add3A_967 = arith.addi %mul3A_87, %add3A_966 : i32
      %get3A_968 = arith.index_cast %add3A_967 : i32 to index
      %get3A_969 = arith.constant 112 : index
      %get3A_970 = tpu.vector_load %arg9[%get3A_968, %get3A_969] {strides = array<i32>} : memref<80x128xf32, #tpu.memory_space<vmem>>, vector<1x16xf32>,
      %get3A_971 = vector.shape_cast %get3A_970 : vector<1x16xf32> to vector<16xf32>
      %add3A_972 = arith.constant 5 : i32
      %add3A_973 = arith.addi %mul3A_87, %add3A_972 : i32
      %get3A_974 = arith.index_cast %add3A_973 : i32 to index
      %get3A_975 = arith.constant 112 : index
      %get3A_976 = tpu.vector_load %arg9[%get3A_974, %get3A_975] {strides = array<i32>} : memref<80x128xf32, #tpu.memory_space<vmem>>, vector<1x16xf32>,
      %get3A_977 = vector.shape_cast %get3A_976 : vector<1x16xf32> to vector<16xf32>
      %max3A_978 = arith.maximumf %get3A_971, %get3A_977 : vector<16xf32>
      %add3A_979 = arith.constant 6 : i32
      %add3A_980 = arith.addi %mul3A_87, %add3A_979 : i32
      %get3A_981 = arith.index_cast %add3A_980 : i32 to index
      %get3A_982 = arith.constant 112 : index
      %get3A_983 = tpu.vector_load %arg9[%get3A_981, %get3A_982] {strides = array<i32>} : memref<80x128xf32, #tpu.memory_space<vmem>>, vector<1x16xf32>,
      %get3A_984 = vector.shape_cast %get3A_983 : vector<1x16xf32> to vector<16xf32>
      %add3A_985 = arith.constant 7 : i32
      %add3A_986 = arith.addi %mul3A_87, %add3A_985 : i32
      %get3A_987 = arith.index_cast %add3A_986 : i32 to index
      %get3A_988 = arith.constant 112 : index
      %get3A_989 = tpu.vector_load %arg9[%get3A_987, %get3A_988] {strides = array<i32>} : memref<80x128xf32, #tpu.memory_space<vmem>>, vector<1x16xf32>,
      %get3A_990 = vector.shape_cast %get3A_989 : vector<1x16xf32> to vector<16xf32>
      %max3A_991 = arith.maximumf %get3A_984, %get3A_990 : vector<16xf32>
      %max3A_992 = arith.maximumf %max3A_978, %max3A_991 : vector<16xf32>
      %max3A_993 = arith.maximumf %max3A_965, %max3A_992 : vector<16xf32>
      %add3A_994 = arith.constant 8 : i32
      %add3A_995 = arith.addi %mul3A_87, %add3A_994 : i32
      %get3A_996 = arith.index_cast %add3A_995 : i32 to index
      %get3A_997 = arith.constant 112 : index
      %get3A_998 = tpu.vector_load %arg9[%get3A_996, %get3A_997] {strides = array<i32>} : memref<80x128xf32, #tpu.memory_space<vmem>>, vector<1x16xf32>,
      %get3A_999 = vector.shape_cast %get3A_998 : vector<1x16xf32> to vector<16xf32>
      %add3A_1000 = arith.constant 9 : i32
      %add3A_1001 = arith.addi %mul3A_87, %add3A_1000 : i32
      %get3A_1002 = arith.index_cast %add3A_1001 : i32 to index
      %get3A_1003 = arith.constant 112 : index
      %get3A_1004 = tpu.vector_load %arg9[%get3A_1002, %get3A_1003] {strides = array<i32>} : memref<80x128xf32, #tpu.memory_space<vmem>>, vector<1x16xf32>,
      %get3A_1005 = vector.shape_cast %get3A_1004 : vector<1x16xf32> to vector<16xf32>
      %max3A_1006 = arith.maximumf %get3A_999, %get3A_1005 : vector<16xf32>
      %add3A_1007 = arith.constant 10 : i32
      %add3A_1008 = arith.addi %mul3A_87, %add3A_1007 : i32
      %get3A_1009 = arith.index_cast %add3A_1008 : i32 to index
      %get3A_1010 = arith.constant 112 : index
      %get3A_1011 = tpu.vector_load %arg9[%get3A_1009, %get3A_1010] {strides = array<i32>} : memref<80x128xf32, #tpu.memory_space<vmem>>, vector<1x16xf32>,
      %get3A_1012 = vector.shape_cast %get3A_1011 : vector<1x16xf32> to vector<16xf32>
      %add3A_1013 = arith.constant 11 : i32
      %add3A_1014 = arith.addi %mul3A_87, %add3A_1013 : i32
      %get3A_1015 = arith.index_cast %add3A_1014 : i32 to index
      %get3A_1016 = arith.constant 112 : index
      %get3A_1017 = tpu.vector_load %arg9[%get3A_1015, %get3A_1016] {strides = array<i32>} : memref<80x128xf32, #tpu.memory_space<vmem>>, vector<1x16xf32>,
      %get3A_1018 = vector.shape_cast %get3A_1017 : vector<1x16xf32> to vector<16xf32>
      %max3A_1019 = arith.maximumf %get3A_1012, %get3A_1018 : vector<16xf32>
      %max3A_1020 = arith.maximumf %max3A_1006, %max3A_1019 : vector<16xf32>
      %max3A_1021 = arith.maximumf %max3A_993, %max3A_1020 : vector<16xf32>
      %add3A_1022 = arith.constant 12 : i32
      %add3A_1023 = arith.addi %mul3A_87, %add3A_1022 : i32
      %get3A_1024 = arith.index_cast %add3A_1023 : i32 to index
      %get3A_1025 = arith.constant 112 : index
      %get3A_1026 = tpu.vector_load %arg9[%get3A_1024, %get3A_1025] {strides = array<i32>} : memref<80x128xf32, #tpu.memory_space<vmem>>, vector<1x16xf32>,
      %get3A_1027 = vector.shape_cast %get3A_1026 : vector<1x16xf32> to vector<16xf32>
      %add3A_1028 = arith.constant 13 : i32
      %add3A_1029 = arith.addi %mul3A_87, %add3A_1028 : i32
      %get3A_1030 = arith.index_cast %add3A_1029 : i32 to index
      %get3A_1031 = arith.constant 112 : index
      %get3A_1032 = tpu.vector_load %arg9[%get3A_1030, %get3A_1031] {strides = array<i32>} : memref<80x128xf32, #tpu.memory_space<vmem>>, vector<1x16xf32>,
      %get3A_1033 = vector.shape_cast %get3A_1032 : vector<1x16xf32> to vector<16xf32>
      %max3A_1034 = arith.maximumf %get3A_1027, %get3A_1033 : vector<16xf32>
      %add3A_1035 = arith.constant 14 : i32
      %add3A_1036 = arith.addi %mul3A_87, %add3A_1035 : i32
      %get3A_1037 = arith.index_cast %add3A_1036 : i32 to index
      %get3A_1038 = arith.constant 112 : index
      %get3A_1039 = tpu.vector_load %arg9[%get3A_1037, %get3A_1038] {strides = array<i32>} : memref<80x128xf32, #tpu.memory_space<vmem>>, vector<1x16xf32>,
      %get3A_1040 = vector.shape_cast %get3A_1039 : vector<1x16xf32> to vector<16xf32>
      %add3A_1041 = arith.constant 15 : i32
      %add3A_1042 = arith.addi %mul3A_87, %add3A_1041 : i32
      %get3A_1043 = arith.index_cast %add3A_1042 : i32 to index
      %get3A_1044 = arith.constant 112 : index
      %get3A_1045 = tpu.vector_load %arg9[%get3A_1043, %get3A_1044] {strides = array<i32>} : memref<80x128xf32, #tpu.memory_space<vmem>>, vector<1x16xf32>,
      %get3A_1046 = vector.shape_cast %get3A_1045 : vector<1x16xf32> to vector<16xf32>
      %max3A_1047 = arith.maximumf %get3A_1040, %get3A_1046 : vector<16xf32>
      %max3A_1048 = arith.maximumf %max3A_1034, %max3A_1047 : vector<16xf32>
      %max3A_1049 = arith.maximumf %max3A_1021, %max3A_1048 : vector<16xf32>
      %max3A_1050 = arith.constant 0.000000e+00 : f32
      %max3A_1051 = vector.broadcast %max3A_1050 : f32 to vector<16xf32>
      %max3A_1052 = arith.maximumf %max3A_1049, %max3A_1051 : vector<16xf32>
      %mul3A_1053 = arith.constant 128 : i32
      %mul3A_1054 = arith.muli %scan3A_85, %mul3A_1053 : i32
      %add3A_1055 = arith.constant 112 : i32
      %add3A_1056 = arith.addi %mul3A_1054, %add3A_1055 : i32
      %swap3A_1057 = arith.index_cast %add3A_1056 : i32 to index
      %swap3A_1058 = tpu.vector_load %arg13[%swap3A_1057] {strides = array<i32>} : memref<640xf32, #tpu.memory_space<vmem>>, vector<16xf32>,
      %swap3A_1059 = vector.shape_cast %swap3A_1058 : vector<16xf32> to vector<16xf32>
      %swap3A_1060 = vector.shape_cast %max3A_1052 : vector<16xf32> to vector<16xf32>
      tpu.vector_store %arg13[%swap3A_1057], %swap3A_1060 {strides = array<i32>} : memref<640xf32, #tpu.memory_space<vmem>>, vector<16xf32>,
    }
    %scan3A_62 = arith.constant 5 : i32
    %add3A_63 = arith.constant 620 : i32
    %add3A_64 = arith.addi %mul3A_2, %add3A_63 : i32
    %mul3A_65 = arith.constant 128 : i32
    %mul3A_66 = arith.muli %add3A_64, %mul3A_65 : i32
    %dma_start3A_67 = tpu.memref_slice %arg6[%mul3A_66] : memref<2560000xf32, #tpu.memory_space<hbm>> -> memref<640xf32, #tpu.memory_space<hbm>>
    %dma_start3A_68 = tpu.memref_slice %arg6[%mul3A_66] : memref<2560000xf32, #tpu.memory_space<hbm>> -> memref<640xf32, #tpu.memory_space<hbm>>
    tpu.enqueue_dma source(%arg13 : memref<640xf32, #tpu.memory_space<vmem>>) target(%dma_start3A_68 : memref<640xf32, #tpu.memory_space<hbm>>) target_semaphore(%arg25 : memref<!tpu.dma_semaphore, #tpu.memory_space<semaphore_mem>>)
    %dma_wait3A_69 = arith.constant 0 : i32
    %dma_wait3A_70 = tpu.memref_slice %arg6[%dma_wait3A_69] : memref<2560000xf32, #tpu.memory_space<hbm>> -> memref<640xf32, #tpu.memory_space<hbm>>
    %dma_wait3A_71 = arith.constant 0 : i32
    %dma_wait3A_72 = tpu.memref_slice %arg6[%dma_wait3A_71] : memref<2560000xf32, #tpu.memory_space<hbm>> -> memref<640xf32, #tpu.memory_space<hbm>>
    tpu.wait_dma2 semaphore(%arg25 : memref<!tpu.dma_semaphore, #tpu.memory_space<semaphore_mem>>) src(%arg13 : memref<640xf32, #tpu.memory_space<vmem>>) dst(%dma_wait3A_72 : memref<640xf32, #tpu.memory_space<hbm>>)
    %dma_wait3A_73 = arith.constant 0 : i32
    %dma_wait3A_74 = tpu.memref_slice %arg6[%dma_wait3A_73] : memref<2560000xf32, #tpu.memory_space<hbm>> -> memref<640xf32, #tpu.memory_space<hbm>>
    %dma_wait3A_75 = arith.constant 0 : i32
    %dma_wait3A_76 = tpu.memref_slice %arg6[%dma_wait3A_75] : memref<2560000xf32, #tpu.memory_space<hbm>> -> memref<640xf32, #tpu.memory_space<hbm>>
    tpu.wait_dma2 semaphore(%arg26 : memref<!tpu.dma_semaphore, #tpu.memory_space<semaphore_mem>>) src(%arg14 : memref<640xf32, #tpu.memory_space<vmem>>) dst(%dma_wait3A_76 : memref<640xf32, #tpu.memory_space<hbm>>)
    %dma_wait3A_77 = arith.constant 0 : i32
    %dma_wait3A_78 = tpu.memref_slice %arg6[%dma_wait3A_77] : memref<2560000xf32, #tpu.memory_space<hbm>> -> memref<640xf32, #tpu.memory_space<hbm>>
    %dma_wait3A_79 = arith.constant 0 : i32
    %dma_wait3A_80 = tpu.memref_slice %arg6[%dma_wait3A_79] : memref<2560000xf32, #tpu.memory_space<hbm>> -> memref<640xf32, #tpu.memory_space<hbm>>
    tpu.wait_dma2 semaphore(%arg27 : memref<!tpu.dma_semaphore, #tpu.memory_space<semaphore_mem>>) src(%arg15 : memref<640xf32, #tpu.memory_space<vmem>>) dst(%dma_wait3A_80 : memref<640xf32, #tpu.memory_space<hbm>>)
    %dma_wait3A_81 = arith.constant 0 : i32
    %dma_wait3A_82 = tpu.memref_slice %arg6[%dma_wait3A_81] : memref<2560000xf32, #tpu.memory_space<hbm>> -> memref<640xf32, #tpu.memory_space<hbm>>
    %dma_wait3A_83 = arith.constant 0 : i32
    %dma_wait3A_84 = tpu.memref_slice %arg6[%dma_wait3A_83] : memref<2560000xf32, #tpu.memory_space<hbm>> -> memref<640xf32, #tpu.memory_space<hbm>>
    tpu.wait_dma2 semaphore(%arg28 : memref<!tpu.dma_semaphore, #tpu.memory_space<semaphore_mem>>) src(%arg16 : memref<640xf32, #tpu.memory_space<vmem>>) dst(%dma_wait3A_84 : memref<640xf32, #tpu.memory_space<hbm>>)
    return
  }
}

module attributes {stable_mosaic.version = 14 : i64} {
  func.func @_tc_tables_body(%arg0: i32, %arg1: memref<1x128x10000xf32, #tpu.memory_space<vmem>>, %arg2: memref<128x256xf32, #tpu.memory_space<vmem>>, %arg3: memref<1x128xf32, #tpu.memory_space<vmem>>, %arg4: memref<10000x128xf32, #tpu.memory_space<vmem>>, %arg5: memref<10000x128xf32, #tpu.memory_space<vmem>>) attributes {dimension_semantics = [#tpu.dimension_semantics<arbitrary>], iteration_bounds = array<i64: 2>, scalar_prefetch = 0 : i64, scratch_operands = 0 : i64, tpu.core_type = #tpu.core_type<tc>, window_params = [{transform_indices = @transform_0, window_bounds = array<i64: 1, 128, 10000>}, {pipeline_mode = #tpu.pipeline_mode<synchronous>, transform_indices = @transform_1, window_bounds = array<i64: 128, 256>}, {pipeline_mode = #tpu.pipeline_mode<synchronous>, transform_indices = @transform_2, window_bounds = array<i64: 1, 128>}, {transform_indices = @transform_3, window_bounds = array<i64: 10000, 128>}, {transform_indices = @transform_4, window_bounds = array<i64: 10000, 128>}]} {
    %get3A = arith.constant 0 : index
    %get3A_0 = arith.constant 0 : index
    %get3A_1 = arith.constant 0 : index
    %get3A_2 = vector.load %arg1[%get3A, %get3A_0, %get3A_1] : memref<1x128x10000xf32, #tpu.memory_space<vmem>>, vector<1x128x10000xf32>
    %get3A_3 = vector.shape_cast %get3A_2 : vector<1x128x10000xf32> to vector<128x10000xf32>
    %get3A_4 = arith.constant 0 : index
    %get3A_5 = arith.constant 128 : index
    %get3A_6 = vector.load %arg2[%get3A_4, %get3A_5] : memref<128x256xf32, #tpu.memory_space<vmem>>, vector<128x128xf32>
    %get3A_7 = arith.constant 0 : index
    %get3A_8 = arith.constant 0 : index
    %get3A_9 = vector.load %arg2[%get3A_7, %get3A_8] : memref<128x256xf32, #tpu.memory_space<vmem>>, vector<128x128xf32>
    %sub3A = arith.subf %get3A_9, %get3A_6 : vector<128x128xf32>
    %dot_general3A = arith.constant dense<0.000000e+00> : vector<10000x128xf32>
    %dot_general3A_10 = tpu.matmul %get3A_3, %sub3A, %dot_general3A {dimension_numbers = #tpu.dot_dimension_numbers<[0], [1], [1], [0], [0, 1, 1, 0], [], []>, transpose_lhs_hint = false} : vector<128x10000xf32>, vector<128x128xf32>, vector<10000x128xf32> -> vector<10000x128xf32>
    %swap3A = arith.constant 0 : index
    %swap3A_11 = arith.constant 0 : index
    %swap3A_12 = vector.load %arg4[%swap3A, %swap3A_11] : memref<10000x128xf32, #tpu.memory_space<vmem>>, vector<10000x128xf32>
    tpu.vector_store %arg4[%swap3A, %swap3A_11], %dot_general3A_10 {strides = array<i32>} : memref<10000x128xf32, #tpu.memory_space<vmem>>, vector<10000x128xf32>,
    %dot_general3A_13 = arith.constant dense<0.000000e+00> : vector<10000x128xf32>
    %dot_general3A_14 = tpu.matmul %get3A_3, %get3A_6, %dot_general3A_13 {dimension_numbers = #tpu.dot_dimension_numbers<[0], [1], [1], [0], [0, 1, 1, 0], [], []>, transpose_lhs_hint = false} : vector<128x10000xf32>, vector<128x128xf32>, vector<10000x128xf32> -> vector<10000x128xf32>
    %get3A_15 = arith.constant 0 : index
    %get3A_16 = arith.constant 0 : index
    %get3A_17 = vector.load %arg3[%get3A_15, %get3A_16] : memref<1x128xf32, #tpu.memory_space<vmem>>, vector<1x128xf32>
    %add3A = vector.broadcast %get3A_17 : vector<1x128xf32> to vector<10000x128xf32>
    %add3A_18 = arith.addf %dot_general3A_14, %add3A : vector<10000x128xf32>
    %swap3A_19 = arith.constant 0 : index
    %swap3A_20 = arith.constant 0 : index
    %swap3A_21 = vector.load %arg5[%swap3A_19, %swap3A_20] : memref<10000x128xf32, #tpu.memory_space<vmem>>, vector<10000x128xf32>
    tpu.vector_store %arg5[%swap3A_19, %swap3A_20], %add3A_18 {strides = array<i32>} : memref<10000x128xf32, #tpu.memory_space<vmem>>, vector<10000x128xf32>,
    return
  }
  func.func @transform_0(%arg0: i32) -> (i32, i32, i32) {
    %c0_i32 = arith.constant 0 : i32
    %c0_i32_0 = arith.constant 0 : i32
    %c0_i32_1 = arith.constant 0 : i32
    return %arg0, %c0_i32, %c0_i32_0 : i32, i32, i32
  }
  func.func @transform_1(%arg0: i32) -> (i32, i32) {
    %c0_i32 = arith.constant 0 : i32
    %c0_i32_0 = arith.constant 0 : i32
    %c0_i32_1 = arith.constant 0 : i32
    return %c0_i32, %c0_i32_0 : i32, i32
  }
  func.func @transform_2(%arg0: i32) -> (i32, i32) {
    %c0_i32 = arith.constant 0 : i32
    %c0_i32_0 = arith.constant 0 : i32
    %c0_i32_1 = arith.constant 0 : i32
    return %c0_i32, %c0_i32_0 : i32, i32
  }
  func.func @transform_3(%arg0: i32) -> (i32, i32) {
    %c0_i32 = arith.constant 0 : i32
    %c0_i32_0 = arith.constant 0 : i32
    return %arg0, %c0_i32 : i32, i32
  }
  func.func @transform_4(%arg0: i32) -> (i32, i32) {
    %c0_i32 = arith.constant 0 : i32
    %c0_i32_0 = arith.constant 0 : i32
    return %arg0, %c0_i32 : i32, i32
  }
}

</mosaic_0001>

<sc_bundles>
// kernel: kernel.4.cloned.1.call-start
scs
__scs_entry_jumppad:
0x0: {  	(pc) =	sbr.rel $0x88, $3  }
0x1: {  	(tag) =	ssettag $0x0;
	lr =	simm.s32 $0x1  }
0x2: {  	[smem:$0x3F9D] =	sst lr;
	_ =	strace $0xD0000000  }
0x3: {  	_ = 	snop  }
0x4: {  	_ = 	snop  }
0x5: {  	_ = 	snop  }
0x6: {  	_ = 	snop  }
0x7: {  	_ = 	snop  }
__scs_overlays_trampoline_lowered:
0x8: {  	[smem:$0x3FAC] =	sst s0  }
0x9: {  	[smem:$0x3FAD] =	sst s1  }
0xa: {  	[smem:$0x3FAE] =	sst s2  }
0xb: {  	[smem:$0x3FAF] =	sst s3  }
0xc: {  	[smem:$0x3FB0] =	sst s4  }
0xd: {  	[smem:$0x3FB1] =	sst s5  }
0xe: {  	[smem:$0x3FB2] =	sst s6  }
0xf: {  	[smem:$0x3FB3] =	sst s7  }
0x10: {  	[smem:$0x3FB4] =	sst s8  }
0x11: {  	[smem:$0x3FB5] =	sst s9;
	s0 =	simm.s32 @!p0 $0x0  }
0x12: {  	s1 =	sld [smem:$0x3F9B];
	s0 =	simm.s32 @p0 $0x1  }
0x13: {  	[smem:$0x3FB6] =	sst s0;
	s0 =	simm.s32 @!p1 $0x0  }
0x14: {  	s2 =	sld [smem:$0x3F9A];
	s0 =	simm.s32 @p1 $0x1  }
0x15: {  	[smem:$0x3FB7] =	sst s0;
	s0 =	simm.s32 @!p2 $0x0  }
0x16: {  	s3 =	sld [smem:$0x3FDB];
	s0 =	simm.s32 @p2 $0x1  }
0x17: {  	s4 =	simm.s32 $0x1BF5;
	[smem:$0x3FB9] =	sst s0  }
0x18: {  	s0 =	sld [smem:$0x3F9C];
	_ =	swait.ge [sflag:s4], $0x0  }
0x19: {  	s7 =	sld [smem:$0x3F9D]  }
0x1a: {  	s8 =	sadd.s32 $0xFFFFE003, lr  }
0x1b: {  	s9 =	sadd.s32 $0xFFFFFEF7, lr;
	s5 =	simm.s32 $0xFFFFFFFF;
	p2 =	slt.u32 s8, $0xFFFFF086  }
0x1c: {  	p1 =	slt.u32 s9, $0xF7A;
	s5 =	simm.s32 @!p2 $0x0  }
0x1d: {  	s5 =	simm.s32 @p1 $0x1;
	p0 =	seq.s32 s7, s2  }
0x1e: {  	s7 =	smul.u32 @!p0 $0xF7A, s2;
	p2 =	seq.s32 @!p0 s5, $0x0  }
0x1f: {  	s9 =	smul.u32 $0xF7A, s1;
	s8 =	simm.s32 @!p0 $0x1BF5;
	p2 =	por !p2, p0  }
0x20: {  	[sflag:s8] =	ssyncset.s32 @!p0 $0xFFFFF086;
	s6 =	sadd.s32 @!p0 s3, s7;
	s7 =	simm.s32 @!p0 $0x108  }
0x21: {  	s3 =	sadd.s32 s3, s9;
	s6 =	sadd.s32 @!p0 $0x88, s6;
	s7 =	simm.s32 @p2 $0x1082  }
0x22: {  	[simem:s7], [sflag:s8] =	dma.local @!p0 [hbm:s6], $0xF7A  }
0x23: {  	s9 =	sor.u32 $0xD0000000, s2;
	s6 =	simm.s32 $0x108;
	_ =	swait.ge @!p0 [sflag:s8], $0x0  }
0x24: {  	s3 =	sadd.s32 $0x88, s3;
	s6 =	simm.s32 @!p1 $0x1082;
	[sflag:s4] =	ssyncset.s32 $0xFFFFF086  }
0x25: {  	[simem:s6], [sflag:s4] =	dma.local [hbm:s3], $0xF7A  }
0x26: {  	[smem:$0x3F9D] =	sst s1;
	(tag) =	ssettag s2;
	_ =	strace s9  }
0x27: {  	s1 =	sld [smem:$0x3FAD]  }
0x28: {  	s2 =	sld [smem:$0x3FAE]  }
0x29: {  	s4 =	sld [smem:$0x3FB0]  }
0x2a: {  	p0 =	seq.s32 s5, $0x0;
	s5 =	sld [smem:$0x3FB1]  }
0x2b: {  	s6 =	sld [smem:$0x3FB2]  }
0x2c: {  	s7 =	sld [smem:$0x3FB3]  }
0x2d: {  	s3 =	simm.s32 $0x108;
	s8 =	sld [smem:$0x3FB4]  }
0x2e: {  	s3 =	simm.s32 @!p0 $0x1082;
	s9 =	sld [smem:$0x3FB5]  }
0x2f: {  	lr =	sadd.s32 s0, s3;
	s0 =	sld [smem:$0x3FAC]  }
0x30: {  	s3 =	sld [smem:$0x3FAF]  }
0x31: {  	[smem:$0x3FB8] =	sst s10  }
0x32: {  	s10 =	sld [smem:$0x3FB6];
	_ =	sdelay $0x3  }
0x33: {  	p0 =	seq.s32 s10, $0x1;
	s10 =	sld [smem:$0x3FB8];
	_ =	sdelay $0x3  }
0x34: {  	[smem:$0x3FB8] =	sst s10  }
0x35: {  	s10 =	sld [smem:$0x3FB7];
	_ =	sdelay $0x3  }
0x36: {  	p1 =	seq.s32 s10, $0x1;
	s10 =	sld [smem:$0x3FB8];
	_ =	sdelay $0x3  }
0x37: {  	[smem:$0x3FB8] =	sst s10  }
0x38: {  	s10 =	sld [smem:$0x3FB9]  }
0x39: {  	_ = 	snop;
	(pc) =	sbr.ind lr, $3  }
0x3a: {  	_ = 	snop  }
0x3b: {  	_ = 	snop  }
0x3c: {  	p2 =	seq.s32 s10, $0x1;
	s10 =	sld [smem:$0x3FB8]  }
0x3d: {  	_ =	shalt  }
0x3e: {  	_ =	shalt  }
0x3f: {  	_ =	shalt  }
0x40: {  	_ =	shalt  }
0x41: {  	_ =	shalt  }
0x42: {  	_ =	shalt  }
0x43: {  	_ =	shalt  }
0x44: {  	_ =	shalt  }
0x45: {  	_ =	shalt  }
0x46: {  	_ =	shalt  }
0x47: {  	_ =	shalt  }
0x48: {  	_ =	shalt  }
0x49: {  	_ =	shalt  }
0x4a: {  	_ =	shalt  }
0x4b: {  	_ =	shalt  }
0x4c: {  	_ =	shalt  }
0x4d: {  	_ =	shalt  }
0x4e: {  	_ =	shalt  }
0x4f: {  	_ =	shalt  }
0x50: {  	_ =	shalt  }
0x51: {  	_ =	shalt  }
0x52: {  	_ =	shalt  }
0x53: {  	_ =	shalt  }
0x54: {  	_ =	shalt  }
0x55: {  	_ =	shalt  }
0x56: {  	_ =	shalt  }
0x57: {  	_ =	shalt  }
0x58: {  	_ =	shalt  }
0x59: {  	_ =	shalt  }
0x5a: {  	_ =	shalt  }
0x5b: {  	_ =	shalt  }
0x5c: {  	_ =	shalt  }
0x5d: {  	_ =	shalt  }
0x5e: {  	_ =	shalt  }
0x5f: {  	_ =	shalt  }
0x60: {  	_ =	shalt  }
0x61: {  	_ =	shalt  }
0x62: {  	_ =	shalt  }
0x63: {  	_ =	shalt  }
0x64: {  	_ =	shalt  }
0x65: {  	_ =	shalt  }
0x66: {  	_ =	shalt  }
0x67: {  	_ =	shalt  }
0x68: {  	_ =	shalt  }
0x69: {  	_ =	shalt  }
0x6a: {  	_ =	shalt  }
0x6b: {  	_ =	shalt  }
0x6c: {  	_ =	shalt  }
0x6d: {  	_ =	shalt  }
0x6e: {  	_ =	shalt  }
0x6f: {  	_ =	shalt  }
0x70: {  	_ =	shalt  }
0x71: {  	_ =	shalt  }
0x72: {  	_ =	shalt  }
0x73: {  	_ =	shalt  }
0x74: {  	_ =	shalt  }
0x75: {  	_ =	shalt  }
0x76: {  	_ =	shalt  }
0x77: {  	_ =	shalt  }
0x78: {  	_ =	shalt  }
0x79: {  	_ =	shalt  }
0x7a: {  	_ =	shalt  }
0x7b: {  	_ =	shalt  }
0x7c: {  	_ =	shalt  }
0x7d: {  	_ =	shalt  }
0x7e: {  	_ =	shalt  }
0x7f: {  	_ =	shalt  }
0x80: {  	_ =	shalt  }
0x81: {  	_ =	shalt  }
0x82: {  	_ =	shalt  }
0x83: {  	_ =	shalt  }
0x84: {  	_ =	shalt  }
0x85: {  	_ =	shalt  }
0x86: {  	_ =	shalt  }
0x87: {  	_ =	shalt  }
.Lfunc_end0:
.L_simem_size_0:
called_computation_lowered:
.L_overlay_start_0:
0x88: {  	s2 =	sld [smem:$0x3FD9]  }
0x89: {  	s3 =	sld [smem:$0x3FFE];
	_ =	sdelay $0x1  }
0x8a: {  	s1 =	srdreg.scid  }
0x8b: {  	s0 =	sand.u32 $0x1, s1  }
0x8c: {  	s17 =	sshll.u32 s0, $0xA;
	s2 =	sadd.s32 s3, s2  }
0x8d: {  	s2 =	sadd.s32 s2, s17  }
0x8e: {  	[smem:$0x3FC4] =	sst s2  }
0x8f: {  	_ = 	snop  }
0x90: {  	s2 =	sld [smem:$0x3FD0];
	(tm) =	ssettm $0x1  }
0x91: {  	s18 =	sld [smem:$0x3FFB];
	_ =	sdelay $0x3  }
0x92: {  	_ =	strace s18  }
0x93: {  	s3 =	sld [smem:$0x3FFC];
	_ =	sdelay $0x3  }
0x94: {  	_ =	strace s3  }
0x95: {  	s3 =	sld [smem:$0x3FFD];
	_ =	sdelay $0x3  }
0x96: {  	_ =	strace s3  }
0x97: {  	_ =	strace $0x8FFFFFFF  }
0x98: {  	s19 =	sld [smem:$0x3FDB];
	_ =	sdelay $0x1  }
0x99: {  	s4 =	simm.s32 $_scs_section_size  }
0x9a: {  	s5 =	simm.s32 $_size__tile_overlayer_lowered;
	s6 =	simm.s32 $_tile_overlayer_lowered  }
0x9b: {  	s22 =	simm.s32 $0x1BFF;
	s21 =	sshll.u32 s6, $0x1;
	s3 =	sadd.s32 s4, s19  }
0x9c: {  	s7 =	simm.s32 $0x0;
	s20 =	sshll.u32 s5, $0x1;
	s5 =	sadd.s32 s21, s3  }
0x9d: {  	[timem:s7], [sflag:s22] =	dma.local [hbm:s5], s20  }
0x9e: {  	_ =	swait.ge [sflag:s22], s20  }
0x9f: {  	s4 =	ssub.s32 $0x0, s20;
	[sflag:s22] =	ssyncset.done $0x0  }
0xa0: {  	[sflag:s22] =	ssyncadd.s32 s4;
	_ =	sdelay $0x1  }
0xa1: {  	s23 =	simm.s32 $0x1B8B  }
0xa2: {  	_ =	swait.ge [sflag:s23], $0x1  }
0xa3: {  	[sflag:s23] =	ssyncset.done $0x0  }
0xa4: {  	s25 =	simm.s32 $0x1B8E;
	s24 =	sld [smem:$0x3FFE];
	[sflag:s23] =	ssyncadd.s32 $0xFFFFFFFF  }
0xa5: {  	s26 =	simm.s32 $execute0_lowered;
	[smem:$0x3FD2] =	sst s25  }
0xa6: {  	s5 =	sshll.u32 s26, $0x1;
	_ =	strace $0x80000046;
	[dreg:$0x1] =	wrdreg $0xFFFFFFFF  }
0xa7: {  	s28 =	simm.s32 $_size_execute0_lowered;
	s3 =	sadd.s32 s3, s5;
	[dreg:$0x0] =	wrdreg $0x0  }
0xa8: {  	s5 =	sshll.u32 s28, $0x1;
	[dreg:$0x2] =	wrdreg s3  }
0xa9: {  	[dreg:$0x3] =	wrdreg s5  }
0xaa: {  	[dreg:$0x4] =	wrdreg $0xC0  }
0xab: {  	_ =	task [dreg:s7], $0x5FFFF  }
0xac: {  	[dreg:$0x1] =	wrdreg $0xFFFFFFFF  }
0xad: {  	[dreg:$0x0] =	wrdreg $0x60  }
0xae: {  	[dreg:$0x2] =	wrdreg s24  }
0xaf: {  	[dreg:$0x3] =	wrdreg s2  }
0xb0: {  	[dreg:$0x4] =	wrdreg $0x9  }
0xb1: {  	_ =	task.clear_ibuf [dreg:s7], $0x5FFFF;
	_ =	strace $0x90000046  }
0xb2: {  	s29 =	simm.s32 $0x9;
	_ =	strace $0x80000048  }
0xb3: {  	_ =	swait.ge [sflag:s29], $0x1  }
0xb4: {  	[sflag:s29] =	ssyncadd.s32 $0xFFFFFFFF  }
0xb5: {  	_ =	strace $0x90000048  }
0xb6: {  	_ =	sfence  }
0xb7: {  	s30 =	sld [smem:$0x0];
	_ =	sdelay $0x2  }
0xb8: {  	s31 =	sshll.u32 s1, $0xD;
	s1 =	sshrl.u32 s1, $0x2  }
0xb9: {  	s3 =	sand.u32 $0x4000, s31;
	s1 =	sadd.s32 s1, s30  }
0xba: {  	s0 =	sor.u32 s3, s0;
	s1 =	sshll.u32 s1, $0x11  }
0xbb: {  	s0 =	sor.u32 s1, s0  }
0xbc: {  	s0 =	sadd.s32 $0x8F2B, s0  }
0xbd: {  	[sflag:s0] =	ssyncadd.remote.s32 $0x1  }
0xbe: {  	_ =	sfence.sel $0xFFFF  }
0xbf: {  	[dreg:$0x0] =	wrdreg $0xFFFFFFFF;
	(pc) =	sbr.abs _section_cstart, $3  }
0xc0: {  	[dreg:$0x1] =	wrdreg $0xFFFFFFFF  }
0xc1: {  	_ =	task.clear_ibuf [dreg:s7], $0x2FFFF;
	_ =	strace $0x9FFFFFFF  }
0xc2: {  	(tm) =	ssettm $0x7FFFFFFF  }
0xc3: {  	_ =	shalt  }
tec
execute0_lowered:
.L_overlay_start_1:
0x0: {  	(tag) =	ssettag $0x1  }
0x1: {  	s0 =	rddreg [dreg:$0x0]  }
0x2: {  	s2 =	rddreg [dreg:$0x1]  }
0x3: {  	s1 =	srdreg.scid;
	s4 =	stileid.u32  }
0x4: {  	s3 =	simm.s32 $0x0;
	s14 =	simm.s32 $0x50;
	s15 =	simm.s32 $0x4F00  }
0x5: {  	s18 =	simm.s32 $0x9F00;
	s20 =	simm.s32 $0xC700;
	s21 =	simm.s32 $0x1  }
0x6: {  	s22 =	simm.s32 $0x2;
	s28 =	simm.s32 $0x4;
	s29 =	simm.s32 $0x6  }
0x7: {  	s31 =	simm.s32 $0x7;
	s1 =	sand.u32 $0x1, s1;
	s4 =	sshll.u32 s4, $0x1  }
0x8: {  	s17 =	simm.s32 $0xC;
	s19 =	simm.s32 $0xF680;
	s6 =	sor.u32 s1, s4  }
0x9: {  	[smem:$0x7FF] =	sst s3;
	s5 =	sadd.s32 $0x64A00, s0;
	s7 =	smul.u32 $0x4E2, s6  }
0xa: {  	_ =	strace $0x80000047;
	s1 =	ssub.s32 $0x2, s1;
	s8 =	smul.u32 $0x13880, s6  }
0xb: {  	s4 =	sadd.s32 $0x1E00, s0;
	s23 =	sshrl.u32 s1, $0x1;
	s6 =	smul.u32 $0x271, s6  }
0xc: {  	s1 =	ssub.s32 s1, s23;
	s0 =	sadd.s32 s7, s0;
	s24 =	sshrl.u32 s8, $0x3  }
0xd: {  	s9 =	sadd.s32 $0x5, s6;
	s30 =	smax.u32 s1, $0x1;
	s1 =	simm.s32 $0x8  }
0xe: {  	s7 =	simm.s32 $0x0;
	s25 =	sadd.s32 $0x5AC00, s0;
	[dreg:$0x6] =	wrdreg s30  }
0xf: {  	s0 =	sadd.s32 $0x50E00, s0;
	s26 =	sadd.s32 s2, s24;
	[dreg:$0x3] =	wrdreg s25  }
0x10: {  	s24 =	simm.s32 $0x3;
	[dreg:$0x4] =	wrdreg s0;
	s0 =	sadd.s32 $0x26C0, s26  }
0x11: {  	s25 =	simm.s32 $0x5;
	s26 =	simm.s32 $0xEF00;
	[dreg:$0x5] =	wrdreg s0  }
.LBB2_1:
0x12: {  	[dreg:$0x7] =	wrdreg s7  }
0x13: {  	s0 =	rddreg [dreg:$0x3];
	s11 =	simm.s32 $0xD  }
0x14: {  	[tilespmem:s3], [sflag:$0xD] =	stream.linear.gather [hbm4b:s0+s3], $0x2710, $0x38;
	[tilespmem:$0xF900] =	vst v63  }
0x15: {  	_ =	swait.ge [sflag:s11], $0x2710  }
0x16: {  	[sflag:s11] =	ssyncset.done $0x0  }
0x17: {  	s8 =	simm.s32 $0x2780;
	s12 =	rddreg [dreg:$0x4];
	[sflag:s11] =	ssyncadd.s32 $0xFFFFD8F0  }
0x18: {  	[tilespmem:s8], [sflag:$0xD] =	stream.linear.gather [hbm4b:s12+s3], $0x2710, $0x38;
	[tilespmem:$0xF900] =	vst v63  }
0x19: {  	_ =	swait.ge [sflag:s11], $0x2710  }
0x1a: {  	[sflag:s11] =	ssyncset.done $0x0  }
0x1b: {  	[sflag:s11] =	ssyncadd.s32 $0xFFFFD8F0  }
0x1c: {  	[tilespmem:s15], [sflag:$0x1] =	stream.indirect.gather [hbm4b:s4+s14], $0x80, s3, s14, $0xb8;
	[tilespmem:$0xF900] =	vst v63  }
0x1d: {  	s13 =	simm.s32 $0x7700  }
0x1e: {  	[tilespmem:s13], [sflag:$0x2] =	stream.indirect.gather [hbm4b:s4+s14], $0x80, s14, s14, $0xb8;
	[tilespmem:$0xF900] =	vst v63  }
0x1f: {  	s16 =	simm.s32 $0xA0  }
0x20: {  	[tilespmem:s18], [sflag:$0x3] =	stream.indirect.gather [hbm4b:s4+s14], $0x80, s16, s14, $0xb8;
	[tilespmem:$0xF900] =	vst v63  }
0x21: {  	s23 =	simm.s32 $0xF0  }
0x22: {  	[tilespmem:s20], [sflag:$0x4] =	stream.indirect.gather [hbm4b:s4+s14], $0x80, s23, s14, $0xb8;
	[tilespmem:$0xF900] =	vst v63  }
0x23: {  	_ =	swait.ge [sflag:s21], $0x2800  }
0x24: {  	[sflag:s21] =	ssyncset.done $0x0  }
0x25: {  	[sflag:s21] =	ssyncadd.s32 $0xFFFFD800  }
0x26: {  	[tilespmem:s15], [sflag:$0x5] =	stream.indirect.gather.add.f32 [hbm:s5], $0x80, s8, s14, $0xb8;
	[tilespmem:$0xF900] =	vst v63  }
0x27: {  	_ =	swait.ge [sflag:s22], $0x2800  }
0x28: {  	[sflag:s22] =	ssyncset.done $0x0  }
0x29: {  	s30 =	simm.s32 $0x27D0;
	s10 =	simm.s32 $0x0;
	[sflag:s22] =	ssyncadd.s32 $0xFFFFD800  }
0x2a: {  	[tilespmem:s13], [sflag:$0x6] =	stream.indirect.gather.add.f32 [hbm:s5], $0x80, s30, s14, $0xb8;
	[tilespmem:$0xF900] =	vst v63  }
.LBB2_2:
0x2b: {  	s12 =	sshll.u32 s10, $0x2  }
0x2c: {  	s7 =	sor.u32 $0x2, s12  }
0x2d: {  	s0 =	smul.u32 $0x140, s7  }
0x2e: {  	_ =	swait.ge [sflag:s24], $0x2800  }
0x2f: {  	[sflag:s24] =	ssyncset.done $0x0;
	s0 =	sshra.s32 s0, $0x2  }
0x30: {  	[sflag:s24] =	ssyncadd.s32 $0xFFFFD800;
	s0 =	sadd.s32 $0x2780, s0  }
0x31: {  	[tilespmem:s18], [sflag:$0x7] =	stream.indirect.gather.add.f32 [hbm:s5], $0x80, s0, s14, $0xb8;
	[tilespmem:$0xF900] =	vst v63  }
0x32: {  	_ =	swait.ge [sflag:s25], $0x2800  }
0x33: {  	p0 =	seq.s32 s10, $0x0;
	[sflag:s25] =	ssyncset.done $0x0  }
0x34: {  	s0 =	simm.s32 @!p0 $0x9;
	[sflag:s25] =	ssyncadd.s32 $0xFFFFD800  }
0x35: {  	_ =	swait.ge @!p0 [sflag:s0], $0x280  }
0x36: {  	[sflag:s0] =	ssyncset.done @!p0 $0x0  }
0x37: {  	s8 =	simm.s32 $0x0;
	s11 =	simm.s32 $0x5300;
	[sflag:s0] =	ssyncadd.s32 @!p0 $0xFFFFFD80  }
.LBB2_3:
0x38: {  	v0 =	vld [tilespmem:s11+$0xFFFFFC00]  }
0x39: {  	v1 =	vld [tilespmem:s11+$0xFFFFFC80]  }
0x3a: {  	v2 =	vld [tilespmem:s11+$0xFFFFFD00]  }
0x3b: {  	v3 =	vld [tilespmem:s11+$0xFFFFFD80]  }
0x3c: {  	v4 =	vld [tilespmem:s11+$0xFFFFFE00]  }
0x3d: {  	v5 =	vld [tilespmem:s11+$0xFFFFFE80]  }
0x3e: {  	v6 =	vld [tilespmem:s11+$0xFFFFFF00]  }
0x3f: {  	v7 =	vld [tilespmem:s11+$0xFFFFFF80]  }
0x40: {  	v8 =	vld [tilespmem:s11+$0x0]  }
0x41: {  	v9 =	vld [tilespmem:s11+$0x80]  }
0x42: {  	v10 =	vld [tilespmem:s11+$0x100]  }
0x43: {  	v11 =	vld [tilespmem:s11+$0x180]  }
0x44: {  	v12 =	vld [tilespmem:s11+$0x200]  }
0x45: {  	v13 =	vld [tilespmem:s11+$0x280]  }
0x46: {  	v14 =	vld [tilespmem:s11+$0x300]  }
0x47: {  	v15 =	vld [tilespmem:s11+$0x380];
	_ =	sdelay $0x1  }
0x48: {  	v0 =	vmax.f32 v0, v1;
	v25 =	vmax.f32 v2, v3;
	v26 =	vmax.f32 v4, v5  }
0x49: {  	v27 =	vmax.f32 v6, v7;
	v29 =	vmax.f32 v8, v9;
	v30 =	vmax.f32 v10, v11  }
0x4a: {  	v31 =	vmax.f32 v12, v13;
	v0 =	vmax.f32 v0, v25;
	v28 =	vmax.f32 v26, v27  }
0x4b: {  	v32 =	vmax.f32 v14, v15;
	v1 =	vmax.f32 v29, v30;
	v0 =	vmax.f32 v0, v28  }
0x4c: {  	v33 =	vmax.f32 v31, v32;
	v0 =	vmax.f32 v0, v1  }
0x4d: {  	v0 =	vmax.f32 v0, v33  }
0x4e: {  	s13 =	sshra.s32 s8, $0x2;
	v0 =	vmax.f32 v0, $0.0e+00  }
0x4f: {  	[tilespmem:s13+$0xEF00] =	vst v0  }
0x50: {  	v0 =	vld [tilespmem:s11+$0xFFFFFC10]  }
0x51: {  	v34 =	vld [tilespmem:s11+$0xFFFFFC90]  }
0x52: {  	v35 =	vld [tilespmem:s11+$0xFFFFFD10]  }
0x53: {  	v36 =	vld [tilespmem:s11+$0xFFFFFD90]  }
0x54: {  	v37 =	vld [tilespmem:s11+$0xFFFFFE10]  }
0x55: {  	v38 =	vld [tilespmem:s11+$0xFFFFFE90]  }
0x56: {  	v39 =	vld [tilespmem:s11+$0xFFFFFF10]  }
0x57: {  	v40 =	vld [tilespmem:s11+$0xFFFFFF90]  }
0x58: {  	v41 =	vld [tilespmem:s11+$0x10]  }
0x59: {  	v42 =	vld [tilespmem:s11+$0x90]  }
0x5a: {  	v43 =	vld [tilespmem:s11+$0x110]  }
0x5b: {  	v44 =	vld [tilespmem:s11+$0x190]  }
0x5c: {  	v45 =	vld [tilespmem:s11+$0x210]  }
0x5d: {  	v46 =	vld [tilespmem:s11+$0x290]  }
0x5e: {  	v47 =	vld [tilespmem:s11+$0x310]  }
0x5f: {  	v48 =	vld [tilespmem:s11+$0x390];
	_ =	sdelay $0x1  }
0x60: {  	v0 =	vmax.f32 v0, v34;
	v49 =	vmax.f32 v35, v36;
	v50 =	vmax.f32 v37, v38  }
0x61: {  	v51 =	vmax.f32 v39, v40;
	v53 =	vmax.f32 v41, v42;
	v54 =	vmax.f32 v43, v44  }
0x62: {  	v55 =	vmax.f32 v45, v46;
	v0 =	vmax.f32 v0, v49;
	v52 =	vmax.f32 v50, v51  }
0x63: {  	v56 =	vmax.f32 v47, v48;
	v1 =	vmax.f32 v53, v54;
	v0 =	vmax.f32 v0, v52  }
0x64: {  	v57 =	vmax.f32 v55, v56;
	v0 =	vmax.f32 v0, v1  }
0x65: {  	v0 =	vmax.f32 v0, v57  }
0x66: {  	v0 =	vmax.f32 v0, $0.0e+00  }
0x67: {  	[tilespmem:s13+$0xEF10] =	vst v0  }
0x68: {  	v0 =	vld [tilespmem:s11+$0xFFFFFC20]  }
0x69: {  	v58 =	vld [tilespmem:s11+$0xFFFFFCA0]  }
0x6a: {  	v59 =	vld [tilespmem:s11+$0xFFFFFD20]  }
0x6b: {  	v60 =	vld [tilespmem:s11+$0xFFFFFDA0]  }
0x6c: {  	v61 =	vld [tilespmem:s11+$0xFFFFFE20]  }
0x6d: {  	v62 =	vld [tilespmem:s11+$0xFFFFFEA0]  }
0x6e: {  	v63 =	vld [tilespmem:s11+$0xFFFFFF20]  }
0x6f: {  	v18 =	vld [tilespmem:s11+$0xFFFFFFA0]  }
0x70: {  	v19 =	vld [tilespmem:s11+$0x20]  }
0x71: {  	v20 =	vld [tilespmem:s11+$0xA0]  }
0x72: {  	v21 =	vld [tilespmem:s11+$0x120]  }
0x73: {  	v22 =	vld [tilespmem:s11+$0x1A0]  }
0x74: {  	v23 =	vld [tilespmem:s11+$0x220]  }
0x75: {  	v24 =	vld [tilespmem:s11+$0x2A0]  }
0x76: {  	v25 =	vld [tilespmem:s11+$0x320]  }
0x77: {  	v26 =	vld [tilespmem:s11+$0x3A0];
	_ =	sdelay $0x1  }
0x78: {  	v0 =	vmax.f32 v0, v58;
	v27 =	vmax.f32 v59, v60;
	v28 =	vmax.f32 v61, v62  }
0x79: {  	v29 =	vmax.f32 v63, v18;
	v31 =	vmax.f32 v19, v20;
	v32 =	vmax.f32 v21, v22  }
0x7a: {  	v33 =	vmax.f32 v23, v24;
	v0 =	vmax.f32 v0, v27;
	v30 =	vmax.f32 v28, v29  }
0x7b: {  	v34 =	vmax.f32 v25, v26;
	v1 =	vmax.f32 v31, v32;
	v0 =	vmax.f32 v0, v30  }
0x7c: {  	v35 =	vmax.f32 v33, v34;
	v0 =	vmax.f32 v0, v1  }
0x7d: {  	v0 =	vmax.f32 v0, v35  }
0x7e: {  	v0 =	vmax.f32 v0, $0.0e+00  }
0x7f: {  	[tilespmem:s13+$0xEF20] =	vst v0  }
0x80: {  	v0 =	vld [tilespmem:s11+$0xFFFFFC30]  }
0x81: {  	v36 =	vld [tilespmem:s11+$0xFFFFFCB0]  }
0x82: {  	v37 =	vld [tilespmem:s11+$0xFFFFFD30]  }
0x83: {  	v38 =	vld [tilespmem:s11+$0xFFFFFDB0]  }
0x84: {  	v39 =	vld [tilespmem:s11+$0xFFFFFE30]  }
0x85: {  	v40 =	vld [tilespmem:s11+$0xFFFFFEB0]  }
0x86: {  	v41 =	vld [tilespmem:s11+$0xFFFFFF30]  }
0x87: {  	v42 =	vld [tilespmem:s11+$0xFFFFFFB0]  }
0x88: {  	v43 =	vld [tilespmem:s11+$0x30]  }
0x89: {  	v44 =	vld [tilespmem:s11+$0xB0]  }
0x8a: {  	v45 =	vld [tilespmem:s11+$0x130]  }
0x8b: {  	v46 =	vld [tilespmem:s11+$0x1B0]  }
0x8c: {  	v47 =	vld [tilespmem:s11+$0x230]  }
0x8d: {  	v48 =	vld [tilespmem:s11+$0x2B0]  }
0x8e: {  	v49 =	vld [tilespmem:s11+$0x330]  }
0x8f: {  	v50 =	vld [tilespmem:s11+$0x3B0];
	_ =	sdelay $0x1  }
0x90: {  	v0 =	vmax.f32 v0, v36;
	v51 =	vmax.f32 v37, v38;
	v52 =	vmax.f32 v39, v40  }
0x91: {  	v53 =	vmax.f32 v41, v42;
	v55 =	vmax.f32 v43, v44;
	v56 =	vmax.f32 v45, v46  }
0x92: {  	v57 =	vmax.f32 v47, v48;
	v0 =	vmax.f32 v0, v51;
	v54 =	vmax.f32 v52, v53  }
0x93: {  	v58 =	vmax.f32 v49, v50;
	v1 =	vmax.f32 v55, v56;
	v0 =	vmax.f32 v0, v54  }
0x94: {  	v59 =	vmax.f32 v57, v58;
	v0 =	vmax.f32 v0, v1  }
0x95: {  	v0 =	vmax.f32 v0, v59  }
0x96: {  	v0 =	vmax.f32 v0, $0.0e+00  }
0x97: {  	[tilespmem:s13+$0xEF30] =	vst v0  }
0x98: {  	v0 =	vld [tilespmem:s11+$0xFFFFFC40]  }
0x99: {  	v60 =	vld [tilespmem:s11+$0xFFFFFCC0]  }
0x9a: {  	v61 =	vld [tilespmem:s11+$0xFFFFFD40]  }
0x9b: {  	v62 =	vld [tilespmem:s11+$0xFFFFFDC0]  }
0x9c: {  	v63 =	vld [tilespmem:s11+$0xFFFFFE40]  }
0x9d: {  	v18 =	vld [tilespmem:s11+$0xFFFFFEC0]  }
0x9e: {  	v19 =	vld [tilespmem:s11+$0xFFFFFF40]  }
0x9f: {  	v20 =	vld [tilespmem:s11+$0xFFFFFFC0]  }
0xa0: {  	v21 =	vld [tilespmem:s11+$0x40]  }
0xa1: {  	v22 =	vld [tilespmem:s11+$0xC0]  }
0xa2: {  	v23 =	vld [tilespmem:s11+$0x140]  }
0xa3: {  	v24 =	vld [tilespmem:s11+$0x1C0]  }
0xa4: {  	v25 =	vld [tilespmem:s11+$0x240]  }
0xa5: {  	v26 =	vld [tilespmem:s11+$0x2C0]  }
0xa6: {  	v27 =	vld [tilespmem:s11+$0x340]  }
0xa7: {  	v28 =	vld [tilespmem:s11+$0x3C0];
	_ =	sdelay $0x1  }
0xa8: {  	v0 =	vmax.f32 v0, v60;
	v29 =	vmax.f32 v61, v62;
	v30 =	vmax.f32 v63, v18  }
0xa9: {  	v31 =	vmax.f32 v19, v20;
	v33 =	vmax.f32 v21, v22;
	v34 =	vmax.f32 v23, v24  }
0xaa: {  	v35 =	vmax.f32 v25, v26;
	v0 =	vmax.f32 v0, v29;
	v32 =	vmax.f32 v30, v31  }
0xab: {  	v36 =	vmax.f32 v27, v28;
	v1 =	vmax.f32 v33, v34;
	v0 =	vmax.f32 v0, v32  }
0xac: {  	v37 =	vmax.f32 v35, v36;
	v0 =	vmax.f32 v0, v1  }
0xad: {  	v0 =	vmax.f32 v0, v37  }
0xae: {  	v0 =	vmax.f32 v0, $0.0e+00  }
0xaf: {  	[tilespmem:s13+$0xEF40] =	vst v0  }
0xb0: {  	v0 =	vld [tilespmem:s11+$0xFFFFFC50]  }
0xb1: {  	v38 =	vld [tilespmem:s11+$0xFFFFFCD0]  }
0xb2: {  	v39 =	vld [tilespmem:s11+$0xFFFFFD50]  }
0xb3: {  	v40 =	vld [tilespmem:s11+$0xFFFFFDD0]  }
0xb4: {  	v41 =	vld [tilespmem:s11+$0xFFFFFE50]  }
0xb5: {  	v42 =	vld [tilespmem:s11+$0xFFFFFED0]  }
0xb6: {  	v43 =	vld [tilespmem:s11+$0xFFFFFF50]  }
0xb7: {  	v44 =	vld [tilespmem:s11+$0xFFFFFFD0]  }
0xb8: {  	v45 =	vld [tilespmem:s11+$0x50]  }
0xb9: {  	v46 =	vld [tilespmem:s11+$0xD0]  }
0xba: {  	v47 =	vld [tilespmem:s11+$0x150]  }
0xbb: {  	v48 =	vld [tilespmem:s11+$0x1D0]  }
0xbc: {  	v49 =	vld [tilespmem:s11+$0x250]  }
0xbd: {  	v50 =	vld [tilespmem:s11+$0x2D0]  }
0xbe: {  	v51 =	vld [tilespmem:s11+$0x350]  }
0xbf: {  	v52 =	vld [tilespmem:s11+$0x3D0];
	_ =	sdelay $0x1  }
0xc0: {  	v0 =	vmax.f32 v0, v38;
	v53 =	vmax.f32 v39, v40;
	v54 =	vmax.f32 v41, v42  }
0xc1: {  	v55 =	vmax.f32 v43, v44;
	v57 =	vmax.f32 v45, v46;
	v58 =	vmax.f32 v47, v48  }
0xc2: {  	v59 =	vmax.f32 v49, v50;
	v0 =	vmax.f32 v0, v53;
	v56 =	vmax.f32 v54, v55  }
0xc3: {  	v60 =	vmax.f32 v51, v52;
	v1 =	vmax.f32 v57, v58;
	v0 =	vmax.f32 v0, v56  }
0xc4: {  	v61 =	vmax.f32 v59, v60;
	v0 =	vmax.f32 v0, v1  }
0xc5: {  	v0 =	vmax.f32 v0, v61  }
0xc6: {  	v0 =	vmax.f32 v0, $0.0e+00  }
0xc7: {  	[tilespmem:s13+$0xEF50] =	vst v0  }
0xc8: {  	v0 =	vld [tilespmem:s11+$0xFFFFFC60]  }
0xc9: {  	v62 =	vld [tilespmem:s11+$0xFFFFFCE0]  }
0xca: {  	v63 =	vld [tilespmem:s11+$0xFFFFFD60]  }
0xcb: {  	v18 =	vld [tilespmem:s11+$0xFFFFFDE0]  }
0xcc: {  	v19 =	vld [tilespmem:s11+$0xFFFFFE60]  }
0xcd: {  	v20 =	vld [tilespmem:s11+$0xFFFFFEE0]  }
0xce: {  	v21 =	vld [tilespmem:s11+$0xFFFFFF60]  }
0xcf: {  	v22 =	vld [tilespmem:s11+$0xFFFFFFE0]  }
0xd0: {  	v23 =	vld [tilespmem:s11+$0x60]  }
0xd1: {  	v24 =	vld [tilespmem:s11+$0xE0]  }
0xd2: {  	v25 =	vld [tilespmem:s11+$0x160]  }
0xd3: {  	v26 =	vld [tilespmem:s11+$0x1E0]  }
0xd4: {  	v27 =	vld [tilespmem:s11+$0x260]  }
0xd5: {  	v28 =	vld [tilespmem:s11+$0x2E0]  }
0xd6: {  	v29 =	vld [tilespmem:s11+$0x360]  }
0xd7: {  	v30 =	vld [tilespmem:s11+$0x3E0];
	_ =	sdelay $0x1  }
0xd8: {  	v0 =	vmax.f32 v0, v62;
	v31 =	vmax.f32 v63, v18;
	v32 =	vmax.f32 v19, v20  }
0xd9: {  	v33 =	vmax.f32 v21, v22;
	v35 =	vmax.f32 v23, v24;
	v36 =	vmax.f32 v25, v26  }
0xda: {  	v37 =	vmax.f32 v27, v28;
	v0 =	vmax.f32 v0, v31;
	v34 =	vmax.f32 v32, v33  }
0xdb: {  	v38 =	vmax.f32 v29, v30;
	v1 =	vmax.f32 v35, v36;
	v0 =	vmax.f32 v0, v34  }
0xdc: {  	v39 =	vmax.f32 v37, v38;
	v0 =	vmax.f32 v0, v1  }
0xdd: {  	v0 =	vmax.f32 v0, v39  }
0xde: {  	v0 =	vmax.f32 v0, $0.0e+00  }
0xdf: {  	[tilespmem:s13+$0xEF60] =	vst v0  }
0xe0: {  	v0 =	vld [tilespmem:s11+$0xFFFFFC70]  }
0xe1: {  	v40 =	vld [tilespmem:s11+$0xFFFFFCF0]  }
0xe2: {  	v41 =	vld [tilespmem:s11+$0xFFFFFD70]  }
0xe3: {  	v42 =	vld [tilespmem:s11+$0xFFFFFDF0]  }
0xe4: {  	v43 =	vld [tilespmem:s11+$0xFFFFFE70]  }
0xe5: {  	v44 =	vld [tilespmem:s11+$0xFFFFFEF0]  }
0xe6: {  	v45 =	vld [tilespmem:s11+$0xFFFFFF70]  }
0xe7: {  	v46 =	vld [tilespmem:s11+$0xFFFFFFF0]  }
0xe8: {  	v47 =	vld [tilespmem:s11+$0x70]  }
0xe9: {  	v48 =	vld [tilespmem:s11+$0xF0]  }
0xea: {  	v49 =	vld [tilespmem:s11+$0x170]  }
0xeb: {  	v50 =	vld [tilespmem:s11+$0x1F0]  }
0xec: {  	v51 =	vld [tilespmem:s11+$0x270]  }
0xed: {  	v52 =	vld [tilespmem:s11+$0x2F0]  }
0xee: {  	v53 =	vld [tilespmem:s11+$0x370]  }
0xef: {  	v54 =	vld [tilespmem:s11+$0x3F0];
	_ =	sdelay $0x1  }
0xf0: {  	v0 =	vmax.f32 v0, v40;
	v55 =	vmax.f32 v41, v42;
	v56 =	vmax.f32 v43, v44  }
0xf1: {  	v57 =	vmax.f32 v45, v46;
	v59 =	vmax.f32 v47, v48;
	v60 =	vmax.f32 v49, v50  }
0xf2: {  	p1 =	sne.s32 s8, $0x800;
	v61 =	vmax.f32 v51, v52;
	v0 =	vmax.f32 v0, v55;
	v58 =	vmax.f32 v56, v57  }
.Ltmp0:
0xf3: {  	v62 =	vmax.f32 v53, v54;
	v1 =	vmax.f32 v59, v60;
	v0 =	vmax.f32 v0, v58;
	(pc) =	sbr.rel @p1 .LBB2_3-.Ltmp0, $4  }
0xf4: {  	v63 =	vmax.f32 v61, v62;
	v0 =	vmax.f32 v0, v1  }
0xf5: {  	v0 =	vmax.f32 v0, v63  }
0xf6: {  	v0 =	vmax.f32 v0, $0.0e+00  }
0xf7: {  	s8 =	sadd.s32 $0x200, s8;
	s11 =	sadd.s32 $0x800, s11;
	[tilespmem:s13+$0xEF70] =	vst v0  }
0xf8: {  	s8 =	smul.u32 $0x14, s10  }
0xf9: {  	s11 =	smul.u32 $0x500, s10  }
0xfa: {  	s0 =	sadd.s32 s6, s8  }
0xfb: {  	s13 =	sadd.s32 $0x500, s11;
	s0 =	sshll.u32 s0, $0x4  }
0xfc: {  	s23 =	sshra.s32 s13, $0x2;
	s13 =	sor.u32 $0x3, s12;
	s0 =	sadd.s32 s2, s0  }
0xfd: {  	[hbm4b:s0+s3] =	stream.linear.scatter [tilespmem:s26], [sflag:$0x9], $0x280, $0x38;
	[tilespmem:$0xF900] =	vst v63  }
0xfe: {  	s16 =	smul.u32 $0x140, s13  }
0xff: {  	[tilespmem:s15], [sflag:$0x1] =	stream.indirect.gather [hbm4b:s4+s14], $0x80, s23, s14, $0xb8;
	[tilespmem:$0xF900] =	vst v63  }
0x100: {  	_ =	swait.ge [sflag:s28], $0x2800  }
0x101: {  	s0 =	sshra.s32 s16, $0x2;
	[sflag:s28] =	ssyncset.done $0x0  }
0x102: {  	s0 =	sadd.s32 $0x2780, s0;
	[sflag:s28] =	ssyncadd.s32 $0xFFFFD800  }
0x103: {  	[tilespmem:s20], [sflag:$0x8] =	stream.indirect.gather.add.f32 [hbm:s5], $0x80, s0, s14, $0xb8;
	[tilespmem:$0xF900] =	vst v63  }
0x104: {  	_ =	swait.ge [sflag:s29], $0x2800  }
0x105: {  	[sflag:s29] =	ssyncset.done $0x0  }
0x106: {  	s0 =	simm.s32 @!p0 $0xA;
	[sflag:s29] =	ssyncadd.s32 $0xFFFFD800  }
0x107: {  	_ =	swait.ge @!p0 [sflag:s0], $0x280  }
0x108: {  	[sflag:s0] =	ssyncset.done @!p0 $0x0  }
0x109: {  	s30 =	simm.s32 $0x7B00;
	s16 =	simm.s32 $0x0;
	[sflag:s0] =	ssyncadd.s32 @!p0 $0xFFFFFD80  }
.LBB2_5:
0x10a: {  	v0 =	vld [tilespmem:s30+$0xFFFFFC00]  }
0x10b: {  	v1 =	vld [tilespmem:s30+$0xFFFFFC80]  }
0x10c: {  	v2 =	vld [tilespmem:s30+$0xFFFFFD00]  }
0x10d: {  	v3 =	vld [tilespmem:s30+$0xFFFFFD80]  }
0x10e: {  	v4 =	vld [tilespmem:s30+$0xFFFFFE00]  }
0x10f: {  	v5 =	vld [tilespmem:s30+$0xFFFFFE80]  }
0x110: {  	v6 =	vld [tilespmem:s30+$0xFFFFFF00]  }
0x111: {  	v7 =	vld [tilespmem:s30+$0xFFFFFF80]  }
0x112: {  	v8 =	vld [tilespmem:s30+$0x0]  }
0x113: {  	v9 =	vld [tilespmem:s30+$0x80]  }
0x114: {  	v10 =	vld [tilespmem:s30+$0x100]  }
0x115: {  	v11 =	vld [tilespmem:s30+$0x180]  }
0x116: {  	v12 =	vld [tilespmem:s30+$0x200]  }
0x117: {  	v13 =	vld [tilespmem:s30+$0x280]  }
0x118: {  	v14 =	vld [tilespmem:s30+$0x300]  }
0x119: {  	v15 =	vld [tilespmem:s30+$0x380];
	_ =	sdelay $0x1  }
0x11a: {  	v0 =	vmax.f32 v0, v1;
	v25 =	vmax.f32 v2, v3;
	v26 =	vmax.f32 v4, v5  }
0x11b: {  	v27 =	vmax.f32 v6, v7;
	v29 =	vmax.f32 v8, v9;
	v30 =	vmax.f32 v10, v11  }
0x11c: {  	v31 =	vmax.f32 v12, v13;
	v0 =	vmax.f32 v0, v25;
	v28 =	vmax.f32 v26, v27  }
0x11d: {  	v32 =	vmax.f32 v14, v15;
	v1 =	vmax.f32 v29, v30;
	v0 =	vmax.f32 v0, v28  }
0x11e: {  	v33 =	vmax.f32 v31, v32;
	v0 =	vmax.f32 v0, v1  }
0x11f: {  	v0 =	vmax.f32 v0, v33  }
0x120: {  	s0 =	sshra.s32 s16, $0x2;
	v0 =	vmax.f32 v0, $0.0e+00  }
0x121: {  	[tilespmem:s0+$0xF180] =	vst v0  }
0x122: {  	v0 =	vld [tilespmem:s30+$0xFFFFFC10]  }
0x123: {  	v34 =	vld [tilespmem:s30+$0xFFFFFC90]  }
0x124: {  	v35 =	vld [tilespmem:s30+$0xFFFFFD10]  }
0x125: {  	v36 =	vld [tilespmem:s30+$0xFFFFFD90]  }
0x126: {  	v37 =	vld [tilespmem:s30+$0xFFFFFE10]  }
0x127: {  	v38 =	vld [tilespmem:s30+$0xFFFFFE90]  }
0x128: {  	v39 =	vld [tilespmem:s30+$0xFFFFFF10]  }
0x129: {  	v40 =	vld [tilespmem:s30+$0xFFFFFF90]  }
0x12a: {  	v41 =	vld [tilespmem:s30+$0x10]  }
0x12b: {  	v42 =	vld [tilespmem:s30+$0x90]  }
0x12c: {  	v43 =	vld [tilespmem:s30+$0x110]  }
0x12d: {  	v44 =	vld [tilespmem:s30+$0x190]  }
0x12e: {  	v45 =	vld [tilespmem:s30+$0x210]  }
0x12f: {  	v46 =	vld [tilespmem:s30+$0x290]  }
0x130: {  	v47 =	vld [tilespmem:s30+$0x310]  }
0x131: {  	v48 =	vld [tilespmem:s30+$0x390];
	_ =	sdelay $0x1  }
0x132: {  	v0 =	vmax.f32 v0, v34;
	v49 =	vmax.f32 v35, v36;
	v50 =	vmax.f32 v37, v38  }
0x133: {  	v51 =	vmax.f32 v39, v40;
	v53 =	vmax.f32 v41, v42;
	v54 =	vmax.f32 v43, v44  }
0x134: {  	v55 =	vmax.f32 v45, v46;
	v0 =	vmax.f32 v0, v49;
	v52 =	vmax.f32 v50, v51  }
0x135: {  	v56 =	vmax.f32 v47, v48;
	v1 =	vmax.f32 v53, v54;
	v0 =	vmax.f32 v0, v52  }
0x136: {  	v57 =	vmax.f32 v55, v56;
	v0 =	vmax.f32 v0, v1  }
0x137: {  	v0 =	vmax.f32 v0, v57  }
0x138: {  	v0 =	vmax.f32 v0, $0.0e+00  }
0x139: {  	[tilespmem:s0+$0xF190] =	vst v0  }
0x13a: {  	v0 =	vld [tilespmem:s30+$0xFFFFFC20]  }
0x13b: {  	v58 =	vld [tilespmem:s30+$0xFFFFFCA0]  }
0x13c: {  	v59 =	vld [tilespmem:s30+$0xFFFFFD20]  }
0x13d: {  	v60 =	vld [tilespmem:s30+$0xFFFFFDA0]  }
0x13e: {  	v61 =	vld [tilespmem:s30+$0xFFFFFE20]  }
0x13f: {  	v62 =	vld [tilespmem:s30+$0xFFFFFEA0]  }
0x140: {  	v63 =	vld [tilespmem:s30+$0xFFFFFF20]  }
0x141: {  	v18 =	vld [tilespmem:s30+$0xFFFFFFA0]  }
0x142: {  	v19 =	vld [tilespmem:s30+$0x20]  }
0x143: {  	v20 =	vld [tilespmem:s30+$0xA0]  }
0x144: {  	v21 =	vld [tilespmem:s30+$0x120]  }
0x145: {  	v22 =	vld [tilespmem:s30+$0x1A0]  }
0x146: {  	v23 =	vld [tilespmem:s30+$0x220]  }
0x147: {  	v24 =	vld [tilespmem:s30+$0x2A0]  }
0x148: {  	v25 =	vld [tilespmem:s30+$0x320]  }
0x149: {  	v26 =	vld [tilespmem:s30+$0x3A0];
	_ =	sdelay $0x1  }
0x14a: {  	v0 =	vmax.f32 v0, v58;
	v27 =	vmax.f32 v59, v60;
	v28 =	vmax.f32 v61, v62  }
0x14b: {  	v29 =	vmax.f32 v63, v18;
	v31 =	vmax.f32 v19, v20;
	v32 =	vmax.f32 v21, v22  }
0x14c: {  	v33 =	vmax.f32 v23, v24;
	v0 =	vmax.f32 v0, v27;
	v30 =	vmax.f32 v28, v29  }
0x14d: {  	v34 =	vmax.f32 v25, v26;
	v1 =	vmax.f32 v31, v32;
	v0 =	vmax.f32 v0, v30  }
0x14e: {  	v35 =	vmax.f32 v33, v34;
	v0 =	vmax.f32 v0, v1  }
0x14f: {  	v0 =	vmax.f32 v0, v35  }
0x150: {  	v0 =	vmax.f32 v0, $0.0e+00  }
0x151: {  	[tilespmem:s0+$0xF1A0] =	vst v0  }
0x152: {  	v0 =	vld [tilespmem:s30+$0xFFFFFC30]  }
0x153: {  	v36 =	vld [tilespmem:s30+$0xFFFFFCB0]  }
0x154: {  	v37 =	vld [tilespmem:s30+$0xFFFFFD30]  }
0x155: {  	v38 =	vld [tilespmem:s30+$0xFFFFFDB0]  }
0x156: {  	v39 =	vld [tilespmem:s30+$0xFFFFFE30]  }
0x157: {  	v40 =	vld [tilespmem:s30+$0xFFFFFEB0]  }
0x158: {  	v41 =	vld [tilespmem:s30+$0xFFFFFF30]  }
0x159: {  	v42 =	vld [tilespmem:s30+$0xFFFFFFB0]  }
0x15a: {  	v43 =	vld [tilespmem:s30+$0x30]  }
0x15b: {  	v44 =	vld [tilespmem:s30+$0xB0]  }
0x15c: {  	v45 =	vld [tilespmem:s30+$0x130]  }
0x15d: {  	v46 =	vld [tilespmem:s30+$0x1B0]  }
0x15e: {  	v47 =	vld [tilespmem:s30+$0x230]  }
0x15f: {  	v48 =	vld [tilespmem:s30+$0x2B0]  }
0x160: {  	v49 =	vld [tilespmem:s30+$0x330]  }
0x161: {  	v50 =	vld [tilespmem:s30+$0x3B0];
	_ =	sdelay $0x1  }
0x162: {  	v0 =	vmax.f32 v0, v36;
	v51 =	vmax.f32 v37, v38;
	v52 =	vmax.f32 v39, v40  }
0x163: {  	v53 =	vmax.f32 v41, v42;
	v55 =	vmax.f32 v43, v44;
	v56 =	vmax.f32 v45, v46  }
0x164: {  	v57 =	vmax.f32 v47, v48;
	v0 =	vmax.f32 v0, v51;
	v54 =	vmax.f32 v52, v53  }
0x165: {  	v58 =	vmax.f32 v49, v50;
	v1 =	vmax.f32 v55, v56;
	v0 =	vmax.f32 v0, v54  }
0x166: {  	v59 =	vmax.f32 v57, v58;
	v0 =	vmax.f32 v0, v1  }
0x167: {  	v0 =	vmax.f32 v0, v59  }
0x168: {  	v0 =	vmax.f32 v0, $0.0e+00  }
0x169: {  	[tilespmem:s0+$0xF1B0] =	vst v0  }
0x16a: {  	v0 =	vld [tilespmem:s30+$0xFFFFFC40]  }
0x16b: {  	v60 =	vld [tilespmem:s30+$0xFFFFFCC0]  }
0x16c: {  	v61 =	vld [tilespmem:s30+$0xFFFFFD40]  }
0x16d: {  	v62 =	vld [tilespmem:s30+$0xFFFFFDC0]  }
0x16e: {  	v63 =	vld [tilespmem:s30+$0xFFFFFE40]  }
0x16f: {  	v18 =	vld [tilespmem:s30+$0xFFFFFEC0]  }
0x170: {  	v19 =	vld [tilespmem:s30+$0xFFFFFF40]  }
0x171: {  	v20 =	vld [tilespmem:s30+$0xFFFFFFC0]  }
0x172: {  	v21 =	vld [tilespmem:s30+$0x40]  }
0x173: {  	v22 =	vld [tilespmem:s30+$0xC0]  }
0x174: {  	v23 =	vld [tilespmem:s30+$0x140]  }
0x175: {  	v24 =	vld [tilespmem:s30+$0x1C0]  }
0x176: {  	v25 =	vld [tilespmem:s30+$0x240]  }
0x177: {  	v26 =	vld [tilespmem:s30+$0x2C0]  }
0x178: {  	v27 =	vld [tilespmem:s30+$0x340]  }
0x179: {  	v28 =	vld [tilespmem:s30+$0x3C0];
	_ =	sdelay $0x1  }
0x17a: {  	v0 =	vmax.f32 v0, v60;
	v29 =	vmax.f32 v61, v62;
	v30 =	vmax.f32 v63, v18  }
0x17b: {  	v31 =	vmax.f32 v19, v20;
	v33 =	vmax.f32 v21, v22;
	v34 =	vmax.f32 v23, v24  }
0x17c: {  	v35 =	vmax.f32 v25, v26;
	v0 =	vmax.f32 v0, v29;
	v32 =	vmax.f32 v30, v31  }
0x17d: {  	v36 =	vmax.f32 v27, v28;
	v1 =	vmax.f32 v33, v34;
	v0 =	vmax.f32 v0, v32  }
0x17e: {  	v37 =	vmax.f32 v35, v36;
	v0 =	vmax.f32 v0, v1  }
0x17f: {  	v0 =	vmax.f32 v0, v37  }
0x180: {  	v0 =	vmax.f32 v0, $0.0e+00  }
0x181: {  	[tilespmem:s0+$0xF1C0] =	vst v0  }
0x182: {  	v0 =	vld [tilespmem:s30+$0xFFFFFC50]  }
0x183: {  	v38 =	vld [tilespmem:s30+$0xFFFFFCD0]  }
0x184: {  	v39 =	vld [tilespmem:s30+$0xFFFFFD50]  }
0x185: {  	v40 =	vld [tilespmem:s30+$0xFFFFFDD0]  }
0x186: {  	v41 =	vld [tilespmem:s30+$0xFFFFFE50]  }
0x187: {  	v42 =	vld [tilespmem:s30+$0xFFFFFED0]  }
0x188: {  	v43 =	vld [tilespmem:s30+$0xFFFFFF50]  }
0x189: {  	v44 =	vld [tilespmem:s30+$0xFFFFFFD0]  }
0x18a: {  	v45 =	vld [tilespmem:s30+$0x50]  }
0x18b: {  	v46 =	vld [tilespmem:s30+$0xD0]  }
0x18c: {  	v47 =	vld [tilespmem:s30+$0x150]  }
0x18d: {  	v48 =	vld [tilespmem:s30+$0x1D0]  }
0x18e: {  	v49 =	vld [tilespmem:s30+$0x250]  }
0x18f: {  	v50 =	vld [tilespmem:s30+$0x2D0]  }
0x190: {  	v51 =	vld [tilespmem:s30+$0x350]  }
0x191: {  	v52 =	vld [tilespmem:s30+$0x3D0];
	_ =	sdelay $0x1  }
0x192: {  	v0 =	vmax.f32 v0, v38;
	v53 =	vmax.f32 v39, v40;
	v54 =	vmax.f32 v41, v42  }
0x193: {  	v55 =	vmax.f32 v43, v44;
	v57 =	vmax.f32 v45, v46;
	v58 =	vmax.f32 v47, v48  }
0x194: {  	v59 =	vmax.f32 v49, v50;
	v0 =	vmax.f32 v0, v53;
	v56 =	vmax.f32 v54, v55  }
0x195: {  	v60 =	vmax.f32 v51, v52;
	v1 =	vmax.f32 v57, v58;
	v0 =	vmax.f32 v0, v56  }
0x196: {  	v61 =	vmax.f32 v59, v60;
	v0 =	vmax.f32 v0, v1  }
0x197: {  	v0 =	vmax.f32 v0, v61  }
0x198: {  	v0 =	vmax.f32 v0, $0.0e+00  }
0x199: {  	[tilespmem:s0+$0xF1D0] =	vst v0  }
0x19a: {  	v0 =	vld [tilespmem:s30+$0xFFFFFC60]  }
0x19b: {  	v62 =	vld [tilespmem:s30+$0xFFFFFCE0]  }
0x19c: {  	v63 =	vld [tilespmem:s30+$0xFFFFFD60]  }
0x19d: {  	v18 =	vld [tilespmem:s30+$0xFFFFFDE0]  }
0x19e: {  	v19 =	vld [tilespmem:s30+$0xFFFFFE60]  }
0x19f: {  	v20 =	vld [tilespmem:s30+$0xFFFFFEE0]  }
0x1a0: {  	v21 =	vld [tilespmem:s30+$0xFFFFFF60]  }
0x1a1: {  	v22 =	vld [tilespmem:s30+$0xFFFFFFE0]  }
0x1a2: {  	v23 =	vld [tilespmem:s30+$0x60]  }
0x1a3: {  	v24 =	vld [tilespmem:s30+$0xE0]  }
0x1a4: {  	v25 =	vld [tilespmem:s30+$0x160]  }
0x1a5: {  	v26 =	vld [tilespmem:s30+$0x1E0]  }
0x1a6: {  	v27 =	vld [tilespmem:s30+$0x260]  }
0x1a7: {  	v28 =	vld [tilespmem:s30+$0x2E0]  }
0x1a8: {  	v29 =	vld [tilespmem:s30+$0x360]  }
0x1a9: {  	v30 =	vld [tilespmem:s30+$0x3E0];
	_ =	sdelay $0x1  }
0x1aa: {  	v0 =	vmax.f32 v0, v62;
	v31 =	vmax.f32 v63, v18;
	v32 =	vmax.f32 v19, v20  }
0x1ab: {  	v33 =	vmax.f32 v21, v22;
	v35 =	vmax.f32 v23, v24;
	v36 =	vmax.f32 v25, v26  }
0x1ac: {  	v37 =	vmax.f32 v27, v28;
	v0 =	vmax.f32 v0, v31;
	v34 =	vmax.f32 v32, v33  }
0x1ad: {  	v38 =	vmax.f32 v29, v30;
	v1 =	vmax.f32 v35, v36;
	v0 =	vmax.f32 v0, v34  }
0x1ae: {  	v39 =	vmax.f32 v37, v38;
	v0 =	vmax.f32 v0, v1  }
0x1af: {  	v0 =	vmax.f32 v0, v39  }
0x1b0: {  	v0 =	vmax.f32 v0, $0.0e+00  }
0x1b1: {  	[tilespmem:s0+$0xF1E0] =	vst v0  }
0x1b2: {  	v0 =	vld [tilespmem:s30+$0xFFFFFC70]  }
0x1b3: {  	v40 =	vld [tilespmem:s30+$0xFFFFFCF0]  }
0x1b4: {  	v41 =	vld [tilespmem:s30+$0xFFFFFD70]  }
0x1b5: {  	v42 =	vld [tilespmem:s30+$0xFFFFFDF0]  }
0x1b6: {  	v43 =	vld [tilespmem:s30+$0xFFFFFE70]  }
0x1b7: {  	v44 =	vld [tilespmem:s30+$0xFFFFFEF0]  }
0x1b8: {  	v45 =	vld [tilespmem:s30+$0xFFFFFF70]  }
0x1b9: {  	v46 =	vld [tilespmem:s30+$0xFFFFFFF0]  }
0x1ba: {  	v47 =	vld [tilespmem:s30+$0x70]  }
0x1bb: {  	v48 =	vld [tilespmem:s30+$0xF0]  }
0x1bc: {  	v49 =	vld [tilespmem:s30+$0x170]  }
0x1bd: {  	v50 =	vld [tilespmem:s30+$0x1F0]  }
0x1be: {  	v51 =	vld [tilespmem:s30+$0x270]  }
0x1bf: {  	v52 =	vld [tilespmem:s30+$0x2F0]  }
0x1c0: {  	v53 =	vld [tilespmem:s30+$0x370]  }
0x1c1: {  	v54 =	vld [tilespmem:s30+$0x3F0];
	_ =	sdelay $0x1  }
0x1c2: {  	v0 =	vmax.f32 v0, v40;
	v55 =	vmax.f32 v41, v42;
	v56 =	vmax.f32 v43, v44  }
0x1c3: {  	v57 =	vmax.f32 v45, v46;
	v59 =	vmax.f32 v47, v48;
	v60 =	vmax.f32 v49, v50  }
0x1c4: {  	p1 =	sne.s32 s16, $0x800;
	v61 =	vmax.f32 v51, v52;
	v0 =	vmax.f32 v0, v55;
	v58 =	vmax.f32 v56, v57  }
.Ltmp1:
0x1c5: {  	v62 =	vmax.f32 v53, v54;
	v1 =	vmax.f32 v59, v60;
	v0 =	vmax.f32 v0, v58;
	(pc) =	sbr.rel @p1 .LBB2_5-.Ltmp1, $4  }
0x1c6: {  	v63 =	vmax.f32 v61, v62;
	v0 =	vmax.f32 v0, v1  }
0x1c7: {  	v0 =	vmax.f32 v0, v63  }
0x1c8: {  	v0 =	vmax.f32 v0, $0.0e+00  }
0x1c9: {  	s16 =	sadd.s32 $0x200, s16;
	s30 =	sadd.s32 $0x800, s30;
	[tilespmem:s0+$0xF1F0] =	vst v0  }
0x1ca: {  	s0 =	sadd.s32 s8, s9  }
0x1cb: {  	s0 =	sshll.u32 s0, $0x4  }
0x1cc: {  	s12 =	sadd.s32 $0x5, s12;
	p1 =	seq.s32 s10, $0x1E;
	s0 =	sand.u32 $0x1FFFFFF0, s0  }
0x1cd: {  	s16 =	simm.s32 $0xF180;
	s8 =	smul.u32 @!p1 $0x140, s12;
	s0 =	sadd.s32 s2, s0  }
0x1ce: {  	[hbm4b:s0+s3] =	stream.linear.scatter [tilespmem:s16], [sflag:$0xA], $0x280, $0x38;
	[tilespmem:$0xF900] =	vst v63  }
0x1cf: {  	s0 =	sshra.s32 @!p1 s8, $0x2;
	s8 =	simm.s32 @!p1 $0x50;
	s16 =	simm.s32 @!p1 $0x7700  }
0x1d0: {  	[tilespmem:s16], [sflag:$0x2] =	stream.indirect.gather @!p1 [hbm4b:s4+s8], $0x80, s0, s8, $0xb8;
	[tilespmem:$0xF900] =	vst v63  }
0x1d1: {  	_ =	swait.ge [sflag:s21], $0x2800  }
0x1d2: {  	[sflag:s21] =	ssyncset.done $0x0  }
0x1d3: {  	s30 =	sadd.s32 $0x2780, s23;
	[sflag:s21] =	ssyncadd.s32 $0xFFFFD800  }
0x1d4: {  	[tilespmem:s15], [sflag:$0x5] =	stream.indirect.gather.add.f32 [hbm:s5], $0x80, s30, s14, $0xb8;
	[tilespmem:$0xF900] =	vst v63  }
0x1d5: {  	_ =	swait.ge [sflag:s31], $0x2800  }
0x1d6: {  	[sflag:s31] =	ssyncset.done $0x0  }
0x1d7: {  	s0 =	simm.s32 @!p0 $0xB;
	[sflag:s31] =	ssyncadd.s32 $0xFFFFD800  }
0x1d8: {  	_ =	swait.ge @!p0 [sflag:s0], $0x280  }
0x1d9: {  	[sflag:s0] =	ssyncset.done @!p0 $0x0  }
0x1da: {  	s8 =	simm.s32 $0x0;
	s16 =	simm.s32 $0xA300;
	[sflag:s0] =	ssyncadd.s32 @!p0 $0xFFFFFD80  }
.LBB2_7:
0x1db: {  	v0 =	vld [tilespmem:s16+$0xFFFFFC00]  }
0x1dc: {  	v1 =	vld [tilespmem:s16+$0xFFFFFC80]  }
0x1dd: {  	v2 =	vld [tilespmem:s16+$0xFFFFFD00]  }
0x1de: {  	v3 =	vld [tilespmem:s16+$0xFFFFFD80]  }
0x1df: {  	v4 =	vld [tilespmem:s16+$0xFFFFFE00]  }
0x1e0: {  	v5 =	vld [tilespmem:s16+$0xFFFFFE80]  }
0x1e1: {  	v6 =	vld [tilespmem:s16+$0xFFFFFF00]  }
0x1e2: {  	v7 =	vld [tilespmem:s16+$0xFFFFFF80]  }
0x1e3: {  	v8 =	vld [tilespmem:s16+$0x0]  }
0x1e4: {  	v9 =	vld [tilespmem:s16+$0x80]  }
0x1e5: {  	v10 =	vld [tilespmem:s16+$0x100]  }
0x1e6: {  	v11 =	vld [tilespmem:s16+$0x180]  }
0x1e7: {  	v12 =	vld [tilespmem:s16+$0x200]  }
0x1e8: {  	v13 =	vld [tilespmem:s16+$0x280]  }
0x1e9: {  	v14 =	vld [tilespmem:s16+$0x300]  }
0x1ea: {  	v15 =	vld [tilespmem:s16+$0x380];
	_ =	sdelay $0x1  }
0x1eb: {  	v0 =	vmax.f32 v0, v1;
	v25 =	vmax.f32 v2, v3;
	v26 =	vmax.f32 v4, v5  }
0x1ec: {  	v27 =	vmax.f32 v6, v7;
	v29 =	vmax.f32 v8, v9;
	v30 =	vmax.f32 v10, v11  }
0x1ed: {  	v31 =	vmax.f32 v12, v13;
	v0 =	vmax.f32 v0, v25;
	v28 =	vmax.f32 v26, v27  }
0x1ee: {  	v32 =	vmax.f32 v14, v15;
	v1 =	vmax.f32 v29, v30;
	v0 =	vmax.f32 v0, v28  }
0x1ef: {  	v33 =	vmax.f32 v31, v32;
	v0 =	vmax.f32 v0, v1  }
0x1f0: {  	v0 =	vmax.f32 v0, v33  }
0x1f1: {  	s0 =	sshra.s32 s8, $0x2;
	v0 =	vmax.f32 v0, $0.0e+00  }
0x1f2: {  	[tilespmem:s0+$0xF400] =	vst v0  }
0x1f3: {  	v0 =	vld [tilespmem:s16+$0xFFFFFC10]  }
0x1f4: {  	v34 =	vld [tilespmem:s16+$0xFFFFFC90]  }
0x1f5: {  	v35 =	vld [tilespmem:s16+$0xFFFFFD10]  }
0x1f6: {  	v36 =	vld [tilespmem:s16+$0xFFFFFD90]  }
0x1f7: {  	v37 =	vld [tilespmem:s16+$0xFFFFFE10]  }
0x1f8: {  	v38 =	vld [tilespmem:s16+$0xFFFFFE90]  }
0x1f9: {  	v39 =	vld [tilespmem:s16+$0xFFFFFF10]  }
0x1fa: {  	v40 =	vld [tilespmem:s16+$0xFFFFFF90]  }
0x1fb: {  	v41 =	vld [tilespmem:s16+$0x10]  }
0x1fc: {  	v42 =	vld [tilespmem:s16+$0x90]  }
0x1fd: {  	v43 =	vld [tilespmem:s16+$0x110]  }
0x1fe: {  	v44 =	vld [tilespmem:s16+$0x190]  }
0x1ff: {  	v45 =	vld [tilespmem:s16+$0x210]  }
0x200: {  	v46 =	vld [tilespmem:s16+$0x290]  }
0x201: {  	v47 =	vld [tilespmem:s16+$0x310]  }
0x202: {  	v48 =	vld [tilespmem:s16+$0x390];
	_ =	sdelay $0x1  }
0x203: {  	v0 =	vmax.f32 v0, v34;
	v49 =	vmax.f32 v35, v36;
	v50 =	vmax.f32 v37, v38  }
0x204: {  	v51 =	vmax.f32 v39, v40;
	v53 =	vmax.f32 v41, v42;
	v54 =	vmax.f32 v43, v44  }
0x205: {  	v55 =	vmax.f32 v45, v46;
	v0 =	vmax.f32 v0, v49;
	v52 =	vmax.f32 v50, v51  }
0x206: {  	v56 =	vmax.f32 v47, v48;
	v1 =	vmax.f32 v53, v54;
	v0 =	vmax.f32 v0, v52  }
0x207: {  	v57 =	vmax.f32 v55, v56;
	v0 =	vmax.f32 v0, v1  }
0x208: {  	v0 =	vmax.f32 v0, v57  }
0x209: {  	v0 =	vmax.f32 v0, $0.0e+00  }
0x20a: {  	[tilespmem:s0+$0xF410] =	vst v0  }
0x20b: {  	v0 =	vld [tilespmem:s16+$0xFFFFFC20]  }
0x20c: {  	v58 =	vld [tilespmem:s16+$0xFFFFFCA0]  }
0x20d: {  	v59 =	vld [tilespmem:s16+$0xFFFFFD20]  }
0x20e: {  	v60 =	vld [tilespmem:s16+$0xFFFFFDA0]  }
0x20f: {  	v61 =	vld [tilespmem:s16+$0xFFFFFE20]  }
0x210: {  	v62 =	vld [tilespmem:s16+$0xFFFFFEA0]  }
0x211: {  	v63 =	vld [tilespmem:s16+$0xFFFFFF20]  }
0x212: {  	v18 =	vld [tilespmem:s16+$0xFFFFFFA0]  }
0x213: {  	v19 =	vld [tilespmem:s16+$0x20]  }
0x214: {  	v20 =	vld [tilespmem:s16+$0xA0]  }
0x215: {  	v21 =	vld [tilespmem:s16+$0x120]  }
0x216: {  	v22 =	vld [tilespmem:s16+$0x1A0]  }
0x217: {  	v23 =	vld [tilespmem:s16+$0x220]  }
0x218: {  	v24 =	vld [tilespmem:s16+$0x2A0]  }
0x219: {  	v25 =	vld [tilespmem:s16+$0x320]  }
0x21a: {  	v26 =	vld [tilespmem:s16+$0x3A0];
	_ =	sdelay $0x1  }
0x21b: {  	v0 =	vmax.f32 v0, v58;
	v27 =	vmax.f32 v59, v60;
	v28 =	vmax.f32 v61, v62  }
0x21c: {  	v29 =	vmax.f32 v63, v18;
	v31 =	vmax.f32 v19, v20;
	v32 =	vmax.f32 v21, v22  }
0x21d: {  	v33 =	vmax.f32 v23, v24;
	v0 =	vmax.f32 v0, v27;
	v30 =	vmax.f32 v28, v29  }
0x21e: {  	v34 =	vmax.f32 v25, v26;
	v1 =	vmax.f32 v31, v32;
	v0 =	vmax.f32 v0, v30  }
0x21f: {  	v35 =	vmax.f32 v33, v34;
	v0 =	vmax.f32 v0, v1  }
0x220: {  	v0 =	vmax.f32 v0, v35  }
0x221: {  	v0 =	vmax.f32 v0, $0.0e+00  }
0x222: {  	[tilespmem:s0+$0xF420] =	vst v0  }
0x223: {  	v0 =	vld [tilespmem:s16+$0xFFFFFC30]  }
0x224: {  	v36 =	vld [tilespmem:s16+$0xFFFFFCB0]  }
0x225: {  	v37 =	vld [tilespmem:s16+$0xFFFFFD30]  }
0x226: {  	v38 =	vld [tilespmem:s16+$0xFFFFFDB0]  }
0x227: {  	v39 =	vld [tilespmem:s16+$0xFFFFFE30]  }
0x228: {  	v40 =	vld [tilespmem:s16+$0xFFFFFEB0]  }
0x229: {  	v41 =	vld [tilespmem:s16+$0xFFFFFF30]  }
0x22a: {  	v42 =	vld [tilespmem:s16+$0xFFFFFFB0]  }
0x22b: {  	v43 =	vld [tilespmem:s16+$0x30]  }
0x22c: {  	v44 =	vld [tilespmem:s16+$0xB0]  }
0x22d: {  	v45 =	vld [tilespmem:s16+$0x130]  }
0x22e: {  	v46 =	vld [tilespmem:s16+$0x1B0]  }
0x22f: {  	v47 =	vld [tilespmem:s16+$0x230]  }
0x230: {  	v48 =	vld [tilespmem:s16+$0x2B0]  }
0x231: {  	v49 =	vld [tilespmem:s16+$0x330]  }
0x232: {  	v50 =	vld [tilespmem:s16+$0x3B0];
	_ =	sdelay $0x1  }
0x233: {  	v0 =	vmax.f32 v0, v36;
	v51 =	vmax.f32 v37, v38;
	v52 =	vmax.f32 v39, v40  }
0x234: {  	v53 =	vmax.f32 v41, v42;
	v55 =	vmax.f32 v43, v44;
	v56 =	vmax.f32 v45, v46  }
0x235: {  	v57 =	vmax.f32 v47, v48;
	v0 =	vmax.f32 v0, v51;
	v54 =	vmax.f32 v52, v53  }
0x236: {  	v58 =	vmax.f32 v49, v50;
	v1 =	vmax.f32 v55, v56;
	v0 =	vmax.f32 v0, v54  }
0x237: {  	v59 =	vmax.f32 v57, v58;
	v0 =	vmax.f32 v0, v1  }
0x238: {  	v0 =	vmax.f32 v0, v59  }
0x239: {  	v0 =	vmax.f32 v0, $0.0e+00  }
0x23a: {  	[tilespmem:s0+$0xF430] =	vst v0  }
0x23b: {  	v0 =	vld [tilespmem:s16+$0xFFFFFC40]  }
0x23c: {  	v60 =	vld [tilespmem:s16+$0xFFFFFCC0]  }
0x23d: {  	v61 =	vld [tilespmem:s16+$0xFFFFFD40]  }
0x23e: {  	v62 =	vld [tilespmem:s16+$0xFFFFFDC0]  }
0x23f: {  	v63 =	vld [tilespmem:s16+$0xFFFFFE40]  }
0x240: {  	v18 =	vld [tilespmem:s16+$0xFFFFFEC0]  }
0x241: {  	v19 =	vld [tilespmem:s16+$0xFFFFFF40]  }
0x242: {  	v20 =	vld [tilespmem:s16+$0xFFFFFFC0]  }
0x243: {  	v21 =	vld [tilespmem:s16+$0x40]  }
0x244: {  	v22 =	vld [tilespmem:s16+$0xC0]  }
0x245: {  	v23 =	vld [tilespmem:s16+$0x140]  }
0x246: {  	v24 =	vld [tilespmem:s16+$0x1C0]  }
0x247: {  	v25 =	vld [tilespmem:s16+$0x240]  }
0x248: {  	v26 =	vld [tilespmem:s16+$0x2C0]  }
0x249: {  	v27 =	vld [tilespmem:s16+$0x340]  }
0x24a: {  	v28 =	vld [tilespmem:s16+$0x3C0];
	_ =	sdelay $0x1  }
0x24b: {  	v0 =	vmax.f32 v0, v60;
	v29 =	vmax.f32 v61, v62;
	v30 =	vmax.f32 v63, v18  }
0x24c: {  	v31 =	vmax.f32 v19, v20;
	v33 =	vmax.f32 v21, v22;
	v34 =	vmax.f32 v23, v24  }
0x24d: {  	v35 =	vmax.f32 v25, v26;
	v0 =	vmax.f32 v0, v29;
	v32 =	vmax.f32 v30, v31  }
0x24e: {  	v36 =	vmax.f32 v27, v28;
	v1 =	vmax.f32 v33, v34;
	v0 =	vmax.f32 v0, v32  }
0x24f: {  	v37 =	vmax.f32 v35, v36;
	v0 =	vmax.f32 v0, v1  }
0x250: {  	v0 =	vmax.f32 v0, v37  }
0x251: {  	v0 =	vmax.f32 v0, $0.0e+00  }
0x252: {  	[tilespmem:s0+$0xF440] =	vst v0  }
0x253: {  	v0 =	vld [tilespmem:s16+$0xFFFFFC50]  }
0x254: {  	v38 =	vld [tilespmem:s16+$0xFFFFFCD0]  }
0x255: {  	v39 =	vld [tilespmem:s16+$0xFFFFFD50]  }
0x256: {  	v40 =	vld [tilespmem:s16+$0xFFFFFDD0]  }
0x257: {  	v41 =	vld [tilespmem:s16+$0xFFFFFE50]  }
0x258: {  	v42 =	vld [tilespmem:s16+$0xFFFFFED0]  }
0x259: {  	v43 =	vld [tilespmem:s16+$0xFFFFFF50]  }
0x25a: {  	v44 =	vld [tilespmem:s16+$0xFFFFFFD0]  }
0x25b: {  	v45 =	vld [tilespmem:s16+$0x50]  }
0x25c: {  	v46 =	vld [tilespmem:s16+$0xD0]  }
0x25d: {  	v47 =	vld [tilespmem:s16+$0x150]  }
0x25e: {  	v48 =	vld [tilespmem:s16+$0x1D0]  }
0x25f: {  	v49 =	vld [tilespmem:s16+$0x250]  }
0x260: {  	v50 =	vld [tilespmem:s16+$0x2D0]  }
0x261: {  	v51 =	vld [tilespmem:s16+$0x350]  }
0x262: {  	v52 =	vld [tilespmem:s16+$0x3D0];
	_ =	sdelay $0x1  }
0x263: {  	v0 =	vmax.f32 v0, v38;
	v53 =	vmax.f32 v39, v40;
	v54 =	vmax.f32 v41, v42  }
0x264: {  	v55 =	vmax.f32 v43, v44;
	v57 =	vmax.f32 v45, v46;
	v58 =	vmax.f32 v47, v48  }
0x265: {  	v59 =	vmax.f32 v49, v50;
	v0 =	vmax.f32 v0, v53;
	v56 =	vmax.f32 v54, v55  }
0x266: {  	v60 =	vmax.f32 v51, v52;
	v1 =	vmax.f32 v57, v58;
	v0 =	vmax.f32 v0, v56  }
0x267: {  	v61 =	vmax.f32 v59, v60;
	v0 =	vmax.f32 v0, v1  }
0x268: {  	v0 =	vmax.f32 v0, v61  }
0x269: {  	v0 =	vmax.f32 v0, $0.0e+00  }
0x26a: {  	[tilespmem:s0+$0xF450] =	vst v0  }
0x26b: {  	v0 =	vld [tilespmem:s16+$0xFFFFFC60]  }
0x26c: {  	v62 =	vld [tilespmem:s16+$0xFFFFFCE0]  }
0x26d: {  	v63 =	vld [tilespmem:s16+$0xFFFFFD60]  }
0x26e: {  	v18 =	vld [tilespmem:s16+$0xFFFFFDE0]  }
0x26f: {  	v19 =	vld [tilespmem:s16+$0xFFFFFE60]  }
0x270: {  	v20 =	vld [tilespmem:s16+$0xFFFFFEE0]  }
0x271: {  	v21 =	vld [tilespmem:s16+$0xFFFFFF60]  }
0x272: {  	v22 =	vld [tilespmem:s16+$0xFFFFFFE0]  }
0x273: {  	v23 =	vld [tilespmem:s16+$0x60]  }
0x274: {  	v24 =	vld [tilespmem:s16+$0xE0]  }
0x275: {  	v25 =	vld [tilespmem:s16+$0x160]  }
0x276: {  	v26 =	vld [tilespmem:s16+$0x1E0]  }
0x277: {  	v27 =	vld [tilespmem:s16+$0x260]  }
0x278: {  	v28 =	vld [tilespmem:s16+$0x2E0]  }
0x279: {  	v29 =	vld [tilespmem:s16+$0x360]  }
0x27a: {  	v30 =	vld [tilespmem:s16+$0x3E0];
	_ =	sdelay $0x1  }
0x27b: {  	v0 =	vmax.f32 v0, v62;
	v31 =	vmax.f32 v63, v18;
	v32 =	vmax.f32 v19, v20  }
0x27c: {  	v33 =	vmax.f32 v21, v22;
	v35 =	vmax.f32 v23, v24;
	v36 =	vmax.f32 v25, v26  }
0x27d: {  	v37 =	vmax.f32 v27, v28;
	v0 =	vmax.f32 v0, v31;
	v34 =	vmax.f32 v32, v33  }
0x27e: {  	v38 =	vmax.f32 v29, v30;
	v1 =	vmax.f32 v35, v36;
	v0 =	vmax.f32 v0, v34  }
0x27f: {  	v39 =	vmax.f32 v37, v38;
	v0 =	vmax.f32 v0, v1  }
0x280: {  	v0 =	vmax.f32 v0, v39  }
0x281: {  	v0 =	vmax.f32 v0, $0.0e+00  }
0x282: {  	[tilespmem:s0+$0xF460] =	vst v0  }
0x283: {  	v0 =	vld [tilespmem:s16+$0xFFFFFC70]  }
0x284: {  	v40 =	vld [tilespmem:s16+$0xFFFFFCF0]  }
0x285: {  	v41 =	vld [tilespmem:s16+$0xFFFFFD70]  }
0x286: {  	v42 =	vld [tilespmem:s16+$0xFFFFFDF0]  }
0x287: {  	v43 =	vld [tilespmem:s16+$0xFFFFFE70]  }
0x288: {  	v44 =	vld [tilespmem:s16+$0xFFFFFEF0]  }
0x289: {  	v45 =	vld [tilespmem:s16+$0xFFFFFF70]  }
0x28a: {  	v46 =	vld [tilespmem:s16+$0xFFFFFFF0]  }
0x28b: {  	v47 =	vld [tilespmem:s16+$0x70]  }
0x28c: {  	v48 =	vld [tilespmem:s16+$0xF0]  }
0x28d: {  	v49 =	vld [tilespmem:s16+$0x170]  }
0x28e: {  	v50 =	vld [tilespmem:s16+$0x1F0]  }
0x28f: {  	v51 =	vld [tilespmem:s16+$0x270]  }
0x290: {  	v52 =	vld [tilespmem:s16+$0x2F0]  }
0x291: {  	v53 =	vld [tilespmem:s16+$0x370]  }
0x292: {  	v54 =	vld [tilespmem:s16+$0x3F0];
	_ =	sdelay $0x1  }
0x293: {  	v0 =	vmax.f32 v0, v40;
	v55 =	vmax.f32 v41, v42;
	v56 =	vmax.f32 v43, v44  }
0x294: {  	v57 =	vmax.f32 v45, v46;
	v59 =	vmax.f32 v47, v48;
	v60 =	vmax.f32 v49, v50  }
0x295: {  	p2 =	sne.s32 s8, $0x800;
	v61 =	vmax.f32 v51, v52;
	v0 =	vmax.f32 v0, v55;
	v58 =	vmax.f32 v56, v57  }
.Ltmp2:
0x296: {  	v62 =	vmax.f32 v53, v54;
	v1 =	vmax.f32 v59, v60;
	v0 =	vmax.f32 v0, v58;
	(pc) =	sbr.rel @p2 .LBB2_7-.Ltmp2, $4  }
0x297: {  	v63 =	vmax.f32 v61, v62;
	v0 =	vmax.f32 v0, v1  }
0x298: {  	v0 =	vmax.f32 v0, v63  }
0x299: {  	v0 =	vmax.f32 v0, $0.0e+00  }
0x29a: {  	s8 =	sadd.s32 $0x200, s8;
	s16 =	sadd.s32 $0x800, s16;
	[tilespmem:s0+$0xF470] =	vst v0  }
0x29b: {  	s0 =	smul.u32 $0x5, s7  }
0x29c: {  	p2 =	sne.s32 s10, $0x1E  }
.Ltmp3:
0x29d: {  	s0 =	sadd.s32 s6, s0;
	(pc) =	sbr.rel @p2 .LBB2_10-.Ltmp3, $4  }
0x29e: {  	s0 =	sshll.u32 s0, $0x4  }
0x29f: {  	s0 =	sand.u32 $0x1FFFFFF0, s0  }
0x2a0: {  	s30 =	simm.s32 $0xF400;
	s0 =	sadd.s32 s2, s0  }
0x2a1: {  	[hbm4b:s0+s3] =	stream.linear.scatter [tilespmem:s30], [sflag:$0xB], $0x280, $0x38;
	[tilespmem:$0xF900] =	vst v63  }
.Ltmp4:
0x2a2: {  	(pc) =	sbr.rel .LBB2_11-.Ltmp4, $4  }
0x2a3: {  	_ = 	snop  }
0x2a4: {  	_ =	swait.ge [sflag:s1], $0x2800  }
0x2a5: {  	[sflag:s1] =	ssyncset.done $0x0  }
0x2a6: {  	[sflag:s1] =	ssyncadd.s32 $0xFFFFD800  }
.LBB2_10:
0x2a7: {  	s0 =	sshra.s32 s11, $0x2  }
0x2a8: {  	s30 =	smul.u32 $0x140, s12;
	s0 =	sadd.s32 $0x1E0, s0  }
0x2a9: {  	[tilespmem:s18], [sflag:$0x3] =	stream.indirect.gather [hbm4b:s4+s14], $0x80, s0, s14, $0xb8;
	[tilespmem:$0xF900] =	vst v63  }
0x2aa: {  	_ =	swait.ge [sflag:s22], $0x2800  }
0x2ab: {  	s7 =	simm.s32 $0x7700;
	s0 =	sshra.s32 s30, $0x2;
	[sflag:s22] =	ssyncset.done $0x0  }
.Ltmp5:
0x2ac: {  	s0 =	sadd.s32 $0x2780, s0;
	[sflag:s22] =	ssyncadd.s32 $0xFFFFD800;
	(pc) =	sbr.rel @p0 .LBB2_12-.Ltmp5, $4  }
0x2ad: {  	[tilespmem:s7], [sflag:$0x6] =	stream.indirect.gather.add.f32 [hbm:s5], $0x80, s0, s14, $0xb8;
	[tilespmem:$0xF900] =	vst v63  }
0x2ae: {  	_ =	swait.ge [sflag:s1], $0x2800  }
0x2af: {  	[sflag:s1] =	ssyncset.done $0x0  }
0x2b0: {  	[sflag:s1] =	ssyncadd.s32 $0xFFFFD800  }
.LBB2_11:
0x2b1: {  	_ =	swait.ge [sflag:s17], $0x280  }
0x2b2: {  	[sflag:s17] =	ssyncset.done $0x0  }
0x2b3: {  	[sflag:s17] =	ssyncadd.s32 $0xFFFFFD80  }
.LBB2_12:
0x2b4: {  	s7 =	simm.s32 $0x0;
	s8 =	simm.s32 $0xCB00  }
.LBB2_13:
0x2b5: {  	v0 =	vld [tilespmem:s8+$0xFFFFFC00]  }
0x2b6: {  	v1 =	vld [tilespmem:s8+$0xFFFFFC80]  }
0x2b7: {  	v2 =	vld [tilespmem:s8+$0xFFFFFD00]  }
0x2b8: {  	v3 =	vld [tilespmem:s8+$0xFFFFFD80]  }
0x2b9: {  	v4 =	vld [tilespmem:s8+$0xFFFFFE00]  }
0x2ba: {  	v5 =	vld [tilespmem:s8+$0xFFFFFE80]  }
0x2bb: {  	v6 =	vld [tilespmem:s8+$0xFFFFFF00]  }
0x2bc: {  	v7 =	vld [tilespmem:s8+$0xFFFFFF80]  }
0x2bd: {  	v8 =	vld [tilespmem:s8+$0x0]  }
0x2be: {  	v9 =	vld [tilespmem:s8+$0x80]  }
0x2bf: {  	v10 =	vld [tilespmem:s8+$0x100]  }
0x2c0: {  	v11 =	vld [tilespmem:s8+$0x180]  }
0x2c1: {  	v12 =	vld [tilespmem:s8+$0x200]  }
0x2c2: {  	v13 =	vld [tilespmem:s8+$0x280]  }
0x2c3: {  	v14 =	vld [tilespmem:s8+$0x300]  }
0x2c4: {  	v15 =	vld [tilespmem:s8+$0x380];
	_ =	sdelay $0x1  }
0x2c5: {  	v0 =	vmax.f32 v0, v1;
	v25 =	vmax.f32 v2, v3;
	v26 =	vmax.f32 v4, v5  }
0x2c6: {  	v27 =	vmax.f32 v6, v7;
	v29 =	vmax.f32 v8, v9;
	v30 =	vmax.f32 v10, v11  }
0x2c7: {  	v31 =	vmax.f32 v12, v13;
	v0 =	vmax.f32 v0, v25;
	v28 =	vmax.f32 v26, v27  }
0x2c8: {  	v32 =	vmax.f32 v14, v15;
	v1 =	vmax.f32 v29, v30;
	v0 =	vmax.f32 v0, v28  }
0x2c9: {  	v33 =	vmax.f32 v31, v32;
	v0 =	vmax.f32 v0, v1  }
0x2ca: {  	v0 =	vmax.f32 v0, v33  }
0x2cb: {  	s0 =	sshra.s32 s7, $0x2;
	v0 =	vmax.f32 v0, $0.0e+00  }
0x2cc: {  	[tilespmem:s0+$0xF680] =	vst v0  }
0x2cd: {  	v0 =	vld [tilespmem:s8+$0xFFFFFC10]  }
0x2ce: {  	v34 =	vld [tilespmem:s8+$0xFFFFFC90]  }
0x2cf: {  	v35 =	vld [tilespmem:s8+$0xFFFFFD10]  }
0x2d0: {  	v36 =	vld [tilespmem:s8+$0xFFFFFD90]  }
0x2d1: {  	v37 =	vld [tilespmem:s8+$0xFFFFFE10]  }
0x2d2: {  	v38 =	vld [tilespmem:s8+$0xFFFFFE90]  }
0x2d3: {  	v39 =	vld [tilespmem:s8+$0xFFFFFF10]  }
0x2d4: {  	v40 =	vld [tilespmem:s8+$0xFFFFFF90]  }
0x2d5: {  	v41 =	vld [tilespmem:s8+$0x10]  }
0x2d6: {  	v42 =	vld [tilespmem:s8+$0x90]  }
0x2d7: {  	v43 =	vld [tilespmem:s8+$0x110]  }
0x2d8: {  	v44 =	vld [tilespmem:s8+$0x190]  }
0x2d9: {  	v45 =	vld [tilespmem:s8+$0x210]  }
0x2da: {  	v46 =	vld [tilespmem:s8+$0x290]  }
0x2db: {  	v47 =	vld [tilespmem:s8+$0x310]  }
0x2dc: {  	v48 =	vld [tilespmem:s8+$0x390];
	_ =	sdelay $0x1  }
0x2dd: {  	v0 =	vmax.f32 v0, v34;
	v49 =	vmax.f32 v35, v36;
	v50 =	vmax.f32 v37, v38  }
0x2de: {  	v51 =	vmax.f32 v39, v40;
	v53 =	vmax.f32 v41, v42;
	v54 =	vmax.f32 v43, v44  }
0x2df: {  	v55 =	vmax.f32 v45, v46;
	v0 =	vmax.f32 v0, v49;
	v52 =	vmax.f32 v50, v51  }
0x2e0: {  	v56 =	vmax.f32 v47, v48;
	v1 =	vmax.f32 v53, v54;
	v0 =	vmax.f32 v0, v52  }
0x2e1: {  	v57 =	vmax.f32 v55, v56;
	v0 =	vmax.f32 v0, v1  }
0x2e2: {  	v0 =	vmax.f32 v0, v57  }
0x2e3: {  	v0 =	vmax.f32 v0, $0.0e+00  }
0x2e4: {  	[tilespmem:s0+$0xF690] =	vst v0  }
0x2e5: {  	v0 =	vld [tilespmem:s8+$0xFFFFFC20]  }
0x2e6: {  	v58 =	vld [tilespmem:s8+$0xFFFFFCA0]  }
0x2e7: {  	v59 =	vld [tilespmem:s8+$0xFFFFFD20]  }
0x2e8: {  	v60 =	vld [tilespmem:s8+$0xFFFFFDA0]  }
0x2e9: {  	v61 =	vld [tilespmem:s8+$0xFFFFFE20]  }
0x2ea: {  	v62 =	vld [tilespmem:s8+$0xFFFFFEA0]  }
0x2eb: {  	v63 =	vld [tilespmem:s8+$0xFFFFFF20]  }
0x2ec: {  	v18 =	vld [tilespmem:s8+$0xFFFFFFA0]  }
0x2ed: {  	v19 =	vld [tilespmem:s8+$0x20]  }
0x2ee: {  	v20 =	vld [tilespmem:s8+$0xA0]  }
0x2ef: {  	v21 =	vld [tilespmem:s8+$0x120]  }
0x2f0: {  	v22 =	vld [tilespmem:s8+$0x1A0]  }
0x2f1: {  	v23 =	vld [tilespmem:s8+$0x220]  }
0x2f2: {  	v24 =	vld [tilespmem:s8+$0x2A0]  }
0x2f3: {  	v25 =	vld [tilespmem:s8+$0x320]  }
0x2f4: {  	v26 =	vld [tilespmem:s8+$0x3A0];
	_ =	sdelay $0x1  }
0x2f5: {  	v0 =	vmax.f32 v0, v58;
	v27 =	vmax.f32 v59, v60;
	v28 =	vmax.f32 v61, v62  }
0x2f6: {  	v29 =	vmax.f32 v63, v18;
	v31 =	vmax.f32 v19, v20;
	v32 =	vmax.f32 v21, v22  }
0x2f7: {  	v33 =	vmax.f32 v23, v24;
	v0 =	vmax.f32 v0, v27;
	v30 =	vmax.f32 v28, v29  }
0x2f8: {  	v34 =	vmax.f32 v25, v26;
	v1 =	vmax.f32 v31, v32;
	v0 =	vmax.f32 v0, v30  }
0x2f9: {  	v35 =	vmax.f32 v33, v34;
	v0 =	vmax.f32 v0, v1  }
0x2fa: {  	v0 =	vmax.f32 v0, v35  }
0x2fb: {  	v0 =	vmax.f32 v0, $0.0e+00  }
0x2fc: {  	[tilespmem:s0+$0xF6A0] =	vst v0  }
0x2fd: {  	v0 =	vld [tilespmem:s8+$0xFFFFFC30]  }
0x2fe: {  	v36 =	vld [tilespmem:s8+$0xFFFFFCB0]  }
0x2ff: {  	v37 =	vld [tilespmem:s8+$0xFFFFFD30]  }
0x300: {  	v38 =	vld [tilespmem:s8+$0xFFFFFDB0]  }
0x301: {  	v39 =	vld [tilespmem:s8+$0xFFFFFE30]  }
0x302: {  	v40 =	vld [tilespmem:s8+$0xFFFFFEB0]  }
0x303: {  	v41 =	vld [tilespmem:s8+$0xFFFFFF30]  }
0x304: {  	v42 =	vld [tilespmem:s8+$0xFFFFFFB0]  }
0x305: {  	v43 =	vld [tilespmem:s8+$0x30]  }
0x306: {  	v44 =	vld [tilespmem:s8+$0xB0]  }
0x307: {  	v45 =	vld [tilespmem:s8+$0x130]  }
0x308: {  	v46 =	vld [tilespmem:s8+$0x1B0]  }
0x309: {  	v47 =	vld [tilespmem:s8+$0x230]  }
0x30a: {  	v48 =	vld [tilespmem:s8+$0x2B0]  }
0x30b: {  	v49 =	vld [tilespmem:s8+$0x330]  }
0x30c: {  	v50 =	vld [tilespmem:s8+$0x3B0];
	_ =	sdelay $0x1  }
0x30d: {  	v0 =	vmax.f32 v0, v36;
	v51 =	vmax.f32 v37, v38;
	v52 =	vmax.f32 v39, v40  }
0x30e: {  	v53 =	vmax.f32 v41, v42;
	v55 =	vmax.f32 v43, v44;
	v56 =	vmax.f32 v45, v46  }
0x30f: {  	v57 =	vmax.f32 v47, v48;
	v0 =	vmax.f32 v0, v51;
	v54 =	vmax.f32 v52, v53  }
0x310: {  	v58 =	vmax.f32 v49, v50;
	v1 =	vmax.f32 v55, v56;
	v0 =	vmax.f32 v0, v54  }
0x311: {  	v59 =	vmax.f32 v57, v58;
	v0 =	vmax.f32 v0, v1  }
0x312: {  	v0 =	vmax.f32 v0, v59  }
0x313: {  	v0 =	vmax.f32 v0, $0.0e+00  }
0x314: {  	[tilespmem:s0+$0xF6B0] =	vst v0  }
0x315: {  	v0 =	vld [tilespmem:s8+$0xFFFFFC40]  }
0x316: {  	v60 =	vld [tilespmem:s8+$0xFFFFFCC0]  }
0x317: {  	v61 =	vld [tilespmem:s8+$0xFFFFFD40]  }
0x318: {  	v62 =	vld [tilespmem:s8+$0xFFFFFDC0]  }
0x319: {  	v63 =	vld [tilespmem:s8+$0xFFFFFE40]  }
0x31a: {  	v18 =	vld [tilespmem:s8+$0xFFFFFEC0]  }
0x31b: {  	v19 =	vld [tilespmem:s8+$0xFFFFFF40]  }
0x31c: {  	v20 =	vld [tilespmem:s8+$0xFFFFFFC0]  }
0x31d: {  	v21 =	vld [tilespmem:s8+$0x40]  }
0x31e: {  	v22 =	vld [tilespmem:s8+$0xC0]  }
0x31f: {  	v23 =	vld [tilespmem:s8+$0x140]  }
0x320: {  	v24 =	vld [tilespmem:s8+$0x1C0]  }
0x321: {  	v25 =	vld [tilespmem:s8+$0x240]  }
0x322: {  	v26 =	vld [tilespmem:s8+$0x2C0]  }
0x323: {  	v27 =	vld [tilespmem:s8+$0x340]  }
0x324: {  	v28 =	vld [tilespmem:s8+$0x3C0];
	_ =	sdelay $0x1  }
0x325: {  	v0 =	vmax.f32 v0, v60;
	v29 =	vmax.f32 v61, v62;
	v30 =	vmax.f32 v63, v18  }
0x326: {  	v31 =	vmax.f32 v19, v20;
	v33 =	vmax.f32 v21, v22;
	v34 =	vmax.f32 v23, v24  }
0x327: {  	v35 =	vmax.f32 v25, v26;
	v0 =	vmax.f32 v0, v29;
	v32 =	vmax.f32 v30, v31  }
0x328: {  	v36 =	vmax.f32 v27, v28;
	v1 =	vmax.f32 v33, v34;
	v0 =	vmax.f32 v0, v32  }
0x329: {  	v37 =	vmax.f32 v35, v36;
	v0 =	vmax.f32 v0, v1  }
0x32a: {  	v0 =	vmax.f32 v0, v37  }
0x32b: {  	v0 =	vmax.f32 v0, $0.0e+00  }
0x32c: {  	[tilespmem:s0+$0xF6C0] =	vst v0  }
0x32d: {  	v0 =	vld [tilespmem:s8+$0xFFFFFC50]  }
0x32e: {  	v38 =	vld [tilespmem:s8+$0xFFFFFCD0]  }
0x32f: {  	v39 =	vld [tilespmem:s8+$0xFFFFFD50]  }
0x330: {  	v40 =	vld [tilespmem:s8+$0xFFFFFDD0]  }
0x331: {  	v41 =	vld [tilespmem:s8+$0xFFFFFE50]  }
0x332: {  	v42 =	vld [tilespmem:s8+$0xFFFFFED0]  }
0x333: {  	v43 =	vld [tilespmem:s8+$0xFFFFFF50]  }
0x334: {  	v44 =	vld [tilespmem:s8+$0xFFFFFFD0]  }
0x335: {  	v45 =	vld [tilespmem:s8+$0x50]  }
0x336: {  	v46 =	vld [tilespmem:s8+$0xD0]  }
0x337: {  	v47 =	vld [tilespmem:s8+$0x150]  }
0x338: {  	v48 =	vld [tilespmem:s8+$0x1D0]  }
0x339: {  	v49 =	vld [tilespmem:s8+$0x250]  }
0x33a: {  	v50 =	vld [tilespmem:s8+$0x2D0]  }
0x33b: {  	v51 =	vld [tilespmem:s8+$0x350]  }
0x33c: {  	v52 =	vld [tilespmem:s8+$0x3D0];
	_ =	sdelay $0x1  }
0x33d: {  	v0 =	vmax.f32 v0, v38;
	v53 =	vmax.f32 v39, v40;
	v54 =	vmax.f32 v41, v42  }
0x33e: {  	v55 =	vmax.f32 v43, v44;
	v57 =	vmax.f32 v45, v46;
	v58 =	vmax.f32 v47, v48  }
0x33f: {  	v59 =	vmax.f32 v49, v50;
	v0 =	vmax.f32 v0, v53;
	v56 =	vmax.f32 v54, v55  }
0x340: {  	v60 =	vmax.f32 v51, v52;
	v1 =	vmax.f32 v57, v58;
	v0 =	vmax.f32 v0, v56  }
0x341: {  	v61 =	vmax.f32 v59, v60;
	v0 =	vmax.f32 v0, v1  }
0x342: {  	v0 =	vmax.f32 v0, v61  }
0x343: {  	v0 =	vmax.f32 v0, $0.0e+00  }
0x344: {  	[tilespmem:s0+$0xF6D0] =	vst v0  }
0x345: {  	v0 =	vld [tilespmem:s8+$0xFFFFFC60]  }
0x346: {  	v62 =	vld [tilespmem:s8+$0xFFFFFCE0]  }
0x347: {  	v63 =	vld [tilespmem:s8+$0xFFFFFD60]  }
0x348: {  	v18 =	vld [tilespmem:s8+$0xFFFFFDE0]  }
0x349: {  	v19 =	vld [tilespmem:s8+$0xFFFFFE60]  }
0x34a: {  	v20 =	vld [tilespmem:s8+$0xFFFFFEE0]  }
0x34b: {  	v21 =	vld [tilespmem:s8+$0xFFFFFF60]  }
0x34c: {  	v22 =	vld [tilespmem:s8+$0xFFFFFFE0]  }
0x34d: {  	v23 =	vld [tilespmem:s8+$0x60]  }
0x34e: {  	v24 =	vld [tilespmem:s8+$0xE0]  }
0x34f: {  	v25 =	vld [tilespmem:s8+$0x160]  }
0x350: {  	v26 =	vld [tilespmem:s8+$0x1E0]  }
0x351: {  	v27 =	vld [tilespmem:s8+$0x260]  }
0x352: {  	v28 =	vld [tilespmem:s8+$0x2E0]  }
0x353: {  	v29 =	vld [tilespmem:s8+$0x360]  }
0x354: {  	v30 =	vld [tilespmem:s8+$0x3E0];
	_ =	sdelay $0x1  }
0x355: {  	v0 =	vmax.f32 v0, v62;
	v31 =	vmax.f32 v63, v18;
	v32 =	vmax.f32 v19, v20  }
0x356: {  	v33 =	vmax.f32 v21, v22;
	v35 =	vmax.f32 v23, v24;
	v36 =	vmax.f32 v25, v26  }
0x357: {  	v37 =	vmax.f32 v27, v28;
	v0 =	vmax.f32 v0, v31;
	v34 =	vmax.f32 v32, v33  }
0x358: {  	v38 =	vmax.f32 v29, v30;
	v1 =	vmax.f32 v35, v36;
	v0 =	vmax.f32 v0, v34  }
0x359: {  	v39 =	vmax.f32 v37, v38;
	v0 =	vmax.f32 v0, v1  }
0x35a: {  	v0 =	vmax.f32 v0, v39  }
0x35b: {  	v0 =	vmax.f32 v0, $0.0e+00  }
0x35c: {  	[tilespmem:s0+$0xF6E0] =	vst v0  }
0x35d: {  	v0 =	vld [tilespmem:s8+$0xFFFFFC70]  }
0x35e: {  	v40 =	vld [tilespmem:s8+$0xFFFFFCF0]  }
0x35f: {  	v41 =	vld [tilespmem:s8+$0xFFFFFD70]  }
0x360: {  	v42 =	vld [tilespmem:s8+$0xFFFFFDF0]  }
0x361: {  	v43 =	vld [tilespmem:s8+$0xFFFFFE70]  }
0x362: {  	v44 =	vld [tilespmem:s8+$0xFFFFFEF0]  }
0x363: {  	v45 =	vld [tilespmem:s8+$0xFFFFFF70]  }
0x364: {  	v46 =	vld [tilespmem:s8+$0xFFFFFFF0]  }
0x365: {  	v47 =	vld [tilespmem:s8+$0x70]  }
0x366: {  	v48 =	vld [tilespmem:s8+$0xF0]  }
0x367: {  	v49 =	vld [tilespmem:s8+$0x170]  }
0x368: {  	v50 =	vld [tilespmem:s8+$0x1F0]  }
0x369: {  	v51 =	vld [tilespmem:s8+$0x270]  }
0x36a: {  	v52 =	vld [tilespmem:s8+$0x2F0]  }
0x36b: {  	v53 =	vld [tilespmem:s8+$0x370]  }
0x36c: {  	v54 =	vld [tilespmem:s8+$0x3F0];
	_ =	sdelay $0x1  }
0x36d: {  	v0 =	vmax.f32 v0, v40;
	v55 =	vmax.f32 v41, v42;
	v56 =	vmax.f32 v43, v44  }
0x36e: {  	v57 =	vmax.f32 v45, v46;
	v59 =	vmax.f32 v47, v48;
	v60 =	vmax.f32 v49, v50  }
0x36f: {  	p0 =	sne.s32 s7, $0x800;
	v61 =	vmax.f32 v51, v52;
	v0 =	vmax.f32 v0, v55;
	v58 =	vmax.f32 v56, v57  }
.Ltmp6:
0x370: {  	v62 =	vmax.f32 v53, v54;
	v1 =	vmax.f32 v59, v60;
	v0 =	vmax.f32 v0, v58;
	(pc) =	sbr.rel @p0 .LBB2_13-.Ltmp6, $4  }
0x371: {  	v63 =	vmax.f32 v61, v62;
	v0 =	vmax.f32 v0, v1  }
0x372: {  	v0 =	vmax.f32 v0, v63  }
0x373: {  	v0 =	vmax.f32 v0, $0.0e+00  }
0x374: {  	s7 =	sadd.s32 $0x200, s7;
	s8 =	sadd.s32 $0x800, s8;
	[tilespmem:s0+$0xF6F0] =	vst v0  }
0x375: {  	s0 =	smul.u32 $0x5, s13;
	_ =	sdelay $0x1  }
.Ltmp7:
0x376: {  	s0 =	sadd.s32 s6, s0;
	(pc) =	sbr.rel @p1 .LBB2_16-.Ltmp7, $4  }
0x377: {  	s0 =	sshll.u32 s0, $0x4  }
0x378: {  	s0 =	sand.u32 $0x1FFFFFF0, s0  }
0x379: {  	s0 =	sadd.s32 s2, s0  }
0x37a: {  	[hbm4b:s0+s3] =	stream.linear.scatter [tilespmem:s19], [sflag:$0xC], $0x280, $0x38;
	[tilespmem:$0xF900] =	vst v63  }
.Ltmp8:
0x37b: {  	(pc) =	sbr.rel .LBB2_2-.Ltmp8, $4  }
0x37c: {  	_ = 	snop  }
0x37d: {  	s0 =	sshra.s32 s11, $0x2  }
0x37e: {  	s10 =	sadd.s32 $0x1, s10;
	s0 =	sadd.s32 $0x230, s0  }
0x37f: {  	[tilespmem:s20], [sflag:$0x4] =	stream.indirect.gather [hbm4b:s4+s14], $0x80, s0, s14, $0xb8;
	[tilespmem:$0xF900] =	vst v63  }
.LBB2_16:
0x380: {  	_ =	swait.ge [sflag:s25], $0x2800  }
0x381: {  	[sflag:s25] =	ssyncset.done $0x0  }
0x382: {  	s10 =	simm.s32 $0x9;
	[sflag:s25] =	ssyncadd.s32 $0xFFFFD800  }
0x383: {  	_ =	swait.ge [sflag:s10], $0x280  }
0x384: {  	[sflag:s10] =	ssyncset.done $0x0  }
0x385: {  	s7 =	simm.s32 $0x0;
	s8 =	simm.s32 $0x5300;
	[sflag:s10] =	ssyncadd.s32 $0xFFFFFD80  }
.LBB2_17:
0x386: {  	v0 =	vld [tilespmem:s8+$0xFFFFFC00]  }
0x387: {  	v1 =	vld [tilespmem:s8+$0xFFFFFC80]  }
0x388: {  	v2 =	vld [tilespmem:s8+$0xFFFFFD00]  }
0x389: {  	v3 =	vld [tilespmem:s8+$0xFFFFFD80]  }
0x38a: {  	v4 =	vld [tilespmem:s8+$0xFFFFFE00]  }
0x38b: {  	v5 =	vld [tilespmem:s8+$0xFFFFFE80]  }
0x38c: {  	v6 =	vld [tilespmem:s8+$0xFFFFFF00]  }
0x38d: {  	v7 =	vld [tilespmem:s8+$0xFFFFFF80]  }
0x38e: {  	v8 =	vld [tilespmem:s8+$0x0]  }
0x38f: {  	v9 =	vld [tilespmem:s8+$0x80]  }
0x390: {  	v10 =	vld [tilespmem:s8+$0x100]  }
0x391: {  	v11 =	vld [tilespmem:s8+$0x180]  }
0x392: {  	v12 =	vld [tilespmem:s8+$0x200]  }
0x393: {  	v13 =	vld [tilespmem:s8+$0x280]  }
0x394: {  	v14 =	vld [tilespmem:s8+$0x300]  }
0x395: {  	v15 =	vld [tilespmem:s8+$0x380];
	_ =	sdelay $0x1  }
0x396: {  	v0 =	vmax.f32 v0, v1;
	v25 =	vmax.f32 v2, v3;
	v26 =	vmax.f32 v4, v5  }
0x397: {  	v27 =	vmax.f32 v6, v7;
	v29 =	vmax.f32 v8, v9;
	v30 =	vmax.f32 v10, v11  }
0x398: {  	v31 =	vmax.f32 v12, v13;
	v0 =	vmax.f32 v0, v25;
	v28 =	vmax.f32 v26, v27  }
0x399: {  	v32 =	vmax.f32 v14, v15;
	v1 =	vmax.f32 v29, v30;
	v0 =	vmax.f32 v0, v28  }
0x39a: {  	v33 =	vmax.f32 v31, v32;
	v0 =	vmax.f32 v0, v1  }
0x39b: {  	v0 =	vmax.f32 v0, v33  }
0x39c: {  	s0 =	sshra.s32 s7, $0x2;
	v0 =	vmax.f32 v0, $0.0e+00  }
0x39d: {  	[tilespmem:s0+$0xEF00] =	vst v0  }
0x39e: {  	v0 =	vld [tilespmem:s8+$0xFFFFFC10]  }
0x39f: {  	v34 =	vld [tilespmem:s8+$0xFFFFFC90]  }
0x3a0: {  	v35 =	vld [tilespmem:s8+$0xFFFFFD10]  }
0x3a1: {  	v36 =	vld [tilespmem:s8+$0xFFFFFD90]  }
0x3a2: {  	v37 =	vld [tilespmem:s8+$0xFFFFFE10]  }
0x3a3: {  	v38 =	vld [tilespmem:s8+$0xFFFFFE90]  }
0x3a4: {  	v39 =	vld [tilespmem:s8+$0xFFFFFF10]  }
0x3a5: {  	v40 =	vld [tilespmem:s8+$0xFFFFFF90]  }
0x3a6: {  	v41 =	vld [tilespmem:s8+$0x10]  }
0x3a7: {  	v42 =	vld [tilespmem:s8+$0x90]  }
0x3a8: {  	v43 =	vld [tilespmem:s8+$0x110]  }
0x3a9: {  	v44 =	vld [tilespmem:s8+$0x190]  }
0x3aa: {  	v45 =	vld [tilespmem:s8+$0x210]  }
0x3ab: {  	v46 =	vld [tilespmem:s8+$0x290]  }
0x3ac: {  	v47 =	vld [tilespmem:s8+$0x310]  }
0x3ad: {  	v48 =	vld [tilespmem:s8+$0x390];
	_ =	sdelay $0x1  }
0x3ae: {  	v0 =	vmax.f32 v0, v34;
	v49 =	vmax.f32 v35, v36;
	v50 =	vmax.f32 v37, v38  }
0x3af: {  	v51 =	vmax.f32 v39, v40;
	v53 =	vmax.f32 v41, v42;
	v54 =	vmax.f32 v43, v44  }
0x3b0: {  	v55 =	vmax.f32 v45, v46;
	v0 =	vmax.f32 v0, v49;
	v52 =	vmax.f32 v50, v51  }
0x3b1: {  	v56 =	vmax.f32 v47, v48;
	v1 =	vmax.f32 v53, v54;
	v0 =	vmax.f32 v0, v52  }
0x3b2: {  	v57 =	vmax.f32 v55, v56;
	v0 =	vmax.f32 v0, v1  }
0x3b3: {  	v0 =	vmax.f32 v0, v57  }
0x3b4: {  	v0 =	vmax.f32 v0, $0.0e+00  }
0x3b5: {  	[tilespmem:s0+$0xEF10] =	vst v0  }
0x3b6: {  	v0 =	vld [tilespmem:s8+$0xFFFFFC20]  }
0x3b7: {  	v58 =	vld [tilespmem:s8+$0xFFFFFCA0]  }
0x3b8: {  	v59 =	vld [tilespmem:s8+$0xFFFFFD20]  }
0x3b9: {  	v60 =	vld [tilespmem:s8+$0xFFFFFDA0]  }
0x3ba: {  	v61 =	vld [tilespmem:s8+$0xFFFFFE20]  }
0x3bb: {  	v62 =	vld [tilespmem:s8+$0xFFFFFEA0]  }
0x3bc: {  	v63 =	vld [tilespmem:s8+$0xFFFFFF20]  }
0x3bd: {  	v18 =	vld [tilespmem:s8+$0xFFFFFFA0]  }
0x3be: {  	v19 =	vld [tilespmem:s8+$0x20]  }
0x3bf: {  	v20 =	vld [tilespmem:s8+$0xA0]  }
0x3c0: {  	v21 =	vld [tilespmem:s8+$0x120]  }
0x3c1: {  	v22 =	vld [tilespmem:s8+$0x1A0]  }
0x3c2: {  	v23 =	vld [tilespmem:s8+$0x220]  }
0x3c3: {  	v24 =	vld [tilespmem:s8+$0x2A0]  }
0x3c4: {  	v25 =	vld [tilespmem:s8+$0x320]  }
0x3c5: {  	v26 =	vld [tilespmem:s8+$0x3A0];
	_ =	sdelay $0x1  }
0x3c6: {  	v0 =	vmax.f32 v0, v58;
	v27 =	vmax.f32 v59, v60;
	v28 =	vmax.f32 v61, v62  }
0x3c7: {  	v29 =	vmax.f32 v63, v18;
	v31 =	vmax.f32 v19, v20;
	v32 =	vmax.f32 v21, v22  }
0x3c8: {  	v33 =	vmax.f32 v23, v24;
	v0 =	vmax.f32 v0, v27;
	v30 =	vmax.f32 v28, v29  }
0x3c9: {  	v34 =	vmax.f32 v25, v26;
	v1 =	vmax.f32 v31, v32;
	v0 =	vmax.f32 v0, v30  }
0x3ca: {  	v35 =	vmax.f32 v33, v34;
	v0 =	vmax.f32 v0, v1  }
0x3cb: {  	v0 =	vmax.f32 v0, v35  }
0x3cc: {  	v0 =	vmax.f32 v0, $0.0e+00  }
0x3cd: {  	[tilespmem:s0+$0xEF20] =	vst v0  }
0x3ce: {  	v0 =	vld [tilespmem:s8+$0xFFFFFC30]  }
0x3cf: {  	v36 =	vld [tilespmem:s8+$0xFFFFFCB0]  }
0x3d0: {  	v37 =	vld [tilespmem:s8+$0xFFFFFD30]  }
0x3d1: {  	v38 =	vld [tilespmem:s8+$0xFFFFFDB0]  }
0x3d2: {  	v39 =	vld [tilespmem:s8+$0xFFFFFE30]  }
0x3d3: {  	v40 =	vld [tilespmem:s8+$0xFFFFFEB0]  }
0x3d4: {  	v41 =	vld [tilespmem:s8+$0xFFFFFF30]  }
0x3d5: {  	v42 =	vld [tilespmem:s8+$0xFFFFFFB0]  }
0x3d6: {  	v43 =	vld [tilespmem:s8+$0x30]  }
0x3d7: {  	v44 =	vld [tilespmem:s8+$0xB0]  }
0x3d8: {  	v45 =	vld [tilespmem:s8+$0x130]  }
0x3d9: {  	v46 =	vld [tilespmem:s8+$0x1B0]  }
0x3da: {  	v47 =	vld [tilespmem:s8+$0x230]  }
0x3db: {  	v48 =	vld [tilespmem:s8+$0x2B0]  }
0x3dc: {  	v49 =	vld [tilespmem:s8+$0x330]  }
0x3dd: {  	v50 =	vld [tilespmem:s8+$0x3B0];
	_ =	sdelay $0x1  }
0x3de: {  	v0 =	vmax.f32 v0, v36;
	v51 =	vmax.f32 v37, v38;
	v52 =	vmax.f32 v39, v40  }
0x3df: {  	v53 =	vmax.f32 v41, v42;
	v55 =	vmax.f32 v43, v44;
	v56 =	vmax.f32 v45, v46  }
0x3e0: {  	v57 =	vmax.f32 v47, v48;
	v0 =	vmax.f32 v0, v51;
	v54 =	vmax.f32 v52, v53  }
0x3e1: {  	v58 =	vmax.f32 v49, v50;
	v1 =	vmax.f32 v55, v56;
	v0 =	vmax.f32 v0, v54  }
0x3e2: {  	v59 =	vmax.f32 v57, v58;
	v0 =	vmax.f32 v0, v1  }
0x3e3: {  	v0 =	vmax.f32 v0, v59  }
0x3e4: {  	v0 =	vmax.f32 v0, $0.0e+00  }
0x3e5: {  	[tilespmem:s0+$0xEF30] =	vst v0  }
0x3e6: {  	v0 =	vld [tilespmem:s8+$0xFFFFFC40]  }
0x3e7: {  	v60 =	vld [tilespmem:s8+$0xFFFFFCC0]  }
0x3e8: {  	v61 =	vld [tilespmem:s8+$0xFFFFFD40]  }
0x3e9: {  	v62 =	vld [tilespmem:s8+$0xFFFFFDC0]  }
0x3ea: {  	v63 =	vld [tilespmem:s8+$0xFFFFFE40]  }
0x3eb: {  	v18 =	vld [tilespmem:s8+$0xFFFFFEC0]  }
0x3ec: {  	v19 =	vld [tilespmem:s8+$0xFFFFFF40]  }
0x3ed: {  	v20 =	vld [tilespmem:s8+$0xFFFFFFC0]  }
0x3ee: {  	v21 =	vld [tilespmem:s8+$0x40]  }
0x3ef: {  	v22 =	vld [tilespmem:s8+$0xC0]  }
0x3f0: {  	v23 =	vld [tilespmem:s8+$0x140]  }
0x3f1: {  	v24 =	vld [tilespmem:s8+$0x1C0]  }
0x3f2: {  	v25 =	vld [tilespmem:s8+$0x240]  }
0x3f3: {  	v26 =	vld [tilespmem:s8+$0x2C0]  }
0x3f4: {  	v27 =	vld [tilespmem:s8+$0x340]  }
0x3f5: {  	v28 =	vld [tilespmem:s8+$0x3C0];
	_ =	sdelay $0x1  }
0x3f6: {  	v0 =	vmax.f32 v0, v60;
	v29 =	vmax.f32 v61, v62;
	v30 =	vmax.f32 v63, v18  }
0x3f7: {  	v31 =	vmax.f32 v19, v20;
	v33 =	vmax.f32 v21, v22;
	v34 =	vmax.f32 v23, v24  }
0x3f8: {  	v35 =	vmax.f32 v25, v26;
	v0 =	vmax.f32 v0, v29;
	v32 =	vmax.f32 v30, v31  }
0x3f9: {  	v36 =	vmax.f32 v27, v28;
	v1 =	vmax.f32 v33, v34;
	v0 =	vmax.f32 v0, v32  }
0x3fa: {  	v37 =	vmax.f32 v35, v36;
	v0 =	vmax.f32 v0, v1  }
0x3fb: {  	v0 =	vmax.f32 v0, v37  }
0x3fc: {  	v0 =	vmax.f32 v0, $0.0e+00  }
0x3fd: {  	[tilespmem:s0+$0xEF40] =	vst v0  }
0x3fe: {  	v0 =	vld [tilespmem:s8+$0xFFFFFC50]  }
0x3ff: {  	v38 =	vld [tilespmem:s8+$0xFFFFFCD0]  }
0x400: {  	v39 =	vld [tilespmem:s8+$0xFFFFFD50]  }
0x401: {  	v40 =	vld [tilespmem:s8+$0xFFFFFDD0]  }
0x402: {  	v41 =	vld [tilespmem:s8+$0xFFFFFE50]  }
0x403: {  	v42 =	vld [tilespmem:s8+$0xFFFFFED0]  }
0x404: {  	v43 =	vld [tilespmem:s8+$0xFFFFFF50]  }
0x405: {  	v44 =	vld [tilespmem:s8+$0xFFFFFFD0]  }
0x406: {  	v45 =	vld [tilespmem:s8+$0x50]  }
0x407: {  	v46 =	vld [tilespmem:s8+$0xD0]  }
0x408: {  	v47 =	vld [tilespmem:s8+$0x150]  }
0x409: {  	v48 =	vld [tilespmem:s8+$0x1D0]  }
0x40a: {  	v49 =	vld [tilespmem:s8+$0x250]  }
0x40b: {  	v50 =	vld [tilespmem:s8+$0x2D0]  }
0x40c: {  	v51 =	vld [tilespmem:s8+$0x350]  }
0x40d: {  	v52 =	vld [tilespmem:s8+$0x3D0];
	_ =	sdelay $0x1  }
0x40e: {  	v0 =	vmax.f32 v0, v38;
	v53 =	vmax.f32 v39, v40;
	v54 =	vmax.f32 v41, v42  }
0x40f: {  	v55 =	vmax.f32 v43, v44;
	v57 =	vmax.f32 v45, v46;
	v58 =	vmax.f32 v47, v48  }
0x410: {  	v59 =	vmax.f32 v49, v50;
	v0 =	vmax.f32 v0, v53;
	v56 =	vmax.f32 v54, v55  }
0x411: {  	v60 =	vmax.f32 v51, v52;
	v1 =	vmax.f32 v57, v58;
	v0 =	vmax.f32 v0, v56  }
0x412: {  	v61 =	vmax.f32 v59, v60;
	v0 =	vmax.f32 v0, v1  }
0x413: {  	v0 =	vmax.f32 v0, v61  }
0x414: {  	v0 =	vmax.f32 v0, $0.0e+00  }
0x415: {  	[tilespmem:s0+$0xEF50] =	vst v0  }
0x416: {  	v0 =	vld [tilespmem:s8+$0xFFFFFC60]  }
0x417: {  	v62 =	vld [tilespmem:s8+$0xFFFFFCE0]  }
0x418: {  	v63 =	vld [tilespmem:s8+$0xFFFFFD60]  }
0x419: {  	v18 =	vld [tilespmem:s8+$0xFFFFFDE0]  }
0x41a: {  	v19 =	vld [tilespmem:s8+$0xFFFFFE60]  }
0x41b: {  	v20 =	vld [tilespmem:s8+$0xFFFFFEE0]  }
0x41c: {  	v21 =	vld [tilespmem:s8+$0xFFFFFF60]  }
0x41d: {  	v22 =	vld [tilespmem:s8+$0xFFFFFFE0]  }
0x41e: {  	v23 =	vld [tilespmem:s8+$0x60]  }
0x41f: {  	v24 =	vld [tilespmem:s8+$0xE0]  }
0x420: {  	v25 =	vld [tilespmem:s8+$0x160]  }
0x421: {  	v26 =	vld [tilespmem:s8+$0x1E0]  }
0x422: {  	v27 =	vld [tilespmem:s8+$0x260]  }
0x423: {  	v28 =	vld [tilespmem:s8+$0x2E0]  }
0x424: {  	v29 =	vld [tilespmem:s8+$0x360]  }
0x425: {  	v30 =	vld [tilespmem:s8+$0x3E0];
	_ =	sdelay $0x1  }
0x426: {  	v0 =	vmax.f32 v0, v62;
	v31 =	vmax.f32 v63, v18;
	v32 =	vmax.f32 v19, v20  }
0x427: {  	v33 =	vmax.f32 v21, v22;
	v35 =	vmax.f32 v23, v24;
	v36 =	vmax.f32 v25, v26  }
0x428: {  	v37 =	vmax.f32 v27, v28;
	v0 =	vmax.f32 v0, v31;
	v34 =	vmax.f32 v32, v33  }
0x429: {  	v38 =	vmax.f32 v29, v30;
	v1 =	vmax.f32 v35, v36;
	v0 =	vmax.f32 v0, v34  }
0x42a: {  	v39 =	vmax.f32 v37, v38;
	v0 =	vmax.f32 v0, v1  }
0x42b: {  	v0 =	vmax.f32 v0, v39  }
0x42c: {  	v0 =	vmax.f32 v0, $0.0e+00  }
0x42d: {  	[tilespmem:s0+$0xEF60] =	vst v0  }
0x42e: {  	v0 =	vld [tilespmem:s8+$0xFFFFFC70]  }
0x42f: {  	v40 =	vld [tilespmem:s8+$0xFFFFFCF0]  }
0x430: {  	v41 =	vld [tilespmem:s8+$0xFFFFFD70]  }
0x431: {  	v42 =	vld [tilespmem:s8+$0xFFFFFDF0]  }
0x432: {  	v43 =	vld [tilespmem:s8+$0xFFFFFE70]  }
0x433: {  	v44 =	vld [tilespmem:s8+$0xFFFFFEF0]  }
0x434: {  	v45 =	vld [tilespmem:s8+$0xFFFFFF70]  }
0x435: {  	v46 =	vld [tilespmem:s8+$0xFFFFFFF0]  }
0x436: {  	v47 =	vld [tilespmem:s8+$0x70]  }
0x437: {  	v48 =	vld [tilespmem:s8+$0xF0]  }
0x438: {  	v49 =	vld [tilespmem:s8+$0x170]  }
0x439: {  	v50 =	vld [tilespmem:s8+$0x1F0]  }
0x43a: {  	v51 =	vld [tilespmem:s8+$0x270]  }
0x43b: {  	v52 =	vld [tilespmem:s8+$0x2F0]  }
0x43c: {  	v53 =	vld [tilespmem:s8+$0x370]  }
0x43d: {  	v54 =	vld [tilespmem:s8+$0x3F0];
	_ =	sdelay $0x1  }
0x43e: {  	v0 =	vmax.f32 v0, v40;
	v55 =	vmax.f32 v41, v42;
	v56 =	vmax.f32 v43, v44  }
0x43f: {  	v57 =	vmax.f32 v45, v46;
	v59 =	vmax.f32 v47, v48;
	v60 =	vmax.f32 v49, v50  }
0x440: {  	p0 =	sne.s32 s7, $0x800;
	v61 =	vmax.f32 v51, v52;
	v0 =	vmax.f32 v0, v55;
	v58 =	vmax.f32 v56, v57  }
.Ltmp9:
0x441: {  	v62 =	vmax.f32 v53, v54;
	v1 =	vmax.f32 v59, v60;
	v0 =	vmax.f32 v0, v58;
	(pc) =	sbr.rel @p0 .LBB2_17-.Ltmp9, $4  }
0x442: {  	v63 =	vmax.f32 v61, v62;
	v0 =	vmax.f32 v0, v1  }
0x443: {  	v0 =	vmax.f32 v0, v63  }
0x444: {  	v0 =	vmax.f32 v0, $0.0e+00  }
0x445: {  	s7 =	sadd.s32 $0x200, s7;
	s8 =	sadd.s32 $0x800, s8;
	[tilespmem:s0+$0xEF70] =	vst v0  }
0x446: {  	s0 =	rddreg [dreg:$0x5]  }
0x447: {  	[hbm4b:s0+s3] =	stream.linear.scatter [tilespmem:s26], [sflag:$0x9], $0x280, $0x38;
	[tilespmem:$0xF900] =	vst v63  }
0x448: {  	_ =	swait.ge [sflag:s10], $0x280  }
0x449: {  	[sflag:s10] =	ssyncset.done $0x0  }
0x44a: {  	s16 =	simm.s32 $0xA;
	[sflag:s10] =	ssyncadd.s32 $0xFFFFFD80  }
0x44b: {  	_ =	swait.ge [sflag:s16], $0x280  }
0x44c: {  	[sflag:s16] =	ssyncset.done $0x0  }
0x44d: {  	s23 =	simm.s32 $0xB;
	[sflag:s16] =	ssyncadd.s32 $0xFFFFFD80  }
0x44e: {  	_ =	swait.ge [sflag:s23], $0x280  }
0x44f: {  	[sflag:s23] =	ssyncset.done $0x0  }
0x450: {  	[sflag:s23] =	ssyncadd.s32 $0xFFFFFD80  }
0x451: {  	_ =	swait.ge [sflag:s17], $0x280  }
0x452: {  	s7 =	rddreg [dreg:$0x7]  }
0x453: {  	s30 =	rddreg [dreg:$0x6];
	s7 =	sadd.s32 $0x1, s7  }
0x454: {  	p0 =	sne.s32 s7, s30  }
.Ltmp10:
0x455: {  	_ = 	snop;
	(pc) =	sbr.rel @p0 .LBB2_1-.Ltmp10, $3  }
0x456: {  	_ =	sdelay $0x1  }
0x457: {  	[sflag:s17] =	ssyncset.done $0x0  }
0x458: {  	[sflag:s17] =	ssyncadd.s32 $0xFFFFFD80  }
0x459: {  	_ =	sfence.sel $0x180000  }
0x45a: {  	[bflag:$0x0] =	sbarrier.arrive $0xFFFF  }
0x45b: {  	_ =	strace $0x90000047  }
0x45c: {  	s0 =	stileid.u32;
	[bflag:$0x2] =	sbarrier.arrive $0xFFFF  }
0x45d: {  	p0 =	sne.s32 s0, $0x0;
	s0 =	rddreg [dreg:$0x2]  }
0x45e: {  	s0 =	sadd.s32 @!p0 $0x100000, s0  }
0x45f: {  	[sflag:s0] =	ssyncadd.tile.s32 @!p0 $0x1;
	_ =	shalt  }
.Lfunc_end2:
_tile_overlayer_lowered:
.L_overlay_start_2:
0x460: {  	(tag) =	ssettag $0x2  }
0x461: {  	s0 =	rddreg [dreg:$0x0];
	s2 =	stileid.u32  }
0x462: {  	s1 =	rddreg [dreg:$0x1];
	p0 =	sne.s32 s2, $0x0  }
0x463: {  	s3 =	rddreg [dreg:$0x2];
	[bflag:$0x3] =	sbarrier.arrive $0xFFFF;
	s2 =	simm.s32 @!p0 $0x1C0D  }
0x464: {  	[timem:s3], [sflag:s2] =	dma.local @!p0 [hbm:s0], s1  }
0x465: {  	s0 =	simm.s32 @!p0 $0xD  }
0x466: {  	_ =	swait.ge @!p0 [sflag:s0], s1  }
0x467: {  	s1 =	ssub.s32 @!p0 $0x0, s1;
	[sflag:s0] =	ssyncset.done @!p0 $0x0  }
0x468: {  	[sflag:s0] =	ssyncadd.s32 @!p0 s1  }
0x469: {  	[bflag:$0x3] =	sbarrier.arrive $0xFFFF  }
0x46a: {  	_ =	shalt  }

</sc_bundles>
